<compile_context>
chip_gen: v7x
topology: tpu7x:2x2x1
jax: 0.10.2.dev20260603
libtpu: 0.0.44.dev20260713+nightly
codegen_flags: <defaults>
</compile_context>

<pallas_src>
import functools

import jax
import jax.numpy as jnp
from jax import lax
from jax.experimental import pallas as pl
from jax.experimental.pallas import tpu as pltpu
from jax.experimental.pallas import tpu_sc as plsc

N = 10000
E = 320000
D = 128
NC = 2
NS = 16
NW = NC * NS
EPW = E // NW
CH = 80
NCH = EPW // CH
RPT = N // NS

RB = 1000
NRB = N // RB

NB = 4
NI = 8
DZR = 125
DW = 8


def _make_seg_sum(with_deg):
  width = D
  mesh = plsc.VectorSubcoreMesh(core_axis_name="c", subcore_axis_name="s",
                                num_cores=NC, num_subcores=NS)

  out_type = [jax.ShapeDtypeStruct((N, width), jnp.float32),
              jax.ShapeDtypeStruct((N, width), jnp.float32)]
  scratch = [pltpu.VMEM_SHARED((N, width), jnp.float32)]
  scratch += [pltpu.VMEM((CH,), jnp.int32) for _ in range(NI)]
  scratch += [pltpu.VMEM((CH,), jnp.int32) for _ in range(NI)]
  scratch += [pltpu.VMEM((CH, width), jnp.float32) for _ in range(NB)]
  scratch += [pltpu.SemaphoreType.DMA for _ in range(NB)]
  scratch += [pltpu.SemaphoreType.DMA for _ in range(NI)]
  scratch += [pltpu.SemaphoreType.DMA for _ in range(NB)]
  if with_deg:
    out_type += [jax.ShapeDtypeStruct((N, DW), jnp.float32),
                 jax.ShapeDtypeStruct((N, DW), jnp.float32)]
    scratch += [
        pltpu.VMEM_SHARED((N, DW), jnp.float32),
        pltpu.VMEM((CH, DW), jnp.float32),
        pltpu.VMEM((DZR, DW), jnp.float32),
    ]
    scratch += [pltpu.SemaphoreType.DMA for _ in range(NB)]

  @functools.partial(
      pl.kernel,
      out_type=tuple(out_type),
      mesh=mesh,
      scratch_types=tuple(scratch),
      compiler_params=pltpu.CompilerParams(use_tc_tiling_on_sc=False),
  )
  def seg(rows_hbm, eidx_hbm, *rest):
    if with_deg:
      ones_hbm, dz_hbm = rest[:2]
      rest = rest[2:]
      out0, out1, dout0, dout1, acc = rest[:5]
      rest = rest[5:]
    else:
      out0, out1, acc = rest[:3]
      rest = rest[3:]
    sbufs = rest[:NI]
    dbufs = rest[NI:2 * NI]
    rest = rest[2 * NI:]
    rbufs = rest[:NB]
    gsems = rest[NB:2 * NB]
    isems = rest[2 * NB:2 * NB + NI]
    ssems = rest[2 * NB + NI:3 * NB + NI]
    rest = rest[3 * NB + NI:]
    if with_deg:
      dacc, ones_v, dz = rest[:3]
      dsems = rest[3:]
    cid = lax.axis_index("c")
    sid = lax.axis_index("s")
    wid = sid * NC + cid

    def start_i(c, q):
      base = wid * EPW + c * CH
      pltpu.async_copy(eidx_hbm.at[0, pl.ds(base, CH)], sbufs[q], isems[q])
      pltpu.async_copy(eidx_hbm.at[1, pl.ds(base, CH)], dbufs[q], isems[q])

    def wait_i(c, q):
      base = wid * EPW + c * CH
      pltpu.make_async_copy(eidx_hbm.at[0, pl.ds(base, CH)], sbufs[q], isems[q]).wait()
      pltpu.make_async_copy(eidx_hbm.at[1, pl.ds(base, CH)], dbufs[q], isems[q]).wait()

    def start_g(p, q):
      pltpu.async_copy(rows_hbm.at[sbufs[q]], rbufs[p], gsems[p])

    def wait_g(p, q):
      pltpu.make_async_copy(rows_hbm.at[sbufs[q]], rbufs[p], gsems[p]).wait()

    def start_s(p, q):
      pltpu.async_copy(rbufs[p], acc.at[dbufs[q]], ssems[p], add=True)
      if with_deg:
        pltpu.async_copy(ones_v, dacc.at[dbufs[q]], dsems[p], add=True)

    def wait_s(p, q):
      pltpu.make_async_copy(rbufs[p], acc.at[dbufs[q]], ssems[p]).wait()
      if with_deg:
        pltpu.make_async_copy(ones_v, dacc.at[dbufs[q]], dsems[p]).wait()

    for k in range(6):
      start_i(k, k)
    wait_i(0, 0)
    start_g(0, 0)
    wait_i(1, 1)
    start_g(1, 1)

    zbuf = rbufs[NB - 1]
    cpr = width // 16
    def zb(i, _):
      r = i // cpr
      col = (i % cpr) * 16
      zbuf[r, pl.ds(col, 16)] = jnp.zeros((16,), jnp.float32)
      return 0
    lax.fori_loop(0, CH * cpr, zb, 0)

    nfull = RPT // CH
    def zcp(j, _):
      pltpu.sync_copy(zbuf, acc.at[pl.ds(sid * RPT + j * CH, CH)])
      return 0
    lax.fori_loop(0, nfull, zcp, 0)
    rem = RPT - nfull * CH
    if rem:
      pltpu.sync_copy(zbuf.at[pl.ds(0, rem)],
                      acc.at[pl.ds(sid * RPT + nfull * CH, rem)])

    if with_deg:
      pltpu.sync_copy(ones_hbm, ones_v)
      pltpu.sync_copy(dz_hbm, dz)
      def dzcp(j, _):
        pltpu.sync_copy(dz, dacc.at[pl.ds(sid * RPT + j * DZR, DZR)])
        return 0
      lax.fori_loop(0, RPT // DZR, dzcp, 0)
    plsc.subcore_barrier()

    def chunk(c, _):
      def stage(q):
        p = q % NB
        wait_g(p, q)
        @pl.when(c >= 2)
        def _():
          wait_s((p + 2) % NB, (q + 6) % NI)
        @pl.when(c + 2 < NCH)
        def _():
          wait_i(c + 2, (q + 2) % NI)
          start_g((p + 2) % NB, (q + 2) % NI)
        start_s(p, q)
        @pl.when(c + 6 < NCH)
        def _():
          start_i(c + 6, (q + 6) % NI)

      for q in range(NI):
        @pl.when(c % NI == q)
        def _(q=q):
          stage(q)
      return 0
    lax.fori_loop(0, NCH, chunk, 0)

    wait_s((NCH - 2) % NB, (NCH - 2) % NI)
    wait_s((NCH - 1) % NB, (NCH - 1) % NI)
    plsc.subcore_barrier()

    row0 = sid * RPT

    @pl.when(cid == 0)
    def _():
      pltpu.sync_copy(acc.at[pl.ds(row0, RPT)], out0.at[pl.ds(row0, RPT)])
      if with_deg:
        pltpu.sync_copy(dacc.at[pl.ds(row0, RPT)], dout0.at[pl.ds(row0, RPT)])

    @pl.when(cid == 1)
    def _():
      pltpu.sync_copy(acc.at[pl.ds(row0, RPT)], out1.at[pl.ds(row0, RPT)])
      if with_deg:
        pltpu.sync_copy(dacc.at[pl.ds(row0, RPT)], dout1.at[pl.ds(row0, RPT)])

  return seg


_seg_sum_l1 = _make_seg_sum(True)
_seg_sum_l2 = _make_seg_sum(False)


def _dot_t(a, w):
  return lax.dot_general(a, w, (((1,), (1,)), ((), ())),
                         preferred_element_type=jnp.float32,
                         precision=lax.Precision.HIGHEST)


def _tcr_body(x_ref, w_ref, b_ref, o_ref):
  o_ref[...] = _dot_t(x_ref[...], w_ref[...]) + b_ref[...]


def _tcr(x, w, b):
  return pl.pallas_call(
      _tcr_body,
      grid=(NRB,),
      in_specs=[
          pl.BlockSpec((RB, D), lambda i: (i, 0)),
          pl.BlockSpec((D, D), lambda i: (0, 0)),
          pl.BlockSpec((1, D), lambda i: (0, 0)),
      ],
      out_specs=pl.BlockSpec((RB, D), lambda i: (i, 0)),
      out_shape=jax.ShapeDtypeStruct((N, D), jnp.float32),
  )(x, w, b)


def _tc1_body(p0_ref, p1_ref, d0_ref, d1_ref, xr_ref, wl_ref,
              hpre_ref, deg_ref, stats_ref):
  deg = jnp.maximum(d0_ref[:, 0:1] + d1_ref[:, 0:1], 1.0)
  agg = (p0_ref[...] + p1_ref[...]) / deg
  hpre = _dot_t(agg, wl_ref[...]) + xr_ref[...]
  hpre_ref[...] = hpre
  deg_ref[...] = deg

  @pl.when(pl.program_id(0) == 0)
  def _():
    stats_ref[...] = jnp.zeros((8, D), jnp.float32)

  ps = jnp.sum(hpre, axis=0, keepdims=True)
  pq = jnp.sum(hpre * hpre, axis=0, keepdims=True)
  stats_ref[...] += jnp.concatenate(
      [ps, pq, jnp.zeros((6, D), jnp.float32)], axis=0)


def _tc1(p0, p1, d0, d1, xr, W1_l):
  return pl.pallas_call(
      _tc1_body,
      grid=(NRB,),
      in_specs=[
          pl.BlockSpec((RB, D), lambda i: (i, 0)),
          pl.BlockSpec((RB, D), lambda i: (i, 0)),
          pl.BlockSpec((RB, DW), lambda i: (i, 0)),
          pl.BlockSpec((RB, DW), lambda i: (i, 0)),
          pl.BlockSpec((RB, D), lambda i: (i, 0)),
          pl.BlockSpec((D, D), lambda i: (0, 0)),
      ],
      out_specs=[
          pl.BlockSpec((RB, D), lambda i: (i, 0)),
          pl.BlockSpec((RB, 1), lambda i: (i, 0)),
          pl.BlockSpec((8, D), lambda i: (0, 0)),
      ],
      out_shape=[
          jax.ShapeDtypeStruct((N, D), jnp.float32),
          jax.ShapeDtypeStruct((N, 1), jnp.float32),
          jax.ShapeDtypeStruct((8, D), jnp.float32),
      ],
  )(p0, p1, d0, d1, xr, W1_l)


def _tc_norm_body(hpre_ref, stats_ref, gamma_ref, beta_ref, h_ref):
  s = stats_ref[...]
  mean = s[0:1, :] / N
  var = s[1:2, :] / N - mean * mean
  inv = lax.rsqrt(var + 1e-5)
  hn = (hpre_ref[...] - mean) * inv * gamma_ref[...] + beta_ref[...]
  h_ref[...] = jnp.maximum(hn, 0.0)


def _tc_norm(hpre, stats, gamma, beta):
  return pl.pallas_call(
      _tc_norm_body,
      grid=(NRB,),
      in_specs=[
          pl.BlockSpec((RB, D), lambda i: (i, 0)),
          pl.BlockSpec((8, D), lambda i: (0, 0)),
          pl.BlockSpec((1, D), lambda i: (0, 0)),
          pl.BlockSpec((1, D), lambda i: (0, 0)),
      ],
      out_specs=pl.BlockSpec((RB, D), lambda i: (i, 0)),
      out_shape=jax.ShapeDtypeStruct((N, D), jnp.float32),
  )(hpre, stats, gamma, beta)


def _tc2_body(q0_ref, q1_ref, deg_ref, hr_ref, wl_ref, out_ref):
  agg = (q0_ref[...] + q1_ref[...]) / deg_ref[...]
  out_ref[...] = _dot_t(agg, wl_ref[...]) + hr_ref[...]


def _tc2(q0, q1, deg, hr, W2_l):
  return pl.pallas_call(
      _tc2_body,
      grid=(NRB,),
      in_specs=[
          pl.BlockSpec((RB, D), lambda i: (i, 0)),
          pl.BlockSpec((RB, D), lambda i: (i, 0)),
          pl.BlockSpec((RB, 1), lambda i: (i, 0)),
          pl.BlockSpec((RB, D), lambda i: (i, 0)),
          pl.BlockSpec((D, D), lambda i: (0, 0)),
      ],
      out_specs=pl.BlockSpec((RB, D), lambda i: (i, 0)),
      out_shape=jax.ShapeDtypeStruct((N, D), jnp.float32),
  )(q0, q1, deg, hr, W2_l)


def kernel(x, edge_index, W1_l, b1_l, W1_r, gamma, beta, W2_l, b2_l, W2_r):
  ones_s = jnp.ones((CH, DW), jnp.float32)
  dz_s = jnp.zeros((DZR, DW), jnp.float32)
  p0, p1, d0, d1 = _seg_sum_l1(x, edge_index, ones_s, dz_s)
  xr = _tcr(x, W1_r, b1_l.reshape(1, D))
  hpre, deg, stats = _tc1(p0, p1, d0, d1, xr, W1_l)
  h = _tc_norm(hpre, stats, gamma.reshape(1, D), beta.reshape(1, D))
  q0, q1 = _seg_sum_l2(h, edge_index)
  hr = _tcr(h, W2_r, b2_l.reshape(1, D))
  return _tc2(q0, q1, deg, hr, W2_l)

# --- scband reference (transcript-rebuilt; emitter-appended) ---
"""Pipeline reference for scband-gnn-41369124995195 (READ-ONLY COPY).

The authoritative reference and input builder live on the scoring server;
editing this copy changes nothing except your own understanding.
"""

import jax, jax.numpy as jnp
import numpy as np

N = 10000
E = 320000
D_IN = 128
D_H = 128
D_OUT = 128


def setup_inputs(seed: int = 0) -> dict:
    key = jax.random.key(seed)
    ks = jax.random.split(key, 12)
    x = jax.random.normal(ks[0], (N, D_IN), dtype=jnp.float32)
    edge_index = jax.random.randint(ks[1], (2, E), 0, N, dtype=jnp.int32)
    s_in = 1.0 / np.sqrt(D_IN)
    s_h = 1.0 / np.sqrt(D_H)
    W1_l = jax.random.uniform(ks[2], (D_H, D_IN), jnp.float32, -s_in, s_in)
    b1_l = jax.random.uniform(ks[3], (D_H,), jnp.float32, -s_in, s_in)
    W1_r = jax.random.uniform(ks[4], (D_H, D_IN), jnp.float32, -s_in, s_in)
    gamma = jnp.ones((D_H,), jnp.float32)
    beta = jnp.zeros((D_H,), jnp.float32)
    W2_l = jax.random.uniform(ks[5], (D_OUT, D_H), jnp.float32, -s_h, s_h)
    b2_l = jax.random.uniform(ks[6], (D_OUT,), jnp.float32, -s_h, s_h)
    W2_r = jax.random.uniform(ks[7], (D_OUT, D_H), jnp.float32, -s_h, s_h)
    return {"x": x, "edge_index": edge_index, "W1_l": W1_l, "b1_l": b1_l,
            "W1_r": W1_r, "gamma": gamma, "beta": beta, "W2_l": W2_l,
            "b2_l": b2_l, "W2_r": W2_r}


def _sage_conv(x, edge_index, W_l, b_l, W_r):
    # PyG SAGEConv (mean aggr): out = lin_l(mean_agg(x_src -> dst)) + lin_r(x)
    src = edge_index[0]
    dst = edge_index[1]
    msgs = jnp.take(x, src, axis=0)
    agg_sum = jax.ops.segment_sum(msgs, dst, num_segments=N)
    deg = jax.ops.segment_sum(jnp.ones((edge_index.shape[1],), x.dtype), dst, num_segments=N)
    agg = agg_sum / jnp.clip(deg, 1.0)[:, None]
    return agg @ W_l.T + b_l + x @ W_r.T


def reference(x, edge_index, W1_l, b1_l, W1_r, gamma, beta, W2_l, b2_l, W2_r):
    h = _sage_conv(x, edge_index, W1_l, b1_l, W1_r)
    # BatchNorm1d (training-mode batch statistics, eps=1e-5)
    mean = jnp.mean(h, axis=0)
    var = jnp.var(h, axis=0)
    h = (h - mean) / jnp.sqrt(var + 1e-5) * gamma + beta
    h = jax.nn.relu(h)
    out = _sage_conv(h, edge_index, W2_l, b2_l, W2_r)
    return out

if __name__ == "__main__":
    import jax
    _d = setup_inputs()
    print(jax.jit(kernel)(*tuple(_d.values())))

</pallas_src>

<mosaic_0001>
#map = affine_map<(d0, d1) -> (0, 0)>
module attributes {stable_mosaic.version = 14 : i64} {
  func.func @seg(%arg0: i32, %arg1: i32, %arg2: memref<10000x128xf32, #tpu.memory_space<hbm>>, %arg3: memref<2x320000xi32, #tpu.memory_space<hbm>>, %arg4: memref<10000x128xf32, #tpu.memory_space<hbm>>, %arg5: memref<10000x128xf32, #tpu.memory_space<hbm>>, %arg6: memref<10000x128xf32, #tpu.memory_space<vmem_shared>>, %arg7: memref<80xi32, #tpu.memory_space<vmem>>, %arg8: memref<80xi32, #tpu.memory_space<vmem>>, %arg9: memref<80xi32, #tpu.memory_space<vmem>>, %arg10: memref<80xi32, #tpu.memory_space<vmem>>, %arg11: memref<80xi32, #tpu.memory_space<vmem>>, %arg12: memref<80xi32, #tpu.memory_space<vmem>>, %arg13: memref<80xi32, #tpu.memory_space<vmem>>, %arg14: memref<80xi32, #tpu.memory_space<vmem>>, %arg15: memref<80xi32, #tpu.memory_space<vmem>>, %arg16: memref<80xi32, #tpu.memory_space<vmem>>, %arg17: memref<80xi32, #tpu.memory_space<vmem>>, %arg18: memref<80xi32, #tpu.memory_space<vmem>>, %arg19: memref<80xi32, #tpu.memory_space<vmem>>, %arg20: memref<80xi32, #tpu.memory_space<vmem>>, %arg21: memref<80xi32, #tpu.memory_space<vmem>>, %arg22: memref<80xi32, #tpu.memory_space<vmem>>, %arg23: memref<80x128xf32, #tpu.memory_space<vmem>>, %arg24: memref<80x128xf32, #tpu.memory_space<vmem>>, %arg25: memref<80x128xf32, #tpu.memory_space<vmem>>, %arg26: memref<80x128xf32, #tpu.memory_space<vmem>>, %arg27: memref<!tpu.dma_semaphore, #tpu.memory_space<semaphore_mem>>, %arg28: memref<!tpu.dma_semaphore, #tpu.memory_space<semaphore_mem>>, %arg29: memref<!tpu.dma_semaphore, #tpu.memory_space<semaphore_mem>>, %arg30: memref<!tpu.dma_semaphore, #tpu.memory_space<semaphore_mem>>, %arg31: memref<!tpu.dma_semaphore, #tpu.memory_space<semaphore_mem>>, %arg32: memref<!tpu.dma_semaphore, #tpu.memory_space<semaphore_mem>>, %arg33: memref<!tpu.dma_semaphore, #tpu.memory_space<semaphore_mem>>, %arg34: memref<!tpu.dma_semaphore, #tpu.memory_space<semaphore_mem>>, %arg35: memref<!tpu.dma_semaphore, #tpu.memory_space<semaphore_mem>>, %arg36: memref<!tpu.dma_semaphore, #tpu.memory_space<semaphore_mem>>, %arg37: memref<!tpu.dma_semaphore, #tpu.memory_space<semaphore_mem>>, %arg38: memref<!tpu.dma_semaphore, #tpu.memory_space<semaphore_mem>>, %arg39: memref<!tpu.dma_semaphore, #tpu.memory_space<semaphore_mem>>, %arg40: memref<!tpu.dma_semaphore, #tpu.memory_space<semaphore_mem>>, %arg41: memref<!tpu.dma_semaphore, #tpu.memory_space<semaphore_mem>>, %arg42: memref<!tpu.dma_semaphore, #tpu.memory_space<semaphore_mem>>) attributes {dimension_semantics = [#tpu.dimension_semantics<core_parallel>, #tpu.dimension_semantics<subcore_parallel>], iteration_bounds = array<i64: 2, 16>, scalar_prefetch = 0 : i64, scratch_operands = 37 : i64, tpu.core_type = #tpu.core_type<sc_vector_subcore>, window_params = [{transform_indices = #map}, {transform_indices = #map}, {transform_indices = #map}, {transform_indices = #map}]} {
    %mul3A = arith.constant 2 : i32
    %mul3A_0 = arith.muli %arg1, %mul3A : i32
    %add3A = arith.addi %mul3A_0, %arg0 : i32
    %mul3A_1 = arith.constant 10000 : i32
    %mul3A_2 = arith.muli %add3A, %mul3A_1 : i32
    %add3A_3 = arith.constant 0 : i32
    %add3A_4 = arith.addi %mul3A_2, %add3A_3 : i32
    %dma_start3A = arith.constant 0 : i32
    %dma_start3A_5 = tpu.memref_slice %arg3[%dma_start3A, %add3A_4] : memref<2x320000xi32, #tpu.memory_space<hbm>> -> memref<1x80xi32, #tpu.memory_space<hbm>>
    %dma_start3A_6 = tpu.memref_squeeze %dma_start3A_5 : memref<1x80xi32, #tpu.memory_space<hbm>> -> memref<80xi32, #tpu.memory_space<hbm>>
    %dma_start3A_7 = tpu.memref_slice %arg3[%dma_start3A, %add3A_4] : memref<2x320000xi32, #tpu.memory_space<hbm>> -> memref<1x80xi32, #tpu.memory_space<hbm>>
    %dma_start3A_8 = tpu.memref_squeeze %dma_start3A_7 : memref<1x80xi32, #tpu.memory_space<hbm>> -> memref<80xi32, #tpu.memory_space<hbm>>
    tpu.enqueue_dma source(%dma_start3A_8 : memref<80xi32, #tpu.memory_space<hbm>>) target(%arg7 : memref<80xi32, #tpu.memory_space<vmem>>) target_semaphore(%arg31 : memref<!tpu.dma_semaphore, #tpu.memory_space<semaphore_mem>>)
    %dma_start3A_9 = arith.constant 1 : i32
    %dma_start3A_10 = tpu.memref_slice %arg3[%dma_start3A_9, %add3A_4] : memref<2x320000xi32, #tpu.memory_space<hbm>> -> memref<1x80xi32, #tpu.memory_space<hbm>>
    %dma_start3A_11 = tpu.memref_squeeze %dma_start3A_10 : memref<1x80xi32, #tpu.memory_space<hbm>> -> memref<80xi32, #tpu.memory_space<hbm>>
    %dma_start3A_12 = tpu.memref_slice %arg3[%dma_start3A_9, %add3A_4] : memref<2x320000xi32, #tpu.memory_space<hbm>> -> memref<1x80xi32, #tpu.memory_space<hbm>>
    %dma_start3A_13 = tpu.memref_squeeze %dma_start3A_12 : memref<1x80xi32, #tpu.memory_space<hbm>> -> memref<80xi32, #tpu.memory_space<hbm>>
    tpu.enqueue_dma source(%dma_start3A_13 : memref<80xi32, #tpu.memory_space<hbm>>) target(%arg15 : memref<80xi32, #tpu.memory_space<vmem>>) target_semaphore(%arg31 : memref<!tpu.dma_semaphore, #tpu.memory_space<semaphore_mem>>)
    %mul3A_14 = arith.constant 10000 : i32
    %mul3A_15 = arith.muli %add3A, %mul3A_14 : i32
    %add3A_16 = arith.constant 80 : i32
    %add3A_17 = arith.addi %mul3A_15, %add3A_16 : i32
    %dma_start3A_18 = arith.constant 0 : i32
    %dma_start3A_19 = tpu.memref_slice %arg3[%dma_start3A_18, %add3A_17] : memref<2x320000xi32, #tpu.memory_space<hbm>> -> memref<1x80xi32, #tpu.memory_space<hbm>>
    %dma_start3A_20 = tpu.memref_squeeze %dma_start3A_19 : memref<1x80xi32, #tpu.memory_space<hbm>> -> memref<80xi32, #tpu.memory_space<hbm>>
    %dma_start3A_21 = tpu.memref_slice %arg3[%dma_start3A_18, %add3A_17] : memref<2x320000xi32, #tpu.memory_space<hbm>> -> memref<1x80xi32, #tpu.memory_space<hbm>>
    %dma_start3A_22 = tpu.memref_squeeze %dma_start3A_21 : memref<1x80xi32, #tpu.memory_space<hbm>> -> memref<80xi32, #tpu.memory_space<hbm>>
    tpu.enqueue_dma source(%dma_start3A_22 : memref<80xi32, #tpu.memory_space<hbm>>) target(%arg8 : memref<80xi32, #tpu.memory_space<vmem>>) target_semaphore(%arg32 : memref<!tpu.dma_semaphore, #tpu.memory_space<semaphore_mem>>)
    %dma_start3A_23 = arith.constant 1 : i32
    %dma_start3A_24 = tpu.memref_slice %arg3[%dma_start3A_23, %add3A_17] : memref<2x320000xi32, #tpu.memory_space<hbm>> -> memref<1x80xi32, #tpu.memory_space<hbm>>
    %dma_start3A_25 = tpu.memref_squeeze %dma_start3A_24 : memref<1x80xi32, #tpu.memory_space<hbm>> -> memref<80xi32, #tpu.memory_space<hbm>>
    %dma_start3A_26 = tpu.memref_slice %arg3[%dma_start3A_23, %add3A_17] : memref<2x320000xi32, #tpu.memory_space<hbm>> -> memref<1x80xi32, #tpu.memory_space<hbm>>
    %dma_start3A_27 = tpu.memref_squeeze %dma_start3A_26 : memref<1x80xi32, #tpu.memory_space<hbm>> -> memref<80xi32, #tpu.memory_space<hbm>>
    tpu.enqueue_dma source(%dma_start3A_27 : memref<80xi32, #tpu.memory_space<hbm>>) target(%arg16 : memref<80xi32, #tpu.memory_space<vmem>>) target_semaphore(%arg32 : memref<!tpu.dma_semaphore, #tpu.memory_space<semaphore_mem>>)
    %mul3A_28 = arith.constant 10000 : i32
    %mul3A_29 = arith.muli %add3A, %mul3A_28 : i32
    %add3A_30 = arith.constant 160 : i32
    %add3A_31 = arith.addi %mul3A_29, %add3A_30 : i32
    %dma_start3A_32 = arith.constant 0 : i32
    %dma_start3A_33 = tpu.memref_slice %arg3[%dma_start3A_32, %add3A_31] : memref<2x320000xi32, #tpu.memory_space<hbm>> -> memref<1x80xi32, #tpu.memory_space<hbm>>
    %dma_start3A_34 = tpu.memref_squeeze %dma_start3A_33 : memref<1x80xi32, #tpu.memory_space<hbm>> -> memref<80xi32, #tpu.memory_space<hbm>>
    %dma_start3A_35 = tpu.memref_slice %arg3[%dma_start3A_32, %add3A_31] : memref<2x320000xi32, #tpu.memory_space<hbm>> -> memref<1x80xi32, #tpu.memory_space<hbm>>
    %dma_start3A_36 = tpu.memref_squeeze %dma_start3A_35 : memref<1x80xi32, #tpu.memory_space<hbm>> -> memref<80xi32, #tpu.memory_space<hbm>>
    tpu.enqueue_dma source(%dma_start3A_36 : memref<80xi32, #tpu.memory_space<hbm>>) target(%arg9 : memref<80xi32, #tpu.memory_space<vmem>>) target_semaphore(%arg33 : memref<!tpu.dma_semaphore, #tpu.memory_space<semaphore_mem>>)
    %dma_start3A_37 = arith.constant 1 : i32
    %dma_start3A_38 = tpu.memref_slice %arg3[%dma_start3A_37, %add3A_31] : memref<2x320000xi32, #tpu.memory_space<hbm>> -> memref<1x80xi32, #tpu.memory_space<hbm>>
    %dma_start3A_39 = tpu.memref_squeeze %dma_start3A_38 : memref<1x80xi32, #tpu.memory_space<hbm>> -> memref<80xi32, #tpu.memory_space<hbm>>
    %dma_start3A_40 = tpu.memref_slice %arg3[%dma_start3A_37, %add3A_31] : memref<2x320000xi32, #tpu.memory_space<hbm>> -> memref<1x80xi32, #tpu.memory_space<hbm>>
    %dma_start3A_41 = tpu.memref_squeeze %dma_start3A_40 : memref<1x80xi32, #tpu.memory_space<hbm>> -> memref<80xi32, #tpu.memory_space<hbm>>
    tpu.enqueue_dma source(%dma_start3A_41 : memref<80xi32, #tpu.memory_space<hbm>>) target(%arg17 : memref<80xi32, #tpu.memory_space<vmem>>) target_semaphore(%arg33 : memref<!tpu.dma_semaphore, #tpu.memory_space<semaphore_mem>>)
    %mul3A_42 = arith.constant 10000 : i32
    %mul3A_43 = arith.muli %add3A, %mul3A_42 : i32
    %add3A_44 = arith.constant 240 : i32
    %add3A_45 = arith.addi %mul3A_43, %add3A_44 : i32
    %dma_start3A_46 = arith.constant 0 : i32
    %dma_start3A_47 = tpu.memref_slice %arg3[%dma_start3A_46, %add3A_45] : memref<2x320000xi32, #tpu.memory_space<hbm>> -> memref<1x80xi32, #tpu.memory_space<hbm>>
    %dma_start3A_48 = tpu.memref_squeeze %dma_start3A_47 : memref<1x80xi32, #tpu.memory_space<hbm>> -> memref<80xi32, #tpu.memory_space<hbm>>
    %dma_start3A_49 = tpu.memref_slice %arg3[%dma_start3A_46, %add3A_45] : memref<2x320000xi32, #tpu.memory_space<hbm>> -> memref<1x80xi32, #tpu.memory_space<hbm>>
    %dma_start3A_50 = tpu.memref_squeeze %dma_start3A_49 : memref<1x80xi32, #tpu.memory_space<hbm>> -> memref<80xi32, #tpu.memory_space<hbm>>
    tpu.enqueue_dma source(%dma_start3A_50 : memref<80xi32, #tpu.memory_space<hbm>>) target(%arg10 : memref<80xi32, #tpu.memory_space<vmem>>) target_semaphore(%arg34 : memref<!tpu.dma_semaphore, #tpu.memory_space<semaphore_mem>>)
    %dma_start3A_51 = arith.constant 1 : i32
    %dma_start3A_52 = tpu.memref_slice %arg3[%dma_start3A_51, %add3A_45] : memref<2x320000xi32, #tpu.memory_space<hbm>> -> memref<1x80xi32, #tpu.memory_space<hbm>>
    %dma_start3A_53 = tpu.memref_squeeze %dma_start3A_52 : memref<1x80xi32, #tpu.memory_space<hbm>> -> memref<80xi32, #tpu.memory_space<hbm>>
    %dma_start3A_54 = tpu.memref_slice %arg3[%dma_start3A_51, %add3A_45] : memref<2x320000xi32, #tpu.memory_space<hbm>> -> memref<1x80xi32, #tpu.memory_space<hbm>>
    %dma_start3A_55 = tpu.memref_squeeze %dma_start3A_54 : memref<1x80xi32, #tpu.memory_space<hbm>> -> memref<80xi32, #tpu.memory_space<hbm>>
    tpu.enqueue_dma source(%dma_start3A_55 : memref<80xi32, #tpu.memory_space<hbm>>) target(%arg18 : memref<80xi32, #tpu.memory_space<vmem>>) target_semaphore(%arg34 : memref<!tpu.dma_semaphore, #tpu.memory_space<semaphore_mem>>)
    %mul3A_56 = arith.constant 10000 : i32
    %mul3A_57 = arith.muli %add3A, %mul3A_56 : i32
    %add3A_58 = arith.constant 320 : i32
    %add3A_59 = arith.addi %mul3A_57, %add3A_58 : i32
    %dma_start3A_60 = arith.constant 0 : i32
    %dma_start3A_61 = tpu.memref_slice %arg3[%dma_start3A_60, %add3A_59] : memref<2x320000xi32, #tpu.memory_space<hbm>> -> memref<1x80xi32, #tpu.memory_space<hbm>>
    %dma_start3A_62 = tpu.memref_squeeze %dma_start3A_61 : memref<1x80xi32, #tpu.memory_space<hbm>> -> memref<80xi32, #tpu.memory_space<hbm>>
    %dma_start3A_63 = tpu.memref_slice %arg3[%dma_start3A_60, %add3A_59] : memref<2x320000xi32, #tpu.memory_space<hbm>> -> memref<1x80xi32, #tpu.memory_space<hbm>>
    %dma_start3A_64 = tpu.memref_squeeze %dma_start3A_63 : memref<1x80xi32, #tpu.memory_space<hbm>> -> memref<80xi32, #tpu.memory_space<hbm>>
    tpu.enqueue_dma source(%dma_start3A_64 : memref<80xi32, #tpu.memory_space<hbm>>) target(%arg11 : memref<80xi32, #tpu.memory_space<vmem>>) target_semaphore(%arg35 : memref<!tpu.dma_semaphore, #tpu.memory_space<semaphore_mem>>)
    %dma_start3A_65 = arith.constant 1 : i32
    %dma_start3A_66 = tpu.memref_slice %arg3[%dma_start3A_65, %add3A_59] : memref<2x320000xi32, #tpu.memory_space<hbm>> -> memref<1x80xi32, #tpu.memory_space<hbm>>
    %dma_start3A_67 = tpu.memref_squeeze %dma_start3A_66 : memref<1x80xi32, #tpu.memory_space<hbm>> -> memref<80xi32, #tpu.memory_space<hbm>>
    %dma_start3A_68 = tpu.memref_slice %arg3[%dma_start3A_65, %add3A_59] : memref<2x320000xi32, #tpu.memory_space<hbm>> -> memref<1x80xi32, #tpu.memory_space<hbm>>
    %dma_start3A_69 = tpu.memref_squeeze %dma_start3A_68 : memref<1x80xi32, #tpu.memory_space<hbm>> -> memref<80xi32, #tpu.memory_space<hbm>>
    tpu.enqueue_dma source(%dma_start3A_69 : memref<80xi32, #tpu.memory_space<hbm>>) target(%arg19 : memref<80xi32, #tpu.memory_space<vmem>>) target_semaphore(%arg35 : memref<!tpu.dma_semaphore, #tpu.memory_space<semaphore_mem>>)
    %mul3A_70 = arith.constant 10000 : i32
    %mul3A_71 = arith.muli %add3A, %mul3A_70 : i32
    %add3A_72 = arith.constant 400 : i32
    %add3A_73 = arith.addi %mul3A_71, %add3A_72 : i32
    %dma_start3A_74 = arith.constant 0 : i32
    %dma_start3A_75 = tpu.memref_slice %arg3[%dma_start3A_74, %add3A_73] : memref<2x320000xi32, #tpu.memory_space<hbm>> -> memref<1x80xi32, #tpu.memory_space<hbm>>
    %dma_start3A_76 = tpu.memref_squeeze %dma_start3A_75 : memref<1x80xi32, #tpu.memory_space<hbm>> -> memref<80xi32, #tpu.memory_space<hbm>>
    %dma_start3A_77 = tpu.memref_slice %arg3[%dma_start3A_74, %add3A_73] : memref<2x320000xi32, #tpu.memory_space<hbm>> -> memref<1x80xi32, #tpu.memory_space<hbm>>
    %dma_start3A_78 = tpu.memref_squeeze %dma_start3A_77 : memref<1x80xi32, #tpu.memory_space<hbm>> -> memref<80xi32, #tpu.memory_space<hbm>>
    tpu.enqueue_dma source(%dma_start3A_78 : memref<80xi32, #tpu.memory_space<hbm>>) target(%arg12 : memref<80xi32, #tpu.memory_space<vmem>>) target_semaphore(%arg36 : memref<!tpu.dma_semaphore, #tpu.memory_space<semaphore_mem>>)
    %dma_start3A_79 = arith.constant 1 : i32
    %dma_start3A_80 = tpu.memref_slice %arg3[%dma_start3A_79, %add3A_73] : memref<2x320000xi32, #tpu.memory_space<hbm>> -> memref<1x80xi32, #tpu.memory_space<hbm>>
    %dma_start3A_81 = tpu.memref_squeeze %dma_start3A_80 : memref<1x80xi32, #tpu.memory_space<hbm>> -> memref<80xi32, #tpu.memory_space<hbm>>
    %dma_start3A_82 = tpu.memref_slice %arg3[%dma_start3A_79, %add3A_73] : memref<2x320000xi32, #tpu.memory_space<hbm>> -> memref<1x80xi32, #tpu.memory_space<hbm>>
    %dma_start3A_83 = tpu.memref_squeeze %dma_start3A_82 : memref<1x80xi32, #tpu.memory_space<hbm>> -> memref<80xi32, #tpu.memory_space<hbm>>
    tpu.enqueue_dma source(%dma_start3A_83 : memref<80xi32, #tpu.memory_space<hbm>>) target(%arg20 : memref<80xi32, #tpu.memory_space<vmem>>) target_semaphore(%arg36 : memref<!tpu.dma_semaphore, #tpu.memory_space<semaphore_mem>>)
    %mul3A_84 = arith.constant 10000 : i32
    %mul3A_85 = arith.muli %add3A, %mul3A_84 : i32
    %add3A_86 = arith.constant 0 : i32
    %add3A_87 = arith.addi %mul3A_85, %add3A_86 : i32
    %dma_wait3A = arith.constant 0 : i32
    %dma_wait3A_88 = tpu.memref_slice %arg3[%dma_wait3A, %add3A_87] : memref<2x320000xi32, #tpu.memory_space<hbm>> -> memref<1x80xi32, #tpu.memory_space<hbm>>
    %dma_wait3A_89 = tpu.memref_squeeze %dma_wait3A_88 : memref<1x80xi32, #tpu.memory_space<hbm>> -> memref<80xi32, #tpu.memory_space<hbm>>
    %dma_wait3A_90 = tpu.memref_slice %arg3[%dma_wait3A, %add3A_87] : memref<2x320000xi32, #tpu.memory_space<hbm>> -> memref<1x80xi32, #tpu.memory_space<hbm>>
    %dma_wait3A_91 = tpu.memref_squeeze %dma_wait3A_90 : memref<1x80xi32, #tpu.memory_space<hbm>> -> memref<80xi32, #tpu.memory_space<hbm>>
    tpu.wait_dma2 semaphore(%arg31 : memref<!tpu.dma_semaphore, #tpu.memory_space<semaphore_mem>>) src(%dma_wait3A_91 : memref<80xi32, #tpu.memory_space<hbm>>) dst(%arg7 : memref<80xi32, #tpu.memory_space<vmem>>)
    %dma_wait3A_92 = arith.constant 1 : i32
    %dma_wait3A_93 = tpu.memref_slice %arg3[%dma_wait3A_92, %add3A_87] : memref<2x320000xi32, #tpu.memory_space<hbm>> -> memref<1x80xi32, #tpu.memory_space<hbm>>
    %dma_wait3A_94 = tpu.memref_squeeze %dma_wait3A_93 : memref<1x80xi32, #tpu.memory_space<hbm>> -> memref<80xi32, #tpu.memory_space<hbm>>
    %dma_wait3A_95 = tpu.memref_slice %arg3[%dma_wait3A_92, %add3A_87] : memref<2x320000xi32, #tpu.memory_space<hbm>> -> memref<1x80xi32, #tpu.memory_space<hbm>>
    %dma_wait3A_96 = tpu.memref_squeeze %dma_wait3A_95 : memref<1x80xi32, #tpu.memory_space<hbm>> -> memref<80xi32, #tpu.memory_space<hbm>>
    tpu.wait_dma2 semaphore(%arg31 : memref<!tpu.dma_semaphore, #tpu.memory_space<semaphore_mem>>) src(%dma_wait3A_96 : memref<80xi32, #tpu.memory_space<hbm>>) dst(%arg15 : memref<80xi32, #tpu.memory_space<vmem>>)
    %dma_start3A_97 = arith.constant 0 : i32
    %dma_start3A_98 = arith.constant 0 : i32
    %dma_start3A_99 = tpu.memref_slice %arg2[%dma_start3A_97, %dma_start3A_98] : memref<10000x128xf32, #tpu.memory_space<hbm>> -> memref<10000x128xf32, #tpu.memory_space<hbm>>
    tpu.enqueue_indirect_dma source(%dma_start3A_99 : memref<10000x128xf32, #tpu.memory_space<hbm>>) target(%arg23 : memref<80x128xf32, #tpu.memory_space<vmem>>) offsets(%arg7 : memref<80xi32, #tpu.memory_space<vmem>>) semaphore(%arg27 : memref<!tpu.dma_semaphore, #tpu.memory_space<semaphore_mem>>)
    %mul3A_100 = arith.constant 10000 : i32
    %mul3A_101 = arith.muli %add3A, %mul3A_100 : i32
    %add3A_102 = arith.constant 80 : i32
    %add3A_103 = arith.addi %mul3A_101, %add3A_102 : i32
    %dma_wait3A_104 = arith.constant 0 : i32
    %dma_wait3A_105 = tpu.memref_slice %arg3[%dma_wait3A_104, %add3A_103] : memref<2x320000xi32, #tpu.memory_space<hbm>> -> memref<1x80xi32, #tpu.memory_space<hbm>>
    %dma_wait3A_106 = tpu.memref_squeeze %dma_wait3A_105 : memref<1x80xi32, #tpu.memory_space<hbm>> -> memref<80xi32, #tpu.memory_space<hbm>>
    %dma_wait3A_107 = tpu.memref_slice %arg3[%dma_wait3A_104, %add3A_103] : memref<2x320000xi32, #tpu.memory_space<hbm>> -> memref<1x80xi32, #tpu.memory_space<hbm>>
    %dma_wait3A_108 = tpu.memref_squeeze %dma_wait3A_107 : memref<1x80xi32, #tpu.memory_space<hbm>> -> memref<80xi32, #tpu.memory_space<hbm>>
    tpu.wait_dma2 semaphore(%arg32 : memref<!tpu.dma_semaphore, #tpu.memory_space<semaphore_mem>>) src(%dma_wait3A_108 : memref<80xi32, #tpu.memory_space<hbm>>) dst(%arg8 : memref<80xi32, #tpu.memory_space<vmem>>)
    %dma_wait3A_109 = arith.constant 1 : i32
    %dma_wait3A_110 = tpu.memref_slice %arg3[%dma_wait3A_109, %add3A_103] : memref<2x320000xi32, #tpu.memory_space<hbm>> -> memref<1x80xi32, #tpu.memory_space<hbm>>
    %dma_wait3A_111 = tpu.memref_squeeze %dma_wait3A_110 : memref<1x80xi32, #tpu.memory_space<hbm>> -> memref<80xi32, #tpu.memory_space<hbm>>
    %dma_wait3A_112 = tpu.memref_slice %arg3[%dma_wait3A_109, %add3A_103] : memref<2x320000xi32, #tpu.memory_space<hbm>> -> memref<1x80xi32, #tpu.memory_space<hbm>>
    %dma_wait3A_113 = tpu.memref_squeeze %dma_wait3A_112 : memref<1x80xi32, #tpu.memory_space<hbm>> -> memref<80xi32, #tpu.memory_space<hbm>>
    tpu.wait_dma2 semaphore(%arg32 : memref<!tpu.dma_semaphore, #tpu.memory_space<semaphore_mem>>) src(%dma_wait3A_113 : memref<80xi32, #tpu.memory_space<hbm>>) dst(%arg16 : memref<80xi32, #tpu.memory_space<vmem>>)
    %dma_start3A_114 = arith.constant 0 : i32
    %dma_start3A_115 = arith.constant 0 : i32
    %dma_start3A_116 = tpu.memref_slice %arg2[%dma_start3A_114, %dma_start3A_115] : memref<10000x128xf32, #tpu.memory_space<hbm>> -> memref<10000x128xf32, #tpu.memory_space<hbm>>
    tpu.enqueue_indirect_dma source(%dma_start3A_116 : memref<10000x128xf32, #tpu.memory_space<hbm>>) target(%arg24 : memref<80x128xf32, #tpu.memory_space<vmem>>) offsets(%arg8 : memref<80xi32, #tpu.memory_space<vmem>>) semaphore(%arg28 : memref<!tpu.dma_semaphore, #tpu.memory_space<semaphore_mem>>)
    %scan3A = arith.constant 0 : i32
    %scan3A_117 = arith.constant 0 : i32
    %scan3A_118 = arith.constant 640 : i32
    %scan3A_119 = arith.addi %scan3A_117, %scan3A_118 : i32
    %scan3A_120 = arith.constant 1 : i32
    %scan3A_121 = scf.for %scan3A_157 = %scan3A_117 to %scan3A_119 step %scan3A_120 iter_args(%scan3A_158 = %scan3A) -> (i32)  : i32 {
      %jit3A = arith.constant 8 : i32
      %div3A = arith.divsi %scan3A_157, %jit3A : i32
      %sign3A = arith.constant 0 : i32
      %sign3A_159 = arith.cmpi sgt, %scan3A_157, %sign3A : i32
      %sign3A_160 = arith.extui %sign3A_159 : i1 to i32
      %sign3A_161 = arith.constant 0 : i32
      %sign3A_162 = arith.cmpi slt, %scan3A_157, %sign3A_161 : i32
      %sign3A_163 = arith.extui %sign3A_162 : i1 to i32
      %sign3A_164 = arith.subi %sign3A_160, %sign3A_163 : i32
      %sign3A_165 = arith.constant 0 : i32
      %sign3A_166 = arith.cmpi sgt, %jit3A, %sign3A_165 : i32
      %sign3A_167 = arith.extui %sign3A_166 : i1 to i32
      %sign3A_168 = arith.constant 0 : i32
      %sign3A_169 = arith.cmpi slt, %jit3A, %sign3A_168 : i32
      %sign3A_170 = arith.extui %sign3A_169 : i1 to i32
      %sign3A_171 = arith.subi %sign3A_167, %sign3A_170 : i32
      %ne3A = arith.cmpi ne, %sign3A_164, %sign3A_171 : i32
      %rem3A = arith.remsi %scan3A_157, %jit3A : i32
      %ne3A_172 = arith.constant 0 : i32
      %ne3A_173 = arith.cmpi ne, %rem3A, %ne3A_172 : i32
      %and3A = arith.andi %ne3A, %ne3A_173 : i1
      %sub3A = arith.constant 1 : i32
      %sub3A_174 = arith.subi %div3A, %sub3A : i32
      %select_n3A = arith.select %and3A, %sub3A_174, %div3A : i32
      %jit3A_175 = arith.constant 8 : i32
      %eq3A_176 = arith.constant 0 : i32
      %eq3A_177 = arith.cmpi eq, %jit3A_175, %eq3A_176 : i32
      %jit3A_178 = arith.constant 1 : i32
      %select_n3A_179 = arith.select %eq3A_177, %jit3A_178, %jit3A_175 : i32
      %rem3A_180 = arith.remsi %scan3A_157, %select_n3A_179 : i32
      %ne3A_181 = arith.constant 0 : i32
      %ne3A_182 = arith.cmpi ne, %rem3A_180, %ne3A_181 : i32
      %lt3A = arith.constant 0 : i32
      %lt3A_183 = arith.cmpi slt, %rem3A_180, %lt3A : i32
      %lt3A_184 = arith.constant 0 : i32
      %lt3A_185 = arith.cmpi slt, %select_n3A_179, %lt3A_184 : i32
      %ne3A_186 = arith.xori %lt3A_183, %lt3A_185 : i1
      %and3A_187 = arith.andi %ne3A_186, %ne3A_182 : i1
      %add3A_188 = arith.addi %rem3A_180, %select_n3A_179 : i32
      %select_n3A_189 = arith.select %and3A_187, %add3A_188, %rem3A_180 : i32
      %mul3A_190 = arith.constant 16 : i32
      %mul3A_191 = arith.muli %select_n3A_189, %mul3A_190 : i32
      %broadcast_in_dim3A = arith.constant 0.000000e+00 : f32
      %broadcast_in_dim3A_192 = vector.broadcast %broadcast_in_dim3A : f32 to vector<16xf32>
      %swap3A = arith.index_cast %select_n3A : i32 to index
      %swap3A_193 = arith.index_cast %mul3A_191 : i32 to index
      %swap3A_194 = tpu.vector_load %arg26[%swap3A, %swap3A_193] {strides = array<i32>} : memref<80x128xf32, #tpu.memory_space<vmem>>, vector<1x16xf32>,
      %swap3A_195 = vector.shape_cast %swap3A_194 : vector<1x16xf32> to vector<16xf32>
      %swap3A_196 = vector.shape_cast %broadcast_in_dim3A_192 : vector<16xf32> to vector<1x16xf32>
      tpu.vector_store %arg26[%swap3A, %swap3A_193], %swap3A_196 {strides = array<i32>} : memref<80x128xf32, #tpu.memory_space<vmem>>, vector<1x16xf32>,
      %scan3A_197 = arith.constant 0 : i32
      scf.yield %scan3A_197 : i32
    }
    %scan3A_122 = arith.constant 640 : i32
    %scan3A_123 = arith.constant 0 : i32
    %scan3A_124 = arith.constant 0 : i32
    %scan3A_125 = arith.constant 7 : i32
    %scan3A_126 = arith.addi %scan3A_124, %scan3A_125 : i32
    %scan3A_127 = arith.constant 1 : i32
    %scan3A_128 = scf.for %scan3A_157 = %scan3A_124 to %scan3A_126 step %scan3A_127 iter_args(%scan3A_158 = %scan3A_123) -> (i32)  : i32 {
      %mul3A_159 = arith.constant 625 : i32
      %mul3A_160 = arith.muli %arg1, %mul3A_159 : i32
      %mul3A_161 = arith.constant 80 : i32
      %mul3A_162 = arith.muli %scan3A_157, %mul3A_161 : i32
      %add3A_163 = arith.addi %mul3A_160, %mul3A_162 : i32
      "tpu.region"() ({
        %run_scoped3A = tpu.sem_alloc : memref<!tpu.dma_semaphore, #tpu.memory_space<semaphore_mem>>
        %dma_start3A_165 = arith.constant 0 : i32
        %dma_start3A_166 = tpu.memref_slice %arg6[%add3A_163, %dma_start3A_165] : memref<10000x128xf32, #tpu.memory_space<vmem_shared>> -> memref<80x128xf32, #tpu.memory_space<vmem_shared>>
        %dma_start3A_167 = arith.constant 0 : i32
        %dma_start3A_168 = tpu.memref_slice %arg6[%add3A_163, %dma_start3A_167] : memref<10000x128xf32, #tpu.memory_space<vmem_shared>> -> memref<80x128xf32, #tpu.memory_space<vmem_shared>>
        tpu.enqueue_dma source(%arg26 : memref<80x128xf32, #tpu.memory_space<vmem>>) target(%dma_start3A_168 : memref<80x128xf32, #tpu.memory_space<vmem_shared>>) target_semaphore(%run_scoped3A : memref<!tpu.dma_semaphore, #tpu.memory_space<semaphore_mem>>)
        %dma_wait3A_169 = arith.constant 0 : i32
        %dma_wait3A_170 = tpu.memref_slice %arg6[%add3A_163, %dma_wait3A_169] : memref<10000x128xf32, #tpu.memory_space<vmem_shared>> -> memref<80x128xf32, #tpu.memory_space<vmem_shared>>
        %dma_wait3A_171 = arith.constant 0 : i32
        %dma_wait3A_172 = tpu.memref_slice %arg6[%add3A_163, %dma_wait3A_171] : memref<10000x128xf32, #tpu.memory_space<vmem_shared>> -> memref<80x128xf32, #tpu.memory_space<vmem_shared>>
        tpu.wait_dma2 semaphore(%run_scoped3A : memref<!tpu.dma_semaphore, #tpu.memory_space<semaphore_mem>>) src(%arg26 : memref<80x128xf32, #tpu.memory_space<vmem>>) dst(%dma_wait3A_172 : memref<80x128xf32, #tpu.memory_space<vmem_shared>>)
        tpu.yield
      }) : () -> ()
      %scan3A_164 = arith.constant 0 : i32
      scf.yield %scan3A_164 : i32
    }
    %scan3A_129 = arith.constant 7 : i32
    %mul3A_130 = arith.constant 625 : i32
    %mul3A_131 = arith.muli %arg1, %mul3A_130 : i32
    %add3A_132 = arith.constant 560 : i32
    %add3A_133 = arith.addi %mul3A_131, %add3A_132 : i32
    "tpu.region"() ({
      %run_scoped3A = tpu.sem_alloc : memref<!tpu.dma_semaphore, #tpu.memory_space<semaphore_mem>>
      %dma_start3A_157 = arith.constant 0 : i32
      %dma_start3A_158 = arith.constant 0 : i32
      %dma_start3A_159 = tpu.memref_slice %arg26[%dma_start3A_157, %dma_start3A_158] : memref<80x128xf32, #tpu.memory_space<vmem>> -> memref<65x128xf32, #tpu.memory_space<vmem>>
      %dma_start3A_160 = arith.constant 0 : i32
      %dma_start3A_161 = tpu.memref_slice %arg6[%add3A_133, %dma_start3A_160] : memref<10000x128xf32, #tpu.memory_space<vmem_shared>> -> memref<65x128xf32, #tpu.memory_space<vmem_shared>>
      %dma_start3A_162 = arith.constant 0 : i32
      %dma_start3A_163 = tpu.memref_slice %arg6[%add3A_133, %dma_start3A_162] : memref<10000x128xf32, #tpu.memory_space<vmem_shared>> -> memref<65x128xf32, #tpu.memory_space<vmem_shared>>
      %dma_start3A_164 = arith.constant 0 : i32
      %dma_start3A_165 = arith.constant 0 : i32
      %dma_start3A_166 = tpu.memref_slice %arg26[%dma_start3A_164, %dma_start3A_165] : memref<80x128xf32, #tpu.memory_space<vmem>> -> memref<65x128xf32, #tpu.memory_space<vmem>>
      tpu.enqueue_dma source(%dma_start3A_166 : memref<65x128xf32, #tpu.memory_space<vmem>>) target(%dma_start3A_163 : memref<65x128xf32, #tpu.memory_space<vmem_shared>>) target_semaphore(%run_scoped3A : memref<!tpu.dma_semaphore, #tpu.memory_space<semaphore_mem>>)
      %dma_wait3A_167 = arith.constant 0 : i32
      %dma_wait3A_168 = arith.constant 0 : i32
      %dma_wait3A_169 = tpu.memref_slice %arg26[%dma_wait3A_167, %dma_wait3A_168] : memref<80x128xf32, #tpu.memory_space<vmem>> -> memref<65x128xf32, #tpu.memory_space<vmem>>
      %dma_wait3A_170 = arith.constant 0 : i32
      %dma_wait3A_171 = tpu.memref_slice %arg6[%add3A_133, %dma_wait3A_170] : memref<10000x128xf32, #tpu.memory_space<vmem_shared>> -> memref<65x128xf32, #tpu.memory_space<vmem_shared>>
      %dma_wait3A_172 = arith.constant 0 : i32
      %dma_wait3A_173 = tpu.memref_slice %arg6[%add3A_133, %dma_wait3A_172] : memref<10000x128xf32, #tpu.memory_space<vmem_shared>> -> memref<65x128xf32, #tpu.memory_space<vmem_shared>>
      %dma_wait3A_174 = arith.constant 0 : i32
      %dma_wait3A_175 = arith.constant 0 : i32
      %dma_wait3A_176 = tpu.memref_slice %arg26[%dma_wait3A_174, %dma_wait3A_175] : memref<80x128xf32, #tpu.memory_space<vmem>> -> memref<65x128xf32, #tpu.memory_space<vmem>>
      tpu.wait_dma2 semaphore(%run_scoped3A : memref<!tpu.dma_semaphore, #tpu.memory_space<semaphore_mem>>) src(%dma_wait3A_176 : memref<65x128xf32, #tpu.memory_space<vmem>>) dst(%dma_wait3A_173 : memref<65x128xf32, #tpu.memory_space<vmem_shared>>)
      tpu.yield
    }) : () -> ()
    %barrier3A = arith.constant 0 : index
    tpu.barrier barrier_id(%barrier3A)
    %scan3A_134 = arith.constant 0 : i32
    %scan3A_135 = arith.constant 0 : i32
    %scan3A_136 = arith.constant 125 : i32
    %scan3A_137 = arith.addi %scan3A_135, %scan3A_136 : i32
    %scan3A_138 = arith.constant 1 : i32
    %scan3A_139 = scf.for %scan3A_157 = %scan3A_135 to %scan3A_137 step %scan3A_138 iter_args(%scan3A_158 = %scan3A_134) -> (i32)  : i32 {
      %jit3A = arith.constant 8 : i32
      %eq3A_159 = arith.constant 0 : i32
      %eq3A_160 = arith.cmpi eq, %jit3A, %eq3A_159 : i32
      %jit3A_161 = arith.constant 1 : i32
      %select_n3A = arith.select %eq3A_160, %jit3A_161, %jit3A : i32
      %rem3A = arith.remsi %scan3A_157, %select_n3A : i32
      %ne3A = arith.constant 0 : i32
      %ne3A_162 = arith.cmpi ne, %rem3A, %ne3A : i32
      %lt3A = arith.constant 0 : i32
      %lt3A_163 = arith.cmpi slt, %rem3A, %lt3A : i32
      %lt3A_164 = arith.constant 0 : i32
      %lt3A_165 = arith.cmpi slt, %select_n3A, %lt3A_164 : i32
      %ne3A_166 = arith.xori %lt3A_163, %lt3A_165 : i1
      %and3A = arith.andi %ne3A_166, %ne3A_162 : i1
      %add3A_167 = arith.addi %rem3A, %select_n3A : i32
      %select_n3A_168 = arith.select %and3A, %add3A_167, %rem3A : i32
      %eq3A_169 = arith.constant 0 : i32
      %eq3A_170 = arith.cmpi eq, %select_n3A_168, %eq3A_169 : i32
      %convert_element_type3A_171 = arith.extui %eq3A_170 : i1 to i32
      %cond3A_172 = arith.constant 0 : i32
      %cond3A_173 = arith.cmpi ne, %convert_element_type3A_171, %cond3A_172 : i32
      scf.if %cond3A_173 {
        %dma_wait3A_322 = arith.constant 0 : i32
        %dma_wait3A_323 = arith.constant 0 : i32
        %dma_wait3A_324 = tpu.memref_slice %arg2[%dma_wait3A_322, %dma_wait3A_323] : memref<10000x128xf32, #tpu.memory_space<hbm>> -> memref<10000x128xf32, #tpu.memory_space<hbm>>
        tpu.wait_indirect_dma semaphore(%arg27 : memref<!tpu.dma_semaphore, #tpu.memory_space<semaphore_mem>>) src(%dma_wait3A_324 : memref<10000x128xf32, #tpu.memory_space<hbm>>) dst(%arg23 : memref<80x128xf32, #tpu.memory_space<vmem>>)
        %ge3A = arith.constant 2 : i32
        %ge3A_325 = arith.cmpi sge, %scan3A_157, %ge3A : i32
        %convert_element_type3A_326 = arith.extui %ge3A_325 : i1 to i32
        %cond3A_327 = arith.constant 0 : i32
        %cond3A_328 = arith.cmpi ne, %convert_element_type3A_326, %cond3A_327 : i32
        scf.if %cond3A_328 {
          %dma_wait3A_346 = arith.constant 0 : i32
          %dma_wait3A_347 = arith.constant 0 : i32
          %dma_wait3A_348 = tpu.memref_slice %arg6[%dma_wait3A_346, %dma_wait3A_347] : memref<10000x128xf32, #tpu.memory_space<vmem_shared>> -> memref<10000x128xf32, #tpu.memory_space<vmem_shared>>
          tpu.wait_indirect_dma semaphore(%arg41 : memref<!tpu.dma_semaphore, #tpu.memory_space<semaphore_mem>>) src(%arg25 : memref<80x128xf32, #tpu.memory_space<vmem>>) dst(%dma_wait3A_348 : memref<10000x128xf32, #tpu.memory_space<vmem_shared>>)
        } else {
        }
        %add3A_329 = arith.constant 2 : i32
        %add3A_330 = arith.addi %scan3A_157, %add3A_329 : i32
        %lt3A_331 = arith.constant 125 : i32
        %lt3A_332 = arith.cmpi slt, %add3A_330, %lt3A_331 : i32
        %convert_element_type3A_333 = arith.extui %lt3A_332 : i1 to i32
        %cond3A_334 = arith.constant 0 : i32
        %cond3A_335 = arith.cmpi ne, %convert_element_type3A_333, %cond3A_334 : i32
        scf.if %cond3A_335 {
          %add3A_346 = arith.constant 2 : i32
          %add3A_347 = arith.addi %scan3A_157, %add3A_346 : i32
          %mul3A_348 = arith.constant 10000 : i32
          %mul3A_349 = arith.muli %add3A, %mul3A_348 : i32
          %mul3A_350 = arith.constant 80 : i32
          %mul3A_351 = arith.muli %add3A_347, %mul3A_350 : i32
          %add3A_352 = arith.addi %mul3A_349, %mul3A_351 : i32
          %dma_wait3A_353 = arith.constant 0 : i32
          %dma_wait3A_354 = tpu.memref_slice %arg3[%dma_wait3A_353, %add3A_352] : memref<2x320000xi32, #tpu.memory_space<hbm>> -> memref<1x80xi32, #tpu.memory_space<hbm>>
          %dma_wait3A_355 = tpu.memref_squeeze %dma_wait3A_354 : memref<1x80xi32, #tpu.memory_space<hbm>> -> memref<80xi32, #tpu.memory_space<hbm>>
          %dma_wait3A_356 = tpu.memref_slice %arg3[%dma_wait3A_353, %add3A_352] : memref<2x320000xi32, #tpu.memory_space<hbm>> -> memref<1x80xi32, #tpu.memory_space<hbm>>
          %dma_wait3A_357 = tpu.memref_squeeze %dma_wait3A_356 : memref<1x80xi32, #tpu.memory_space<hbm>> -> memref<80xi32, #tpu.memory_space<hbm>>
          tpu.wait_dma2 semaphore(%arg33 : memref<!tpu.dma_semaphore, #tpu.memory_space<semaphore_mem>>) src(%dma_wait3A_357 : memref<80xi32, #tpu.memory_space<hbm>>) dst(%arg9 : memref<80xi32, #tpu.memory_space<vmem>>)
          %dma_wait3A_358 = arith.constant 1 : i32
          %dma_wait3A_359 = tpu.memref_slice %arg3[%dma_wait3A_358, %add3A_352] : memref<2x320000xi32, #tpu.memory_space<hbm>> -> memref<1x80xi32, #tpu.memory_space<hbm>>
          %dma_wait3A_360 = tpu.memref_squeeze %dma_wait3A_359 : memref<1x80xi32, #tpu.memory_space<hbm>> -> memref<80xi32, #tpu.memory_space<hbm>>
          %dma_wait3A_361 = tpu.memref_slice %arg3[%dma_wait3A_358, %add3A_352] : memref<2x320000xi32, #tpu.memory_space<hbm>> -> memref<1x80xi32, #tpu.memory_space<hbm>>
          %dma_wait3A_362 = tpu.memref_squeeze %dma_wait3A_361 : memref<1x80xi32, #tpu.memory_space<hbm>> -> memref<80xi32, #tpu.memory_space<hbm>>
          tpu.wait_dma2 semaphore(%arg33 : memref<!tpu.dma_semaphore, #tpu.memory_space<semaphore_mem>>) src(%dma_wait3A_362 : memref<80xi32, #tpu.memory_space<hbm>>) dst(%arg17 : memref<80xi32, #tpu.memory_space<vmem>>)
          %dma_start3A_363 = arith.constant 0 : i32
          %dma_start3A_364 = arith.constant 0 : i32
          %dma_start3A_365 = tpu.memref_slice %arg2[%dma_start3A_363, %dma_start3A_364] : memref<10000x128xf32, #tpu.memory_space<hbm>> -> memref<10000x128xf32, #tpu.memory_space<hbm>>
          tpu.enqueue_indirect_dma source(%dma_start3A_365 : memref<10000x128xf32, #tpu.memory_space<hbm>>) target(%arg25 : memref<80x128xf32, #tpu.memory_space<vmem>>) offsets(%arg9 : memref<80xi32, #tpu.memory_space<vmem>>) semaphore(%arg29 : memref<!tpu.dma_semaphore, #tpu.memory_space<semaphore_mem>>)
        } else {
        }
        %dma_start3A_336 = arith.constant 0 : i32
        %dma_start3A_337 = arith.constant 0 : i32
        %dma_start3A_338 = tpu.memref_slice %arg6[%dma_start3A_336, %dma_start3A_337] : memref<10000x128xf32, #tpu.memory_space<vmem_shared>> -> memref<10000x128xf32, #tpu.memory_space<vmem_shared>>
        tpu.enqueue_indirect_dma source(%arg23 : memref<80x128xf32, #tpu.memory_space<vmem>>) target(%dma_start3A_338 : memref<10000x128xf32, #tpu.memory_space<vmem_shared>>) offsets(%arg15 : memref<80xi32, #tpu.memory_space<vmem>>) semaphore(%arg39 : memref<!tpu.dma_semaphore, #tpu.memory_space<semaphore_mem>>) {add = true}
        %add3A_339 = arith.constant 6 : i32
        %add3A_340 = arith.addi %scan3A_157, %add3A_339 : i32
        %lt3A_341 = arith.constant 125 : i32
        %lt3A_342 = arith.cmpi slt, %add3A_340, %lt3A_341 : i32
        %convert_element_type3A_343 = arith.extui %lt3A_342 : i1 to i32
        %cond3A_344 = arith.constant 0 : i32
        %cond3A_345 = arith.cmpi ne, %convert_element_type3A_343, %cond3A_344 : i32
        scf.if %cond3A_345 {
          %add3A_346 = arith.constant 6 : i32
          %add3A_347 = arith.addi %scan3A_157, %add3A_346 : i32
          %mul3A_348 = arith.constant 10000 : i32
          %mul3A_349 = arith.muli %add3A, %mul3A_348 : i32
          %mul3A_350 = arith.constant 80 : i32
          %mul3A_351 = arith.muli %add3A_347, %mul3A_350 : i32
          %add3A_352 = arith.addi %mul3A_349, %mul3A_351 : i32
          %dma_start3A_353 = arith.constant 0 : i32
          %dma_start3A_354 = tpu.memref_slice %arg3[%dma_start3A_353, %add3A_352] : memref<2x320000xi32, #tpu.memory_space<hbm>> -> memref<1x80xi32, #tpu.memory_space<hbm>>
          %dma_start3A_355 = tpu.memref_squeeze %dma_start3A_354 : memref<1x80xi32, #tpu.memory_space<hbm>> -> memref<80xi32, #tpu.memory_space<hbm>>
          %dma_start3A_356 = tpu.memref_slice %arg3[%dma_start3A_353, %add3A_352] : memref<2x320000xi32, #tpu.memory_space<hbm>> -> memref<1x80xi32, #tpu.memory_space<hbm>>
          %dma_start3A_357 = tpu.memref_squeeze %dma_start3A_356 : memref<1x80xi32, #tpu.memory_space<hbm>> -> memref<80xi32, #tpu.memory_space<hbm>>
          tpu.enqueue_dma source(%dma_start3A_357 : memref<80xi32, #tpu.memory_space<hbm>>) target(%arg13 : memref<80xi32, #tpu.memory_space<vmem>>) target_semaphore(%arg37 : memref<!tpu.dma_semaphore, #tpu.memory_space<semaphore_mem>>)
          %dma_start3A_358 = arith.constant 1 : i32
          %dma_start3A_359 = tpu.memref_slice %arg3[%dma_start3A_358, %add3A_352] : memref<2x320000xi32, #tpu.memory_space<hbm>> -> memref<1x80xi32, #tpu.memory_space<hbm>>
          %dma_start3A_360 = tpu.memref_squeeze %dma_start3A_359 : memref<1x80xi32, #tpu.memory_space<hbm>> -> memref<80xi32, #tpu.memory_space<hbm>>
          %dma_start3A_361 = tpu.memref_slice %arg3[%dma_start3A_358, %add3A_352] : memref<2x320000xi32, #tpu.memory_space<hbm>> -> memref<1x80xi32, #tpu.memory_space<hbm>>
          %dma_start3A_362 = tpu.memref_squeeze %dma_start3A_361 : memref<1x80xi32, #tpu.memory_space<hbm>> -> memref<80xi32, #tpu.memory_space<hbm>>
          tpu.enqueue_dma source(%dma_start3A_362 : memref<80xi32, #tpu.memory_space<hbm>>) target(%arg21 : memref<80xi32, #tpu.memory_space<vmem>>) target_semaphore(%arg37 : memref<!tpu.dma_semaphore, #tpu.memory_space<semaphore_mem>>)
        } else {
        }
      } else {
      }
      %jit3A_174 = arith.constant 8 : i32
      %eq3A_175 = arith.constant 0 : i32
      %eq3A_176 = arith.cmpi eq, %jit3A_174, %eq3A_175 : i32
      %jit3A_177 = arith.constant 1 : i32
      %select_n3A_178 = arith.select %eq3A_176, %jit3A_177, %jit3A_174 : i32
      %rem3A_179 = arith.remsi %scan3A_157, %select_n3A_178 : i32
      %ne3A_180 = arith.constant 0 : i32
      %ne3A_181 = arith.cmpi ne, %rem3A_179, %ne3A_180 : i32
      %lt3A_182 = arith.constant 0 : i32
      %lt3A_183 = arith.cmpi slt, %rem3A_179, %lt3A_182 : i32
      %lt3A_184 = arith.constant 0 : i32
      %lt3A_185 = arith.cmpi slt, %select_n3A_178, %lt3A_184 : i32
      %ne3A_186 = arith.xori %lt3A_183, %lt3A_185 : i1
      %and3A_187 = arith.andi %ne3A_186, %ne3A_181 : i1
      %add3A_188 = arith.addi %rem3A_179, %select_n3A_178 : i32
      %select_n3A_189 = arith.select %and3A_187, %add3A_188, %rem3A_179 : i32
      %eq3A_190 = arith.constant 1 : i32
      %eq3A_191 = arith.cmpi eq, %select_n3A_189, %eq3A_190 : i32
      %convert_element_type3A_192 = arith.extui %eq3A_191 : i1 to i32
      %cond3A_193 = arith.constant 0 : i32
      %cond3A_194 = arith.cmpi ne, %convert_element_type3A_192, %cond3A_193 : i32
      scf.if %cond3A_194 {
        %dma_wait3A_322 = arith.constant 0 : i32
        %dma_wait3A_323 = arith.constant 0 : i32
        %dma_wait3A_324 = tpu.memref_slice %arg2[%dma_wait3A_322, %dma_wait3A_323] : memref<10000x128xf32, #tpu.memory_space<hbm>> -> memref<10000x128xf32, #tpu.memory_space<hbm>>
        tpu.wait_indirect_dma semaphore(%arg28 : memref<!tpu.dma_semaphore, #tpu.memory_space<semaphore_mem>>) src(%dma_wait3A_324 : memref<10000x128xf32, #tpu.memory_space<hbm>>) dst(%arg24 : memref<80x128xf32, #tpu.memory_space<vmem>>)
        %ge3A = arith.constant 2 : i32
        %ge3A_325 = arith.cmpi sge, %scan3A_157, %ge3A : i32
        %convert_element_type3A_326 = arith.extui %ge3A_325 : i1 to i32
        %cond3A_327 = arith.constant 0 : i32
        %cond3A_328 = arith.cmpi ne, %convert_element_type3A_326, %cond3A_327 : i32
        scf.if %cond3A_328 {
          %dma_wait3A_346 = arith.constant 0 : i32
          %dma_wait3A_347 = arith.constant 0 : i32
          %dma_wait3A_348 = tpu.memref_slice %arg6[%dma_wait3A_346, %dma_wait3A_347] : memref<10000x128xf32, #tpu.memory_space<vmem_shared>> -> memref<10000x128xf32, #tpu.memory_space<vmem_shared>>
          tpu.wait_indirect_dma semaphore(%arg42 : memref<!tpu.dma_semaphore, #tpu.memory_space<semaphore_mem>>) src(%arg26 : memref<80x128xf32, #tpu.memory_space<vmem>>) dst(%dma_wait3A_348 : memref<10000x128xf32, #tpu.memory_space<vmem_shared>>)
        } else {
        }
        %add3A_329 = arith.constant 2 : i32
        %add3A_330 = arith.addi %scan3A_157, %add3A_329 : i32
        %lt3A_331 = arith.constant 125 : i32
        %lt3A_332 = arith.cmpi slt, %add3A_330, %lt3A_331 : i32
        %convert_element_type3A_333 = arith.extui %lt3A_332 : i1 to i32
        %cond3A_334 = arith.constant 0 : i32
        %cond3A_335 = arith.cmpi ne, %convert_element_type3A_333, %cond3A_334 : i32
        scf.if %cond3A_335 {
          %add3A_346 = arith.constant 2 : i32
          %add3A_347 = arith.addi %scan3A_157, %add3A_346 : i32
          %mul3A_348 = arith.constant 10000 : i32
          %mul3A_349 = arith.muli %add3A, %mul3A_348 : i32
          %mul3A_350 = arith.constant 80 : i32
          %mul3A_351 = arith.muli %add3A_347, %mul3A_350 : i32
          %add3A_352 = arith.addi %mul3A_349, %mul3A_351 : i32
          %dma_wait3A_353 = arith.constant 0 : i32
          %dma_wait3A_354 = tpu.memref_slice %arg3[%dma_wait3A_353, %add3A_352] : memref<2x320000xi32, #tpu.memory_space<hbm>> -> memref<1x80xi32, #tpu.memory_space<hbm>>
          %dma_wait3A_355 = tpu.memref_squeeze %dma_wait3A_354 : memref<1x80xi32, #tpu.memory_space<hbm>> -> memref<80xi32, #tpu.memory_space<hbm>>
          %dma_wait3A_356 = tpu.memref_slice %arg3[%dma_wait3A_353, %add3A_352] : memref<2x320000xi32, #tpu.memory_space<hbm>> -> memref<1x80xi32, #tpu.memory_space<hbm>>
          %dma_wait3A_357 = tpu.memref_squeeze %dma_wait3A_356 : memref<1x80xi32, #tpu.memory_space<hbm>> -> memref<80xi32, #tpu.memory_space<hbm>>
          tpu.wait_dma2 semaphore(%arg34 : memref<!tpu.dma_semaphore, #tpu.memory_space<semaphore_mem>>) src(%dma_wait3A_357 : memref<80xi32, #tpu.memory_space<hbm>>) dst(%arg10 : memref<80xi32, #tpu.memory_space<vmem>>)
          %dma_wait3A_358 = arith.constant 1 : i32
          %dma_wait3A_359 = tpu.memref_slice %arg3[%dma_wait3A_358, %add3A_352] : memref<2x320000xi32, #tpu.memory_space<hbm>> -> memref<1x80xi32, #tpu.memory_space<hbm>>
          %dma_wait3A_360 = tpu.memref_squeeze %dma_wait3A_359 : memref<1x80xi32, #tpu.memory_space<hbm>> -> memref<80xi32, #tpu.memory_space<hbm>>
          %dma_wait3A_361 = tpu.memref_slice %arg3[%dma_wait3A_358, %add3A_352] : memref<2x320000xi32, #tpu.memory_space<hbm>> -> memref<1x80xi32, #tpu.memory_space<hbm>>
          %dma_wait3A_362 = tpu.memref_squeeze %dma_wait3A_361 : memref<1x80xi32, #tpu.memory_space<hbm>> -> memref<80xi32, #tpu.memory_space<hbm>>
          tpu.wait_dma2 semaphore(%arg34 : memref<!tpu.dma_semaphore, #tpu.memory_space<semaphore_mem>>) src(%dma_wait3A_362 : memref<80xi32, #tpu.memory_space<hbm>>) dst(%arg18 : memref<80xi32, #tpu.memory_space<vmem>>)
          %dma_start3A_363 = arith.constant 0 : i32
          %dma_start3A_364 = arith.constant 0 : i32
          %dma_start3A_365 = tpu.memref_slice %arg2[%dma_start3A_363, %dma_start3A_364] : memref<10000x128xf32, #tpu.memory_space<hbm>> -> memref<10000x128xf32, #tpu.memory_space<hbm>>
          tpu.enqueue_indirect_dma source(%dma_start3A_365 : memref<10000x128xf32, #tpu.memory_space<hbm>>) target(%arg26 : memref<80x128xf32, #tpu.memory_space<vmem>>) offsets(%arg10 : memref<80xi32, #tpu.memory_space<vmem>>) semaphore(%arg30 : memref<!tpu.dma_semaphore, #tpu.memory_space<semaphore_mem>>)
        } else {
        }
        %dma_start3A_336 = arith.constant 0 : i32
        %dma_start3A_337 = arith.constant 0 : i32
        %dma_start3A_338 = tpu.memref_slice %arg6[%dma_start3A_336, %dma_start3A_337] : memref<10000x128xf32, #tpu.memory_space<vmem_shared>> -> memref<10000x128xf32, #tpu.memory_space<vmem_shared>>
        tpu.enqueue_indirect_dma source(%arg24 : memref<80x128xf32, #tpu.memory_space<vmem>>) target(%dma_start3A_338 : memref<10000x128xf32, #tpu.memory_space<vmem_shared>>) offsets(%arg16 : memref<80xi32, #tpu.memory_space<vmem>>) semaphore(%arg40 : memref<!tpu.dma_semaphore, #tpu.memory_space<semaphore_mem>>) {add = true}
        %add3A_339 = arith.constant 6 : i32
        %add3A_340 = arith.addi %scan3A_157, %add3A_339 : i32
        %lt3A_341 = arith.constant 125 : i32
        %lt3A_342 = arith.cmpi slt, %add3A_340, %lt3A_341 : i32
        %convert_element_type3A_343 = arith.extui %lt3A_342 : i1 to i32
        %cond3A_344 = arith.constant 0 : i32
        %cond3A_345 = arith.cmpi ne, %convert_element_type3A_343, %cond3A_344 : i32
        scf.if %cond3A_345 {
          %add3A_346 = arith.constant 6 : i32
          %add3A_347 = arith.addi %scan3A_157, %add3A_346 : i32
          %mul3A_348 = arith.constant 10000 : i32
          %mul3A_349 = arith.muli %add3A, %mul3A_348 : i32
          %mul3A_350 = arith.constant 80 : i32
          %mul3A_351 = arith.muli %add3A_347, %mul3A_350 : i32
          %add3A_352 = arith.addi %mul3A_349, %mul3A_351 : i32
          %dma_start3A_353 = arith.constant 0 : i32
          %dma_start3A_354 = tpu.memref_slice %arg3[%dma_start3A_353, %add3A_352] : memref<2x320000xi32, #tpu.memory_space<hbm>> -> memref<1x80xi32, #tpu.memory_space<hbm>>
          %dma_start3A_355 = tpu.memref_squeeze %dma_start3A_354 : memref<1x80xi32, #tpu.memory_space<hbm>> -> memref<80xi32, #tpu.memory_space<hbm>>
          %dma_start3A_356 = tpu.memref_slice %arg3[%dma_start3A_353, %add3A_352] : memref<2x320000xi32, #tpu.memory_space<hbm>> -> memref<1x80xi32, #tpu.memory_space<hbm>>
          %dma_start3A_357 = tpu.memref_squeeze %dma_start3A_356 : memref<1x80xi32, #tpu.memory_space<hbm>> -> memref<80xi32, #tpu.memory_space<hbm>>
          tpu.enqueue_dma source(%dma_start3A_357 : memref<80xi32, #tpu.memory_space<hbm>>) target(%arg14 : memref<80xi32, #tpu.memory_space<vmem>>) target_semaphore(%arg38 : memref<!tpu.dma_semaphore, #tpu.memory_space<semaphore_mem>>)
          %dma_start3A_358 = arith.constant 1 : i32
          %dma_start3A_359 = tpu.memref_slice %arg3[%dma_start3A_358, %add3A_352] : memref<2x320000xi32, #tpu.memory_space<hbm>> -> memref<1x80xi32, #tpu.memory_space<hbm>>
          %dma_start3A_360 = tpu.memref_squeeze %dma_start3A_359 : memref<1x80xi32, #tpu.memory_space<hbm>> -> memref<80xi32, #tpu.memory_space<hbm>>
          %dma_start3A_361 = tpu.memref_slice %arg3[%dma_start3A_358, %add3A_352] : memref<2x320000xi32, #tpu.memory_space<hbm>> -> memref<1x80xi32, #tpu.memory_space<hbm>>
          %dma_start3A_362 = tpu.memref_squeeze %dma_start3A_361 : memref<1x80xi32, #tpu.memory_space<hbm>> -> memref<80xi32, #tpu.memory_space<hbm>>
          tpu.enqueue_dma source(%dma_start3A_362 : memref<80xi32, #tpu.memory_space<hbm>>) target(%arg22 : memref<80xi32, #tpu.memory_space<vmem>>) target_semaphore(%arg38 : memref<!tpu.dma_semaphore, #tpu.memory_space<semaphore_mem>>)
        } else {
        }
      } else {
      }
      %jit3A_195 = arith.constant 8 : i32
      %eq3A_196 = arith.constant 0 : i32
      %eq3A_197 = arith.cmpi eq, %jit3A_195, %eq3A_196 : i32
      %jit3A_198 = arith.constant 1 : i32
      %select_n3A_199 = arith.select %eq3A_197, %jit3A_198, %jit3A_195 : i32
      %rem3A_200 = arith.remsi %scan3A_157, %select_n3A_199 : i32
      %ne3A_201 = arith.constant 0 : i32
      %ne3A_202 = arith.cmpi ne, %rem3A_200, %ne3A_201 : i32
      %lt3A_203 = arith.constant 0 : i32
      %lt3A_204 = arith.cmpi slt, %rem3A_200, %lt3A_203 : i32
      %lt3A_205 = arith.constant 0 : i32
      %lt3A_206 = arith.cmpi slt, %select_n3A_199, %lt3A_205 : i32
      %ne3A_207 = arith.xori %lt3A_204, %lt3A_206 : i1
      %and3A_208 = arith.andi %ne3A_207, %ne3A_202 : i1
      %add3A_209 = arith.addi %rem3A_200, %select_n3A_199 : i32
      %select_n3A_210 = arith.select %and3A_208, %add3A_209, %rem3A_200 : i32
      %eq3A_211 = arith.constant 2 : i32
      %eq3A_212 = arith.cmpi eq, %select_n3A_210, %eq3A_211 : i32
      %convert_element_type3A_213 = arith.extui %eq3A_212 : i1 to i32
      %cond3A_214 = arith.constant 0 : i32
      %cond3A_215 = arith.cmpi ne, %convert_element_type3A_213, %cond3A_214 : i32
      scf.if %cond3A_215 {
        %dma_wait3A_322 = arith.constant 0 : i32
        %dma_wait3A_323 = arith.constant 0 : i32
        %dma_wait3A_324 = tpu.memref_slice %arg2[%dma_wait3A_322, %dma_wait3A_323] : memref<10000x128xf32, #tpu.memory_space<hbm>> -> memref<10000x128xf32, #tpu.memory_space<hbm>>
        tpu.wait_indirect_dma semaphore(%arg29 : memref<!tpu.dma_semaphore, #tpu.memory_space<semaphore_mem>>) src(%dma_wait3A_324 : memref<10000x128xf32, #tpu.memory_space<hbm>>) dst(%arg25 : memref<80x128xf32, #tpu.memory_space<vmem>>)
        %ge3A = arith.constant 2 : i32
        %ge3A_325 = arith.cmpi sge, %scan3A_157, %ge3A : i32
        %convert_element_type3A_326 = arith.extui %ge3A_325 : i1 to i32
        %cond3A_327 = arith.constant 0 : i32
        %cond3A_328 = arith.cmpi ne, %convert_element_type3A_326, %cond3A_327 : i32
        scf.if %cond3A_328 {
          %dma_wait3A_346 = arith.constant 0 : i32
          %dma_wait3A_347 = arith.constant 0 : i32
          %dma_wait3A_348 = tpu.memref_slice %arg6[%dma_wait3A_346, %dma_wait3A_347] : memref<10000x128xf32, #tpu.memory_space<vmem_shared>> -> memref<10000x128xf32, #tpu.memory_space<vmem_shared>>
          tpu.wait_indirect_dma semaphore(%arg39 : memref<!tpu.dma_semaphore, #tpu.memory_space<semaphore_mem>>) src(%arg23 : memref<80x128xf32, #tpu.memory_space<vmem>>) dst(%dma_wait3A_348 : memref<10000x128xf32, #tpu.memory_space<vmem_shared>>)
        } else {
        }
        %add3A_329 = arith.constant 2 : i32
        %add3A_330 = arith.addi %scan3A_157, %add3A_329 : i32
        %lt3A_331 = arith.constant 125 : i32
        %lt3A_332 = arith.cmpi slt, %add3A_330, %lt3A_331 : i32
        %convert_element_type3A_333 = arith.extui %lt3A_332 : i1 to i32
        %cond3A_334 = arith.constant 0 : i32
        %cond3A_335 = arith.cmpi ne, %convert_element_type3A_333, %cond3A_334 : i32
        scf.if %cond3A_335 {
          %add3A_346 = arith.constant 2 : i32
          %add3A_347 = arith.addi %scan3A_157, %add3A_346 : i32
          %mul3A_348 = arith.constant 10000 : i32
          %mul3A_349 = arith.muli %add3A, %mul3A_348 : i32
          %mul3A_350 = arith.constant 80 : i32
          %mul3A_351 = arith.muli %add3A_347, %mul3A_350 : i32
          %add3A_352 = arith.addi %mul3A_349, %mul3A_351 : i32
          %dma_wait3A_353 = arith.constant 0 : i32
          %dma_wait3A_354 = tpu.memref_slice %arg3[%dma_wait3A_353, %add3A_352] : memref<2x320000xi32, #tpu.memory_space<hbm>> -> memref<1x80xi32, #tpu.memory_space<hbm>>
          %dma_wait3A_355 = tpu.memref_squeeze %dma_wait3A_354 : memref<1x80xi32, #tpu.memory_space<hbm>> -> memref<80xi32, #tpu.memory_space<hbm>>
          %dma_wait3A_356 = tpu.memref_slice %arg3[%dma_wait3A_353, %add3A_352] : memref<2x320000xi32, #tpu.memory_space<hbm>> -> memref<1x80xi32, #tpu.memory_space<hbm>>
          %dma_wait3A_357 = tpu.memref_squeeze %dma_wait3A_356 : memref<1x80xi32, #tpu.memory_space<hbm>> -> memref<80xi32, #tpu.memory_space<hbm>>
          tpu.wait_dma2 semaphore(%arg35 : memref<!tpu.dma_semaphore, #tpu.memory_space<semaphore_mem>>) src(%dma_wait3A_357 : memref<80xi32, #tpu.memory_space<hbm>>) dst(%arg11 : memref<80xi32, #tpu.memory_space<vmem>>)
          %dma_wait3A_358 = arith.constant 1 : i32
          %dma_wait3A_359 = tpu.memref_slice %arg3[%dma_wait3A_358, %add3A_352] : memref<2x320000xi32, #tpu.memory_space<hbm>> -> memref<1x80xi32, #tpu.memory_space<hbm>>
          %dma_wait3A_360 = tpu.memref_squeeze %dma_wait3A_359 : memref<1x80xi32, #tpu.memory_space<hbm>> -> memref<80xi32, #tpu.memory_space<hbm>>
          %dma_wait3A_361 = tpu.memref_slice %arg3[%dma_wait3A_358, %add3A_352] : memref<2x320000xi32, #tpu.memory_space<hbm>> -> memref<1x80xi32, #tpu.memory_space<hbm>>
          %dma_wait3A_362 = tpu.memref_squeeze %dma_wait3A_361 : memref<1x80xi32, #tpu.memory_space<hbm>> -> memref<80xi32, #tpu.memory_space<hbm>>
          tpu.wait_dma2 semaphore(%arg35 : memref<!tpu.dma_semaphore, #tpu.memory_space<semaphore_mem>>) src(%dma_wait3A_362 : memref<80xi32, #tpu.memory_space<hbm>>) dst(%arg19 : memref<80xi32, #tpu.memory_space<vmem>>)
          %dma_start3A_363 = arith.constant 0 : i32
          %dma_start3A_364 = arith.constant 0 : i32
          %dma_start3A_365 = tpu.memref_slice %arg2[%dma_start3A_363, %dma_start3A_364] : memref<10000x128xf32, #tpu.memory_space<hbm>> -> memref<10000x128xf32, #tpu.memory_space<hbm>>
          tpu.enqueue_indirect_dma source(%dma_start3A_365 : memref<10000x128xf32, #tpu.memory_space<hbm>>) target(%arg23 : memref<80x128xf32, #tpu.memory_space<vmem>>) offsets(%arg11 : memref<80xi32, #tpu.memory_space<vmem>>) semaphore(%arg27 : memref<!tpu.dma_semaphore, #tpu.memory_space<semaphore_mem>>)
        } else {
        }
        %dma_start3A_336 = arith.constant 0 : i32
        %dma_start3A_337 = arith.constant 0 : i32
        %dma_start3A_338 = tpu.memref_slice %arg6[%dma_start3A_336, %dma_start3A_337] : memref<10000x128xf32, #tpu.memory_space<vmem_shared>> -> memref<10000x128xf32, #tpu.memory_space<vmem_shared>>
        tpu.enqueue_indirect_dma source(%arg25 : memref<80x128xf32, #tpu.memory_space<vmem>>) target(%dma_start3A_338 : memref<10000x128xf32, #tpu.memory_space<vmem_shared>>) offsets(%arg17 : memref<80xi32, #tpu.memory_space<vmem>>) semaphore(%arg41 : memref<!tpu.dma_semaphore, #tpu.memory_space<semaphore_mem>>) {add = true}
        %add3A_339 = arith.constant 6 : i32
        %add3A_340 = arith.addi %scan3A_157, %add3A_339 : i32
        %lt3A_341 = arith.constant 125 : i32
        %lt3A_342 = arith.cmpi slt, %add3A_340, %lt3A_341 : i32
        %convert_element_type3A_343 = arith.extui %lt3A_342 : i1 to i32
        %cond3A_344 = arith.constant 0 : i32
        %cond3A_345 = arith.cmpi ne, %convert_element_type3A_343, %cond3A_344 : i32
        scf.if %cond3A_345 {
          %add3A_346 = arith.constant 6 : i32
          %add3A_347 = arith.addi %scan3A_157, %add3A_346 : i32
          %mul3A_348 = arith.constant 10000 : i32
          %mul3A_349 = arith.muli %add3A, %mul3A_348 : i32
          %mul3A_350 = arith.constant 80 : i32
          %mul3A_351 = arith.muli %add3A_347, %mul3A_350 : i32
          %add3A_352 = arith.addi %mul3A_349, %mul3A_351 : i32
          %dma_start3A_353 = arith.constant 0 : i32
          %dma_start3A_354 = tpu.memref_slice %arg3[%dma_start3A_353, %add3A_352] : memref<2x320000xi32, #tpu.memory_space<hbm>> -> memref<1x80xi32, #tpu.memory_space<hbm>>
          %dma_start3A_355 = tpu.memref_squeeze %dma_start3A_354 : memref<1x80xi32, #tpu.memory_space<hbm>> -> memref<80xi32, #tpu.memory_space<hbm>>
          %dma_start3A_356 = tpu.memref_slice %arg3[%dma_start3A_353, %add3A_352] : memref<2x320000xi32, #tpu.memory_space<hbm>> -> memref<1x80xi32, #tpu.memory_space<hbm>>
          %dma_start3A_357 = tpu.memref_squeeze %dma_start3A_356 : memref<1x80xi32, #tpu.memory_space<hbm>> -> memref<80xi32, #tpu.memory_space<hbm>>
          tpu.enqueue_dma source(%dma_start3A_357 : memref<80xi32, #tpu.memory_space<hbm>>) target(%arg7 : memref<80xi32, #tpu.memory_space<vmem>>) target_semaphore(%arg31 : memref<!tpu.dma_semaphore, #tpu.memory_space<semaphore_mem>>)
          %dma_start3A_358 = arith.constant 1 : i32
          %dma_start3A_359 = tpu.memref_slice %arg3[%dma_start3A_358, %add3A_352] : memref<2x320000xi32, #tpu.memory_space<hbm>> -> memref<1x80xi32, #tpu.memory_space<hbm>>
          %dma_start3A_360 = tpu.memref_squeeze %dma_start3A_359 : memref<1x80xi32, #tpu.memory_space<hbm>> -> memref<80xi32, #tpu.memory_space<hbm>>
          %dma_start3A_361 = tpu.memref_slice %arg3[%dma_start3A_358, %add3A_352] : memref<2x320000xi32, #tpu.memory_space<hbm>> -> memref<1x80xi32, #tpu.memory_space<hbm>>
          %dma_start3A_362 = tpu.memref_squeeze %dma_start3A_361 : memref<1x80xi32, #tpu.memory_space<hbm>> -> memref<80xi32, #tpu.memory_space<hbm>>
          tpu.enqueue_dma source(%dma_start3A_362 : memref<80xi32, #tpu.memory_space<hbm>>) target(%arg15 : memref<80xi32, #tpu.memory_space<vmem>>) target_semaphore(%arg31 : memref<!tpu.dma_semaphore, #tpu.memory_space<semaphore_mem>>)
        } else {
        }
      } else {
      }
      %jit3A_216 = arith.constant 8 : i32
      %eq3A_217 = arith.constant 0 : i32
      %eq3A_218 = arith.cmpi eq, %jit3A_216, %eq3A_217 : i32
      %jit3A_219 = arith.constant 1 : i32
      %select_n3A_220 = arith.select %eq3A_218, %jit3A_219, %jit3A_216 : i32
      %rem3A_221 = arith.remsi %scan3A_157, %select_n3A_220 : i32
      %ne3A_222 = arith.constant 0 : i32
      %ne3A_223 = arith.cmpi ne, %rem3A_221, %ne3A_222 : i32
      %lt3A_224 = arith.constant 0 : i32
      %lt3A_225 = arith.cmpi slt, %rem3A_221, %lt3A_224 : i32
      %lt3A_226 = arith.constant 0 : i32
      %lt3A_227 = arith.cmpi slt, %select_n3A_220, %lt3A_226 : i32
      %ne3A_228 = arith.xori %lt3A_225, %lt3A_227 : i1
      %and3A_229 = arith.andi %ne3A_228, %ne3A_223 : i1
      %add3A_230 = arith.addi %rem3A_221, %select_n3A_220 : i32
      %select_n3A_231 = arith.select %and3A_229, %add3A_230, %rem3A_221 : i32
      %eq3A_232 = arith.constant 3 : i32
      %eq3A_233 = arith.cmpi eq, %select_n3A_231, %eq3A_232 : i32
      %convert_element_type3A_234 = arith.extui %eq3A_233 : i1 to i32
      %cond3A_235 = arith.constant 0 : i32
      %cond3A_236 = arith.cmpi ne, %convert_element_type3A_234, %cond3A_235 : i32
      scf.if %cond3A_236 {
        %dma_wait3A_322 = arith.constant 0 : i32
        %dma_wait3A_323 = arith.constant 0 : i32
        %dma_wait3A_324 = tpu.memref_slice %arg2[%dma_wait3A_322, %dma_wait3A_323] : memref<10000x128xf32, #tpu.memory_space<hbm>> -> memref<10000x128xf32, #tpu.memory_space<hbm>>
        tpu.wait_indirect_dma semaphore(%arg30 : memref<!tpu.dma_semaphore, #tpu.memory_space<semaphore_mem>>) src(%dma_wait3A_324 : memref<10000x128xf32, #tpu.memory_space<hbm>>) dst(%arg26 : memref<80x128xf32, #tpu.memory_space<vmem>>)
        %ge3A = arith.constant 2 : i32
        %ge3A_325 = arith.cmpi sge, %scan3A_157, %ge3A : i32
        %convert_element_type3A_326 = arith.extui %ge3A_325 : i1 to i32
        %cond3A_327 = arith.constant 0 : i32
        %cond3A_328 = arith.cmpi ne, %convert_element_type3A_326, %cond3A_327 : i32
        scf.if %cond3A_328 {
          %dma_wait3A_346 = arith.constant 0 : i32
          %dma_wait3A_347 = arith.constant 0 : i32
          %dma_wait3A_348 = tpu.memref_slice %arg6[%dma_wait3A_346, %dma_wait3A_347] : memref<10000x128xf32, #tpu.memory_space<vmem_shared>> -> memref<10000x128xf32, #tpu.memory_space<vmem_shared>>
          tpu.wait_indirect_dma semaphore(%arg40 : memref<!tpu.dma_semaphore, #tpu.memory_space<semaphore_mem>>) src(%arg24 : memref<80x128xf32, #tpu.memory_space<vmem>>) dst(%dma_wait3A_348 : memref<10000x128xf32, #tpu.memory_space<vmem_shared>>)
        } else {
        }
        %add3A_329 = arith.constant 2 : i32
        %add3A_330 = arith.addi %scan3A_157, %add3A_329 : i32
        %lt3A_331 = arith.constant 125 : i32
        %lt3A_332 = arith.cmpi slt, %add3A_330, %lt3A_331 : i32
        %convert_element_type3A_333 = arith.extui %lt3A_332 : i1 to i32
        %cond3A_334 = arith.constant 0 : i32
        %cond3A_335 = arith.cmpi ne, %convert_element_type3A_333, %cond3A_334 : i32
        scf.if %cond3A_335 {
          %add3A_346 = arith.constant 2 : i32
          %add3A_347 = arith.addi %scan3A_157, %add3A_346 : i32
          %mul3A_348 = arith.constant 10000 : i32
          %mul3A_349 = arith.muli %add3A, %mul3A_348 : i32
          %mul3A_350 = arith.constant 80 : i32
          %mul3A_351 = arith.muli %add3A_347, %mul3A_350 : i32
          %add3A_352 = arith.addi %mul3A_349, %mul3A_351 : i32
          %dma_wait3A_353 = arith.constant 0 : i32
          %dma_wait3A_354 = tpu.memref_slice %arg3[%dma_wait3A_353, %add3A_352] : memref<2x320000xi32, #tpu.memory_space<hbm>> -> memref<1x80xi32, #tpu.memory_space<hbm>>
          %dma_wait3A_355 = tpu.memref_squeeze %dma_wait3A_354 : memref<1x80xi32, #tpu.memory_space<hbm>> -> memref<80xi32, #tpu.memory_space<hbm>>
          %dma_wait3A_356 = tpu.memref_slice %arg3[%dma_wait3A_353, %add3A_352] : memref<2x320000xi32, #tpu.memory_space<hbm>> -> memref<1x80xi32, #tpu.memory_space<hbm>>
          %dma_wait3A_357 = tpu.memref_squeeze %dma_wait3A_356 : memref<1x80xi32, #tpu.memory_space<hbm>> -> memref<80xi32, #tpu.memory_space<hbm>>
          tpu.wait_dma2 semaphore(%arg36 : memref<!tpu.dma_semaphore, #tpu.memory_space<semaphore_mem>>) src(%dma_wait3A_357 : memref<80xi32, #tpu.memory_space<hbm>>) dst(%arg12 : memref<80xi32, #tpu.memory_space<vmem>>)
          %dma_wait3A_358 = arith.constant 1 : i32
          %dma_wait3A_359 = tpu.memref_slice %arg3[%dma_wait3A_358, %add3A_352] : memref<2x320000xi32, #tpu.memory_space<hbm>> -> memref<1x80xi32, #tpu.memory_space<hbm>>
          %dma_wait3A_360 = tpu.memref_squeeze %dma_wait3A_359 : memref<1x80xi32, #tpu.memory_space<hbm>> -> memref<80xi32, #tpu.memory_space<hbm>>
          %dma_wait3A_361 = tpu.memref_slice %arg3[%dma_wait3A_358, %add3A_352] : memref<2x320000xi32, #tpu.memory_space<hbm>> -> memref<1x80xi32, #tpu.memory_space<hbm>>
          %dma_wait3A_362 = tpu.memref_squeeze %dma_wait3A_361 : memref<1x80xi32, #tpu.memory_space<hbm>> -> memref<80xi32, #tpu.memory_space<hbm>>
          tpu.wait_dma2 semaphore(%arg36 : memref<!tpu.dma_semaphore, #tpu.memory_space<semaphore_mem>>) src(%dma_wait3A_362 : memref<80xi32, #tpu.memory_space<hbm>>) dst(%arg20 : memref<80xi32, #tpu.memory_space<vmem>>)
          %dma_start3A_363 = arith.constant 0 : i32
          %dma_start3A_364 = arith.constant 0 : i32
          %dma_start3A_365 = tpu.memref_slice %arg2[%dma_start3A_363, %dma_start3A_364] : memref<10000x128xf32, #tpu.memory_space<hbm>> -> memref<10000x128xf32, #tpu.memory_space<hbm>>
          tpu.enqueue_indirect_dma source(%dma_start3A_365 : memref<10000x128xf32, #tpu.memory_space<hbm>>) target(%arg24 : memref<80x128xf32, #tpu.memory_space<vmem>>) offsets(%arg12 : memref<80xi32, #tpu.memory_space<vmem>>) semaphore(%arg28 : memref<!tpu.dma_semaphore, #tpu.memory_space<semaphore_mem>>)
        } else {
        }
        %dma_start3A_336 = arith.constant 0 : i32
        %dma_start3A_337 = arith.constant 0 : i32
        %dma_start3A_338 = tpu.memref_slice %arg6[%dma_start3A_336, %dma_start3A_337] : memref<10000x128xf32, #tpu.memory_space<vmem_shared>> -> memref<10000x128xf32, #tpu.memory_space<vmem_shared>>
        tpu.enqueue_indirect_dma source(%arg26 : memref<80x128xf32, #tpu.memory_space<vmem>>) target(%dma_start3A_338 : memref<10000x128xf32, #tpu.memory_space<vmem_shared>>) offsets(%arg18 : memref<80xi32, #tpu.memory_space<vmem>>) semaphore(%arg42 : memref<!tpu.dma_semaphore, #tpu.memory_space<semaphore_mem>>) {add = true}
        %add3A_339 = arith.constant 6 : i32
        %add3A_340 = arith.addi %scan3A_157, %add3A_339 : i32
        %lt3A_341 = arith.constant 125 : i32
        %lt3A_342 = arith.cmpi slt, %add3A_340, %lt3A_341 : i32
        %convert_element_type3A_343 = arith.extui %lt3A_342 : i1 to i32
        %cond3A_344 = arith.constant 0 : i32
        %cond3A_345 = arith.cmpi ne, %convert_element_type3A_343, %cond3A_344 : i32
        scf.if %cond3A_345 {
          %add3A_346 = arith.constant 6 : i32
          %add3A_347 = arith.addi %scan3A_157, %add3A_346 : i32
          %mul3A_348 = arith.constant 10000 : i32
          %mul3A_349 = arith.muli %add3A, %mul3A_348 : i32
          %mul3A_350 = arith.constant 80 : i32
          %mul3A_351 = arith.muli %add3A_347, %mul3A_350 : i32
          %add3A_352 = arith.addi %mul3A_349, %mul3A_351 : i32
          %dma_start3A_353 = arith.constant 0 : i32
          %dma_start3A_354 = tpu.memref_slice %arg3[%dma_start3A_353, %add3A_352] : memref<2x320000xi32, #tpu.memory_space<hbm>> -> memref<1x80xi32, #tpu.memory_space<hbm>>
          %dma_start3A_355 = tpu.memref_squeeze %dma_start3A_354 : memref<1x80xi32, #tpu.memory_space<hbm>> -> memref<80xi32, #tpu.memory_space<hbm>>
          %dma_start3A_356 = tpu.memref_slice %arg3[%dma_start3A_353, %add3A_352] : memref<2x320000xi32, #tpu.memory_space<hbm>> -> memref<1x80xi32, #tpu.memory_space<hbm>>
          %dma_start3A_357 = tpu.memref_squeeze %dma_start3A_356 : memref<1x80xi32, #tpu.memory_space<hbm>> -> memref<80xi32, #tpu.memory_space<hbm>>
          tpu.enqueue_dma source(%dma_start3A_357 : memref<80xi32, #tpu.memory_space<hbm>>) target(%arg8 : memref<80xi32, #tpu.memory_space<vmem>>) target_semaphore(%arg32 : memref<!tpu.dma_semaphore, #tpu.memory_space<semaphore_mem>>)
          %dma_start3A_358 = arith.constant 1 : i32
          %dma_start3A_359 = tpu.memref_slice %arg3[%dma_start3A_358, %add3A_352] : memref<2x320000xi32, #tpu.memory_space<hbm>> -> memref<1x80xi32, #tpu.memory_space<hbm>>
          %dma_start3A_360 = tpu.memref_squeeze %dma_start3A_359 : memref<1x80xi32, #tpu.memory_space<hbm>> -> memref<80xi32, #tpu.memory_space<hbm>>
          %dma_start3A_361 = tpu.memref_slice %arg3[%dma_start3A_358, %add3A_352] : memref<2x320000xi32, #tpu.memory_space<hbm>> -> memref<1x80xi32, #tpu.memory_space<hbm>>
          %dma_start3A_362 = tpu.memref_squeeze %dma_start3A_361 : memref<1x80xi32, #tpu.memory_space<hbm>> -> memref<80xi32, #tpu.memory_space<hbm>>
          tpu.enqueue_dma source(%dma_start3A_362 : memref<80xi32, #tpu.memory_space<hbm>>) target(%arg16 : memref<80xi32, #tpu.memory_space<vmem>>) target_semaphore(%arg32 : memref<!tpu.dma_semaphore, #tpu.memory_space<semaphore_mem>>)
        } else {
        }
      } else {
      }
      %jit3A_237 = arith.constant 8 : i32
      %eq3A_238 = arith.constant 0 : i32
      %eq3A_239 = arith.cmpi eq, %jit3A_237, %eq3A_238 : i32
      %jit3A_240 = arith.constant 1 : i32
      %select_n3A_241 = arith.select %eq3A_239, %jit3A_240, %jit3A_237 : i32
      %rem3A_242 = arith.remsi %scan3A_157, %select_n3A_241 : i32
      %ne3A_243 = arith.constant 0 : i32
      %ne3A_244 = arith.cmpi ne, %rem3A_242, %ne3A_243 : i32
      %lt3A_245 = arith.constant 0 : i32
      %lt3A_246 = arith.cmpi slt, %rem3A_242, %lt3A_245 : i32
      %lt3A_247 = arith.constant 0 : i32
      %lt3A_248 = arith.cmpi slt, %select_n3A_241, %lt3A_247 : i32
      %ne3A_249 = arith.xori %lt3A_246, %lt3A_248 : i1
      %and3A_250 = arith.andi %ne3A_249, %ne3A_244 : i1
      %add3A_251 = arith.addi %rem3A_242, %select_n3A_241 : i32
      %select_n3A_252 = arith.select %and3A_250, %add3A_251, %rem3A_242 : i32
      %eq3A_253 = arith.constant 4 : i32
      %eq3A_254 = arith.cmpi eq, %select_n3A_252, %eq3A_253 : i32
      %convert_element_type3A_255 = arith.extui %eq3A_254 : i1 to i32
      %cond3A_256 = arith.constant 0 : i32
      %cond3A_257 = arith.cmpi ne, %convert_element_type3A_255, %cond3A_256 : i32
      scf.if %cond3A_257 {
        %dma_wait3A_322 = arith.constant 0 : i32
        %dma_wait3A_323 = arith.constant 0 : i32
        %dma_wait3A_324 = tpu.memref_slice %arg2[%dma_wait3A_322, %dma_wait3A_323] : memref<10000x128xf32, #tpu.memory_space<hbm>> -> memref<10000x128xf32, #tpu.memory_space<hbm>>
        tpu.wait_indirect_dma semaphore(%arg27 : memref<!tpu.dma_semaphore, #tpu.memory_space<semaphore_mem>>) src(%dma_wait3A_324 : memref<10000x128xf32, #tpu.memory_space<hbm>>) dst(%arg23 : memref<80x128xf32, #tpu.memory_space<vmem>>)
        %ge3A = arith.constant 2 : i32
        %ge3A_325 = arith.cmpi sge, %scan3A_157, %ge3A : i32
        %convert_element_type3A_326 = arith.extui %ge3A_325 : i1 to i32
        %cond3A_327 = arith.constant 0 : i32
        %cond3A_328 = arith.cmpi ne, %convert_element_type3A_326, %cond3A_327 : i32
        scf.if %cond3A_328 {
          %dma_wait3A_346 = arith.constant 0 : i32
          %dma_wait3A_347 = arith.constant 0 : i32
          %dma_wait3A_348 = tpu.memref_slice %arg6[%dma_wait3A_346, %dma_wait3A_347] : memref<10000x128xf32, #tpu.memory_space<vmem_shared>> -> memref<10000x128xf32, #tpu.memory_space<vmem_shared>>
          tpu.wait_indirect_dma semaphore(%arg41 : memref<!tpu.dma_semaphore, #tpu.memory_space<semaphore_mem>>) src(%arg25 : memref<80x128xf32, #tpu.memory_space<vmem>>) dst(%dma_wait3A_348 : memref<10000x128xf32, #tpu.memory_space<vmem_shared>>)
        } else {
        }
        %add3A_329 = arith.constant 2 : i32
        %add3A_330 = arith.addi %scan3A_157, %add3A_329 : i32
        %lt3A_331 = arith.constant 125 : i32
        %lt3A_332 = arith.cmpi slt, %add3A_330, %lt3A_331 : i32
        %convert_element_type3A_333 = arith.extui %lt3A_332 : i1 to i32
        %cond3A_334 = arith.constant 0 : i32
        %cond3A_335 = arith.cmpi ne, %convert_element_type3A_333, %cond3A_334 : i32
        scf.if %cond3A_335 {
          %add3A_346 = arith.constant 2 : i32
          %add3A_347 = arith.addi %scan3A_157, %add3A_346 : i32
          %mul3A_348 = arith.constant 10000 : i32
          %mul3A_349 = arith.muli %add3A, %mul3A_348 : i32
          %mul3A_350 = arith.constant 80 : i32
          %mul3A_351 = arith.muli %add3A_347, %mul3A_350 : i32
          %add3A_352 = arith.addi %mul3A_349, %mul3A_351 : i32
          %dma_wait3A_353 = arith.constant 0 : i32
          %dma_wait3A_354 = tpu.memref_slice %arg3[%dma_wait3A_353, %add3A_352] : memref<2x320000xi32, #tpu.memory_space<hbm>> -> memref<1x80xi32, #tpu.memory_space<hbm>>
          %dma_wait3A_355 = tpu.memref_squeeze %dma_wait3A_354 : memref<1x80xi32, #tpu.memory_space<hbm>> -> memref<80xi32, #tpu.memory_space<hbm>>
          %dma_wait3A_356 = tpu.memref_slice %arg3[%dma_wait3A_353, %add3A_352] : memref<2x320000xi32, #tpu.memory_space<hbm>> -> memref<1x80xi32, #tpu.memory_space<hbm>>
          %dma_wait3A_357 = tpu.memref_squeeze %dma_wait3A_356 : memref<1x80xi32, #tpu.memory_space<hbm>> -> memref<80xi32, #tpu.memory_space<hbm>>
          tpu.wait_dma2 semaphore(%arg37 : memref<!tpu.dma_semaphore, #tpu.memory_space<semaphore_mem>>) src(%dma_wait3A_357 : memref<80xi32, #tpu.memory_space<hbm>>) dst(%arg13 : memref<80xi32, #tpu.memory_space<vmem>>)
          %dma_wait3A_358 = arith.constant 1 : i32
          %dma_wait3A_359 = tpu.memref_slice %arg3[%dma_wait3A_358, %add3A_352] : memref<2x320000xi32, #tpu.memory_space<hbm>> -> memref<1x80xi32, #tpu.memory_space<hbm>>
          %dma_wait3A_360 = tpu.memref_squeeze %dma_wait3A_359 : memref<1x80xi32, #tpu.memory_space<hbm>> -> memref<80xi32, #tpu.memory_space<hbm>>
          %dma_wait3A_361 = tpu.memref_slice %arg3[%dma_wait3A_358, %add3A_352] : memref<2x320000xi32, #tpu.memory_space<hbm>> -> memref<1x80xi32, #tpu.memory_space<hbm>>
          %dma_wait3A_362 = tpu.memref_squeeze %dma_wait3A_361 : memref<1x80xi32, #tpu.memory_space<hbm>> -> memref<80xi32, #tpu.memory_space<hbm>>
          tpu.wait_dma2 semaphore(%arg37 : memref<!tpu.dma_semaphore, #tpu.memory_space<semaphore_mem>>) src(%dma_wait3A_362 : memref<80xi32, #tpu.memory_space<hbm>>) dst(%arg21 : memref<80xi32, #tpu.memory_space<vmem>>)
          %dma_start3A_363 = arith.constant 0 : i32
          %dma_start3A_364 = arith.constant 0 : i32
          %dma_start3A_365 = tpu.memref_slice %arg2[%dma_start3A_363, %dma_start3A_364] : memref<10000x128xf32, #tpu.memory_space<hbm>> -> memref<10000x128xf32, #tpu.memory_space<hbm>>
          tpu.enqueue_indirect_dma source(%dma_start3A_365 : memref<10000x128xf32, #tpu.memory_space<hbm>>) target(%arg25 : memref<80x128xf32, #tpu.memory_space<vmem>>) offsets(%arg13 : memref<80xi32, #tpu.memory_space<vmem>>) semaphore(%arg29 : memref<!tpu.dma_semaphore, #tpu.memory_space<semaphore_mem>>)
        } else {
        }
        %dma_start3A_336 = arith.constant 0 : i32
        %dma_start3A_337 = arith.constant 0 : i32
        %dma_start3A_338 = tpu.memref_slice %arg6[%dma_start3A_336, %dma_start3A_337] : memref<10000x128xf32, #tpu.memory_space<vmem_shared>> -> memref<10000x128xf32, #tpu.memory_space<vmem_shared>>
        tpu.enqueue_indirect_dma source(%arg23 : memref<80x128xf32, #tpu.memory_space<vmem>>) target(%dma_start3A_338 : memref<10000x128xf32, #tpu.memory_space<vmem_shared>>) offsets(%arg19 : memref<80xi32, #tpu.memory_space<vmem>>) semaphore(%arg39 : memref<!tpu.dma_semaphore, #tpu.memory_space<semaphore_mem>>) {add = true}
        %add3A_339 = arith.constant 6 : i32
        %add3A_340 = arith.addi %scan3A_157, %add3A_339 : i32
        %lt3A_341 = arith.constant 125 : i32
        %lt3A_342 = arith.cmpi slt, %add3A_340, %lt3A_341 : i32
        %convert_element_type3A_343 = arith.extui %lt3A_342 : i1 to i32
        %cond3A_344 = arith.constant 0 : i32
        %cond3A_345 = arith.cmpi ne, %convert_element_type3A_343, %cond3A_344 : i32
        scf.if %cond3A_345 {
          %add3A_346 = arith.constant 6 : i32
          %add3A_347 = arith.addi %scan3A_157, %add3A_346 : i32
          %mul3A_348 = arith.constant 10000 : i32
          %mul3A_349 = arith.muli %add3A, %mul3A_348 : i32
          %mul3A_350 = arith.constant 80 : i32
          %mul3A_351 = arith.muli %add3A_347, %mul3A_350 : i32
          %add3A_352 = arith.addi %mul3A_349, %mul3A_351 : i32
          %dma_start3A_353 = arith.constant 0 : i32
          %dma_start3A_354 = tpu.memref_slice %arg3[%dma_start3A_353, %add3A_352] : memref<2x320000xi32, #tpu.memory_space<hbm>> -> memref<1x80xi32, #tpu.memory_space<hbm>>
          %dma_start3A_355 = tpu.memref_squeeze %dma_start3A_354 : memref<1x80xi32, #tpu.memory_space<hbm>> -> memref<80xi32, #tpu.memory_space<hbm>>
          %dma_start3A_356 = tpu.memref_slice %arg3[%dma_start3A_353, %add3A_352] : memref<2x320000xi32, #tpu.memory_space<hbm>> -> memref<1x80xi32, #tpu.memory_space<hbm>>
          %dma_start3A_357 = tpu.memref_squeeze %dma_start3A_356 : memref<1x80xi32, #tpu.memory_space<hbm>> -> memref<80xi32, #tpu.memory_space<hbm>>
          tpu.enqueue_dma source(%dma_start3A_357 : memref<80xi32, #tpu.memory_space<hbm>>) target(%arg9 : memref<80xi32, #tpu.memory_space<vmem>>) target_semaphore(%arg33 : memref<!tpu.dma_semaphore, #tpu.memory_space<semaphore_mem>>)
          %dma_start3A_358 = arith.constant 1 : i32
          %dma_start3A_359 = tpu.memref_slice %arg3[%dma_start3A_358, %add3A_352] : memref<2x320000xi32, #tpu.memory_space<hbm>> -> memref<1x80xi32, #tpu.memory_space<hbm>>
          %dma_start3A_360 = tpu.memref_squeeze %dma_start3A_359 : memref<1x80xi32, #tpu.memory_space<hbm>> -> memref<80xi32, #tpu.memory_space<hbm>>
          %dma_start3A_361 = tpu.memref_slice %arg3[%dma_start3A_358, %add3A_352] : memref<2x320000xi32, #tpu.memory_space<hbm>> -> memref<1x80xi32, #tpu.memory_space<hbm>>
          %dma_start3A_362 = tpu.memref_squeeze %dma_start3A_361 : memref<1x80xi32, #tpu.memory_space<hbm>> -> memref<80xi32, #tpu.memory_space<hbm>>
          tpu.enqueue_dma source(%dma_start3A_362 : memref<80xi32, #tpu.memory_space<hbm>>) target(%arg17 : memref<80xi32, #tpu.memory_space<vmem>>) target_semaphore(%arg33 : memref<!tpu.dma_semaphore, #tpu.memory_space<semaphore_mem>>)
        } else {
        }
      } else {
      }
      %jit3A_258 = arith.constant 8 : i32
      %eq3A_259 = arith.constant 0 : i32
      %eq3A_260 = arith.cmpi eq, %jit3A_258, %eq3A_259 : i32
      %jit3A_261 = arith.constant 1 : i32
      %select_n3A_262 = arith.select %eq3A_260, %jit3A_261, %jit3A_258 : i32
      %rem3A_263 = arith.remsi %scan3A_157, %select_n3A_262 : i32
      %ne3A_264 = arith.constant 0 : i32
      %ne3A_265 = arith.cmpi ne, %rem3A_263, %ne3A_264 : i32
      %lt3A_266 = arith.constant 0 : i32
      %lt3A_267 = arith.cmpi slt, %rem3A_263, %lt3A_266 : i32
      %lt3A_268 = arith.constant 0 : i32
      %lt3A_269 = arith.cmpi slt, %select_n3A_262, %lt3A_268 : i32
      %ne3A_270 = arith.xori %lt3A_267, %lt3A_269 : i1
      %and3A_271 = arith.andi %ne3A_270, %ne3A_265 : i1
      %add3A_272 = arith.addi %rem3A_263, %select_n3A_262 : i32
      %select_n3A_273 = arith.select %and3A_271, %add3A_272, %rem3A_263 : i32
      %eq3A_274 = arith.constant 5 : i32
      %eq3A_275 = arith.cmpi eq, %select_n3A_273, %eq3A_274 : i32
      %convert_element_type3A_276 = arith.extui %eq3A_275 : i1 to i32
      %cond3A_277 = arith.constant 0 : i32
      %cond3A_278 = arith.cmpi ne, %convert_element_type3A_276, %cond3A_277 : i32
      scf.if %cond3A_278 {
        %dma_wait3A_322 = arith.constant 0 : i32
        %dma_wait3A_323 = arith.constant 0 : i32
        %dma_wait3A_324 = tpu.memref_slice %arg2[%dma_wait3A_322, %dma_wait3A_323] : memref<10000x128xf32, #tpu.memory_space<hbm>> -> memref<10000x128xf32, #tpu.memory_space<hbm>>
        tpu.wait_indirect_dma semaphore(%arg28 : memref<!tpu.dma_semaphore, #tpu.memory_space<semaphore_mem>>) src(%dma_wait3A_324 : memref<10000x128xf32, #tpu.memory_space<hbm>>) dst(%arg24 : memref<80x128xf32, #tpu.memory_space<vmem>>)
        %ge3A = arith.constant 2 : i32
        %ge3A_325 = arith.cmpi sge, %scan3A_157, %ge3A : i32
        %convert_element_type3A_326 = arith.extui %ge3A_325 : i1 to i32
        %cond3A_327 = arith.constant 0 : i32
        %cond3A_328 = arith.cmpi ne, %convert_element_type3A_326, %cond3A_327 : i32
        scf.if %cond3A_328 {
          %dma_wait3A_346 = arith.constant 0 : i32
          %dma_wait3A_347 = arith.constant 0 : i32
          %dma_wait3A_348 = tpu.memref_slice %arg6[%dma_wait3A_346, %dma_wait3A_347] : memref<10000x128xf32, #tpu.memory_space<vmem_shared>> -> memref<10000x128xf32, #tpu.memory_space<vmem_shared>>
          tpu.wait_indirect_dma semaphore(%arg42 : memref<!tpu.dma_semaphore, #tpu.memory_space<semaphore_mem>>) src(%arg26 : memref<80x128xf32, #tpu.memory_space<vmem>>) dst(%dma_wait3A_348 : memref<10000x128xf32, #tpu.memory_space<vmem_shared>>)
        } else {
        }
        %add3A_329 = arith.constant 2 : i32
        %add3A_330 = arith.addi %scan3A_157, %add3A_329 : i32
        %lt3A_331 = arith.constant 125 : i32
        %lt3A_332 = arith.cmpi slt, %add3A_330, %lt3A_331 : i32
        %convert_element_type3A_333 = arith.extui %lt3A_332 : i1 to i32
        %cond3A_334 = arith.constant 0 : i32
        %cond3A_335 = arith.cmpi ne, %convert_element_type3A_333, %cond3A_334 : i32
        scf.if %cond3A_335 {
          %add3A_346 = arith.constant 2 : i32
          %add3A_347 = arith.addi %scan3A_157, %add3A_346 : i32
          %mul3A_348 = arith.constant 10000 : i32
          %mul3A_349 = arith.muli %add3A, %mul3A_348 : i32
          %mul3A_350 = arith.constant 80 : i32
          %mul3A_351 = arith.muli %add3A_347, %mul3A_350 : i32
          %add3A_352 = arith.addi %mul3A_349, %mul3A_351 : i32
          %dma_wait3A_353 = arith.constant 0 : i32
          %dma_wait3A_354 = tpu.memref_slice %arg3[%dma_wait3A_353, %add3A_352] : memref<2x320000xi32, #tpu.memory_space<hbm>> -> memref<1x80xi32, #tpu.memory_space<hbm>>
          %dma_wait3A_355 = tpu.memref_squeeze %dma_wait3A_354 : memref<1x80xi32, #tpu.memory_space<hbm>> -> memref<80xi32, #tpu.memory_space<hbm>>
          %dma_wait3A_356 = tpu.memref_slice %arg3[%dma_wait3A_353, %add3A_352] : memref<2x320000xi32, #tpu.memory_space<hbm>> -> memref<1x80xi32, #tpu.memory_space<hbm>>
          %dma_wait3A_357 = tpu.memref_squeeze %dma_wait3A_356 : memref<1x80xi32, #tpu.memory_space<hbm>> -> memref<80xi32, #tpu.memory_space<hbm>>
          tpu.wait_dma2 semaphore(%arg38 : memref<!tpu.dma_semaphore, #tpu.memory_space<semaphore_mem>>) src(%dma_wait3A_357 : memref<80xi32, #tpu.memory_space<hbm>>) dst(%arg14 : memref<80xi32, #tpu.memory_space<vmem>>)
          %dma_wait3A_358 = arith.constant 1 : i32
          %dma_wait3A_359 = tpu.memref_slice %arg3[%dma_wait3A_358, %add3A_352] : memref<2x320000xi32, #tpu.memory_space<hbm>> -> memref<1x80xi32, #tpu.memory_space<hbm>>
          %dma_wait3A_360 = tpu.memref_squeeze %dma_wait3A_359 : memref<1x80xi32, #tpu.memory_space<hbm>> -> memref<80xi32, #tpu.memory_space<hbm>>
          %dma_wait3A_361 = tpu.memref_slice %arg3[%dma_wait3A_358, %add3A_352] : memref<2x320000xi32, #tpu.memory_space<hbm>> -> memref<1x80xi32, #tpu.memory_space<hbm>>
          %dma_wait3A_362 = tpu.memref_squeeze %dma_wait3A_361 : memref<1x80xi32, #tpu.memory_space<hbm>> -> memref<80xi32, #tpu.memory_space<hbm>>
          tpu.wait_dma2 semaphore(%arg38 : memref<!tpu.dma_semaphore, #tpu.memory_space<semaphore_mem>>) src(%dma_wait3A_362 : memref<80xi32, #tpu.memory_space<hbm>>) dst(%arg22 : memref<80xi32, #tpu.memory_space<vmem>>)
          %dma_start3A_363 = arith.constant 0 : i32
          %dma_start3A_364 = arith.constant 0 : i32
          %dma_start3A_365 = tpu.memref_slice %arg2[%dma_start3A_363, %dma_start3A_364] : memref<10000x128xf32, #tpu.memory_space<hbm>> -> memref<10000x128xf32, #tpu.memory_space<hbm>>
          tpu.enqueue_indirect_dma source(%dma_start3A_365 : memref<10000x128xf32, #tpu.memory_space<hbm>>) target(%arg26 : memref<80x128xf32, #tpu.memory_space<vmem>>) offsets(%arg14 : memref<80xi32, #tpu.memory_space<vmem>>) semaphore(%arg30 : memref<!tpu.dma_semaphore, #tpu.memory_space<semaphore_mem>>)
        } else {
        }
        %dma_start3A_336 = arith.constant 0 : i32
        %dma_start3A_337 = arith.constant 0 : i32
        %dma_start3A_338 = tpu.memref_slice %arg6[%dma_start3A_336, %dma_start3A_337] : memref<10000x128xf32, #tpu.memory_space<vmem_shared>> -> memref<10000x128xf32, #tpu.memory_space<vmem_shared>>
        tpu.enqueue_indirect_dma source(%arg24 : memref<80x128xf32, #tpu.memory_space<vmem>>) target(%dma_start3A_338 : memref<10000x128xf32, #tpu.memory_space<vmem_shared>>) offsets(%arg20 : memref<80xi32, #tpu.memory_space<vmem>>) semaphore(%arg40 : memref<!tpu.dma_semaphore, #tpu.memory_space<semaphore_mem>>) {add = true}
        %add3A_339 = arith.constant 6 : i32
        %add3A_340 = arith.addi %scan3A_157, %add3A_339 : i32
        %lt3A_341 = arith.constant 125 : i32
        %lt3A_342 = arith.cmpi slt, %add3A_340, %lt3A_341 : i32
        %convert_element_type3A_343 = arith.extui %lt3A_342 : i1 to i32
        %cond3A_344 = arith.constant 0 : i32
        %cond3A_345 = arith.cmpi ne, %convert_element_type3A_343, %cond3A_344 : i32
        scf.if %cond3A_345 {
          %add3A_346 = arith.constant 6 : i32
          %add3A_347 = arith.addi %scan3A_157, %add3A_346 : i32
          %mul3A_348 = arith.constant 10000 : i32
          %mul3A_349 = arith.muli %add3A, %mul3A_348 : i32
          %mul3A_350 = arith.constant 80 : i32
          %mul3A_351 = arith.muli %add3A_347, %mul3A_350 : i32
          %add3A_352 = arith.addi %mul3A_349, %mul3A_351 : i32
          %dma_start3A_353 = arith.constant 0 : i32
          %dma_start3A_354 = tpu.memref_slice %arg3[%dma_start3A_353, %add3A_352] : memref<2x320000xi32, #tpu.memory_space<hbm>> -> memref<1x80xi32, #tpu.memory_space<hbm>>
          %dma_start3A_355 = tpu.memref_squeeze %dma_start3A_354 : memref<1x80xi32, #tpu.memory_space<hbm>> -> memref<80xi32, #tpu.memory_space<hbm>>
          %dma_start3A_356 = tpu.memref_slice %arg3[%dma_start3A_353, %add3A_352] : memref<2x320000xi32, #tpu.memory_space<hbm>> -> memref<1x80xi32, #tpu.memory_space<hbm>>
          %dma_start3A_357 = tpu.memref_squeeze %dma_start3A_356 : memref<1x80xi32, #tpu.memory_space<hbm>> -> memref<80xi32, #tpu.memory_space<hbm>>
          tpu.enqueue_dma source(%dma_start3A_357 : memref<80xi32, #tpu.memory_space<hbm>>) target(%arg10 : memref<80xi32, #tpu.memory_space<vmem>>) target_semaphore(%arg34 : memref<!tpu.dma_semaphore, #tpu.memory_space<semaphore_mem>>)
          %dma_start3A_358 = arith.constant 1 : i32
          %dma_start3A_359 = tpu.memref_slice %arg3[%dma_start3A_358, %add3A_352] : memref<2x320000xi32, #tpu.memory_space<hbm>> -> memref<1x80xi32, #tpu.memory_space<hbm>>
          %dma_start3A_360 = tpu.memref_squeeze %dma_start3A_359 : memref<1x80xi32, #tpu.memory_space<hbm>> -> memref<80xi32, #tpu.memory_space<hbm>>
          %dma_start3A_361 = tpu.memref_slice %arg3[%dma_start3A_358, %add3A_352] : memref<2x320000xi32, #tpu.memory_space<hbm>> -> memref<1x80xi32, #tpu.memory_space<hbm>>
          %dma_start3A_362 = tpu.memref_squeeze %dma_start3A_361 : memref<1x80xi32, #tpu.memory_space<hbm>> -> memref<80xi32, #tpu.memory_space<hbm>>
          tpu.enqueue_dma source(%dma_start3A_362 : memref<80xi32, #tpu.memory_space<hbm>>) target(%arg18 : memref<80xi32, #tpu.memory_space<vmem>>) target_semaphore(%arg34 : memref<!tpu.dma_semaphore, #tpu.memory_space<semaphore_mem>>)
        } else {
        }
      } else {
      }
      %jit3A_279 = arith.constant 8 : i32
      %eq3A_280 = arith.constant 0 : i32
      %eq3A_281 = arith.cmpi eq, %jit3A_279, %eq3A_280 : i32
      %jit3A_282 = arith.constant 1 : i32
      %select_n3A_283 = arith.select %eq3A_281, %jit3A_282, %jit3A_279 : i32
      %rem3A_284 = arith.remsi %scan3A_157, %select_n3A_283 : i32
      %ne3A_285 = arith.constant 0 : i32
      %ne3A_286 = arith.cmpi ne, %rem3A_284, %ne3A_285 : i32
      %lt3A_287 = arith.constant 0 : i32
      %lt3A_288 = arith.cmpi slt, %rem3A_284, %lt3A_287 : i32
      %lt3A_289 = arith.constant 0 : i32
      %lt3A_290 = arith.cmpi slt, %select_n3A_283, %lt3A_289 : i32
      %ne3A_291 = arith.xori %lt3A_288, %lt3A_290 : i1
      %and3A_292 = arith.andi %ne3A_291, %ne3A_286 : i1
      %add3A_293 = arith.addi %rem3A_284, %select_n3A_283 : i32
      %select_n3A_294 = arith.select %and3A_292, %add3A_293, %rem3A_284 : i32
      %eq3A_295 = arith.constant 6 : i32
      %eq3A_296 = arith.cmpi eq, %select_n3A_294, %eq3A_295 : i32
      %convert_element_type3A_297 = arith.extui %eq3A_296 : i1 to i32
      %cond3A_298 = arith.constant 0 : i32
      %cond3A_299 = arith.cmpi ne, %convert_element_type3A_297, %cond3A_298 : i32
      scf.if %cond3A_299 {
        %dma_wait3A_322 = arith.constant 0 : i32
        %dma_wait3A_323 = arith.constant 0 : i32
        %dma_wait3A_324 = tpu.memref_slice %arg2[%dma_wait3A_322, %dma_wait3A_323] : memref<10000x128xf32, #tpu.memory_space<hbm>> -> memref<10000x128xf32, #tpu.memory_space<hbm>>
        tpu.wait_indirect_dma semaphore(%arg29 : memref<!tpu.dma_semaphore, #tpu.memory_space<semaphore_mem>>) src(%dma_wait3A_324 : memref<10000x128xf32, #tpu.memory_space<hbm>>) dst(%arg25 : memref<80x128xf32, #tpu.memory_space<vmem>>)
        %ge3A = arith.constant 2 : i32
        %ge3A_325 = arith.cmpi sge, %scan3A_157, %ge3A : i32
        %convert_element_type3A_326 = arith.extui %ge3A_325 : i1 to i32
        %cond3A_327 = arith.constant 0 : i32
        %cond3A_328 = arith.cmpi ne, %convert_element_type3A_326, %cond3A_327 : i32
        scf.if %cond3A_328 {
          %dma_wait3A_346 = arith.constant 0 : i32
          %dma_wait3A_347 = arith.constant 0 : i32
          %dma_wait3A_348 = tpu.memref_slice %arg6[%dma_wait3A_346, %dma_wait3A_347] : memref<10000x128xf32, #tpu.memory_space<vmem_shared>> -> memref<10000x128xf32, #tpu.memory_space<vmem_shared>>
          tpu.wait_indirect_dma semaphore(%arg39 : memref<!tpu.dma_semaphore, #tpu.memory_space<semaphore_mem>>) src(%arg23 : memref<80x128xf32, #tpu.memory_space<vmem>>) dst(%dma_wait3A_348 : memref<10000x128xf32, #tpu.memory_space<vmem_shared>>)
        } else {
        }
        %add3A_329 = arith.constant 2 : i32
        %add3A_330 = arith.addi %scan3A_157, %add3A_329 : i32
        %lt3A_331 = arith.constant 125 : i32
        %lt3A_332 = arith.cmpi slt, %add3A_330, %lt3A_331 : i32
        %convert_element_type3A_333 = arith.extui %lt3A_332 : i1 to i32
        %cond3A_334 = arith.constant 0 : i32
        %cond3A_335 = arith.cmpi ne, %convert_element_type3A_333, %cond3A_334 : i32
        scf.if %cond3A_335 {
          %add3A_346 = arith.constant 2 : i32
          %add3A_347 = arith.addi %scan3A_157, %add3A_346 : i32
          %mul3A_348 = arith.constant 10000 : i32
          %mul3A_349 = arith.muli %add3A, %mul3A_348 : i32
          %mul3A_350 = arith.constant 80 : i32
          %mul3A_351 = arith.muli %add3A_347, %mul3A_350 : i32
          %add3A_352 = arith.addi %mul3A_349, %mul3A_351 : i32
          %dma_wait3A_353 = arith.constant 0 : i32
          %dma_wait3A_354 = tpu.memref_slice %arg3[%dma_wait3A_353, %add3A_352] : memref<2x320000xi32, #tpu.memory_space<hbm>> -> memref<1x80xi32, #tpu.memory_space<hbm>>
          %dma_wait3A_355 = tpu.memref_squeeze %dma_wait3A_354 : memref<1x80xi32, #tpu.memory_space<hbm>> -> memref<80xi32, #tpu.memory_space<hbm>>
          %dma_wait3A_356 = tpu.memref_slice %arg3[%dma_wait3A_353, %add3A_352] : memref<2x320000xi32, #tpu.memory_space<hbm>> -> memref<1x80xi32, #tpu.memory_space<hbm>>
          %dma_wait3A_357 = tpu.memref_squeeze %dma_wait3A_356 : memref<1x80xi32, #tpu.memory_space<hbm>> -> memref<80xi32, #tpu.memory_space<hbm>>
          tpu.wait_dma2 semaphore(%arg31 : memref<!tpu.dma_semaphore, #tpu.memory_space<semaphore_mem>>) src(%dma_wait3A_357 : memref<80xi32, #tpu.memory_space<hbm>>) dst(%arg7 : memref<80xi32, #tpu.memory_space<vmem>>)
          %dma_wait3A_358 = arith.constant 1 : i32
          %dma_wait3A_359 = tpu.memref_slice %arg3[%dma_wait3A_358, %add3A_352] : memref<2x320000xi32, #tpu.memory_space<hbm>> -> memref<1x80xi32, #tpu.memory_space<hbm>>
          %dma_wait3A_360 = tpu.memref_squeeze %dma_wait3A_359 : memref<1x80xi32, #tpu.memory_space<hbm>> -> memref<80xi32, #tpu.memory_space<hbm>>
          %dma_wait3A_361 = tpu.memref_slice %arg3[%dma_wait3A_358, %add3A_352] : memref<2x320000xi32, #tpu.memory_space<hbm>> -> memref<1x80xi32, #tpu.memory_space<hbm>>
          %dma_wait3A_362 = tpu.memref_squeeze %dma_wait3A_361 : memref<1x80xi32, #tpu.memory_space<hbm>> -> memref<80xi32, #tpu.memory_space<hbm>>
          tpu.wait_dma2 semaphore(%arg31 : memref<!tpu.dma_semaphore, #tpu.memory_space<semaphore_mem>>) src(%dma_wait3A_362 : memref<80xi32, #tpu.memory_space<hbm>>) dst(%arg15 : memref<80xi32, #tpu.memory_space<vmem>>)
          %dma_start3A_363 = arith.constant 0 : i32
          %dma_start3A_364 = arith.constant 0 : i32
          %dma_start3A_365 = tpu.memref_slice %arg2[%dma_start3A_363, %dma_start3A_364] : memref<10000x128xf32, #tpu.memory_space<hbm>> -> memref<10000x128xf32, #tpu.memory_space<hbm>>
          tpu.enqueue_indirect_dma source(%dma_start3A_365 : memref<10000x128xf32, #tpu.memory_space<hbm>>) target(%arg23 : memref<80x128xf32, #tpu.memory_space<vmem>>) offsets(%arg7 : memref<80xi32, #tpu.memory_space<vmem>>) semaphore(%arg27 : memref<!tpu.dma_semaphore, #tpu.memory_space<semaphore_mem>>)
        } else {
        }
        %dma_start3A_336 = arith.constant 0 : i32
        %dma_start3A_337 = arith.constant 0 : i32
        %dma_start3A_338 = tpu.memref_slice %arg6[%dma_start3A_336, %dma_start3A_337] : memref<10000x128xf32, #tpu.memory_space<vmem_shared>> -> memref<10000x128xf32, #tpu.memory_space<vmem_shared>>
        tpu.enqueue_indirect_dma source(%arg25 : memref<80x128xf32, #tpu.memory_space<vmem>>) target(%dma_start3A_338 : memref<10000x128xf32, #tpu.memory_space<vmem_shared>>) offsets(%arg21 : memref<80xi32, #tpu.memory_space<vmem>>) semaphore(%arg41 : memref<!tpu.dma_semaphore, #tpu.memory_space<semaphore_mem>>) {add = true}
        %add3A_339 = arith.constant 6 : i32
        %add3A_340 = arith.addi %scan3A_157, %add3A_339 : i32
        %lt3A_341 = arith.constant 125 : i32
        %lt3A_342 = arith.cmpi slt, %add3A_340, %lt3A_341 : i32
        %convert_element_type3A_343 = arith.extui %lt3A_342 : i1 to i32
        %cond3A_344 = arith.constant 0 : i32
        %cond3A_345 = arith.cmpi ne, %convert_element_type3A_343, %cond3A_344 : i32
        scf.if %cond3A_345 {
          %add3A_346 = arith.constant 6 : i32
          %add3A_347 = arith.addi %scan3A_157, %add3A_346 : i32
          %mul3A_348 = arith.constant 10000 : i32
          %mul3A_349 = arith.muli %add3A, %mul3A_348 : i32
          %mul3A_350 = arith.constant 80 : i32
          %mul3A_351 = arith.muli %add3A_347, %mul3A_350 : i32
          %add3A_352 = arith.addi %mul3A_349, %mul3A_351 : i32
          %dma_start3A_353 = arith.constant 0 : i32
          %dma_start3A_354 = tpu.memref_slice %arg3[%dma_start3A_353, %add3A_352] : memref<2x320000xi32, #tpu.memory_space<hbm>> -> memref<1x80xi32, #tpu.memory_space<hbm>>
          %dma_start3A_355 = tpu.memref_squeeze %dma_start3A_354 : memref<1x80xi32, #tpu.memory_space<hbm>> -> memref<80xi32, #tpu.memory_space<hbm>>
          %dma_start3A_356 = tpu.memref_slice %arg3[%dma_start3A_353, %add3A_352] : memref<2x320000xi32, #tpu.memory_space<hbm>> -> memref<1x80xi32, #tpu.memory_space<hbm>>
          %dma_start3A_357 = tpu.memref_squeeze %dma_start3A_356 : memref<1x80xi32, #tpu.memory_space<hbm>> -> memref<80xi32, #tpu.memory_space<hbm>>
          tpu.enqueue_dma source(%dma_start3A_357 : memref<80xi32, #tpu.memory_space<hbm>>) target(%arg11 : memref<80xi32, #tpu.memory_space<vmem>>) target_semaphore(%arg35 : memref<!tpu.dma_semaphore, #tpu.memory_space<semaphore_mem>>)
          %dma_start3A_358 = arith.constant 1 : i32
          %dma_start3A_359 = tpu.memref_slice %arg3[%dma_start3A_358, %add3A_352] : memref<2x320000xi32, #tpu.memory_space<hbm>> -> memref<1x80xi32, #tpu.memory_space<hbm>>
          %dma_start3A_360 = tpu.memref_squeeze %dma_start3A_359 : memref<1x80xi32, #tpu.memory_space<hbm>> -> memref<80xi32, #tpu.memory_space<hbm>>
          %dma_start3A_361 = tpu.memref_slice %arg3[%dma_start3A_358, %add3A_352] : memref<2x320000xi32, #tpu.memory_space<hbm>> -> memref<1x80xi32, #tpu.memory_space<hbm>>
          %dma_start3A_362 = tpu.memref_squeeze %dma_start3A_361 : memref<1x80xi32, #tpu.memory_space<hbm>> -> memref<80xi32, #tpu.memory_space<hbm>>
          tpu.enqueue_dma source(%dma_start3A_362 : memref<80xi32, #tpu.memory_space<hbm>>) target(%arg19 : memref<80xi32, #tpu.memory_space<vmem>>) target_semaphore(%arg35 : memref<!tpu.dma_semaphore, #tpu.memory_space<semaphore_mem>>)
        } else {
        }
      } else {
      }
      %jit3A_300 = arith.constant 8 : i32
      %eq3A_301 = arith.constant 0 : i32
      %eq3A_302 = arith.cmpi eq, %jit3A_300, %eq3A_301 : i32
      %jit3A_303 = arith.constant 1 : i32
      %select_n3A_304 = arith.select %eq3A_302, %jit3A_303, %jit3A_300 : i32
      %rem3A_305 = arith.remsi %scan3A_157, %select_n3A_304 : i32
      %ne3A_306 = arith.constant 0 : i32
      %ne3A_307 = arith.cmpi ne, %rem3A_305, %ne3A_306 : i32
      %lt3A_308 = arith.constant 0 : i32
      %lt3A_309 = arith.cmpi slt, %rem3A_305, %lt3A_308 : i32
      %lt3A_310 = arith.constant 0 : i32
      %lt3A_311 = arith.cmpi slt, %select_n3A_304, %lt3A_310 : i32
      %ne3A_312 = arith.xori %lt3A_309, %lt3A_311 : i1
      %and3A_313 = arith.andi %ne3A_312, %ne3A_307 : i1
      %add3A_314 = arith.addi %rem3A_305, %select_n3A_304 : i32
      %select_n3A_315 = arith.select %and3A_313, %add3A_314, %rem3A_305 : i32
      %eq3A_316 = arith.constant 7 : i32
      %eq3A_317 = arith.cmpi eq, %select_n3A_315, %eq3A_316 : i32
      %convert_element_type3A_318 = arith.extui %eq3A_317 : i1 to i32
      %cond3A_319 = arith.constant 0 : i32
      %cond3A_320 = arith.cmpi ne, %convert_element_type3A_318, %cond3A_319 : i32
      scf.if %cond3A_320 {
        %dma_wait3A_322 = arith.constant 0 : i32
        %dma_wait3A_323 = arith.constant 0 : i32
        %dma_wait3A_324 = tpu.memref_slice %arg2[%dma_wait3A_322, %dma_wait3A_323] : memref<10000x128xf32, #tpu.memory_space<hbm>> -> memref<10000x128xf32, #tpu.memory_space<hbm>>
        tpu.wait_indirect_dma semaphore(%arg30 : memref<!tpu.dma_semaphore, #tpu.memory_space<semaphore_mem>>) src(%dma_wait3A_324 : memref<10000x128xf32, #tpu.memory_space<hbm>>) dst(%arg26 : memref<80x128xf32, #tpu.memory_space<vmem>>)
        %ge3A = arith.constant 2 : i32
        %ge3A_325 = arith.cmpi sge, %scan3A_157, %ge3A : i32
        %convert_element_type3A_326 = arith.extui %ge3A_325 : i1 to i32
        %cond3A_327 = arith.constant 0 : i32
        %cond3A_328 = arith.cmpi ne, %convert_element_type3A_326, %cond3A_327 : i32
        scf.if %cond3A_328 {
          %dma_wait3A_346 = arith.constant 0 : i32
          %dma_wait3A_347 = arith.constant 0 : i32
          %dma_wait3A_348 = tpu.memref_slice %arg6[%dma_wait3A_346, %dma_wait3A_347] : memref<10000x128xf32, #tpu.memory_space<vmem_shared>> -> memref<10000x128xf32, #tpu.memory_space<vmem_shared>>
          tpu.wait_indirect_dma semaphore(%arg40 : memref<!tpu.dma_semaphore, #tpu.memory_space<semaphore_mem>>) src(%arg24 : memref<80x128xf32, #tpu.memory_space<vmem>>) dst(%dma_wait3A_348 : memref<10000x128xf32, #tpu.memory_space<vmem_shared>>)
        } else {
        }
        %add3A_329 = arith.constant 2 : i32
        %add3A_330 = arith.addi %scan3A_157, %add3A_329 : i32
        %lt3A_331 = arith.constant 125 : i32
        %lt3A_332 = arith.cmpi slt, %add3A_330, %lt3A_331 : i32
        %convert_element_type3A_333 = arith.extui %lt3A_332 : i1 to i32
        %cond3A_334 = arith.constant 0 : i32
        %cond3A_335 = arith.cmpi ne, %convert_element_type3A_333, %cond3A_334 : i32
        scf.if %cond3A_335 {
          %add3A_346 = arith.constant 2 : i32
          %add3A_347 = arith.addi %scan3A_157, %add3A_346 : i32
          %mul3A_348 = arith.constant 10000 : i32
          %mul3A_349 = arith.muli %add3A, %mul3A_348 : i32
          %mul3A_350 = arith.constant 80 : i32
          %mul3A_351 = arith.muli %add3A_347, %mul3A_350 : i32
          %add3A_352 = arith.addi %mul3A_349, %mul3A_351 : i32
          %dma_wait3A_353 = arith.constant 0 : i32
          %dma_wait3A_354 = tpu.memref_slice %arg3[%dma_wait3A_353, %add3A_352] : memref<2x320000xi32, #tpu.memory_space<hbm>> -> memref<1x80xi32, #tpu.memory_space<hbm>>
          %dma_wait3A_355 = tpu.memref_squeeze %dma_wait3A_354 : memref<1x80xi32, #tpu.memory_space<hbm>> -> memref<80xi32, #tpu.memory_space<hbm>>
          %dma_wait3A_356 = tpu.memref_slice %arg3[%dma_wait3A_353, %add3A_352] : memref<2x320000xi32, #tpu.memory_space<hbm>> -> memref<1x80xi32, #tpu.memory_space<hbm>>
          %dma_wait3A_357 = tpu.memref_squeeze %dma_wait3A_356 : memref<1x80xi32, #tpu.memory_space<hbm>> -> memref<80xi32, #tpu.memory_space<hbm>>
          tpu.wait_dma2 semaphore(%arg32 : memref<!tpu.dma_semaphore, #tpu.memory_space<semaphore_mem>>) src(%dma_wait3A_357 : memref<80xi32, #tpu.memory_space<hbm>>) dst(%arg8 : memref<80xi32, #tpu.memory_space<vmem>>)
          %dma_wait3A_358 = arith.constant 1 : i32
          %dma_wait3A_359 = tpu.memref_slice %arg3[%dma_wait3A_358, %add3A_352] : memref<2x320000xi32, #tpu.memory_space<hbm>> -> memref<1x80xi32, #tpu.memory_space<hbm>>
          %dma_wait3A_360 = tpu.memref_squeeze %dma_wait3A_359 : memref<1x80xi32, #tpu.memory_space<hbm>> -> memref<80xi32, #tpu.memory_space<hbm>>
          %dma_wait3A_361 = tpu.memref_slice %arg3[%dma_wait3A_358, %add3A_352] : memref<2x320000xi32, #tpu.memory_space<hbm>> -> memref<1x80xi32, #tpu.memory_space<hbm>>
          %dma_wait3A_362 = tpu.memref_squeeze %dma_wait3A_361 : memref<1x80xi32, #tpu.memory_space<hbm>> -> memref<80xi32, #tpu.memory_space<hbm>>
          tpu.wait_dma2 semaphore(%arg32 : memref<!tpu.dma_semaphore, #tpu.memory_space<semaphore_mem>>) src(%dma_wait3A_362 : memref<80xi32, #tpu.memory_space<hbm>>) dst(%arg16 : memref<80xi32, #tpu.memory_space<vmem>>)
          %dma_start3A_363 = arith.constant 0 : i32
          %dma_start3A_364 = arith.constant 0 : i32
          %dma_start3A_365 = tpu.memref_slice %arg2[%dma_start3A_363, %dma_start3A_364] : memref<10000x128xf32, #tpu.memory_space<hbm>> -> memref<10000x128xf32, #tpu.memory_space<hbm>>
          tpu.enqueue_indirect_dma source(%dma_start3A_365 : memref<10000x128xf32, #tpu.memory_space<hbm>>) target(%arg24 : memref<80x128xf32, #tpu.memory_space<vmem>>) offsets(%arg8 : memref<80xi32, #tpu.memory_space<vmem>>) semaphore(%arg28 : memref<!tpu.dma_semaphore, #tpu.memory_space<semaphore_mem>>)
        } else {
        }
        %dma_start3A_336 = arith.constant 0 : i32
        %dma_start3A_337 = arith.constant 0 : i32
        %dma_start3A_338 = tpu.memref_slice %arg6[%dma_start3A_336, %dma_start3A_337] : memref<10000x128xf32, #tpu.memory_space<vmem_shared>> -> memref<10000x128xf32, #tpu.memory_space<vmem_shared>>
        tpu.enqueue_indirect_dma source(%arg26 : memref<80x128xf32, #tpu.memory_space<vmem>>) target(%dma_start3A_338 : memref<10000x128xf32, #tpu.memory_space<vmem_shared>>) offsets(%arg22 : memref<80xi32, #tpu.memory_space<vmem>>) semaphore(%arg42 : memref<!tpu.dma_semaphore, #tpu.memory_space<semaphore_mem>>) {add = true}
        %add3A_339 = arith.constant 6 : i32
        %add3A_340 = arith.addi %scan3A_157, %add3A_339 : i32
        %lt3A_341 = arith.constant 125 : i32
        %lt3A_342 = arith.cmpi slt, %add3A_340, %lt3A_341 : i32
        %convert_element_type3A_343 = arith.extui %lt3A_342 : i1 to i32
        %cond3A_344 = arith.constant 0 : i32
        %cond3A_345 = arith.cmpi ne, %convert_element_type3A_343, %cond3A_344 : i32
        scf.if %cond3A_345 {
          %add3A_346 = arith.constant 6 : i32
          %add3A_347 = arith.addi %scan3A_157, %add3A_346 : i32
          %mul3A_348 = arith.constant 10000 : i32
          %mul3A_349 = arith.muli %add3A, %mul3A_348 : i32
          %mul3A_350 = arith.constant 80 : i32
          %mul3A_351 = arith.muli %add3A_347, %mul3A_350 : i32
          %add3A_352 = arith.addi %mul3A_349, %mul3A_351 : i32
          %dma_start3A_353 = arith.constant 0 : i32
          %dma_start3A_354 = tpu.memref_slice %arg3[%dma_start3A_353, %add3A_352] : memref<2x320000xi32, #tpu.memory_space<hbm>> -> memref<1x80xi32, #tpu.memory_space<hbm>>
          %dma_start3A_355 = tpu.memref_squeeze %dma_start3A_354 : memref<1x80xi32, #tpu.memory_space<hbm>> -> memref<80xi32, #tpu.memory_space<hbm>>
          %dma_start3A_356 = tpu.memref_slice %arg3[%dma_start3A_353, %add3A_352] : memref<2x320000xi32, #tpu.memory_space<hbm>> -> memref<1x80xi32, #tpu.memory_space<hbm>>
          %dma_start3A_357 = tpu.memref_squeeze %dma_start3A_356 : memref<1x80xi32, #tpu.memory_space<hbm>> -> memref<80xi32, #tpu.memory_space<hbm>>
          tpu.enqueue_dma source(%dma_start3A_357 : memref<80xi32, #tpu.memory_space<hbm>>) target(%arg12 : memref<80xi32, #tpu.memory_space<vmem>>) target_semaphore(%arg36 : memref<!tpu.dma_semaphore, #tpu.memory_space<semaphore_mem>>)
          %dma_start3A_358 = arith.constant 1 : i32
          %dma_start3A_359 = tpu.memref_slice %arg3[%dma_start3A_358, %add3A_352] : memref<2x320000xi32, #tpu.memory_space<hbm>> -> memref<1x80xi32, #tpu.memory_space<hbm>>
          %dma_start3A_360 = tpu.memref_squeeze %dma_start3A_359 : memref<1x80xi32, #tpu.memory_space<hbm>> -> memref<80xi32, #tpu.memory_space<hbm>>
          %dma_start3A_361 = tpu.memref_slice %arg3[%dma_start3A_358, %add3A_352] : memref<2x320000xi32, #tpu.memory_space<hbm>> -> memref<1x80xi32, #tpu.memory_space<hbm>>
          %dma_start3A_362 = tpu.memref_squeeze %dma_start3A_361 : memref<1x80xi32, #tpu.memory_space<hbm>> -> memref<80xi32, #tpu.memory_space<hbm>>
          tpu.enqueue_dma source(%dma_start3A_362 : memref<80xi32, #tpu.memory_space<hbm>>) target(%arg20 : memref<80xi32, #tpu.memory_space<vmem>>) target_semaphore(%arg36 : memref<!tpu.dma_semaphore, #tpu.memory_space<semaphore_mem>>)
        } else {
        }
      } else {
      }
      %scan3A_321 = arith.constant 0 : i32
      scf.yield %scan3A_321 : i32
    }
    %scan3A_140 = arith.constant 125 : i32
    %dma_wait3A_141 = arith.constant 0 : i32
    %dma_wait3A_142 = arith.constant 0 : i32
    %dma_wait3A_143 = tpu.memref_slice %arg6[%dma_wait3A_141, %dma_wait3A_142] : memref<10000x128xf32, #tpu.memory_space<vmem_shared>> -> memref<10000x128xf32, #tpu.memory_space<vmem_shared>>
    tpu.wait_indirect_dma semaphore(%arg42 : memref<!tpu.dma_semaphore, #tpu.memory_space<semaphore_mem>>) src(%arg26 : memref<80x128xf32, #tpu.memory_space<vmem>>) dst(%dma_wait3A_143 : memref<10000x128xf32, #tpu.memory_space<vmem_shared>>)
    %dma_wait3A_144 = arith.constant 0 : i32
    %dma_wait3A_145 = arith.constant 0 : i32
    %dma_wait3A_146 = tpu.memref_slice %arg6[%dma_wait3A_144, %dma_wait3A_145] : memref<10000x128xf32, #tpu.memory_space<vmem_shared>> -> memref<10000x128xf32, #tpu.memory_space<vmem_shared>>
    tpu.wait_indirect_dma semaphore(%arg39 : memref<!tpu.dma_semaphore, #tpu.memory_space<semaphore_mem>>) src(%arg23 : memref<80x128xf32, #tpu.memory_space<vmem>>) dst(%dma_wait3A_146 : memref<10000x128xf32, #tpu.memory_space<vmem_shared>>)
    %barrier3A_147 = arith.constant 0 : index
    tpu.barrier barrier_id(%barrier3A_147)
    %mul3A_148 = arith.constant 625 : i32
    %mul3A_149 = arith.muli %arg1, %mul3A_148 : i32
    %eq3A = arith.constant 0 : i32
    %eq3A_150 = arith.cmpi eq, %arg0, %eq3A : i32
    %convert_element_type3A = arith.extui %eq3A_150 : i1 to i32
    %cond3A = arith.constant 0 : i32
    %cond3A_151 = arith.cmpi ne, %convert_element_type3A, %cond3A : i32
    scf.if %cond3A_151 {
      "tpu.region"() ({
        %run_scoped3A = tpu.sem_alloc : memref<!tpu.dma_semaphore, #tpu.memory_space<semaphore_mem>>
        %dma_start3A_157 = arith.constant 0 : i32
        %dma_start3A_158 = tpu.memref_slice %arg4[%mul3A_149, %dma_start3A_157] : memref<10000x128xf32, #tpu.memory_space<hbm>> -> memref<625x128xf32, #tpu.memory_space<hbm>>
        %dma_start3A_159 = arith.constant 0 : i32
        %dma_start3A_160 = tpu.memref_slice %arg6[%mul3A_149, %dma_start3A_159] : memref<10000x128xf32, #tpu.memory_space<vmem_shared>> -> memref<625x128xf32, #tpu.memory_space<vmem_shared>>
        tpu.enqueue_dma source(%dma_start3A_160 : memref<625x128xf32, #tpu.memory_space<vmem_shared>>) target(%dma_start3A_158 : memref<625x128xf32, #tpu.memory_space<hbm>>) target_semaphore(%run_scoped3A : memref<!tpu.dma_semaphore, #tpu.memory_space<semaphore_mem>>)
        %dma_wait3A_161 = arith.constant 0 : i32
        %dma_wait3A_162 = tpu.memref_slice %arg4[%mul3A_149, %dma_wait3A_161] : memref<10000x128xf32, #tpu.memory_space<hbm>> -> memref<625x128xf32, #tpu.memory_space<hbm>>
        %dma_wait3A_163 = arith.constant 0 : i32
        %dma_wait3A_164 = tpu.memref_slice %arg6[%mul3A_149, %dma_wait3A_163] : memref<10000x128xf32, #tpu.memory_space<vmem_shared>> -> memref<625x128xf32, #tpu.memory_space<vmem_shared>>
        tpu.wait_dma2 semaphore(%run_scoped3A : memref<!tpu.dma_semaphore, #tpu.memory_space<semaphore_mem>>) src(%dma_wait3A_164 : memref<625x128xf32, #tpu.memory_space<vmem_shared>>) dst(%dma_wait3A_162 : memref<625x128xf32, #tpu.memory_space<hbm>>)
        tpu.yield
      }) : () -> ()
    } else {
    }
    %eq3A_152 = arith.constant 1 : i32
    %eq3A_153 = arith.cmpi eq, %arg0, %eq3A_152 : i32
    %convert_element_type3A_154 = arith.extui %eq3A_153 : i1 to i32
    %cond3A_155 = arith.constant 0 : i32
    %cond3A_156 = arith.cmpi ne, %convert_element_type3A_154, %cond3A_155 : i32
    scf.if %cond3A_156 {
      "tpu.region"() ({
        %run_scoped3A = tpu.sem_alloc : memref<!tpu.dma_semaphore, #tpu.memory_space<semaphore_mem>>
        %dma_start3A_157 = arith.constant 0 : i32
        %dma_start3A_158 = tpu.memref_slice %arg5[%mul3A_149, %dma_start3A_157] : memref<10000x128xf32, #tpu.memory_space<hbm>> -> memref<625x128xf32, #tpu.memory_space<hbm>>
        %dma_start3A_159 = arith.constant 0 : i32
        %dma_start3A_160 = tpu.memref_slice %arg6[%mul3A_149, %dma_start3A_159] : memref<10000x128xf32, #tpu.memory_space<vmem_shared>> -> memref<625x128xf32, #tpu.memory_space<vmem_shared>>
        tpu.enqueue_dma source(%dma_start3A_160 : memref<625x128xf32, #tpu.memory_space<vmem_shared>>) target(%dma_start3A_158 : memref<625x128xf32, #tpu.memory_space<hbm>>) target_semaphore(%run_scoped3A : memref<!tpu.dma_semaphore, #tpu.memory_space<semaphore_mem>>)
        %dma_wait3A_161 = arith.constant 0 : i32
        %dma_wait3A_162 = tpu.memref_slice %arg5[%mul3A_149, %dma_wait3A_161] : memref<10000x128xf32, #tpu.memory_space<hbm>> -> memref<625x128xf32, #tpu.memory_space<hbm>>
        %dma_wait3A_163 = arith.constant 0 : i32
        %dma_wait3A_164 = tpu.memref_slice %arg6[%mul3A_149, %dma_wait3A_163] : memref<10000x128xf32, #tpu.memory_space<vmem_shared>> -> memref<625x128xf32, #tpu.memory_space<vmem_shared>>
        tpu.wait_dma2 semaphore(%run_scoped3A : memref<!tpu.dma_semaphore, #tpu.memory_space<semaphore_mem>>) src(%dma_wait3A_164 : memref<625x128xf32, #tpu.memory_space<vmem_shared>>) dst(%dma_wait3A_162 : memref<625x128xf32, #tpu.memory_space<hbm>>)
        tpu.yield
      }) : () -> ()
    } else {
    }
    return
  }
}

#map = affine_map<(d0, d1) -> (0, 0)>
module attributes {stable_mosaic.version = 14 : i64} {
  func.func @seg(%arg0: i32, %arg1: i32, %arg2: memref<10000x128xf32, #tpu.memory_space<hbm>>, %arg3: memref<2x320000xi32, #tpu.memory_space<hbm>>, %arg4: memref<80x8xf32, #tpu.memory_space<hbm>>, %arg5: memref<125x8xf32, #tpu.memory_space<hbm>>, %arg6: memref<10000x128xf32, #tpu.memory_space<hbm>>, %arg7: memref<10000x128xf32, #tpu.memory_space<hbm>>, %arg8: memref<10000x8xf32, #tpu.memory_space<hbm>>, %arg9: memref<10000x8xf32, #tpu.memory_space<hbm>>, %arg10: memref<10000x128xf32, #tpu.memory_space<vmem_shared>>, %arg11: memref<80xi32, #tpu.memory_space<vmem>>, %arg12: memref<80xi32, #tpu.memory_space<vmem>>, %arg13: memref<80xi32, #tpu.memory_space<vmem>>, %arg14: memref<80xi32, #tpu.memory_space<vmem>>, %arg15: memref<80xi32, #tpu.memory_space<vmem>>, %arg16: memref<80xi32, #tpu.memory_space<vmem>>, %arg17: memref<80xi32, #tpu.memory_space<vmem>>, %arg18: memref<80xi32, #tpu.memory_space<vmem>>, %arg19: memref<80xi32, #tpu.memory_space<vmem>>, %arg20: memref<80xi32, #tpu.memory_space<vmem>>, %arg21: memref<80xi32, #tpu.memory_space<vmem>>, %arg22: memref<80xi32, #tpu.memory_space<vmem>>, %arg23: memref<80xi32, #tpu.memory_space<vmem>>, %arg24: memref<80xi32, #tpu.memory_space<vmem>>, %arg25: memref<80xi32, #tpu.memory_space<vmem>>, %arg26: memref<80xi32, #tpu.memory_space<vmem>>, %arg27: memref<80x128xf32, #tpu.memory_space<vmem>>, %arg28: memref<80x128xf32, #tpu.memory_space<vmem>>, %arg29: memref<80x128xf32, #tpu.memory_space<vmem>>, %arg30: memref<80x128xf32, #tpu.memory_space<vmem>>, %arg31: memref<!tpu.dma_semaphore, #tpu.memory_space<semaphore_mem>>, %arg32: memref<!tpu.dma_semaphore, #tpu.memory_space<semaphore_mem>>, %arg33: memref<!tpu.dma_semaphore, #tpu.memory_space<semaphore_mem>>, %arg34: memref<!tpu.dma_semaphore, #tpu.memory_space<semaphore_mem>>, %arg35: memref<!tpu.dma_semaphore, #tpu.memory_space<semaphore_mem>>, %arg36: memref<!tpu.dma_semaphore, #tpu.memory_space<semaphore_mem>>, %arg37: memref<!tpu.dma_semaphore, #tpu.memory_space<semaphore_mem>>, %arg38: memref<!tpu.dma_semaphore, #tpu.memory_space<semaphore_mem>>, %arg39: memref<!tpu.dma_semaphore, #tpu.memory_space<semaphore_mem>>, %arg40: memref<!tpu.dma_semaphore, #tpu.memory_space<semaphore_mem>>, %arg41: memref<!tpu.dma_semaphore, #tpu.memory_space<semaphore_mem>>, %arg42: memref<!tpu.dma_semaphore, #tpu.memory_space<semaphore_mem>>, %arg43: memref<!tpu.dma_semaphore, #tpu.memory_space<semaphore_mem>>, %arg44: memref<!tpu.dma_semaphore, #tpu.memory_space<semaphore_mem>>, %arg45: memref<!tpu.dma_semaphore, #tpu.memory_space<semaphore_mem>>, %arg46: memref<!tpu.dma_semaphore, #tpu.memory_space<semaphore_mem>>, %arg47: memref<10000x8xf32, #tpu.memory_space<vmem_shared>>, %arg48: memref<80x8xf32, #tpu.memory_space<vmem>>, %arg49: memref<125x8xf32, #tpu.memory_space<vmem>>, %arg50: memref<!tpu.dma_semaphore, #tpu.memory_space<semaphore_mem>>, %arg51: memref<!tpu.dma_semaphore, #tpu.memory_space<semaphore_mem>>, %arg52: memref<!tpu.dma_semaphore, #tpu.memory_space<semaphore_mem>>, %arg53: memref<!tpu.dma_semaphore, #tpu.memory_space<semaphore_mem>>) attributes {dimension_semantics = [#tpu.dimension_semantics<core_parallel>, #tpu.dimension_semantics<subcore_parallel>], iteration_bounds = array<i64: 2, 16>, scalar_prefetch = 0 : i64, scratch_operands = 44 : i64, tpu.core_type = #tpu.core_type<sc_vector_subcore>, window_params = [{transform_indices = #map}, {transform_indices = #map}, {transform_indices = #map}, {transform_indices = #map}, {transform_indices = #map}, {transform_indices = #map}, {transform_indices = #map}, {transform_indices = #map}]} {
    %mul3A = arith.constant 2 : i32
    %mul3A_0 = arith.muli %arg1, %mul3A : i32
    %add3A = arith.addi %mul3A_0, %arg0 : i32
    %mul3A_1 = arith.constant 10000 : i32
    %mul3A_2 = arith.muli %add3A, %mul3A_1 : i32
    %add3A_3 = arith.constant 0 : i32
    %add3A_4 = arith.addi %mul3A_2, %add3A_3 : i32
    %dma_start3A = arith.constant 0 : i32
    %dma_start3A_5 = tpu.memref_slice %arg3[%dma_start3A, %add3A_4] : memref<2x320000xi32, #tpu.memory_space<hbm>> -> memref<1x80xi32, #tpu.memory_space<hbm>>
    %dma_start3A_6 = tpu.memref_squeeze %dma_start3A_5 : memref<1x80xi32, #tpu.memory_space<hbm>> -> memref<80xi32, #tpu.memory_space<hbm>>
    %dma_start3A_7 = tpu.memref_slice %arg3[%dma_start3A, %add3A_4] : memref<2x320000xi32, #tpu.memory_space<hbm>> -> memref<1x80xi32, #tpu.memory_space<hbm>>
    %dma_start3A_8 = tpu.memref_squeeze %dma_start3A_7 : memref<1x80xi32, #tpu.memory_space<hbm>> -> memref<80xi32, #tpu.memory_space<hbm>>
    tpu.enqueue_dma source(%dma_start3A_8 : memref<80xi32, #tpu.memory_space<hbm>>) target(%arg11 : memref<80xi32, #tpu.memory_space<vmem>>) target_semaphore(%arg35 : memref<!tpu.dma_semaphore, #tpu.memory_space<semaphore_mem>>)
    %dma_start3A_9 = arith.constant 1 : i32
    %dma_start3A_10 = tpu.memref_slice %arg3[%dma_start3A_9, %add3A_4] : memref<2x320000xi32, #tpu.memory_space<hbm>> -> memref<1x80xi32, #tpu.memory_space<hbm>>
    %dma_start3A_11 = tpu.memref_squeeze %dma_start3A_10 : memref<1x80xi32, #tpu.memory_space<hbm>> -> memref<80xi32, #tpu.memory_space<hbm>>
    %dma_start3A_12 = tpu.memref_slice %arg3[%dma_start3A_9, %add3A_4] : memref<2x320000xi32, #tpu.memory_space<hbm>> -> memref<1x80xi32, #tpu.memory_space<hbm>>
    %dma_start3A_13 = tpu.memref_squeeze %dma_start3A_12 : memref<1x80xi32, #tpu.memory_space<hbm>> -> memref<80xi32, #tpu.memory_space<hbm>>
    tpu.enqueue_dma source(%dma_start3A_13 : memref<80xi32, #tpu.memory_space<hbm>>) target(%arg19 : memref<80xi32, #tpu.memory_space<vmem>>) target_semaphore(%arg35 : memref<!tpu.dma_semaphore, #tpu.memory_space<semaphore_mem>>)
    %mul3A_14 = arith.constant 10000 : i32
    %mul3A_15 = arith.muli %add3A, %mul3A_14 : i32
    %add3A_16 = arith.constant 80 : i32
    %add3A_17 = arith.addi %mul3A_15, %add3A_16 : i32
    %dma_start3A_18 = arith.constant 0 : i32
    %dma_start3A_19 = tpu.memref_slice %arg3[%dma_start3A_18, %add3A_17] : memref<2x320000xi32, #tpu.memory_space<hbm>> -> memref<1x80xi32, #tpu.memory_space<hbm>>
    %dma_start3A_20 = tpu.memref_squeeze %dma_start3A_19 : memref<1x80xi32, #tpu.memory_space<hbm>> -> memref<80xi32, #tpu.memory_space<hbm>>
    %dma_start3A_21 = tpu.memref_slice %arg3[%dma_start3A_18, %add3A_17] : memref<2x320000xi32, #tpu.memory_space<hbm>> -> memref<1x80xi32, #tpu.memory_space<hbm>>
    %dma_start3A_22 = tpu.memref_squeeze %dma_start3A_21 : memref<1x80xi32, #tpu.memory_space<hbm>> -> memref<80xi32, #tpu.memory_space<hbm>>
    tpu.enqueue_dma source(%dma_start3A_22 : memref<80xi32, #tpu.memory_space<hbm>>) target(%arg12 : memref<80xi32, #tpu.memory_space<vmem>>) target_semaphore(%arg36 : memref<!tpu.dma_semaphore, #tpu.memory_space<semaphore_mem>>)
    %dma_start3A_23 = arith.constant 1 : i32
    %dma_start3A_24 = tpu.memref_slice %arg3[%dma_start3A_23, %add3A_17] : memref<2x320000xi32, #tpu.memory_space<hbm>> -> memref<1x80xi32, #tpu.memory_space<hbm>>
    %dma_start3A_25 = tpu.memref_squeeze %dma_start3A_24 : memref<1x80xi32, #tpu.memory_space<hbm>> -> memref<80xi32, #tpu.memory_space<hbm>>
    %dma_start3A_26 = tpu.memref_slice %arg3[%dma_start3A_23, %add3A_17] : memref<2x320000xi32, #tpu.memory_space<hbm>> -> memref<1x80xi32, #tpu.memory_space<hbm>>
    %dma_start3A_27 = tpu.memref_squeeze %dma_start3A_26 : memref<1x80xi32, #tpu.memory_space<hbm>> -> memref<80xi32, #tpu.memory_space<hbm>>
    tpu.enqueue_dma source(%dma_start3A_27 : memref<80xi32, #tpu.memory_space<hbm>>) target(%arg20 : memref<80xi32, #tpu.memory_space<vmem>>) target_semaphore(%arg36 : memref<!tpu.dma_semaphore, #tpu.memory_space<semaphore_mem>>)
    %mul3A_28 = arith.constant 10000 : i32
    %mul3A_29 = arith.muli %add3A, %mul3A_28 : i32
    %add3A_30 = arith.constant 160 : i32
    %add3A_31 = arith.addi %mul3A_29, %add3A_30 : i32
    %dma_start3A_32 = arith.constant 0 : i32
    %dma_start3A_33 = tpu.memref_slice %arg3[%dma_start3A_32, %add3A_31] : memref<2x320000xi32, #tpu.memory_space<hbm>> -> memref<1x80xi32, #tpu.memory_space<hbm>>
    %dma_start3A_34 = tpu.memref_squeeze %dma_start3A_33 : memref<1x80xi32, #tpu.memory_space<hbm>> -> memref<80xi32, #tpu.memory_space<hbm>>
    %dma_start3A_35 = tpu.memref_slice %arg3[%dma_start3A_32, %add3A_31] : memref<2x320000xi32, #tpu.memory_space<hbm>> -> memref<1x80xi32, #tpu.memory_space<hbm>>
    %dma_start3A_36 = tpu.memref_squeeze %dma_start3A_35 : memref<1x80xi32, #tpu.memory_space<hbm>> -> memref<80xi32, #tpu.memory_space<hbm>>
    tpu.enqueue_dma source(%dma_start3A_36 : memref<80xi32, #tpu.memory_space<hbm>>) target(%arg13 : memref<80xi32, #tpu.memory_space<vmem>>) target_semaphore(%arg37 : memref<!tpu.dma_semaphore, #tpu.memory_space<semaphore_mem>>)
    %dma_start3A_37 = arith.constant 1 : i32
    %dma_start3A_38 = tpu.memref_slice %arg3[%dma_start3A_37, %add3A_31] : memref<2x320000xi32, #tpu.memory_space<hbm>> -> memref<1x80xi32, #tpu.memory_space<hbm>>
    %dma_start3A_39 = tpu.memref_squeeze %dma_start3A_38 : memref<1x80xi32, #tpu.memory_space<hbm>> -> memref<80xi32, #tpu.memory_space<hbm>>
    %dma_start3A_40 = tpu.memref_slice %arg3[%dma_start3A_37, %add3A_31] : memref<2x320000xi32, #tpu.memory_space<hbm>> -> memref<1x80xi32, #tpu.memory_space<hbm>>
    %dma_start3A_41 = tpu.memref_squeeze %dma_start3A_40 : memref<1x80xi32, #tpu.memory_space<hbm>> -> memref<80xi32, #tpu.memory_space<hbm>>
    tpu.enqueue_dma source(%dma_start3A_41 : memref<80xi32, #tpu.memory_space<hbm>>) target(%arg21 : memref<80xi32, #tpu.memory_space<vmem>>) target_semaphore(%arg37 : memref<!tpu.dma_semaphore, #tpu.memory_space<semaphore_mem>>)
    %mul3A_42 = arith.constant 10000 : i32
    %mul3A_43 = arith.muli %add3A, %mul3A_42 : i32
    %add3A_44 = arith.constant 240 : i32
    %add3A_45 = arith.addi %mul3A_43, %add3A_44 : i32
    %dma_start3A_46 = arith.constant 0 : i32
    %dma_start3A_47 = tpu.memref_slice %arg3[%dma_start3A_46, %add3A_45] : memref<2x320000xi32, #tpu.memory_space<hbm>> -> memref<1x80xi32, #tpu.memory_space<hbm>>
    %dma_start3A_48 = tpu.memref_squeeze %dma_start3A_47 : memref<1x80xi32, #tpu.memory_space<hbm>> -> memref<80xi32, #tpu.memory_space<hbm>>
    %dma_start3A_49 = tpu.memref_slice %arg3[%dma_start3A_46, %add3A_45] : memref<2x320000xi32, #tpu.memory_space<hbm>> -> memref<1x80xi32, #tpu.memory_space<hbm>>
    %dma_start3A_50 = tpu.memref_squeeze %dma_start3A_49 : memref<1x80xi32, #tpu.memory_space<hbm>> -> memref<80xi32, #tpu.memory_space<hbm>>
    tpu.enqueue_dma source(%dma_start3A_50 : memref<80xi32, #tpu.memory_space<hbm>>) target(%arg14 : memref<80xi32, #tpu.memory_space<vmem>>) target_semaphore(%arg38 : memref<!tpu.dma_semaphore, #tpu.memory_space<semaphore_mem>>)
    %dma_start3A_51 = arith.constant 1 : i32
    %dma_start3A_52 = tpu.memref_slice %arg3[%dma_start3A_51, %add3A_45] : memref<2x320000xi32, #tpu.memory_space<hbm>> -> memref<1x80xi32, #tpu.memory_space<hbm>>
    %dma_start3A_53 = tpu.memref_squeeze %dma_start3A_52 : memref<1x80xi32, #tpu.memory_space<hbm>> -> memref<80xi32, #tpu.memory_space<hbm>>
    %dma_start3A_54 = tpu.memref_slice %arg3[%dma_start3A_51, %add3A_45] : memref<2x320000xi32, #tpu.memory_space<hbm>> -> memref<1x80xi32, #tpu.memory_space<hbm>>
    %dma_start3A_55 = tpu.memref_squeeze %dma_start3A_54 : memref<1x80xi32, #tpu.memory_space<hbm>> -> memref<80xi32, #tpu.memory_space<hbm>>
    tpu.enqueue_dma source(%dma_start3A_55 : memref<80xi32, #tpu.memory_space<hbm>>) target(%arg22 : memref<80xi32, #tpu.memory_space<vmem>>) target_semaphore(%arg38 : memref<!tpu.dma_semaphore, #tpu.memory_space<semaphore_mem>>)
    %mul3A_56 = arith.constant 10000 : i32
    %mul3A_57 = arith.muli %add3A, %mul3A_56 : i32
    %add3A_58 = arith.constant 320 : i32
    %add3A_59 = arith.addi %mul3A_57, %add3A_58 : i32
    %dma_start3A_60 = arith.constant 0 : i32
    %dma_start3A_61 = tpu.memref_slice %arg3[%dma_start3A_60, %add3A_59] : memref<2x320000xi32, #tpu.memory_space<hbm>> -> memref<1x80xi32, #tpu.memory_space<hbm>>
    %dma_start3A_62 = tpu.memref_squeeze %dma_start3A_61 : memref<1x80xi32, #tpu.memory_space<hbm>> -> memref<80xi32, #tpu.memory_space<hbm>>
    %dma_start3A_63 = tpu.memref_slice %arg3[%dma_start3A_60, %add3A_59] : memref<2x320000xi32, #tpu.memory_space<hbm>> -> memref<1x80xi32, #tpu.memory_space<hbm>>
    %dma_start3A_64 = tpu.memref_squeeze %dma_start3A_63 : memref<1x80xi32, #tpu.memory_space<hbm>> -> memref<80xi32, #tpu.memory_space<hbm>>
    tpu.enqueue_dma source(%dma_start3A_64 : memref<80xi32, #tpu.memory_space<hbm>>) target(%arg15 : memref<80xi32, #tpu.memory_space<vmem>>) target_semaphore(%arg39 : memref<!tpu.dma_semaphore, #tpu.memory_space<semaphore_mem>>)
    %dma_start3A_65 = arith.constant 1 : i32
    %dma_start3A_66 = tpu.memref_slice %arg3[%dma_start3A_65, %add3A_59] : memref<2x320000xi32, #tpu.memory_space<hbm>> -> memref<1x80xi32, #tpu.memory_space<hbm>>
    %dma_start3A_67 = tpu.memref_squeeze %dma_start3A_66 : memref<1x80xi32, #tpu.memory_space<hbm>> -> memref<80xi32, #tpu.memory_space<hbm>>
    %dma_start3A_68 = tpu.memref_slice %arg3[%dma_start3A_65, %add3A_59] : memref<2x320000xi32, #tpu.memory_space<hbm>> -> memref<1x80xi32, #tpu.memory_space<hbm>>
    %dma_start3A_69 = tpu.memref_squeeze %dma_start3A_68 : memref<1x80xi32, #tpu.memory_space<hbm>> -> memref<80xi32, #tpu.memory_space<hbm>>
    tpu.enqueue_dma source(%dma_start3A_69 : memref<80xi32, #tpu.memory_space<hbm>>) target(%arg23 : memref<80xi32, #tpu.memory_space<vmem>>) target_semaphore(%arg39 : memref<!tpu.dma_semaphore, #tpu.memory_space<semaphore_mem>>)
    %mul3A_70 = arith.constant 10000 : i32
    %mul3A_71 = arith.muli %add3A, %mul3A_70 : i32
    %add3A_72 = arith.constant 400 : i32
    %add3A_73 = arith.addi %mul3A_71, %add3A_72 : i32
    %dma_start3A_74 = arith.constant 0 : i32
    %dma_start3A_75 = tpu.memref_slice %arg3[%dma_start3A_74, %add3A_73] : memref<2x320000xi32, #tpu.memory_space<hbm>> -> memref<1x80xi32, #tpu.memory_space<hbm>>
    %dma_start3A_76 = tpu.memref_squeeze %dma_start3A_75 : memref<1x80xi32, #tpu.memory_space<hbm>> -> memref<80xi32, #tpu.memory_space<hbm>>
    %dma_start3A_77 = tpu.memref_slice %arg3[%dma_start3A_74, %add3A_73] : memref<2x320000xi32, #tpu.memory_space<hbm>> -> memref<1x80xi32, #tpu.memory_space<hbm>>
    %dma_start3A_78 = tpu.memref_squeeze %dma_start3A_77 : memref<1x80xi32, #tpu.memory_space<hbm>> -> memref<80xi32, #tpu.memory_space<hbm>>
    tpu.enqueue_dma source(%dma_start3A_78 : memref<80xi32, #tpu.memory_space<hbm>>) target(%arg16 : memref<80xi32, #tpu.memory_space<vmem>>) target_semaphore(%arg40 : memref<!tpu.dma_semaphore, #tpu.memory_space<semaphore_mem>>)
    %dma_start3A_79 = arith.constant 1 : i32
    %dma_start3A_80 = tpu.memref_slice %arg3[%dma_start3A_79, %add3A_73] : memref<2x320000xi32, #tpu.memory_space<hbm>> -> memref<1x80xi32, #tpu.memory_space<hbm>>
    %dma_start3A_81 = tpu.memref_squeeze %dma_start3A_80 : memref<1x80xi32, #tpu.memory_space<hbm>> -> memref<80xi32, #tpu.memory_space<hbm>>
    %dma_start3A_82 = tpu.memref_slice %arg3[%dma_start3A_79, %add3A_73] : memref<2x320000xi32, #tpu.memory_space<hbm>> -> memref<1x80xi32, #tpu.memory_space<hbm>>
    %dma_start3A_83 = tpu.memref_squeeze %dma_start3A_82 : memref<1x80xi32, #tpu.memory_space<hbm>> -> memref<80xi32, #tpu.memory_space<hbm>>
    tpu.enqueue_dma source(%dma_start3A_83 : memref<80xi32, #tpu.memory_space<hbm>>) target(%arg24 : memref<80xi32, #tpu.memory_space<vmem>>) target_semaphore(%arg40 : memref<!tpu.dma_semaphore, #tpu.memory_space<semaphore_mem>>)
    %mul3A_84 = arith.constant 10000 : i32
    %mul3A_85 = arith.muli %add3A, %mul3A_84 : i32
    %add3A_86 = arith.constant 0 : i32
    %add3A_87 = arith.addi %mul3A_85, %add3A_86 : i32
    %dma_wait3A = arith.constant 0 : i32
    %dma_wait3A_88 = tpu.memref_slice %arg3[%dma_wait3A, %add3A_87] : memref<2x320000xi32, #tpu.memory_space<hbm>> -> memref<1x80xi32, #tpu.memory_space<hbm>>
    %dma_wait3A_89 = tpu.memref_squeeze %dma_wait3A_88 : memref<1x80xi32, #tpu.memory_space<hbm>> -> memref<80xi32, #tpu.memory_space<hbm>>
    %dma_wait3A_90 = tpu.memref_slice %arg3[%dma_wait3A, %add3A_87] : memref<2x320000xi32, #tpu.memory_space<hbm>> -> memref<1x80xi32, #tpu.memory_space<hbm>>
    %dma_wait3A_91 = tpu.memref_squeeze %dma_wait3A_90 : memref<1x80xi32, #tpu.memory_space<hbm>> -> memref<80xi32, #tpu.memory_space<hbm>>
    tpu.wait_dma2 semaphore(%arg35 : memref<!tpu.dma_semaphore, #tpu.memory_space<semaphore_mem>>) src(%dma_wait3A_91 : memref<80xi32, #tpu.memory_space<hbm>>) dst(%arg11 : memref<80xi32, #tpu.memory_space<vmem>>)
    %dma_wait3A_92 = arith.constant 1 : i32
    %dma_wait3A_93 = tpu.memref_slice %arg3[%dma_wait3A_92, %add3A_87] : memref<2x320000xi32, #tpu.memory_space<hbm>> -> memref<1x80xi32, #tpu.memory_space<hbm>>
    %dma_wait3A_94 = tpu.memref_squeeze %dma_wait3A_93 : memref<1x80xi32, #tpu.memory_space<hbm>> -> memref<80xi32, #tpu.memory_space<hbm>>
    %dma_wait3A_95 = tpu.memref_slice %arg3[%dma_wait3A_92, %add3A_87] : memref<2x320000xi32, #tpu.memory_space<hbm>> -> memref<1x80xi32, #tpu.memory_space<hbm>>
    %dma_wait3A_96 = tpu.memref_squeeze %dma_wait3A_95 : memref<1x80xi32, #tpu.memory_space<hbm>> -> memref<80xi32, #tpu.memory_space<hbm>>
    tpu.wait_dma2 semaphore(%arg35 : memref<!tpu.dma_semaphore, #tpu.memory_space<semaphore_mem>>) src(%dma_wait3A_96 : memref<80xi32, #tpu.memory_space<hbm>>) dst(%arg19 : memref<80xi32, #tpu.memory_space<vmem>>)
    %dma_start3A_97 = arith.constant 0 : i32
    %dma_start3A_98 = arith.constant 0 : i32
    %dma_start3A_99 = tpu.memref_slice %arg2[%dma_start3A_97, %dma_start3A_98] : memref<10000x128xf32, #tpu.memory_space<hbm>> -> memref<10000x128xf32, #tpu.memory_space<hbm>>
    tpu.enqueue_indirect_dma source(%dma_start3A_99 : memref<10000x128xf32, #tpu.memory_space<hbm>>) target(%arg27 : memref<80x128xf32, #tpu.memory_space<vmem>>) offsets(%arg11 : memref<80xi32, #tpu.memory_space<vmem>>) semaphore(%arg31 : memref<!tpu.dma_semaphore, #tpu.memory_space<semaphore_mem>>)
    %mul3A_100 = arith.constant 10000 : i32
    %mul3A_101 = arith.muli %add3A, %mul3A_100 : i32
    %add3A_102 = arith.constant 80 : i32
    %add3A_103 = arith.addi %mul3A_101, %add3A_102 : i32
    %dma_wait3A_104 = arith.constant 0 : i32
    %dma_wait3A_105 = tpu.memref_slice %arg3[%dma_wait3A_104, %add3A_103] : memref<2x320000xi32, #tpu.memory_space<hbm>> -> memref<1x80xi32, #tpu.memory_space<hbm>>
    %dma_wait3A_106 = tpu.memref_squeeze %dma_wait3A_105 : memref<1x80xi32, #tpu.memory_space<hbm>> -> memref<80xi32, #tpu.memory_space<hbm>>
    %dma_wait3A_107 = tpu.memref_slice %arg3[%dma_wait3A_104, %add3A_103] : memref<2x320000xi32, #tpu.memory_space<hbm>> -> memref<1x80xi32, #tpu.memory_space<hbm>>
    %dma_wait3A_108 = tpu.memref_squeeze %dma_wait3A_107 : memref<1x80xi32, #tpu.memory_space<hbm>> -> memref<80xi32, #tpu.memory_space<hbm>>
    tpu.wait_dma2 semaphore(%arg36 : memref<!tpu.dma_semaphore, #tpu.memory_space<semaphore_mem>>) src(%dma_wait3A_108 : memref<80xi32, #tpu.memory_space<hbm>>) dst(%arg12 : memref<80xi32, #tpu.memory_space<vmem>>)
    %dma_wait3A_109 = arith.constant 1 : i32
    %dma_wait3A_110 = tpu.memref_slice %arg3[%dma_wait3A_109, %add3A_103] : memref<2x320000xi32, #tpu.memory_space<hbm>> -> memref<1x80xi32, #tpu.memory_space<hbm>>
    %dma_wait3A_111 = tpu.memref_squeeze %dma_wait3A_110 : memref<1x80xi32, #tpu.memory_space<hbm>> -> memref<80xi32, #tpu.memory_space<hbm>>
    %dma_wait3A_112 = tpu.memref_slice %arg3[%dma_wait3A_109, %add3A_103] : memref<2x320000xi32, #tpu.memory_space<hbm>> -> memref<1x80xi32, #tpu.memory_space<hbm>>
    %dma_wait3A_113 = tpu.memref_squeeze %dma_wait3A_112 : memref<1x80xi32, #tpu.memory_space<hbm>> -> memref<80xi32, #tpu.memory_space<hbm>>
    tpu.wait_dma2 semaphore(%arg36 : memref<!tpu.dma_semaphore, #tpu.memory_space<semaphore_mem>>) src(%dma_wait3A_113 : memref<80xi32, #tpu.memory_space<hbm>>) dst(%arg20 : memref<80xi32, #tpu.memory_space<vmem>>)
    %dma_start3A_114 = arith.constant 0 : i32
    %dma_start3A_115 = arith.constant 0 : i32
    %dma_start3A_116 = tpu.memref_slice %arg2[%dma_start3A_114, %dma_start3A_115] : memref<10000x128xf32, #tpu.memory_space<hbm>> -> memref<10000x128xf32, #tpu.memory_space<hbm>>
    tpu.enqueue_indirect_dma source(%dma_start3A_116 : memref<10000x128xf32, #tpu.memory_space<hbm>>) target(%arg28 : memref<80x128xf32, #tpu.memory_space<vmem>>) offsets(%arg12 : memref<80xi32, #tpu.memory_space<vmem>>) semaphore(%arg32 : memref<!tpu.dma_semaphore, #tpu.memory_space<semaphore_mem>>)
    %scan3A = arith.constant 0 : i32
    %scan3A_117 = arith.constant 0 : i32
    %scan3A_118 = arith.constant 640 : i32
    %scan3A_119 = arith.addi %scan3A_117, %scan3A_118 : i32
    %scan3A_120 = arith.constant 1 : i32
    %scan3A_121 = scf.for %scan3A_170 = %scan3A_117 to %scan3A_119 step %scan3A_120 iter_args(%scan3A_171 = %scan3A) -> (i32)  : i32 {
      %jit3A = arith.constant 8 : i32
      %div3A = arith.divsi %scan3A_170, %jit3A : i32
      %sign3A = arith.constant 0 : i32
      %sign3A_172 = arith.cmpi sgt, %scan3A_170, %sign3A : i32
      %sign3A_173 = arith.extui %sign3A_172 : i1 to i32
      %sign3A_174 = arith.constant 0 : i32
      %sign3A_175 = arith.cmpi slt, %scan3A_170, %sign3A_174 : i32
      %sign3A_176 = arith.extui %sign3A_175 : i1 to i32
      %sign3A_177 = arith.subi %sign3A_173, %sign3A_176 : i32
      %sign3A_178 = arith.constant 0 : i32
      %sign3A_179 = arith.cmpi sgt, %jit3A, %sign3A_178 : i32
      %sign3A_180 = arith.extui %sign3A_179 : i1 to i32
      %sign3A_181 = arith.constant 0 : i32
      %sign3A_182 = arith.cmpi slt, %jit3A, %sign3A_181 : i32
      %sign3A_183 = arith.extui %sign3A_182 : i1 to i32
      %sign3A_184 = arith.subi %sign3A_180, %sign3A_183 : i32
      %ne3A = arith.cmpi ne, %sign3A_177, %sign3A_184 : i32
      %rem3A = arith.remsi %scan3A_170, %jit3A : i32
      %ne3A_185 = arith.constant 0 : i32
      %ne3A_186 = arith.cmpi ne, %rem3A, %ne3A_185 : i32
      %and3A = arith.andi %ne3A, %ne3A_186 : i1
      %sub3A = arith.constant 1 : i32
      %sub3A_187 = arith.subi %div3A, %sub3A : i32
      %select_n3A = arith.select %and3A, %sub3A_187, %div3A : i32
      %jit3A_188 = arith.constant 8 : i32
      %eq3A_189 = arith.constant 0 : i32
      %eq3A_190 = arith.cmpi eq, %jit3A_188, %eq3A_189 : i32
      %jit3A_191 = arith.constant 1 : i32
      %select_n3A_192 = arith.select %eq3A_190, %jit3A_191, %jit3A_188 : i32
      %rem3A_193 = arith.remsi %scan3A_170, %select_n3A_192 : i32
      %ne3A_194 = arith.constant 0 : i32
      %ne3A_195 = arith.cmpi ne, %rem3A_193, %ne3A_194 : i32
      %lt3A = arith.constant 0 : i32
      %lt3A_196 = arith.cmpi slt, %rem3A_193, %lt3A : i32
      %lt3A_197 = arith.constant 0 : i32
      %lt3A_198 = arith.cmpi slt, %select_n3A_192, %lt3A_197 : i32
      %ne3A_199 = arith.xori %lt3A_196, %lt3A_198 : i1
      %and3A_200 = arith.andi %ne3A_199, %ne3A_195 : i1
      %add3A_201 = arith.addi %rem3A_193, %select_n3A_192 : i32
      %select_n3A_202 = arith.select %and3A_200, %add3A_201, %rem3A_193 : i32
      %mul3A_203 = arith.constant 16 : i32
      %mul3A_204 = arith.muli %select_n3A_202, %mul3A_203 : i32
      %broadcast_in_dim3A = arith.constant 0.000000e+00 : f32
      %broadcast_in_dim3A_205 = vector.broadcast %broadcast_in_dim3A : f32 to vector<16xf32>
      %swap3A = arith.index_cast %select_n3A : i32 to index
      %swap3A_206 = arith.index_cast %mul3A_204 : i32 to index
      %swap3A_207 = tpu.vector_load %arg30[%swap3A, %swap3A_206] {strides = array<i32>} : memref<80x128xf32, #tpu.memory_space<vmem>>, vector<1x16xf32>,
      %swap3A_208 = vector.shape_cast %swap3A_207 : vector<1x16xf32> to vector<16xf32>
      %swap3A_209 = vector.shape_cast %broadcast_in_dim3A_205 : vector<16xf32> to vector<1x16xf32>
      tpu.vector_store %arg30[%swap3A, %swap3A_206], %swap3A_209 {strides = array<i32>} : memref<80x128xf32, #tpu.memory_space<vmem>>, vector<1x16xf32>,
      %scan3A_210 = arith.constant 0 : i32
      scf.yield %scan3A_210 : i32
    }
    %scan3A_122 = arith.constant 640 : i32
    %scan3A_123 = arith.constant 0 : i32
    %scan3A_124 = arith.constant 0 : i32
    %scan3A_125 = arith.constant 7 : i32
    %scan3A_126 = arith.addi %scan3A_124, %scan3A_125 : i32
    %scan3A_127 = arith.constant 1 : i32
    %scan3A_128 = scf.for %scan3A_170 = %scan3A_124 to %scan3A_126 step %scan3A_127 iter_args(%scan3A_171 = %scan3A_123) -> (i32)  : i32 {
      %mul3A_172 = arith.constant 625 : i32
      %mul3A_173 = arith.muli %arg1, %mul3A_172 : i32
      %mul3A_174 = arith.constant 80 : i32
      %mul3A_175 = arith.muli %scan3A_170, %mul3A_174 : i32
      %add3A_176 = arith.addi %mul3A_173, %mul3A_175 : i32
      "tpu.region"() ({
        %run_scoped3A = tpu.sem_alloc : memref<!tpu.dma_semaphore, #tpu.memory_space<semaphore_mem>>
        %dma_start3A_178 = arith.constant 0 : i32
        %dma_start3A_179 = tpu.memref_slice %arg10[%add3A_176, %dma_start3A_178] : memref<10000x128xf32, #tpu.memory_space<vmem_shared>> -> memref<80x128xf32, #tpu.memory_space<vmem_shared>>
        %dma_start3A_180 = arith.constant 0 : i32
        %dma_start3A_181 = tpu.memref_slice %arg10[%add3A_176, %dma_start3A_180] : memref<10000x128xf32, #tpu.memory_space<vmem_shared>> -> memref<80x128xf32, #tpu.memory_space<vmem_shared>>
        tpu.enqueue_dma source(%arg30 : memref<80x128xf32, #tpu.memory_space<vmem>>) target(%dma_start3A_181 : memref<80x128xf32, #tpu.memory_space<vmem_shared>>) target_semaphore(%run_scoped3A : memref<!tpu.dma_semaphore, #tpu.memory_space<semaphore_mem>>)
        %dma_wait3A_182 = arith.constant 0 : i32
        %dma_wait3A_183 = tpu.memref_slice %arg10[%add3A_176, %dma_wait3A_182] : memref<10000x128xf32, #tpu.memory_space<vmem_shared>> -> memref<80x128xf32, #tpu.memory_space<vmem_shared>>
        %dma_wait3A_184 = arith.constant 0 : i32
        %dma_wait3A_185 = tpu.memref_slice %arg10[%add3A_176, %dma_wait3A_184] : memref<10000x128xf32, #tpu.memory_space<vmem_shared>> -> memref<80x128xf32, #tpu.memory_space<vmem_shared>>
        tpu.wait_dma2 semaphore(%run_scoped3A : memref<!tpu.dma_semaphore, #tpu.memory_space<semaphore_mem>>) src(%arg30 : memref<80x128xf32, #tpu.memory_space<vmem>>) dst(%dma_wait3A_185 : memref<80x128xf32, #tpu.memory_space<vmem_shared>>)
        tpu.yield
      }) : () -> ()
      %scan3A_177 = arith.constant 0 : i32
      scf.yield %scan3A_177 : i32
    }
    %scan3A_129 = arith.constant 7 : i32
    %mul3A_130 = arith.constant 625 : i32
    %mul3A_131 = arith.muli %arg1, %mul3A_130 : i32
    %add3A_132 = arith.constant 560 : i32
    %add3A_133 = arith.addi %mul3A_131, %add3A_132 : i32
    "tpu.region"() ({
      %run_scoped3A = tpu.sem_alloc : memref<!tpu.dma_semaphore, #tpu.memory_space<semaphore_mem>>
      %dma_start3A_170 = arith.constant 0 : i32
      %dma_start3A_171 = arith.constant 0 : i32
      %dma_start3A_172 = tpu.memref_slice %arg30[%dma_start3A_170, %dma_start3A_171] : memref<80x128xf32, #tpu.memory_space<vmem>> -> memref<65x128xf32, #tpu.memory_space<vmem>>
      %dma_start3A_173 = arith.constant 0 : i32
      %dma_start3A_174 = tpu.memref_slice %arg10[%add3A_133, %dma_start3A_173] : memref<10000x128xf32, #tpu.memory_space<vmem_shared>> -> memref<65x128xf32, #tpu.memory_space<vmem_shared>>
      %dma_start3A_175 = arith.constant 0 : i32
      %dma_start3A_176 = tpu.memref_slice %arg10[%add3A_133, %dma_start3A_175] : memref<10000x128xf32, #tpu.memory_space<vmem_shared>> -> memref<65x128xf32, #tpu.memory_space<vmem_shared>>
      %dma_start3A_177 = arith.constant 0 : i32
      %dma_start3A_178 = arith.constant 0 : i32
      %dma_start3A_179 = tpu.memref_slice %arg30[%dma_start3A_177, %dma_start3A_178] : memref<80x128xf32, #tpu.memory_space<vmem>> -> memref<65x128xf32, #tpu.memory_space<vmem>>
      tpu.enqueue_dma source(%dma_start3A_179 : memref<65x128xf32, #tpu.memory_space<vmem>>) target(%dma_start3A_176 : memref<65x128xf32, #tpu.memory_space<vmem_shared>>) target_semaphore(%run_scoped3A : memref<!tpu.dma_semaphore, #tpu.memory_space<semaphore_mem>>)
      %dma_wait3A_180 = arith.constant 0 : i32
      %dma_wait3A_181 = arith.constant 0 : i32
      %dma_wait3A_182 = tpu.memref_slice %arg30[%dma_wait3A_180, %dma_wait3A_181] : memref<80x128xf32, #tpu.memory_space<vmem>> -> memref<65x128xf32, #tpu.memory_space<vmem>>
      %dma_wait3A_183 = arith.constant 0 : i32
      %dma_wait3A_184 = tpu.memref_slice %arg10[%add3A_133, %dma_wait3A_183] : memref<10000x128xf32, #tpu.memory_space<vmem_shared>> -> memref<65x128xf32, #tpu.memory_space<vmem_shared>>
      %dma_wait3A_185 = arith.constant 0 : i32
      %dma_wait3A_186 = tpu.memref_slice %arg10[%add3A_133, %dma_wait3A_185] : memref<10000x128xf32, #tpu.memory_space<vmem_shared>> -> memref<65x128xf32, #tpu.memory_space<vmem_shared>>
      %dma_wait3A_187 = arith.constant 0 : i32
      %dma_wait3A_188 = arith.constant 0 : i32
      %dma_wait3A_189 = tpu.memref_slice %arg30[%dma_wait3A_187, %dma_wait3A_188] : memref<80x128xf32, #tpu.memory_space<vmem>> -> memref<65x128xf32, #tpu.memory_space<vmem>>
      tpu.wait_dma2 semaphore(%run_scoped3A : memref<!tpu.dma_semaphore, #tpu.memory_space<semaphore_mem>>) src(%dma_wait3A_189 : memref<65x128xf32, #tpu.memory_space<vmem>>) dst(%dma_wait3A_186 : memref<65x128xf32, #tpu.memory_space<vmem_shared>>)
      tpu.yield
    }) : () -> ()
    "tpu.region"() ({
      %run_scoped3A = tpu.sem_alloc : memref<!tpu.dma_semaphore, #tpu.memory_space<semaphore_mem>>
      tpu.enqueue_dma source(%arg4 : memref<80x8xf32, #tpu.memory_space<hbm>>) target(%arg48 : memref<80x8xf32, #tpu.memory_space<vmem>>) target_semaphore(%run_scoped3A : memref<!tpu.dma_semaphore, #tpu.memory_space<semaphore_mem>>)
      tpu.wait_dma2 semaphore(%run_scoped3A : memref<!tpu.dma_semaphore, #tpu.memory_space<semaphore_mem>>) src(%arg4 : memref<80x8xf32, #tpu.memory_space<hbm>>) dst(%arg48 : memref<80x8xf32, #tpu.memory_space<vmem>>)
      tpu.yield
    }) : () -> ()
    "tpu.region"() ({
      %run_scoped3A = tpu.sem_alloc : memref<!tpu.dma_semaphore, #tpu.memory_space<semaphore_mem>>
      tpu.enqueue_dma source(%arg5 : memref<125x8xf32, #tpu.memory_space<hbm>>) target(%arg49 : memref<125x8xf32, #tpu.memory_space<vmem>>) target_semaphore(%run_scoped3A : memref<!tpu.dma_semaphore, #tpu.memory_space<semaphore_mem>>)
      tpu.wait_dma2 semaphore(%run_scoped3A : memref<!tpu.dma_semaphore, #tpu.memory_space<semaphore_mem>>) src(%arg5 : memref<125x8xf32, #tpu.memory_space<hbm>>) dst(%arg49 : memref<125x8xf32, #tpu.memory_space<vmem>>)
      tpu.yield
    }) : () -> ()
    %scan3A_134 = arith.constant 0 : i32
    %scan3A_135 = arith.constant 0 : i32
    %scan3A_136 = arith.constant 5 : i32
    %scan3A_137 = arith.addi %scan3A_135, %scan3A_136 : i32
    %scan3A_138 = arith.constant 1 : i32
    %scan3A_139 = scf.for %scan3A_170 = %scan3A_135 to %scan3A_137 step %scan3A_138 iter_args(%scan3A_171 = %scan3A_134) -> (i32)  : i32 {
      %mul3A_172 = arith.constant 625 : i32
      %mul3A_173 = arith.muli %arg1, %mul3A_172 : i32
      %mul3A_174 = arith.constant 125 : i32
      %mul3A_175 = arith.muli %scan3A_170, %mul3A_174 : i32
      %add3A_176 = arith.addi %mul3A_173, %mul3A_175 : i32
      "tpu.region"() ({
        %run_scoped3A = tpu.sem_alloc : memref<!tpu.dma_semaphore, #tpu.memory_space<semaphore_mem>>
        %dma_start3A_178 = arith.constant 0 : i32
        %dma_start3A_179 = tpu.memref_slice %arg47[%add3A_176, %dma_start3A_178] : memref<10000x8xf32, #tpu.memory_space<vmem_shared>> -> memref<125x8xf32, #tpu.memory_space<vmem_shared>>
        %dma_start3A_180 = arith.constant 0 : i32
        %dma_start3A_181 = tpu.memref_slice %arg47[%add3A_176, %dma_start3A_180] : memref<10000x8xf32, #tpu.memory_space<vmem_shared>> -> memref<125x8xf32, #tpu.memory_space<vmem_shared>>
        tpu.enqueue_dma source(%arg49 : memref<125x8xf32, #tpu.memory_space<vmem>>) target(%dma_start3A_181 : memref<125x8xf32, #tpu.memory_space<vmem_shared>>) target_semaphore(%run_scoped3A : memref<!tpu.dma_semaphore, #tpu.memory_space<semaphore_mem>>)
        %dma_wait3A_182 = arith.constant 0 : i32
        %dma_wait3A_183 = tpu.memref_slice %arg47[%add3A_176, %dma_wait3A_182] : memref<10000x8xf32, #tpu.memory_space<vmem_shared>> -> memref<125x8xf32, #tpu.memory_space<vmem_shared>>
        %dma_wait3A_184 = arith.constant 0 : i32
        %dma_wait3A_185 = tpu.memref_slice %arg47[%add3A_176, %dma_wait3A_184] : memref<10000x8xf32, #tpu.memory_space<vmem_shared>> -> memref<125x8xf32, #tpu.memory_space<vmem_shared>>
        tpu.wait_dma2 semaphore(%run_scoped3A : memref<!tpu.dma_semaphore, #tpu.memory_space<semaphore_mem>>) src(%arg49 : memref<125x8xf32, #tpu.memory_space<vmem>>) dst(%dma_wait3A_185 : memref<125x8xf32, #tpu.memory_space<vmem_shared>>)
        tpu.yield
      }) : () -> ()
      %scan3A_177 = arith.constant 0 : i32
      scf.yield %scan3A_177 : i32
    }
    %scan3A_140 = arith.constant 5 : i32
    %barrier3A = arith.constant 0 : index
    tpu.barrier barrier_id(%barrier3A)
    %scan3A_141 = arith.constant 0 : i32
    %scan3A_142 = arith.constant 0 : i32
    %scan3A_143 = arith.constant 125 : i32
    %scan3A_144 = arith.addi %scan3A_142, %scan3A_143 : i32
    %scan3A_145 = arith.constant 1 : i32
    %scan3A_146 = scf.for %scan3A_170 = %scan3A_142 to %scan3A_144 step %scan3A_145 iter_args(%scan3A_171 = %scan3A_141) -> (i32)  : i32 {
      %jit3A = arith.constant 8 : i32
      %eq3A_172 = arith.constant 0 : i32
      %eq3A_173 = arith.cmpi eq, %jit3A, %eq3A_172 : i32
      %jit3A_174 = arith.constant 1 : i32
      %select_n3A = arith.select %eq3A_173, %jit3A_174, %jit3A : i32
      %rem3A = arith.remsi %scan3A_170, %select_n3A : i32
      %ne3A = arith.constant 0 : i32
      %ne3A_175 = arith.cmpi ne, %rem3A, %ne3A : i32
      %lt3A = arith.constant 0 : i32
      %lt3A_176 = arith.cmpi slt, %rem3A, %lt3A : i32
      %lt3A_177 = arith.constant 0 : i32
      %lt3A_178 = arith.cmpi slt, %select_n3A, %lt3A_177 : i32
      %ne3A_179 = arith.xori %lt3A_176, %lt3A_178 : i1
      %and3A = arith.andi %ne3A_179, %ne3A_175 : i1
      %add3A_180 = arith.addi %rem3A, %select_n3A : i32
      %select_n3A_181 = arith.select %and3A, %add3A_180, %rem3A : i32
      %eq3A_182 = arith.constant 0 : i32
      %eq3A_183 = arith.cmpi eq, %select_n3A_181, %eq3A_182 : i32
      %convert_element_type3A_184 = arith.extui %eq3A_183 : i1 to i32
      %cond3A_185 = arith.constant 0 : i32
      %cond3A_186 = arith.cmpi ne, %convert_element_type3A_184, %cond3A_185 : i32
      scf.if %cond3A_186 {
        %dma_wait3A_335 = arith.constant 0 : i32
        %dma_wait3A_336 = arith.constant 0 : i32
        %dma_wait3A_337 = tpu.memref_slice %arg2[%dma_wait3A_335, %dma_wait3A_336] : memref<10000x128xf32, #tpu.memory_space<hbm>> -> memref<10000x128xf32, #tpu.memory_space<hbm>>
        tpu.wait_indirect_dma semaphore(%arg31 : memref<!tpu.dma_semaphore, #tpu.memory_space<semaphore_mem>>) src(%dma_wait3A_337 : memref<10000x128xf32, #tpu.memory_space<hbm>>) dst(%arg27 : memref<80x128xf32, #tpu.memory_space<vmem>>)
        %ge3A = arith.constant 2 : i32
        %ge3A_338 = arith.cmpi sge, %scan3A_170, %ge3A : i32
        %convert_element_type3A_339 = arith.extui %ge3A_338 : i1 to i32
        %cond3A_340 = arith.constant 0 : i32
        %cond3A_341 = arith.cmpi ne, %convert_element_type3A_339, %cond3A_340 : i32
        scf.if %cond3A_341 {
          %dma_wait3A_362 = arith.constant 0 : i32
          %dma_wait3A_363 = arith.constant 0 : i32
          %dma_wait3A_364 = tpu.memref_slice %arg10[%dma_wait3A_362, %dma_wait3A_363] : memref<10000x128xf32, #tpu.memory_space<vmem_shared>> -> memref<10000x128xf32, #tpu.memory_space<vmem_shared>>
          tpu.wait_indirect_dma semaphore(%arg45 : memref<!tpu.dma_semaphore, #tpu.memory_space<semaphore_mem>>) src(%arg29 : memref<80x128xf32, #tpu.memory_space<vmem>>) dst(%dma_wait3A_364 : memref<10000x128xf32, #tpu.memory_space<vmem_shared>>)
          %dma_wait3A_365 = arith.constant 0 : i32
          %dma_wait3A_366 = arith.constant 0 : i32
          %dma_wait3A_367 = tpu.memref_slice %arg47[%dma_wait3A_365, %dma_wait3A_366] : memref<10000x8xf32, #tpu.memory_space<vmem_shared>> -> memref<10000x8xf32, #tpu.memory_space<vmem_shared>>
          tpu.wait_indirect_dma semaphore(%arg52 : memref<!tpu.dma_semaphore, #tpu.memory_space<semaphore_mem>>) src(%arg48 : memref<80x8xf32, #tpu.memory_space<vmem>>) dst(%dma_wait3A_367 : memref<10000x8xf32, #tpu.memory_space<vmem_shared>>)
        } else {
        }
        %add3A_342 = arith.constant 2 : i32
        %add3A_343 = arith.addi %scan3A_170, %add3A_342 : i32
        %lt3A_344 = arith.constant 125 : i32
        %lt3A_345 = arith.cmpi slt, %add3A_343, %lt3A_344 : i32
        %convert_element_type3A_346 = arith.extui %lt3A_345 : i1 to i32
        %cond3A_347 = arith.constant 0 : i32
        %cond3A_348 = arith.cmpi ne, %convert_element_type3A_346, %cond3A_347 : i32
        scf.if %cond3A_348 {
          %add3A_362 = arith.constant 2 : i32
          %add3A_363 = arith.addi %scan3A_170, %add3A_362 : i32
          %mul3A_364 = arith.constant 10000 : i32
          %mul3A_365 = arith.muli %add3A, %mul3A_364 : i32
          %mul3A_366 = arith.constant 80 : i32
          %mul3A_367 = arith.muli %add3A_363, %mul3A_366 : i32
          %add3A_368 = arith.addi %mul3A_365, %mul3A_367 : i32
          %dma_wait3A_369 = arith.constant 0 : i32
          %dma_wait3A_370 = tpu.memref_slice %arg3[%dma_wait3A_369, %add3A_368] : memref<2x320000xi32, #tpu.memory_space<hbm>> -> memref<1x80xi32, #tpu.memory_space<hbm>>
          %dma_wait3A_371 = tpu.memref_squeeze %dma_wait3A_370 : memref<1x80xi32, #tpu.memory_space<hbm>> -> memref<80xi32, #tpu.memory_space<hbm>>
          %dma_wait3A_372 = tpu.memref_slice %arg3[%dma_wait3A_369, %add3A_368] : memref<2x320000xi32, #tpu.memory_space<hbm>> -> memref<1x80xi32, #tpu.memory_space<hbm>>
          %dma_wait3A_373 = tpu.memref_squeeze %dma_wait3A_372 : memref<1x80xi32, #tpu.memory_space<hbm>> -> memref<80xi32, #tpu.memory_space<hbm>>
          tpu.wait_dma2 semaphore(%arg37 : memref<!tpu.dma_semaphore, #tpu.memory_space<semaphore_mem>>) src(%dma_wait3A_373 : memref<80xi32, #tpu.memory_space<hbm>>) dst(%arg13 : memref<80xi32, #tpu.memory_space<vmem>>)
          %dma_wait3A_374 = arith.constant 1 : i32
          %dma_wait3A_375 = tpu.memref_slice %arg3[%dma_wait3A_374, %add3A_368] : memref<2x320000xi32, #tpu.memory_space<hbm>> -> memref<1x80xi32, #tpu.memory_space<hbm>>
          %dma_wait3A_376 = tpu.memref_squeeze %dma_wait3A_375 : memref<1x80xi32, #tpu.memory_space<hbm>> -> memref<80xi32, #tpu.memory_space<hbm>>
          %dma_wait3A_377 = tpu.memref_slice %arg3[%dma_wait3A_374, %add3A_368] : memref<2x320000xi32, #tpu.memory_space<hbm>> -> memref<1x80xi32, #tpu.memory_space<hbm>>
          %dma_wait3A_378 = tpu.memref_squeeze %dma_wait3A_377 : memref<1x80xi32, #tpu.memory_space<hbm>> -> memref<80xi32, #tpu.memory_space<hbm>>
          tpu.wait_dma2 semaphore(%arg37 : memref<!tpu.dma_semaphore, #tpu.memory_space<semaphore_mem>>) src(%dma_wait3A_378 : memref<80xi32, #tpu.memory_space<hbm>>) dst(%arg21 : memref<80xi32, #tpu.memory_space<vmem>>)
          %dma_start3A_379 = arith.constant 0 : i32
          %dma_start3A_380 = arith.constant 0 : i32
          %dma_start3A_381 = tpu.memref_slice %arg2[%dma_start3A_379, %dma_start3A_380] : memref<10000x128xf32, #tpu.memory_space<hbm>> -> memref<10000x128xf32, #tpu.memory_space<hbm>>
          tpu.enqueue_indirect_dma source(%dma_start3A_381 : memref<10000x128xf32, #tpu.memory_space<hbm>>) target(%arg29 : memref<80x128xf32, #tpu.memory_space<vmem>>) offsets(%arg13 : memref<80xi32, #tpu.memory_space<vmem>>) semaphore(%arg33 : memref<!tpu.dma_semaphore, #tpu.memory_space<semaphore_mem>>)
        } else {
        }
        %dma_start3A_349 = arith.constant 0 : i32
        %dma_start3A_350 = arith.constant 0 : i32
        %dma_start3A_351 = tpu.memref_slice %arg10[%dma_start3A_349, %dma_start3A_350] : memref<10000x128xf32, #tpu.memory_space<vmem_shared>> -> memref<10000x128xf32, #tpu.memory_space<vmem_shared>>
        tpu.enqueue_indirect_dma source(%arg27 : memref<80x128xf32, #tpu.memory_space<vmem>>) target(%dma_start3A_351 : memref<10000x128xf32, #tpu.memory_space<vmem_shared>>) offsets(%arg19 : memref<80xi32, #tpu.memory_space<vmem>>) semaphore(%arg43 : memref<!tpu.dma_semaphore, #tpu.memory_space<semaphore_mem>>) {add = true}
        %dma_start3A_352 = arith.constant 0 : i32
        %dma_start3A_353 = arith.constant 0 : i32
        %dma_start3A_354 = tpu.memref_slice %arg47[%dma_start3A_352, %dma_start3A_353] : memref<10000x8xf32, #tpu.memory_space<vmem_shared>> -> memref<10000x8xf32, #tpu.memory_space<vmem_shared>>
        tpu.enqueue_indirect_dma source(%arg48 : memref<80x8xf32, #tpu.memory_space<vmem>>) target(%dma_start3A_354 : memref<10000x8xf32, #tpu.memory_space<vmem_shared>>) offsets(%arg19 : memref<80xi32, #tpu.memory_space<vmem>>) semaphore(%arg50 : memref<!tpu.dma_semaphore, #tpu.memory_space<semaphore_mem>>) {add = true}
        %add3A_355 = arith.constant 6 : i32
        %add3A_356 = arith.addi %scan3A_170, %add3A_355 : i32
        %lt3A_357 = arith.constant 125 : i32
        %lt3A_358 = arith.cmpi slt, %add3A_356, %lt3A_357 : i32
        %convert_element_type3A_359 = arith.extui %lt3A_358 : i1 to i32
        %cond3A_360 = arith.constant 0 : i32
        %cond3A_361 = arith.cmpi ne, %convert_element_type3A_359, %cond3A_360 : i32
        scf.if %cond3A_361 {
          %add3A_362 = arith.constant 6 : i32
          %add3A_363 = arith.addi %scan3A_170, %add3A_362 : i32
          %mul3A_364 = arith.constant 10000 : i32
          %mul3A_365 = arith.muli %add3A, %mul3A_364 : i32
          %mul3A_366 = arith.constant 80 : i32
          %mul3A_367 = arith.muli %add3A_363, %mul3A_366 : i32
          %add3A_368 = arith.addi %mul3A_365, %mul3A_367 : i32
          %dma_start3A_369 = arith.constant 0 : i32
          %dma_start3A_370 = tpu.memref_slice %arg3[%dma_start3A_369, %add3A_368] : memref<2x320000xi32, #tpu.memory_space<hbm>> -> memref<1x80xi32, #tpu.memory_space<hbm>>
          %dma_start3A_371 = tpu.memref_squeeze %dma_start3A_370 : memref<1x80xi32, #tpu.memory_space<hbm>> -> memref<80xi32, #tpu.memory_space<hbm>>
          %dma_start3A_372 = tpu.memref_slice %arg3[%dma_start3A_369, %add3A_368] : memref<2x320000xi32, #tpu.memory_space<hbm>> -> memref<1x80xi32, #tpu.memory_space<hbm>>
          %dma_start3A_373 = tpu.memref_squeeze %dma_start3A_372 : memref<1x80xi32, #tpu.memory_space<hbm>> -> memref<80xi32, #tpu.memory_space<hbm>>
          tpu.enqueue_dma source(%dma_start3A_373 : memref<80xi32, #tpu.memory_space<hbm>>) target(%arg17 : memref<80xi32, #tpu.memory_space<vmem>>) target_semaphore(%arg41 : memref<!tpu.dma_semaphore, #tpu.memory_space<semaphore_mem>>)
          %dma_start3A_374 = arith.constant 1 : i32
          %dma_start3A_375 = tpu.memref_slice %arg3[%dma_start3A_374, %add3A_368] : memref<2x320000xi32, #tpu.memory_space<hbm>> -> memref<1x80xi32, #tpu.memory_space<hbm>>
          %dma_start3A_376 = tpu.memref_squeeze %dma_start3A_375 : memref<1x80xi32, #tpu.memory_space<hbm>> -> memref<80xi32, #tpu.memory_space<hbm>>
          %dma_start3A_377 = tpu.memref_slice %arg3[%dma_start3A_374, %add3A_368] : memref<2x320000xi32, #tpu.memory_space<hbm>> -> memref<1x80xi32, #tpu.memory_space<hbm>>
          %dma_start3A_378 = tpu.memref_squeeze %dma_start3A_377 : memref<1x80xi32, #tpu.memory_space<hbm>> -> memref<80xi32, #tpu.memory_space<hbm>>
          tpu.enqueue_dma source(%dma_start3A_378 : memref<80xi32, #tpu.memory_space<hbm>>) target(%arg25 : memref<80xi32, #tpu.memory_space<vmem>>) target_semaphore(%arg41 : memref<!tpu.dma_semaphore, #tpu.memory_space<semaphore_mem>>)
        } else {
        }
      } else {
      }
      %jit3A_187 = arith.constant 8 : i32
      %eq3A_188 = arith.constant 0 : i32
      %eq3A_189 = arith.cmpi eq, %jit3A_187, %eq3A_188 : i32
      %jit3A_190 = arith.constant 1 : i32
      %select_n3A_191 = arith.select %eq3A_189, %jit3A_190, %jit3A_187 : i32
      %rem3A_192 = arith.remsi %scan3A_170, %select_n3A_191 : i32
      %ne3A_193 = arith.constant 0 : i32
      %ne3A_194 = arith.cmpi ne, %rem3A_192, %ne3A_193 : i32
      %lt3A_195 = arith.constant 0 : i32
      %lt3A_196 = arith.cmpi slt, %rem3A_192, %lt3A_195 : i32
      %lt3A_197 = arith.constant 0 : i32
      %lt3A_198 = arith.cmpi slt, %select_n3A_191, %lt3A_197 : i32
      %ne3A_199 = arith.xori %lt3A_196, %lt3A_198 : i1
      %and3A_200 = arith.andi %ne3A_199, %ne3A_194 : i1
      %add3A_201 = arith.addi %rem3A_192, %select_n3A_191 : i32
      %select_n3A_202 = arith.select %and3A_200, %add3A_201, %rem3A_192 : i32
      %eq3A_203 = arith.constant 1 : i32
      %eq3A_204 = arith.cmpi eq, %select_n3A_202, %eq3A_203 : i32
      %convert_element_type3A_205 = arith.extui %eq3A_204 : i1 to i32
      %cond3A_206 = arith.constant 0 : i32
      %cond3A_207 = arith.cmpi ne, %convert_element_type3A_205, %cond3A_206 : i32
      scf.if %cond3A_207 {
        %dma_wait3A_335 = arith.constant 0 : i32
        %dma_wait3A_336 = arith.constant 0 : i32
        %dma_wait3A_337 = tpu.memref_slice %arg2[%dma_wait3A_335, %dma_wait3A_336] : memref<10000x128xf32, #tpu.memory_space<hbm>> -> memref<10000x128xf32, #tpu.memory_space<hbm>>
        tpu.wait_indirect_dma semaphore(%arg32 : memref<!tpu.dma_semaphore, #tpu.memory_space<semaphore_mem>>) src(%dma_wait3A_337 : memref<10000x128xf32, #tpu.memory_space<hbm>>) dst(%arg28 : memref<80x128xf32, #tpu.memory_space<vmem>>)
        %ge3A = arith.constant 2 : i32
        %ge3A_338 = arith.cmpi sge, %scan3A_170, %ge3A : i32
        %convert_element_type3A_339 = arith.extui %ge3A_338 : i1 to i32
        %cond3A_340 = arith.constant 0 : i32
        %cond3A_341 = arith.cmpi ne, %convert_element_type3A_339, %cond3A_340 : i32
        scf.if %cond3A_341 {
          %dma_wait3A_362 = arith.constant 0 : i32
          %dma_wait3A_363 = arith.constant 0 : i32
          %dma_wait3A_364 = tpu.memref_slice %arg10[%dma_wait3A_362, %dma_wait3A_363] : memref<10000x128xf32, #tpu.memory_space<vmem_shared>> -> memref<10000x128xf32, #tpu.memory_space<vmem_shared>>
          tpu.wait_indirect_dma semaphore(%arg46 : memref<!tpu.dma_semaphore, #tpu.memory_space<semaphore_mem>>) src(%arg30 : memref<80x128xf32, #tpu.memory_space<vmem>>) dst(%dma_wait3A_364 : memref<10000x128xf32, #tpu.memory_space<vmem_shared>>)
          %dma_wait3A_365 = arith.constant 0 : i32
          %dma_wait3A_366 = arith.constant 0 : i32
          %dma_wait3A_367 = tpu.memref_slice %arg47[%dma_wait3A_365, %dma_wait3A_366] : memref<10000x8xf32, #tpu.memory_space<vmem_shared>> -> memref<10000x8xf32, #tpu.memory_space<vmem_shared>>
          tpu.wait_indirect_dma semaphore(%arg53 : memref<!tpu.dma_semaphore, #tpu.memory_space<semaphore_mem>>) src(%arg48 : memref<80x8xf32, #tpu.memory_space<vmem>>) dst(%dma_wait3A_367 : memref<10000x8xf32, #tpu.memory_space<vmem_shared>>)
        } else {
        }
        %add3A_342 = arith.constant 2 : i32
        %add3A_343 = arith.addi %scan3A_170, %add3A_342 : i32
        %lt3A_344 = arith.constant 125 : i32
        %lt3A_345 = arith.cmpi slt, %add3A_343, %lt3A_344 : i32
        %convert_element_type3A_346 = arith.extui %lt3A_345 : i1 to i32
        %cond3A_347 = arith.constant 0 : i32
        %cond3A_348 = arith.cmpi ne, %convert_element_type3A_346, %cond3A_347 : i32
        scf.if %cond3A_348 {
          %add3A_362 = arith.constant 2 : i32
          %add3A_363 = arith.addi %scan3A_170, %add3A_362 : i32
          %mul3A_364 = arith.constant 10000 : i32
          %mul3A_365 = arith.muli %add3A, %mul3A_364 : i32
          %mul3A_366 = arith.constant 80 : i32
          %mul3A_367 = arith.muli %add3A_363, %mul3A_366 : i32
          %add3A_368 = arith.addi %mul3A_365, %mul3A_367 : i32
          %dma_wait3A_369 = arith.constant 0 : i32
          %dma_wait3A_370 = tpu.memref_slice %arg3[%dma_wait3A_369, %add3A_368] : memref<2x320000xi32, #tpu.memory_space<hbm>> -> memref<1x80xi32, #tpu.memory_space<hbm>>
          %dma_wait3A_371 = tpu.memref_squeeze %dma_wait3A_370 : memref<1x80xi32, #tpu.memory_space<hbm>> -> memref<80xi32, #tpu.memory_space<hbm>>
          %dma_wait3A_372 = tpu.memref_slice %arg3[%dma_wait3A_369, %add3A_368] : memref<2x320000xi32, #tpu.memory_space<hbm>> -> memref<1x80xi32, #tpu.memory_space<hbm>>
          %dma_wait3A_373 = tpu.memref_squeeze %dma_wait3A_372 : memref<1x80xi32, #tpu.memory_space<hbm>> -> memref<80xi32, #tpu.memory_space<hbm>>
          tpu.wait_dma2 semaphore(%arg38 : memref<!tpu.dma_semaphore, #tpu.memory_space<semaphore_mem>>) src(%dma_wait3A_373 : memref<80xi32, #tpu.memory_space<hbm>>) dst(%arg14 : memref<80xi32, #tpu.memory_space<vmem>>)
          %dma_wait3A_374 = arith.constant 1 : i32
          %dma_wait3A_375 = tpu.memref_slice %arg3[%dma_wait3A_374, %add3A_368] : memref<2x320000xi32, #tpu.memory_space<hbm>> -> memref<1x80xi32, #tpu.memory_space<hbm>>
          %dma_wait3A_376 = tpu.memref_squeeze %dma_wait3A_375 : memref<1x80xi32, #tpu.memory_space<hbm>> -> memref<80xi32, #tpu.memory_space<hbm>>
          %dma_wait3A_377 = tpu.memref_slice %arg3[%dma_wait3A_374, %add3A_368] : memref<2x320000xi32, #tpu.memory_space<hbm>> -> memref<1x80xi32, #tpu.memory_space<hbm>>
          %dma_wait3A_378 = tpu.memref_squeeze %dma_wait3A_377 : memref<1x80xi32, #tpu.memory_space<hbm>> -> memref<80xi32, #tpu.memory_space<hbm>>
          tpu.wait_dma2 semaphore(%arg38 : memref<!tpu.dma_semaphore, #tpu.memory_space<semaphore_mem>>) src(%dma_wait3A_378 : memref<80xi32, #tpu.memory_space<hbm>>) dst(%arg22 : memref<80xi32, #tpu.memory_space<vmem>>)
          %dma_start3A_379 = arith.constant 0 : i32
          %dma_start3A_380 = arith.constant 0 : i32
          %dma_start3A_381 = tpu.memref_slice %arg2[%dma_start3A_379, %dma_start3A_380] : memref<10000x128xf32, #tpu.memory_space<hbm>> -> memref<10000x128xf32, #tpu.memory_space<hbm>>
          tpu.enqueue_indirect_dma source(%dma_start3A_381 : memref<10000x128xf32, #tpu.memory_space<hbm>>) target(%arg30 : memref<80x128xf32, #tpu.memory_space<vmem>>) offsets(%arg14 : memref<80xi32, #tpu.memory_space<vmem>>) semaphore(%arg34 : memref<!tpu.dma_semaphore, #tpu.memory_space<semaphore_mem>>)
        } else {
        }
        %dma_start3A_349 = arith.constant 0 : i32
        %dma_start3A_350 = arith.constant 0 : i32
        %dma_start3A_351 = tpu.memref_slice %arg10[%dma_start3A_349, %dma_start3A_350] : memref<10000x128xf32, #tpu.memory_space<vmem_shared>> -> memref<10000x128xf32, #tpu.memory_space<vmem_shared>>
        tpu.enqueue_indirect_dma source(%arg28 : memref<80x128xf32, #tpu.memory_space<vmem>>) target(%dma_start3A_351 : memref<10000x128xf32, #tpu.memory_space<vmem_shared>>) offsets(%arg20 : memref<80xi32, #tpu.memory_space<vmem>>) semaphore(%arg44 : memref<!tpu.dma_semaphore, #tpu.memory_space<semaphore_mem>>) {add = true}
        %dma_start3A_352 = arith.constant 0 : i32
        %dma_start3A_353 = arith.constant 0 : i32
        %dma_start3A_354 = tpu.memref_slice %arg47[%dma_start3A_352, %dma_start3A_353] : memref<10000x8xf32, #tpu.memory_space<vmem_shared>> -> memref<10000x8xf32, #tpu.memory_space<vmem_shared>>
        tpu.enqueue_indirect_dma source(%arg48 : memref<80x8xf32, #tpu.memory_space<vmem>>) target(%dma_start3A_354 : memref<10000x8xf32, #tpu.memory_space<vmem_shared>>) offsets(%arg20 : memref<80xi32, #tpu.memory_space<vmem>>) semaphore(%arg51 : memref<!tpu.dma_semaphore, #tpu.memory_space<semaphore_mem>>) {add = true}
        %add3A_355 = arith.constant 6 : i32
        %add3A_356 = arith.addi %scan3A_170, %add3A_355 : i32
        %lt3A_357 = arith.constant 125 : i32
        %lt3A_358 = arith.cmpi slt, %add3A_356, %lt3A_357 : i32
        %convert_element_type3A_359 = arith.extui %lt3A_358 : i1 to i32
        %cond3A_360 = arith.constant 0 : i32
        %cond3A_361 = arith.cmpi ne, %convert_element_type3A_359, %cond3A_360 : i32
        scf.if %cond3A_361 {
          %add3A_362 = arith.constant 6 : i32
          %add3A_363 = arith.addi %scan3A_170, %add3A_362 : i32
          %mul3A_364 = arith.constant 10000 : i32
          %mul3A_365 = arith.muli %add3A, %mul3A_364 : i32
          %mul3A_366 = arith.constant 80 : i32
          %mul3A_367 = arith.muli %add3A_363, %mul3A_366 : i32
          %add3A_368 = arith.addi %mul3A_365, %mul3A_367 : i32
          %dma_start3A_369 = arith.constant 0 : i32
          %dma_start3A_370 = tpu.memref_slice %arg3[%dma_start3A_369, %add3A_368] : memref<2x320000xi32, #tpu.memory_space<hbm>> -> memref<1x80xi32, #tpu.memory_space<hbm>>
          %dma_start3A_371 = tpu.memref_squeeze %dma_start3A_370 : memref<1x80xi32, #tpu.memory_space<hbm>> -> memref<80xi32, #tpu.memory_space<hbm>>
          %dma_start3A_372 = tpu.memref_slice %arg3[%dma_start3A_369, %add3A_368] : memref<2x320000xi32, #tpu.memory_space<hbm>> -> memref<1x80xi32, #tpu.memory_space<hbm>>
          %dma_start3A_373 = tpu.memref_squeeze %dma_start3A_372 : memref<1x80xi32, #tpu.memory_space<hbm>> -> memref<80xi32, #tpu.memory_space<hbm>>
          tpu.enqueue_dma source(%dma_start3A_373 : memref<80xi32, #tpu.memory_space<hbm>>) target(%arg18 : memref<80xi32, #tpu.memory_space<vmem>>) target_semaphore(%arg42 : memref<!tpu.dma_semaphore, #tpu.memory_space<semaphore_mem>>)
          %dma_start3A_374 = arith.constant 1 : i32
          %dma_start3A_375 = tpu.memref_slice %arg3[%dma_start3A_374, %add3A_368] : memref<2x320000xi32, #tpu.memory_space<hbm>> -> memref<1x80xi32, #tpu.memory_space<hbm>>
          %dma_start3A_376 = tpu.memref_squeeze %dma_start3A_375 : memref<1x80xi32, #tpu.memory_space<hbm>> -> memref<80xi32, #tpu.memory_space<hbm>>
          %dma_start3A_377 = tpu.memref_slice %arg3[%dma_start3A_374, %add3A_368] : memref<2x320000xi32, #tpu.memory_space<hbm>> -> memref<1x80xi32, #tpu.memory_space<hbm>>
          %dma_start3A_378 = tpu.memref_squeeze %dma_start3A_377 : memref<1x80xi32, #tpu.memory_space<hbm>> -> memref<80xi32, #tpu.memory_space<hbm>>
          tpu.enqueue_dma source(%dma_start3A_378 : memref<80xi32, #tpu.memory_space<hbm>>) target(%arg26 : memref<80xi32, #tpu.memory_space<vmem>>) target_semaphore(%arg42 : memref<!tpu.dma_semaphore, #tpu.memory_space<semaphore_mem>>)
        } else {
        }
      } else {
      }
      %jit3A_208 = arith.constant 8 : i32
      %eq3A_209 = arith.constant 0 : i32
      %eq3A_210 = arith.cmpi eq, %jit3A_208, %eq3A_209 : i32
      %jit3A_211 = arith.constant 1 : i32
      %select_n3A_212 = arith.select %eq3A_210, %jit3A_211, %jit3A_208 : i32
      %rem3A_213 = arith.remsi %scan3A_170, %select_n3A_212 : i32
      %ne3A_214 = arith.constant 0 : i32
      %ne3A_215 = arith.cmpi ne, %rem3A_213, %ne3A_214 : i32
      %lt3A_216 = arith.constant 0 : i32
      %lt3A_217 = arith.cmpi slt, %rem3A_213, %lt3A_216 : i32
      %lt3A_218 = arith.constant 0 : i32
      %lt3A_219 = arith.cmpi slt, %select_n3A_212, %lt3A_218 : i32
      %ne3A_220 = arith.xori %lt3A_217, %lt3A_219 : i1
      %and3A_221 = arith.andi %ne3A_220, %ne3A_215 : i1
      %add3A_222 = arith.addi %rem3A_213, %select_n3A_212 : i32
      %select_n3A_223 = arith.select %and3A_221, %add3A_222, %rem3A_213 : i32
      %eq3A_224 = arith.constant 2 : i32
      %eq3A_225 = arith.cmpi eq, %select_n3A_223, %eq3A_224 : i32
      %convert_element_type3A_226 = arith.extui %eq3A_225 : i1 to i32
      %cond3A_227 = arith.constant 0 : i32
      %cond3A_228 = arith.cmpi ne, %convert_element_type3A_226, %cond3A_227 : i32
      scf.if %cond3A_228 {
        %dma_wait3A_335 = arith.constant 0 : i32
        %dma_wait3A_336 = arith.constant 0 : i32
        %dma_wait3A_337 = tpu.memref_slice %arg2[%dma_wait3A_335, %dma_wait3A_336] : memref<10000x128xf32, #tpu.memory_space<hbm>> -> memref<10000x128xf32, #tpu.memory_space<hbm>>
        tpu.wait_indirect_dma semaphore(%arg33 : memref<!tpu.dma_semaphore, #tpu.memory_space<semaphore_mem>>) src(%dma_wait3A_337 : memref<10000x128xf32, #tpu.memory_space<hbm>>) dst(%arg29 : memref<80x128xf32, #tpu.memory_space<vmem>>)
        %ge3A = arith.constant 2 : i32
        %ge3A_338 = arith.cmpi sge, %scan3A_170, %ge3A : i32
        %convert_element_type3A_339 = arith.extui %ge3A_338 : i1 to i32
        %cond3A_340 = arith.constant 0 : i32
        %cond3A_341 = arith.cmpi ne, %convert_element_type3A_339, %cond3A_340 : i32
        scf.if %cond3A_341 {
          %dma_wait3A_362 = arith.constant 0 : i32
          %dma_wait3A_363 = arith.constant 0 : i32
          %dma_wait3A_364 = tpu.memref_slice %arg10[%dma_wait3A_362, %dma_wait3A_363] : memref<10000x128xf32, #tpu.memory_space<vmem_shared>> -> memref<10000x128xf32, #tpu.memory_space<vmem_shared>>
          tpu.wait_indirect_dma semaphore(%arg43 : memref<!tpu.dma_semaphore, #tpu.memory_space<semaphore_mem>>) src(%arg27 : memref<80x128xf32, #tpu.memory_space<vmem>>) dst(%dma_wait3A_364 : memref<10000x128xf32, #tpu.memory_space<vmem_shared>>)
          %dma_wait3A_365 = arith.constant 0 : i32
          %dma_wait3A_366 = arith.constant 0 : i32
          %dma_wait3A_367 = tpu.memref_slice %arg47[%dma_wait3A_365, %dma_wait3A_366] : memref<10000x8xf32, #tpu.memory_space<vmem_shared>> -> memref<10000x8xf32, #tpu.memory_space<vmem_shared>>
          tpu.wait_indirect_dma semaphore(%arg50 : memref<!tpu.dma_semaphore, #tpu.memory_space<semaphore_mem>>) src(%arg48 : memref<80x8xf32, #tpu.memory_space<vmem>>) dst(%dma_wait3A_367 : memref<10000x8xf32, #tpu.memory_space<vmem_shared>>)
        } else {
        }
        %add3A_342 = arith.constant 2 : i32
        %add3A_343 = arith.addi %scan3A_170, %add3A_342 : i32
        %lt3A_344 = arith.constant 125 : i32
        %lt3A_345 = arith.cmpi slt, %add3A_343, %lt3A_344 : i32
        %convert_element_type3A_346 = arith.extui %lt3A_345 : i1 to i32
        %cond3A_347 = arith.constant 0 : i32
        %cond3A_348 = arith.cmpi ne, %convert_element_type3A_346, %cond3A_347 : i32
        scf.if %cond3A_348 {
          %add3A_362 = arith.constant 2 : i32
          %add3A_363 = arith.addi %scan3A_170, %add3A_362 : i32
          %mul3A_364 = arith.constant 10000 : i32
          %mul3A_365 = arith.muli %add3A, %mul3A_364 : i32
          %mul3A_366 = arith.constant 80 : i32
          %mul3A_367 = arith.muli %add3A_363, %mul3A_366 : i32
          %add3A_368 = arith.addi %mul3A_365, %mul3A_367 : i32
          %dma_wait3A_369 = arith.constant 0 : i32
          %dma_wait3A_370 = tpu.memref_slice %arg3[%dma_wait3A_369, %add3A_368] : memref<2x320000xi32, #tpu.memory_space<hbm>> -> memref<1x80xi32, #tpu.memory_space<hbm>>
          %dma_wait3A_371 = tpu.memref_squeeze %dma_wait3A_370 : memref<1x80xi32, #tpu.memory_space<hbm>> -> memref<80xi32, #tpu.memory_space<hbm>>
          %dma_wait3A_372 = tpu.memref_slice %arg3[%dma_wait3A_369, %add3A_368] : memref<2x320000xi32, #tpu.memory_space<hbm>> -> memref<1x80xi32, #tpu.memory_space<hbm>>
          %dma_wait3A_373 = tpu.memref_squeeze %dma_wait3A_372 : memref<1x80xi32, #tpu.memory_space<hbm>> -> memref<80xi32, #tpu.memory_space<hbm>>
          tpu.wait_dma2 semaphore(%arg39 : memref<!tpu.dma_semaphore, #tpu.memory_space<semaphore_mem>>) src(%dma_wait3A_373 : memref<80xi32, #tpu.memory_space<hbm>>) dst(%arg15 : memref<80xi32, #tpu.memory_space<vmem>>)
          %dma_wait3A_374 = arith.constant 1 : i32
          %dma_wait3A_375 = tpu.memref_slice %arg3[%dma_wait3A_374, %add3A_368] : memref<2x320000xi32, #tpu.memory_space<hbm>> -> memref<1x80xi32, #tpu.memory_space<hbm>>
          %dma_wait3A_376 = tpu.memref_squeeze %dma_wait3A_375 : memref<1x80xi32, #tpu.memory_space<hbm>> -> memref<80xi32, #tpu.memory_space<hbm>>
          %dma_wait3A_377 = tpu.memref_slice %arg3[%dma_wait3A_374, %add3A_368] : memref<2x320000xi32, #tpu.memory_space<hbm>> -> memref<1x80xi32, #tpu.memory_space<hbm>>
          %dma_wait3A_378 = tpu.memref_squeeze %dma_wait3A_377 : memref<1x80xi32, #tpu.memory_space<hbm>> -> memref<80xi32, #tpu.memory_space<hbm>>
          tpu.wait_dma2 semaphore(%arg39 : memref<!tpu.dma_semaphore, #tpu.memory_space<semaphore_mem>>) src(%dma_wait3A_378 : memref<80xi32, #tpu.memory_space<hbm>>) dst(%arg23 : memref<80xi32, #tpu.memory_space<vmem>>)
          %dma_start3A_379 = arith.constant 0 : i32
          %dma_start3A_380 = arith.constant 0 : i32
          %dma_start3A_381 = tpu.memref_slice %arg2[%dma_start3A_379, %dma_start3A_380] : memref<10000x128xf32, #tpu.memory_space<hbm>> -> memref<10000x128xf32, #tpu.memory_space<hbm>>
          tpu.enqueue_indirect_dma source(%dma_start3A_381 : memref<10000x128xf32, #tpu.memory_space<hbm>>) target(%arg27 : memref<80x128xf32, #tpu.memory_space<vmem>>) offsets(%arg15 : memref<80xi32, #tpu.memory_space<vmem>>) semaphore(%arg31 : memref<!tpu.dma_semaphore, #tpu.memory_space<semaphore_mem>>)
        } else {
        }
        %dma_start3A_349 = arith.constant 0 : i32
        %dma_start3A_350 = arith.constant 0 : i32
        %dma_start3A_351 = tpu.memref_slice %arg10[%dma_start3A_349, %dma_start3A_350] : memref<10000x128xf32, #tpu.memory_space<vmem_shared>> -> memref<10000x128xf32, #tpu.memory_space<vmem_shared>>
        tpu.enqueue_indirect_dma source(%arg29 : memref<80x128xf32, #tpu.memory_space<vmem>>) target(%dma_start3A_351 : memref<10000x128xf32, #tpu.memory_space<vmem_shared>>) offsets(%arg21 : memref<80xi32, #tpu.memory_space<vmem>>) semaphore(%arg45 : memref<!tpu.dma_semaphore, #tpu.memory_space<semaphore_mem>>) {add = true}
        %dma_start3A_352 = arith.constant 0 : i32
        %dma_start3A_353 = arith.constant 0 : i32
        %dma_start3A_354 = tpu.memref_slice %arg47[%dma_start3A_352, %dma_start3A_353] : memref<10000x8xf32, #tpu.memory_space<vmem_shared>> -> memref<10000x8xf32, #tpu.memory_space<vmem_shared>>
        tpu.enqueue_indirect_dma source(%arg48 : memref<80x8xf32, #tpu.memory_space<vmem>>) target(%dma_start3A_354 : memref<10000x8xf32, #tpu.memory_space<vmem_shared>>) offsets(%arg21 : memref<80xi32, #tpu.memory_space<vmem>>) semaphore(%arg52 : memref<!tpu.dma_semaphore, #tpu.memory_space<semaphore_mem>>) {add = true}
        %add3A_355 = arith.constant 6 : i32
        %add3A_356 = arith.addi %scan3A_170, %add3A_355 : i32
        %lt3A_357 = arith.constant 125 : i32
        %lt3A_358 = arith.cmpi slt, %add3A_356, %lt3A_357 : i32
        %convert_element_type3A_359 = arith.extui %lt3A_358 : i1 to i32
        %cond3A_360 = arith.constant 0 : i32
        %cond3A_361 = arith.cmpi ne, %convert_element_type3A_359, %cond3A_360 : i32
        scf.if %cond3A_361 {
          %add3A_362 = arith.constant 6 : i32
          %add3A_363 = arith.addi %scan3A_170, %add3A_362 : i32
          %mul3A_364 = arith.constant 10000 : i32
          %mul3A_365 = arith.muli %add3A, %mul3A_364 : i32
          %mul3A_366 = arith.constant 80 : i32
          %mul3A_367 = arith.muli %add3A_363, %mul3A_366 : i32
          %add3A_368 = arith.addi %mul3A_365, %mul3A_367 : i32
          %dma_start3A_369 = arith.constant 0 : i32
          %dma_start3A_370 = tpu.memref_slice %arg3[%dma_start3A_369, %add3A_368] : memref<2x320000xi32, #tpu.memory_space<hbm>> -> memref<1x80xi32, #tpu.memory_space<hbm>>
          %dma_start3A_371 = tpu.memref_squeeze %dma_start3A_370 : memref<1x80xi32, #tpu.memory_space<hbm>> -> memref<80xi32, #tpu.memory_space<hbm>>
          %dma_start3A_372 = tpu.memref_slice %arg3[%dma_start3A_369, %add3A_368] : memref<2x320000xi32, #tpu.memory_space<hbm>> -> memref<1x80xi32, #tpu.memory_space<hbm>>
          %dma_start3A_373 = tpu.memref_squeeze %dma_start3A_372 : memref<1x80xi32, #tpu.memory_space<hbm>> -> memref<80xi32, #tpu.memory_space<hbm>>
          tpu.enqueue_dma source(%dma_start3A_373 : memref<80xi32, #tpu.memory_space<hbm>>) target(%arg11 : memref<80xi32, #tpu.memory_space<vmem>>) target_semaphore(%arg35 : memref<!tpu.dma_semaphore, #tpu.memory_space<semaphore_mem>>)
          %dma_start3A_374 = arith.constant 1 : i32
          %dma_start3A_375 = tpu.memref_slice %arg3[%dma_start3A_374, %add3A_368] : memref<2x320000xi32, #tpu.memory_space<hbm>> -> memref<1x80xi32, #tpu.memory_space<hbm>>
          %dma_start3A_376 = tpu.memref_squeeze %dma_start3A_375 : memref<1x80xi32, #tpu.memory_space<hbm>> -> memref<80xi32, #tpu.memory_space<hbm>>
          %dma_start3A_377 = tpu.memref_slice %arg3[%dma_start3A_374, %add3A_368] : memref<2x320000xi32, #tpu.memory_space<hbm>> -> memref<1x80xi32, #tpu.memory_space<hbm>>
          %dma_start3A_378 = tpu.memref_squeeze %dma_start3A_377 : memref<1x80xi32, #tpu.memory_space<hbm>> -> memref<80xi32, #tpu.memory_space<hbm>>
          tpu.enqueue_dma source(%dma_start3A_378 : memref<80xi32, #tpu.memory_space<hbm>>) target(%arg19 : memref<80xi32, #tpu.memory_space<vmem>>) target_semaphore(%arg35 : memref<!tpu.dma_semaphore, #tpu.memory_space<semaphore_mem>>)
        } else {
        }
      } else {
      }
      %jit3A_229 = arith.constant 8 : i32
      %eq3A_230 = arith.constant 0 : i32
      %eq3A_231 = arith.cmpi eq, %jit3A_229, %eq3A_230 : i32
      %jit3A_232 = arith.constant 1 : i32
      %select_n3A_233 = arith.select %eq3A_231, %jit3A_232, %jit3A_229 : i32
      %rem3A_234 = arith.remsi %scan3A_170, %select_n3A_233 : i32
      %ne3A_235 = arith.constant 0 : i32
      %ne3A_236 = arith.cmpi ne, %rem3A_234, %ne3A_235 : i32
      %lt3A_237 = arith.constant 0 : i32
      %lt3A_238 = arith.cmpi slt, %rem3A_234, %lt3A_237 : i32
      %lt3A_239 = arith.constant 0 : i32
      %lt3A_240 = arith.cmpi slt, %select_n3A_233, %lt3A_239 : i32
      %ne3A_241 = arith.xori %lt3A_238, %lt3A_240 : i1
      %and3A_242 = arith.andi %ne3A_241, %ne3A_236 : i1
      %add3A_243 = arith.addi %rem3A_234, %select_n3A_233 : i32
      %select_n3A_244 = arith.select %and3A_242, %add3A_243, %rem3A_234 : i32
      %eq3A_245 = arith.constant 3 : i32
      %eq3A_246 = arith.cmpi eq, %select_n3A_244, %eq3A_245 : i32
      %convert_element_type3A_247 = arith.extui %eq3A_246 : i1 to i32
      %cond3A_248 = arith.constant 0 : i32
      %cond3A_249 = arith.cmpi ne, %convert_element_type3A_247, %cond3A_248 : i32
      scf.if %cond3A_249 {
        %dma_wait3A_335 = arith.constant 0 : i32
        %dma_wait3A_336 = arith.constant 0 : i32
        %dma_wait3A_337 = tpu.memref_slice %arg2[%dma_wait3A_335, %dma_wait3A_336] : memref<10000x128xf32, #tpu.memory_space<hbm>> -> memref<10000x128xf32, #tpu.memory_space<hbm>>
        tpu.wait_indirect_dma semaphore(%arg34 : memref<!tpu.dma_semaphore, #tpu.memory_space<semaphore_mem>>) src(%dma_wait3A_337 : memref<10000x128xf32, #tpu.memory_space<hbm>>) dst(%arg30 : memref<80x128xf32, #tpu.memory_space<vmem>>)
        %ge3A = arith.constant 2 : i32
        %ge3A_338 = arith.cmpi sge, %scan3A_170, %ge3A : i32
        %convert_element_type3A_339 = arith.extui %ge3A_338 : i1 to i32
        %cond3A_340 = arith.constant 0 : i32
        %cond3A_341 = arith.cmpi ne, %convert_element_type3A_339, %cond3A_340 : i32
        scf.if %cond3A_341 {
          %dma_wait3A_362 = arith.constant 0 : i32
          %dma_wait3A_363 = arith.constant 0 : i32
          %dma_wait3A_364 = tpu.memref_slice %arg10[%dma_wait3A_362, %dma_wait3A_363] : memref<10000x128xf32, #tpu.memory_space<vmem_shared>> -> memref<10000x128xf32, #tpu.memory_space<vmem_shared>>
          tpu.wait_indirect_dma semaphore(%arg44 : memref<!tpu.dma_semaphore, #tpu.memory_space<semaphore_mem>>) src(%arg28 : memref<80x128xf32, #tpu.memory_space<vmem>>) dst(%dma_wait3A_364 : memref<10000x128xf32, #tpu.memory_space<vmem_shared>>)
          %dma_wait3A_365 = arith.constant 0 : i32
          %dma_wait3A_366 = arith.constant 0 : i32
          %dma_wait3A_367 = tpu.memref_slice %arg47[%dma_wait3A_365, %dma_wait3A_366] : memref<10000x8xf32, #tpu.memory_space<vmem_shared>> -> memref<10000x8xf32, #tpu.memory_space<vmem_shared>>
          tpu.wait_indirect_dma semaphore(%arg51 : memref<!tpu.dma_semaphore, #tpu.memory_space<semaphore_mem>>) src(%arg48 : memref<80x8xf32, #tpu.memory_space<vmem>>) dst(%dma_wait3A_367 : memref<10000x8xf32, #tpu.memory_space<vmem_shared>>)
        } else {
        }
        %add3A_342 = arith.constant 2 : i32
        %add3A_343 = arith.addi %scan3A_170, %add3A_342 : i32
        %lt3A_344 = arith.constant 125 : i32
        %lt3A_345 = arith.cmpi slt, %add3A_343, %lt3A_344 : i32
        %convert_element_type3A_346 = arith.extui %lt3A_345 : i1 to i32
        %cond3A_347 = arith.constant 0 : i32
        %cond3A_348 = arith.cmpi ne, %convert_element_type3A_346, %cond3A_347 : i32
        scf.if %cond3A_348 {
          %add3A_362 = arith.constant 2 : i32
          %add3A_363 = arith.addi %scan3A_170, %add3A_362 : i32
          %mul3A_364 = arith.constant 10000 : i32
          %mul3A_365 = arith.muli %add3A, %mul3A_364 : i32
          %mul3A_366 = arith.constant 80 : i32
          %mul3A_367 = arith.muli %add3A_363, %mul3A_366 : i32
          %add3A_368 = arith.addi %mul3A_365, %mul3A_367 : i32
          %dma_wait3A_369 = arith.constant 0 : i32
          %dma_wait3A_370 = tpu.memref_slice %arg3[%dma_wait3A_369, %add3A_368] : memref<2x320000xi32, #tpu.memory_space<hbm>> -> memref<1x80xi32, #tpu.memory_space<hbm>>
          %dma_wait3A_371 = tpu.memref_squeeze %dma_wait3A_370 : memref<1x80xi32, #tpu.memory_space<hbm>> -> memref<80xi32, #tpu.memory_space<hbm>>
          %dma_wait3A_372 = tpu.memref_slice %arg3[%dma_wait3A_369, %add3A_368] : memref<2x320000xi32, #tpu.memory_space<hbm>> -> memref<1x80xi32, #tpu.memory_space<hbm>>
          %dma_wait3A_373 = tpu.memref_squeeze %dma_wait3A_372 : memref<1x80xi32, #tpu.memory_space<hbm>> -> memref<80xi32, #tpu.memory_space<hbm>>
          tpu.wait_dma2 semaphore(%arg40 : memref<!tpu.dma_semaphore, #tpu.memory_space<semaphore_mem>>) src(%dma_wait3A_373 : memref<80xi32, #tpu.memory_space<hbm>>) dst(%arg16 : memref<80xi32, #tpu.memory_space<vmem>>)
          %dma_wait3A_374 = arith.constant 1 : i32
          %dma_wait3A_375 = tpu.memref_slice %arg3[%dma_wait3A_374, %add3A_368] : memref<2x320000xi32, #tpu.memory_space<hbm>> -> memref<1x80xi32, #tpu.memory_space<hbm>>
          %dma_wait3A_376 = tpu.memref_squeeze %dma_wait3A_375 : memref<1x80xi32, #tpu.memory_space<hbm>> -> memref<80xi32, #tpu.memory_space<hbm>>
          %dma_wait3A_377 = tpu.memref_slice %arg3[%dma_wait3A_374, %add3A_368] : memref<2x320000xi32, #tpu.memory_space<hbm>> -> memref<1x80xi32, #tpu.memory_space<hbm>>
          %dma_wait3A_378 = tpu.memref_squeeze %dma_wait3A_377 : memref<1x80xi32, #tpu.memory_space<hbm>> -> memref<80xi32, #tpu.memory_space<hbm>>
          tpu.wait_dma2 semaphore(%arg40 : memref<!tpu.dma_semaphore, #tpu.memory_space<semaphore_mem>>) src(%dma_wait3A_378 : memref<80xi32, #tpu.memory_space<hbm>>) dst(%arg24 : memref<80xi32, #tpu.memory_space<vmem>>)
          %dma_start3A_379 = arith.constant 0 : i32
          %dma_start3A_380 = arith.constant 0 : i32
          %dma_start3A_381 = tpu.memref_slice %arg2[%dma_start3A_379, %dma_start3A_380] : memref<10000x128xf32, #tpu.memory_space<hbm>> -> memref<10000x128xf32, #tpu.memory_space<hbm>>
          tpu.enqueue_indirect_dma source(%dma_start3A_381 : memref<10000x128xf32, #tpu.memory_space<hbm>>) target(%arg28 : memref<80x128xf32, #tpu.memory_space<vmem>>) offsets(%arg16 : memref<80xi32, #tpu.memory_space<vmem>>) semaphore(%arg32 : memref<!tpu.dma_semaphore, #tpu.memory_space<semaphore_mem>>)
        } else {
        }
        %dma_start3A_349 = arith.constant 0 : i32
        %dma_start3A_350 = arith.constant 0 : i32
        %dma_start3A_351 = tpu.memref_slice %arg10[%dma_start3A_349, %dma_start3A_350] : memref<10000x128xf32, #tpu.memory_space<vmem_shared>> -> memref<10000x128xf32, #tpu.memory_space<vmem_shared>>
        tpu.enqueue_indirect_dma source(%arg30 : memref<80x128xf32, #tpu.memory_space<vmem>>) target(%dma_start3A_351 : memref<10000x128xf32, #tpu.memory_space<vmem_shared>>) offsets(%arg22 : memref<80xi32, #tpu.memory_space<vmem>>) semaphore(%arg46 : memref<!tpu.dma_semaphore, #tpu.memory_space<semaphore_mem>>) {add = true}
        %dma_start3A_352 = arith.constant 0 : i32
        %dma_start3A_353 = arith.constant 0 : i32
        %dma_start3A_354 = tpu.memref_slice %arg47[%dma_start3A_352, %dma_start3A_353] : memref<10000x8xf32, #tpu.memory_space<vmem_shared>> -> memref<10000x8xf32, #tpu.memory_space<vmem_shared>>
        tpu.enqueue_indirect_dma source(%arg48 : memref<80x8xf32, #tpu.memory_space<vmem>>) target(%dma_start3A_354 : memref<10000x8xf32, #tpu.memory_space<vmem_shared>>) offsets(%arg22 : memref<80xi32, #tpu.memory_space<vmem>>) semaphore(%arg53 : memref<!tpu.dma_semaphore, #tpu.memory_space<semaphore_mem>>) {add = true}
        %add3A_355 = arith.constant 6 : i32
        %add3A_356 = arith.addi %scan3A_170, %add3A_355 : i32
        %lt3A_357 = arith.constant 125 : i32
        %lt3A_358 = arith.cmpi slt, %add3A_356, %lt3A_357 : i32
        %convert_element_type3A_359 = arith.extui %lt3A_358 : i1 to i32
        %cond3A_360 = arith.constant 0 : i32
        %cond3A_361 = arith.cmpi ne, %convert_element_type3A_359, %cond3A_360 : i32
        scf.if %cond3A_361 {
          %add3A_362 = arith.constant 6 : i32
          %add3A_363 = arith.addi %scan3A_170, %add3A_362 : i32
          %mul3A_364 = arith.constant 10000 : i32
          %mul3A_365 = arith.muli %add3A, %mul3A_364 : i32
          %mul3A_366 = arith.constant 80 : i32
          %mul3A_367 = arith.muli %add3A_363, %mul3A_366 : i32
          %add3A_368 = arith.addi %mul3A_365, %mul3A_367 : i32
          %dma_start3A_369 = arith.constant 0 : i32
          %dma_start3A_370 = tpu.memref_slice %arg3[%dma_start3A_369, %add3A_368] : memref<2x320000xi32, #tpu.memory_space<hbm>> -> memref<1x80xi32, #tpu.memory_space<hbm>>
          %dma_start3A_371 = tpu.memref_squeeze %dma_start3A_370 : memref<1x80xi32, #tpu.memory_space<hbm>> -> memref<80xi32, #tpu.memory_space<hbm>>
          %dma_start3A_372 = tpu.memref_slice %arg3[%dma_start3A_369, %add3A_368] : memref<2x320000xi32, #tpu.memory_space<hbm>> -> memref<1x80xi32, #tpu.memory_space<hbm>>
          %dma_start3A_373 = tpu.memref_squeeze %dma_start3A_372 : memref<1x80xi32, #tpu.memory_space<hbm>> -> memref<80xi32, #tpu.memory_space<hbm>>
          tpu.enqueue_dma source(%dma_start3A_373 : memref<80xi32, #tpu.memory_space<hbm>>) target(%arg12 : memref<80xi32, #tpu.memory_space<vmem>>) target_semaphore(%arg36 : memref<!tpu.dma_semaphore, #tpu.memory_space<semaphore_mem>>)
          %dma_start3A_374 = arith.constant 1 : i32
          %dma_start3A_375 = tpu.memref_slice %arg3[%dma_start3A_374, %add3A_368] : memref<2x320000xi32, #tpu.memory_space<hbm>> -> memref<1x80xi32, #tpu.memory_space<hbm>>
          %dma_start3A_376 = tpu.memref_squeeze %dma_start3A_375 : memref<1x80xi32, #tpu.memory_space<hbm>> -> memref<80xi32, #tpu.memory_space<hbm>>
          %dma_start3A_377 = tpu.memref_slice %arg3[%dma_start3A_374, %add3A_368] : memref<2x320000xi32, #tpu.memory_space<hbm>> -> memref<1x80xi32, #tpu.memory_space<hbm>>
          %dma_start3A_378 = tpu.memref_squeeze %dma_start3A_377 : memref<1x80xi32, #tpu.memory_space<hbm>> -> memref<80xi32, #tpu.memory_space<hbm>>
          tpu.enqueue_dma source(%dma_start3A_378 : memref<80xi32, #tpu.memory_space<hbm>>) target(%arg20 : memref<80xi32, #tpu.memory_space<vmem>>) target_semaphore(%arg36 : memref<!tpu.dma_semaphore, #tpu.memory_space<semaphore_mem>>)
        } else {
        }
      } else {
      }
      %jit3A_250 = arith.constant 8 : i32
      %eq3A_251 = arith.constant 0 : i32
      %eq3A_252 = arith.cmpi eq, %jit3A_250, %eq3A_251 : i32
      %jit3A_253 = arith.constant 1 : i32
      %select_n3A_254 = arith.select %eq3A_252, %jit3A_253, %jit3A_250 : i32
      %rem3A_255 = arith.remsi %scan3A_170, %select_n3A_254 : i32
      %ne3A_256 = arith.constant 0 : i32
      %ne3A_257 = arith.cmpi ne, %rem3A_255, %ne3A_256 : i32
      %lt3A_258 = arith.constant 0 : i32
      %lt3A_259 = arith.cmpi slt, %rem3A_255, %lt3A_258 : i32
      %lt3A_260 = arith.constant 0 : i32
      %lt3A_261 = arith.cmpi slt, %select_n3A_254, %lt3A_260 : i32
      %ne3A_262 = arith.xori %lt3A_259, %lt3A_261 : i1
      %and3A_263 = arith.andi %ne3A_262, %ne3A_257 : i1
      %add3A_264 = arith.addi %rem3A_255, %select_n3A_254 : i32
      %select_n3A_265 = arith.select %and3A_263, %add3A_264, %rem3A_255 : i32
      %eq3A_266 = arith.constant 4 : i32
      %eq3A_267 = arith.cmpi eq, %select_n3A_265, %eq3A_266 : i32
      %convert_element_type3A_268 = arith.extui %eq3A_267 : i1 to i32
      %cond3A_269 = arith.constant 0 : i32
      %cond3A_270 = arith.cmpi ne, %convert_element_type3A_268, %cond3A_269 : i32
      scf.if %cond3A_270 {
        %dma_wait3A_335 = arith.constant 0 : i32
        %dma_wait3A_336 = arith.constant 0 : i32
        %dma_wait3A_337 = tpu.memref_slice %arg2[%dma_wait3A_335, %dma_wait3A_336] : memref<10000x128xf32, #tpu.memory_space<hbm>> -> memref<10000x128xf32, #tpu.memory_space<hbm>>
        tpu.wait_indirect_dma semaphore(%arg31 : memref<!tpu.dma_semaphore, #tpu.memory_space<semaphore_mem>>) src(%dma_wait3A_337 : memref<10000x128xf32, #tpu.memory_space<hbm>>) dst(%arg27 : memref<80x128xf32, #tpu.memory_space<vmem>>)
        %ge3A = arith.constant 2 : i32
        %ge3A_338 = arith.cmpi sge, %scan3A_170, %ge3A : i32
        %convert_element_type3A_339 = arith.extui %ge3A_338 : i1 to i32
        %cond3A_340 = arith.constant 0 : i32
        %cond3A_341 = arith.cmpi ne, %convert_element_type3A_339, %cond3A_340 : i32
        scf.if %cond3A_341 {
          %dma_wait3A_362 = arith.constant 0 : i32
          %dma_wait3A_363 = arith.constant 0 : i32
          %dma_wait3A_364 = tpu.memref_slice %arg10[%dma_wait3A_362, %dma_wait3A_363] : memref<10000x128xf32, #tpu.memory_space<vmem_shared>> -> memref<10000x128xf32, #tpu.memory_space<vmem_shared>>
          tpu.wait_indirect_dma semaphore(%arg45 : memref<!tpu.dma_semaphore, #tpu.memory_space<semaphore_mem>>) src(%arg29 : memref<80x128xf32, #tpu.memory_space<vmem>>) dst(%dma_wait3A_364 : memref<10000x128xf32, #tpu.memory_space<vmem_shared>>)
          %dma_wait3A_365 = arith.constant 0 : i32
          %dma_wait3A_366 = arith.constant 0 : i32
          %dma_wait3A_367 = tpu.memref_slice %arg47[%dma_wait3A_365, %dma_wait3A_366] : memref<10000x8xf32, #tpu.memory_space<vmem_shared>> -> memref<10000x8xf32, #tpu.memory_space<vmem_shared>>
          tpu.wait_indirect_dma semaphore(%arg52 : memref<!tpu.dma_semaphore, #tpu.memory_space<semaphore_mem>>) src(%arg48 : memref<80x8xf32, #tpu.memory_space<vmem>>) dst(%dma_wait3A_367 : memref<10000x8xf32, #tpu.memory_space<vmem_shared>>)
        } else {
        }
        %add3A_342 = arith.constant 2 : i32
        %add3A_343 = arith.addi %scan3A_170, %add3A_342 : i32
        %lt3A_344 = arith.constant 125 : i32
        %lt3A_345 = arith.cmpi slt, %add3A_343, %lt3A_344 : i32
        %convert_element_type3A_346 = arith.extui %lt3A_345 : i1 to i32
        %cond3A_347 = arith.constant 0 : i32
        %cond3A_348 = arith.cmpi ne, %convert_element_type3A_346, %cond3A_347 : i32
        scf.if %cond3A_348 {
          %add3A_362 = arith.constant 2 : i32
          %add3A_363 = arith.addi %scan3A_170, %add3A_362 : i32
          %mul3A_364 = arith.constant 10000 : i32
          %mul3A_365 = arith.muli %add3A, %mul3A_364 : i32
          %mul3A_366 = arith.constant 80 : i32
          %mul3A_367 = arith.muli %add3A_363, %mul3A_366 : i32
          %add3A_368 = arith.addi %mul3A_365, %mul3A_367 : i32
          %dma_wait3A_369 = arith.constant 0 : i32
          %dma_wait3A_370 = tpu.memref_slice %arg3[%dma_wait3A_369, %add3A_368] : memref<2x320000xi32, #tpu.memory_space<hbm>> -> memref<1x80xi32, #tpu.memory_space<hbm>>
          %dma_wait3A_371 = tpu.memref_squeeze %dma_wait3A_370 : memref<1x80xi32, #tpu.memory_space<hbm>> -> memref<80xi32, #tpu.memory_space<hbm>>
          %dma_wait3A_372 = tpu.memref_slice %arg3[%dma_wait3A_369, %add3A_368] : memref<2x320000xi32, #tpu.memory_space<hbm>> -> memref<1x80xi32, #tpu.memory_space<hbm>>
          %dma_wait3A_373 = tpu.memref_squeeze %dma_wait3A_372 : memref<1x80xi32, #tpu.memory_space<hbm>> -> memref<80xi32, #tpu.memory_space<hbm>>
          tpu.wait_dma2 semaphore(%arg41 : memref<!tpu.dma_semaphore, #tpu.memory_space<semaphore_mem>>) src(%dma_wait3A_373 : memref<80xi32, #tpu.memory_space<hbm>>) dst(%arg17 : memref<80xi32, #tpu.memory_space<vmem>>)
          %dma_wait3A_374 = arith.constant 1 : i32
          %dma_wait3A_375 = tpu.memref_slice %arg3[%dma_wait3A_374, %add3A_368] : memref<2x320000xi32, #tpu.memory_space<hbm>> -> memref<1x80xi32, #tpu.memory_space<hbm>>
          %dma_wait3A_376 = tpu.memref_squeeze %dma_wait3A_375 : memref<1x80xi32, #tpu.memory_space<hbm>> -> memref<80xi32, #tpu.memory_space<hbm>>
          %dma_wait3A_377 = tpu.memref_slice %arg3[%dma_wait3A_374, %add3A_368] : memref<2x320000xi32, #tpu.memory_space<hbm>> -> memref<1x80xi32, #tpu.memory_space<hbm>>
          %dma_wait3A_378 = tpu.memref_squeeze %dma_wait3A_377 : memref<1x80xi32, #tpu.memory_space<hbm>> -> memref<80xi32, #tpu.memory_space<hbm>>
          tpu.wait_dma2 semaphore(%arg41 : memref<!tpu.dma_semaphore, #tpu.memory_space<semaphore_mem>>) src(%dma_wait3A_378 : memref<80xi32, #tpu.memory_space<hbm>>) dst(%arg25 : memref<80xi32, #tpu.memory_space<vmem>>)
          %dma_start3A_379 = arith.constant 0 : i32
          %dma_start3A_380 = arith.constant 0 : i32
          %dma_start3A_381 = tpu.memref_slice %arg2[%dma_start3A_379, %dma_start3A_380] : memref<10000x128xf32, #tpu.memory_space<hbm>> -> memref<10000x128xf32, #tpu.memory_space<hbm>>
          tpu.enqueue_indirect_dma source(%dma_start3A_381 : memref<10000x128xf32, #tpu.memory_space<hbm>>) target(%arg29 : memref<80x128xf32, #tpu.memory_space<vmem>>) offsets(%arg17 : memref<80xi32, #tpu.memory_space<vmem>>) semaphore(%arg33 : memref<!tpu.dma_semaphore, #tpu.memory_space<semaphore_mem>>)
        } else {
        }
        %dma_start3A_349 = arith.constant 0 : i32
        %dma_start3A_350 = arith.constant 0 : i32
        %dma_start3A_351 = tpu.memref_slice %arg10[%dma_start3A_349, %dma_start3A_350] : memref<10000x128xf32, #tpu.memory_space<vmem_shared>> -> memref<10000x128xf32, #tpu.memory_space<vmem_shared>>
        tpu.enqueue_indirect_dma source(%arg27 : memref<80x128xf32, #tpu.memory_space<vmem>>) target(%dma_start3A_351 : memref<10000x128xf32, #tpu.memory_space<vmem_shared>>) offsets(%arg23 : memref<80xi32, #tpu.memory_space<vmem>>) semaphore(%arg43 : memref<!tpu.dma_semaphore, #tpu.memory_space<semaphore_mem>>) {add = true}
        %dma_start3A_352 = arith.constant 0 : i32
        %dma_start3A_353 = arith.constant 0 : i32
        %dma_start3A_354 = tpu.memref_slice %arg47[%dma_start3A_352, %dma_start3A_353] : memref<10000x8xf32, #tpu.memory_space<vmem_shared>> -> memref<10000x8xf32, #tpu.memory_space<vmem_shared>>
        tpu.enqueue_indirect_dma source(%arg48 : memref<80x8xf32, #tpu.memory_space<vmem>>) target(%dma_start3A_354 : memref<10000x8xf32, #tpu.memory_space<vmem_shared>>) offsets(%arg23 : memref<80xi32, #tpu.memory_space<vmem>>) semaphore(%arg50 : memref<!tpu.dma_semaphore, #tpu.memory_space<semaphore_mem>>) {add = true}
        %add3A_355 = arith.constant 6 : i32
        %add3A_356 = arith.addi %scan3A_170, %add3A_355 : i32
        %lt3A_357 = arith.constant 125 : i32
        %lt3A_358 = arith.cmpi slt, %add3A_356, %lt3A_357 : i32
        %convert_element_type3A_359 = arith.extui %lt3A_358 : i1 to i32
        %cond3A_360 = arith.constant 0 : i32
        %cond3A_361 = arith.cmpi ne, %convert_element_type3A_359, %cond3A_360 : i32
        scf.if %cond3A_361 {
          %add3A_362 = arith.constant 6 : i32
          %add3A_363 = arith.addi %scan3A_170, %add3A_362 : i32
          %mul3A_364 = arith.constant 10000 : i32
          %mul3A_365 = arith.muli %add3A, %mul3A_364 : i32
          %mul3A_366 = arith.constant 80 : i32
          %mul3A_367 = arith.muli %add3A_363, %mul3A_366 : i32
          %add3A_368 = arith.addi %mul3A_365, %mul3A_367 : i32
          %dma_start3A_369 = arith.constant 0 : i32
          %dma_start3A_370 = tpu.memref_slice %arg3[%dma_start3A_369, %add3A_368] : memref<2x320000xi32, #tpu.memory_space<hbm>> -> memref<1x80xi32, #tpu.memory_space<hbm>>
          %dma_start3A_371 = tpu.memref_squeeze %dma_start3A_370 : memref<1x80xi32, #tpu.memory_space<hbm>> -> memref<80xi32, #tpu.memory_space<hbm>>
          %dma_start3A_372 = tpu.memref_slice %arg3[%dma_start3A_369, %add3A_368] : memref<2x320000xi32, #tpu.memory_space<hbm>> -> memref<1x80xi32, #tpu.memory_space<hbm>>
          %dma_start3A_373 = tpu.memref_squeeze %dma_start3A_372 : memref<1x80xi32, #tpu.memory_space<hbm>> -> memref<80xi32, #tpu.memory_space<hbm>>
          tpu.enqueue_dma source(%dma_start3A_373 : memref<80xi32, #tpu.memory_space<hbm>>) target(%arg13 : memref<80xi32, #tpu.memory_space<vmem>>) target_semaphore(%arg37 : memref<!tpu.dma_semaphore, #tpu.memory_space<semaphore_mem>>)
          %dma_start3A_374 = arith.constant 1 : i32
          %dma_start3A_375 = tpu.memref_slice %arg3[%dma_start3A_374, %add3A_368] : memref<2x320000xi32, #tpu.memory_space<hbm>> -> memref<1x80xi32, #tpu.memory_space<hbm>>
          %dma_start3A_376 = tpu.memref_squeeze %dma_start3A_375 : memref<1x80xi32, #tpu.memory_space<hbm>> -> memref<80xi32, #tpu.memory_space<hbm>>
          %dma_start3A_377 = tpu.memref_slice %arg3[%dma_start3A_374, %add3A_368] : memref<2x320000xi32, #tpu.memory_space<hbm>> -> memref<1x80xi32, #tpu.memory_space<hbm>>
          %dma_start3A_378 = tpu.memref_squeeze %dma_start3A_377 : memref<1x80xi32, #tpu.memory_space<hbm>> -> memref<80xi32, #tpu.memory_space<hbm>>
          tpu.enqueue_dma source(%dma_start3A_378 : memref<80xi32, #tpu.memory_space<hbm>>) target(%arg21 : memref<80xi32, #tpu.memory_space<vmem>>) target_semaphore(%arg37 : memref<!tpu.dma_semaphore, #tpu.memory_space<semaphore_mem>>)
        } else {
        }
      } else {
      }
      %jit3A_271 = arith.constant 8 : i32
      %eq3A_272 = arith.constant 0 : i32
      %eq3A_273 = arith.cmpi eq, %jit3A_271, %eq3A_272 : i32
      %jit3A_274 = arith.constant 1 : i32
      %select_n3A_275 = arith.select %eq3A_273, %jit3A_274, %jit3A_271 : i32
      %rem3A_276 = arith.remsi %scan3A_170, %select_n3A_275 : i32
      %ne3A_277 = arith.constant 0 : i32
      %ne3A_278 = arith.cmpi ne, %rem3A_276, %ne3A_277 : i32
      %lt3A_279 = arith.constant 0 : i32
      %lt3A_280 = arith.cmpi slt, %rem3A_276, %lt3A_279 : i32
      %lt3A_281 = arith.constant 0 : i32
      %lt3A_282 = arith.cmpi slt, %select_n3A_275, %lt3A_281 : i32
      %ne3A_283 = arith.xori %lt3A_280, %lt3A_282 : i1
      %and3A_284 = arith.andi %ne3A_283, %ne3A_278 : i1
      %add3A_285 = arith.addi %rem3A_276, %select_n3A_275 : i32
      %select_n3A_286 = arith.select %and3A_284, %add3A_285, %rem3A_276 : i32
      %eq3A_287 = arith.constant 5 : i32
      %eq3A_288 = arith.cmpi eq, %select_n3A_286, %eq3A_287 : i32
      %convert_element_type3A_289 = arith.extui %eq3A_288 : i1 to i32
      %cond3A_290 = arith.constant 0 : i32
      %cond3A_291 = arith.cmpi ne, %convert_element_type3A_289, %cond3A_290 : i32
      scf.if %cond3A_291 {
        %dma_wait3A_335 = arith.constant 0 : i32
        %dma_wait3A_336 = arith.constant 0 : i32
        %dma_wait3A_337 = tpu.memref_slice %arg2[%dma_wait3A_335, %dma_wait3A_336] : memref<10000x128xf32, #tpu.memory_space<hbm>> -> memref<10000x128xf32, #tpu.memory_space<hbm>>
        tpu.wait_indirect_dma semaphore(%arg32 : memref<!tpu.dma_semaphore, #tpu.memory_space<semaphore_mem>>) src(%dma_wait3A_337 : memref<10000x128xf32, #tpu.memory_space<hbm>>) dst(%arg28 : memref<80x128xf32, #tpu.memory_space<vmem>>)
        %ge3A = arith.constant 2 : i32
        %ge3A_338 = arith.cmpi sge, %scan3A_170, %ge3A : i32
        %convert_element_type3A_339 = arith.extui %ge3A_338 : i1 to i32
        %cond3A_340 = arith.constant 0 : i32
        %cond3A_341 = arith.cmpi ne, %convert_element_type3A_339, %cond3A_340 : i32
        scf.if %cond3A_341 {
          %dma_wait3A_362 = arith.constant 0 : i32
          %dma_wait3A_363 = arith.constant 0 : i32
          %dma_wait3A_364 = tpu.memref_slice %arg10[%dma_wait3A_362, %dma_wait3A_363] : memref<10000x128xf32, #tpu.memory_space<vmem_shared>> -> memref<10000x128xf32, #tpu.memory_space<vmem_shared>>
          tpu.wait_indirect_dma semaphore(%arg46 : memref<!tpu.dma_semaphore, #tpu.memory_space<semaphore_mem>>) src(%arg30 : memref<80x128xf32, #tpu.memory_space<vmem>>) dst(%dma_wait3A_364 : memref<10000x128xf32, #tpu.memory_space<vmem_shared>>)
          %dma_wait3A_365 = arith.constant 0 : i32
          %dma_wait3A_366 = arith.constant 0 : i32
          %dma_wait3A_367 = tpu.memref_slice %arg47[%dma_wait3A_365, %dma_wait3A_366] : memref<10000x8xf32, #tpu.memory_space<vmem_shared>> -> memref<10000x8xf32, #tpu.memory_space<vmem_shared>>
          tpu.wait_indirect_dma semaphore(%arg53 : memref<!tpu.dma_semaphore, #tpu.memory_space<semaphore_mem>>) src(%arg48 : memref<80x8xf32, #tpu.memory_space<vmem>>) dst(%dma_wait3A_367 : memref<10000x8xf32, #tpu.memory_space<vmem_shared>>)
        } else {
        }
        %add3A_342 = arith.constant 2 : i32
        %add3A_343 = arith.addi %scan3A_170, %add3A_342 : i32
        %lt3A_344 = arith.constant 125 : i32
        %lt3A_345 = arith.cmpi slt, %add3A_343, %lt3A_344 : i32
        %convert_element_type3A_346 = arith.extui %lt3A_345 : i1 to i32
        %cond3A_347 = arith.constant 0 : i32
        %cond3A_348 = arith.cmpi ne, %convert_element_type3A_346, %cond3A_347 : i32
        scf.if %cond3A_348 {
          %add3A_362 = arith.constant 2 : i32
          %add3A_363 = arith.addi %scan3A_170, %add3A_362 : i32
          %mul3A_364 = arith.constant 10000 : i32
          %mul3A_365 = arith.muli %add3A, %mul3A_364 : i32
          %mul3A_366 = arith.constant 80 : i32
          %mul3A_367 = arith.muli %add3A_363, %mul3A_366 : i32
          %add3A_368 = arith.addi %mul3A_365, %mul3A_367 : i32
          %dma_wait3A_369 = arith.constant 0 : i32
          %dma_wait3A_370 = tpu.memref_slice %arg3[%dma_wait3A_369, %add3A_368] : memref<2x320000xi32, #tpu.memory_space<hbm>> -> memref<1x80xi32, #tpu.memory_space<hbm>>
          %dma_wait3A_371 = tpu.memref_squeeze %dma_wait3A_370 : memref<1x80xi32, #tpu.memory_space<hbm>> -> memref<80xi32, #tpu.memory_space<hbm>>
          %dma_wait3A_372 = tpu.memref_slice %arg3[%dma_wait3A_369, %add3A_368] : memref<2x320000xi32, #tpu.memory_space<hbm>> -> memref<1x80xi32, #tpu.memory_space<hbm>>
          %dma_wait3A_373 = tpu.memref_squeeze %dma_wait3A_372 : memref<1x80xi32, #tpu.memory_space<hbm>> -> memref<80xi32, #tpu.memory_space<hbm>>
          tpu.wait_dma2 semaphore(%arg42 : memref<!tpu.dma_semaphore, #tpu.memory_space<semaphore_mem>>) src(%dma_wait3A_373 : memref<80xi32, #tpu.memory_space<hbm>>) dst(%arg18 : memref<80xi32, #tpu.memory_space<vmem>>)
          %dma_wait3A_374 = arith.constant 1 : i32
          %dma_wait3A_375 = tpu.memref_slice %arg3[%dma_wait3A_374, %add3A_368] : memref<2x320000xi32, #tpu.memory_space<hbm>> -> memref<1x80xi32, #tpu.memory_space<hbm>>
          %dma_wait3A_376 = tpu.memref_squeeze %dma_wait3A_375 : memref<1x80xi32, #tpu.memory_space<hbm>> -> memref<80xi32, #tpu.memory_space<hbm>>
          %dma_wait3A_377 = tpu.memref_slice %arg3[%dma_wait3A_374, %add3A_368] : memref<2x320000xi32, #tpu.memory_space<hbm>> -> memref<1x80xi32, #tpu.memory_space<hbm>>
          %dma_wait3A_378 = tpu.memref_squeeze %dma_wait3A_377 : memref<1x80xi32, #tpu.memory_space<hbm>> -> memref<80xi32, #tpu.memory_space<hbm>>
          tpu.wait_dma2 semaphore(%arg42 : memref<!tpu.dma_semaphore, #tpu.memory_space<semaphore_mem>>) src(%dma_wait3A_378 : memref<80xi32, #tpu.memory_space<hbm>>) dst(%arg26 : memref<80xi32, #tpu.memory_space<vmem>>)
          %dma_start3A_379 = arith.constant 0 : i32
          %dma_start3A_380 = arith.constant 0 : i32
          %dma_start3A_381 = tpu.memref_slice %arg2[%dma_start3A_379, %dma_start3A_380] : memref<10000x128xf32, #tpu.memory_space<hbm>> -> memref<10000x128xf32, #tpu.memory_space<hbm>>
          tpu.enqueue_indirect_dma source(%dma_start3A_381 : memref<10000x128xf32, #tpu.memory_space<hbm>>) target(%arg30 : memref<80x128xf32, #tpu.memory_space<vmem>>) offsets(%arg18 : memref<80xi32, #tpu.memory_space<vmem>>) semaphore(%arg34 : memref<!tpu.dma_semaphore, #tpu.memory_space<semaphore_mem>>)
        } else {
        }
        %dma_start3A_349 = arith.constant 0 : i32
        %dma_start3A_350 = arith.constant 0 : i32
        %dma_start3A_351 = tpu.memref_slice %arg10[%dma_start3A_349, %dma_start3A_350] : memref<10000x128xf32, #tpu.memory_space<vmem_shared>> -> memref<10000x128xf32, #tpu.memory_space<vmem_shared>>
        tpu.enqueue_indirect_dma source(%arg28 : memref<80x128xf32, #tpu.memory_space<vmem>>) target(%dma_start3A_351 : memref<10000x128xf32, #tpu.memory_space<vmem_shared>>) offsets(%arg24 : memref<80xi32, #tpu.memory_space<vmem>>) semaphore(%arg44 : memref<!tpu.dma_semaphore, #tpu.memory_space<semaphore_mem>>) {add = true}
        %dma_start3A_352 = arith.constant 0 : i32
        %dma_start3A_353 = arith.constant 0 : i32
        %dma_start3A_354 = tpu.memref_slice %arg47[%dma_start3A_352, %dma_start3A_353] : memref<10000x8xf32, #tpu.memory_space<vmem_shared>> -> memref<10000x8xf32, #tpu.memory_space<vmem_shared>>
        tpu.enqueue_indirect_dma source(%arg48 : memref<80x8xf32, #tpu.memory_space<vmem>>) target(%dma_start3A_354 : memref<10000x8xf32, #tpu.memory_space<vmem_shared>>) offsets(%arg24 : memref<80xi32, #tpu.memory_space<vmem>>) semaphore(%arg51 : memref<!tpu.dma_semaphore, #tpu.memory_space<semaphore_mem>>) {add = true}
        %add3A_355 = arith.constant 6 : i32
        %add3A_356 = arith.addi %scan3A_170, %add3A_355 : i32
        %lt3A_357 = arith.constant 125 : i32
        %lt3A_358 = arith.cmpi slt, %add3A_356, %lt3A_357 : i32
        %convert_element_type3A_359 = arith.extui %lt3A_358 : i1 to i32
        %cond3A_360 = arith.constant 0 : i32
        %cond3A_361 = arith.cmpi ne, %convert_element_type3A_359, %cond3A_360 : i32
        scf.if %cond3A_361 {
          %add3A_362 = arith.constant 6 : i32
          %add3A_363 = arith.addi %scan3A_170, %add3A_362 : i32
          %mul3A_364 = arith.constant 10000 : i32
          %mul3A_365 = arith.muli %add3A, %mul3A_364 : i32
          %mul3A_366 = arith.constant 80 : i32
          %mul3A_367 = arith.muli %add3A_363, %mul3A_366 : i32
          %add3A_368 = arith.addi %mul3A_365, %mul3A_367 : i32
          %dma_start3A_369 = arith.constant 0 : i32
          %dma_start3A_370 = tpu.memref_slice %arg3[%dma_start3A_369, %add3A_368] : memref<2x320000xi32, #tpu.memory_space<hbm>> -> memref<1x80xi32, #tpu.memory_space<hbm>>
          %dma_start3A_371 = tpu.memref_squeeze %dma_start3A_370 : memref<1x80xi32, #tpu.memory_space<hbm>> -> memref<80xi32, #tpu.memory_space<hbm>>
          %dma_start3A_372 = tpu.memref_slice %arg3[%dma_start3A_369, %add3A_368] : memref<2x320000xi32, #tpu.memory_space<hbm>> -> memref<1x80xi32, #tpu.memory_space<hbm>>
          %dma_start3A_373 = tpu.memref_squeeze %dma_start3A_372 : memref<1x80xi32, #tpu.memory_space<hbm>> -> memref<80xi32, #tpu.memory_space<hbm>>
          tpu.enqueue_dma source(%dma_start3A_373 : memref<80xi32, #tpu.memory_space<hbm>>) target(%arg14 : memref<80xi32, #tpu.memory_space<vmem>>) target_semaphore(%arg38 : memref<!tpu.dma_semaphore, #tpu.memory_space<semaphore_mem>>)
          %dma_start3A_374 = arith.constant 1 : i32
          %dma_start3A_375 = tpu.memref_slice %arg3[%dma_start3A_374, %add3A_368] : memref<2x320000xi32, #tpu.memory_space<hbm>> -> memref<1x80xi32, #tpu.memory_space<hbm>>
          %dma_start3A_376 = tpu.memref_squeeze %dma_start3A_375 : memref<1x80xi32, #tpu.memory_space<hbm>> -> memref<80xi32, #tpu.memory_space<hbm>>
          %dma_start3A_377 = tpu.memref_slice %arg3[%dma_start3A_374, %add3A_368] : memref<2x320000xi32, #tpu.memory_space<hbm>> -> memref<1x80xi32, #tpu.memory_space<hbm>>
          %dma_start3A_378 = tpu.memref_squeeze %dma_start3A_377 : memref<1x80xi32, #tpu.memory_space<hbm>> -> memref<80xi32, #tpu.memory_space<hbm>>
          tpu.enqueue_dma source(%dma_start3A_378 : memref<80xi32, #tpu.memory_space<hbm>>) target(%arg22 : memref<80xi32, #tpu.memory_space<vmem>>) target_semaphore(%arg38 : memref<!tpu.dma_semaphore, #tpu.memory_space<semaphore_mem>>)
        } else {
        }
      } else {
      }
      %jit3A_292 = arith.constant 8 : i32
      %eq3A_293 = arith.constant 0 : i32
      %eq3A_294 = arith.cmpi eq, %jit3A_292, %eq3A_293 : i32
      %jit3A_295 = arith.constant 1 : i32
      %select_n3A_296 = arith.select %eq3A_294, %jit3A_295, %jit3A_292 : i32
      %rem3A_297 = arith.remsi %scan3A_170, %select_n3A_296 : i32
      %ne3A_298 = arith.constant 0 : i32
      %ne3A_299 = arith.cmpi ne, %rem3A_297, %ne3A_298 : i32
      %lt3A_300 = arith.constant 0 : i32
      %lt3A_301 = arith.cmpi slt, %rem3A_297, %lt3A_300 : i32
      %lt3A_302 = arith.constant 0 : i32
      %lt3A_303 = arith.cmpi slt, %select_n3A_296, %lt3A_302 : i32
      %ne3A_304 = arith.xori %lt3A_301, %lt3A_303 : i1
      %and3A_305 = arith.andi %ne3A_304, %ne3A_299 : i1
      %add3A_306 = arith.addi %rem3A_297, %select_n3A_296 : i32
      %select_n3A_307 = arith.select %and3A_305, %add3A_306, %rem3A_297 : i32
      %eq3A_308 = arith.constant 6 : i32
      %eq3A_309 = arith.cmpi eq, %select_n3A_307, %eq3A_308 : i32
      %convert_element_type3A_310 = arith.extui %eq3A_309 : i1 to i32
      %cond3A_311 = arith.constant 0 : i32
      %cond3A_312 = arith.cmpi ne, %convert_element_type3A_310, %cond3A_311 : i32
      scf.if %cond3A_312 {
        %dma_wait3A_335 = arith.constant 0 : i32
        %dma_wait3A_336 = arith.constant 0 : i32
        %dma_wait3A_337 = tpu.memref_slice %arg2[%dma_wait3A_335, %dma_wait3A_336] : memref<10000x128xf32, #tpu.memory_space<hbm>> -> memref<10000x128xf32, #tpu.memory_space<hbm>>
        tpu.wait_indirect_dma semaphore(%arg33 : memref<!tpu.dma_semaphore, #tpu.memory_space<semaphore_mem>>) src(%dma_wait3A_337 : memref<10000x128xf32, #tpu.memory_space<hbm>>) dst(%arg29 : memref<80x128xf32, #tpu.memory_space<vmem>>)
        %ge3A = arith.constant 2 : i32
        %ge3A_338 = arith.cmpi sge, %scan3A_170, %ge3A : i32
        %convert_element_type3A_339 = arith.extui %ge3A_338 : i1 to i32
        %cond3A_340 = arith.constant 0 : i32
        %cond3A_341 = arith.cmpi ne, %convert_element_type3A_339, %cond3A_340 : i32
        scf.if %cond3A_341 {
          %dma_wait3A_362 = arith.constant 0 : i32
          %dma_wait3A_363 = arith.constant 0 : i32
          %dma_wait3A_364 = tpu.memref_slice %arg10[%dma_wait3A_362, %dma_wait3A_363] : memref<10000x128xf32, #tpu.memory_space<vmem_shared>> -> memref<10000x128xf32, #tpu.memory_space<vmem_shared>>
          tpu.wait_indirect_dma semaphore(%arg43 : memref<!tpu.dma_semaphore, #tpu.memory_space<semaphore_mem>>) src(%arg27 : memref<80x128xf32, #tpu.memory_space<vmem>>) dst(%dma_wait3A_364 : memref<10000x128xf32, #tpu.memory_space<vmem_shared>>)
          %dma_wait3A_365 = arith.constant 0 : i32
          %dma_wait3A_366 = arith.constant 0 : i32
          %dma_wait3A_367 = tpu.memref_slice %arg47[%dma_wait3A_365, %dma_wait3A_366] : memref<10000x8xf32, #tpu.memory_space<vmem_shared>> -> memref<10000x8xf32, #tpu.memory_space<vmem_shared>>
          tpu.wait_indirect_dma semaphore(%arg50 : memref<!tpu.dma_semaphore, #tpu.memory_space<semaphore_mem>>) src(%arg48 : memref<80x8xf32, #tpu.memory_space<vmem>>) dst(%dma_wait3A_367 : memref<10000x8xf32, #tpu.memory_space<vmem_shared>>)
        } else {
        }
        %add3A_342 = arith.constant 2 : i32
        %add3A_343 = arith.addi %scan3A_170, %add3A_342 : i32
        %lt3A_344 = arith.constant 125 : i32
        %lt3A_345 = arith.cmpi slt, %add3A_343, %lt3A_344 : i32
        %convert_element_type3A_346 = arith.extui %lt3A_345 : i1 to i32
        %cond3A_347 = arith.constant 0 : i32
        %cond3A_348 = arith.cmpi ne, %convert_element_type3A_346, %cond3A_347 : i32
        scf.if %cond3A_348 {
          %add3A_362 = arith.constant 2 : i32
          %add3A_363 = arith.addi %scan3A_170, %add3A_362 : i32
          %mul3A_364 = arith.constant 10000 : i32
          %mul3A_365 = arith.muli %add3A, %mul3A_364 : i32
          %mul3A_366 = arith.constant 80 : i32
          %mul3A_367 = arith.muli %add3A_363, %mul3A_366 : i32
          %add3A_368 = arith.addi %mul3A_365, %mul3A_367 : i32
          %dma_wait3A_369 = arith.constant 0 : i32
          %dma_wait3A_370 = tpu.memref_slice %arg3[%dma_wait3A_369, %add3A_368] : memref<2x320000xi32, #tpu.memory_space<hbm>> -> memref<1x80xi32, #tpu.memory_space<hbm>>
          %dma_wait3A_371 = tpu.memref_squeeze %dma_wait3A_370 : memref<1x80xi32, #tpu.memory_space<hbm>> -> memref<80xi32, #tpu.memory_space<hbm>>
          %dma_wait3A_372 = tpu.memref_slice %arg3[%dma_wait3A_369, %add3A_368] : memref<2x320000xi32, #tpu.memory_space<hbm>> -> memref<1x80xi32, #tpu.memory_space<hbm>>
          %dma_wait3A_373 = tpu.memref_squeeze %dma_wait3A_372 : memref<1x80xi32, #tpu.memory_space<hbm>> -> memref<80xi32, #tpu.memory_space<hbm>>
          tpu.wait_dma2 semaphore(%arg35 : memref<!tpu.dma_semaphore, #tpu.memory_space<semaphore_mem>>) src(%dma_wait3A_373 : memref<80xi32, #tpu.memory_space<hbm>>) dst(%arg11 : memref<80xi32, #tpu.memory_space<vmem>>)
          %dma_wait3A_374 = arith.constant 1 : i32
          %dma_wait3A_375 = tpu.memref_slice %arg3[%dma_wait3A_374, %add3A_368] : memref<2x320000xi32, #tpu.memory_space<hbm>> -> memref<1x80xi32, #tpu.memory_space<hbm>>
          %dma_wait3A_376 = tpu.memref_squeeze %dma_wait3A_375 : memref<1x80xi32, #tpu.memory_space<hbm>> -> memref<80xi32, #tpu.memory_space<hbm>>
          %dma_wait3A_377 = tpu.memref_slice %arg3[%dma_wait3A_374, %add3A_368] : memref<2x320000xi32, #tpu.memory_space<hbm>> -> memref<1x80xi32, #tpu.memory_space<hbm>>
          %dma_wait3A_378 = tpu.memref_squeeze %dma_wait3A_377 : memref<1x80xi32, #tpu.memory_space<hbm>> -> memref<80xi32, #tpu.memory_space<hbm>>
          tpu.wait_dma2 semaphore(%arg35 : memref<!tpu.dma_semaphore, #tpu.memory_space<semaphore_mem>>) src(%dma_wait3A_378 : memref<80xi32, #tpu.memory_space<hbm>>) dst(%arg19 : memref<80xi32, #tpu.memory_space<vmem>>)
          %dma_start3A_379 = arith.constant 0 : i32
          %dma_start3A_380 = arith.constant 0 : i32
          %dma_start3A_381 = tpu.memref_slice %arg2[%dma_start3A_379, %dma_start3A_380] : memref<10000x128xf32, #tpu.memory_space<hbm>> -> memref<10000x128xf32, #tpu.memory_space<hbm>>
          tpu.enqueue_indirect_dma source(%dma_start3A_381 : memref<10000x128xf32, #tpu.memory_space<hbm>>) target(%arg27 : memref<80x128xf32, #tpu.memory_space<vmem>>) offsets(%arg11 : memref<80xi32, #tpu.memory_space<vmem>>) semaphore(%arg31 : memref<!tpu.dma_semaphore, #tpu.memory_space<semaphore_mem>>)
        } else {
        }
        %dma_start3A_349 = arith.constant 0 : i32
        %dma_start3A_350 = arith.constant 0 : i32
        %dma_start3A_351 = tpu.memref_slice %arg10[%dma_start3A_349, %dma_start3A_350] : memref<10000x128xf32, #tpu.memory_space<vmem_shared>> -> memref<10000x128xf32, #tpu.memory_space<vmem_shared>>
        tpu.enqueue_indirect_dma source(%arg29 : memref<80x128xf32, #tpu.memory_space<vmem>>) target(%dma_start3A_351 : memref<10000x128xf32, #tpu.memory_space<vmem_shared>>) offsets(%arg25 : memref<80xi32, #tpu.memory_space<vmem>>) semaphore(%arg45 : memref<!tpu.dma_semaphore, #tpu.memory_space<semaphore_mem>>) {add = true}
        %dma_start3A_352 = arith.constant 0 : i32
        %dma_start3A_353 = arith.constant 0 : i32
        %dma_start3A_354 = tpu.memref_slice %arg47[%dma_start3A_352, %dma_start3A_353] : memref<10000x8xf32, #tpu.memory_space<vmem_shared>> -> memref<10000x8xf32, #tpu.memory_space<vmem_shared>>
        tpu.enqueue_indirect_dma source(%arg48 : memref<80x8xf32, #tpu.memory_space<vmem>>) target(%dma_start3A_354 : memref<10000x8xf32, #tpu.memory_space<vmem_shared>>) offsets(%arg25 : memref<80xi32, #tpu.memory_space<vmem>>) semaphore(%arg52 : memref<!tpu.dma_semaphore, #tpu.memory_space<semaphore_mem>>) {add = true}
        %add3A_355 = arith.constant 6 : i32
        %add3A_356 = arith.addi %scan3A_170, %add3A_355 : i32
        %lt3A_357 = arith.constant 125 : i32
        %lt3A_358 = arith.cmpi slt, %add3A_356, %lt3A_357 : i32
        %convert_element_type3A_359 = arith.extui %lt3A_358 : i1 to i32
        %cond3A_360 = arith.constant 0 : i32
        %cond3A_361 = arith.cmpi ne, %convert_element_type3A_359, %cond3A_360 : i32
        scf.if %cond3A_361 {
          %add3A_362 = arith.constant 6 : i32
          %add3A_363 = arith.addi %scan3A_170, %add3A_362 : i32
          %mul3A_364 = arith.constant 10000 : i32
          %mul3A_365 = arith.muli %add3A, %mul3A_364 : i32
          %mul3A_366 = arith.constant 80 : i32
          %mul3A_367 = arith.muli %add3A_363, %mul3A_366 : i32
          %add3A_368 = arith.addi %mul3A_365, %mul3A_367 : i32
          %dma_start3A_369 = arith.constant 0 : i32
          %dma_start3A_370 = tpu.memref_slice %arg3[%dma_start3A_369, %add3A_368] : memref<2x320000xi32, #tpu.memory_space<hbm>> -> memref<1x80xi32, #tpu.memory_space<hbm>>
          %dma_start3A_371 = tpu.memref_squeeze %dma_start3A_370 : memref<1x80xi32, #tpu.memory_space<hbm>> -> memref<80xi32, #tpu.memory_space<hbm>>
          %dma_start3A_372 = tpu.memref_slice %arg3[%dma_start3A_369, %add3A_368] : memref<2x320000xi32, #tpu.memory_space<hbm>> -> memref<1x80xi32, #tpu.memory_space<hbm>>
          %dma_start3A_373 = tpu.memref_squeeze %dma_start3A_372 : memref<1x80xi32, #tpu.memory_space<hbm>> -> memref<80xi32, #tpu.memory_space<hbm>>
          tpu.enqueue_dma source(%dma_start3A_373 : memref<80xi32, #tpu.memory_space<hbm>>) target(%arg15 : memref<80xi32, #tpu.memory_space<vmem>>) target_semaphore(%arg39 : memref<!tpu.dma_semaphore, #tpu.memory_space<semaphore_mem>>)
          %dma_start3A_374 = arith.constant 1 : i32
          %dma_start3A_375 = tpu.memref_slice %arg3[%dma_start3A_374, %add3A_368] : memref<2x320000xi32, #tpu.memory_space<hbm>> -> memref<1x80xi32, #tpu.memory_space<hbm>>
          %dma_start3A_376 = tpu.memref_squeeze %dma_start3A_375 : memref<1x80xi32, #tpu.memory_space<hbm>> -> memref<80xi32, #tpu.memory_space<hbm>>
          %dma_start3A_377 = tpu.memref_slice %arg3[%dma_start3A_374, %add3A_368] : memref<2x320000xi32, #tpu.memory_space<hbm>> -> memref<1x80xi32, #tpu.memory_space<hbm>>
          %dma_start3A_378 = tpu.memref_squeeze %dma_start3A_377 : memref<1x80xi32, #tpu.memory_space<hbm>> -> memref<80xi32, #tpu.memory_space<hbm>>
          tpu.enqueue_dma source(%dma_start3A_378 : memref<80xi32, #tpu.memory_space<hbm>>) target(%arg23 : memref<80xi32, #tpu.memory_space<vmem>>) target_semaphore(%arg39 : memref<!tpu.dma_semaphore, #tpu.memory_space<semaphore_mem>>)
        } else {
        }
      } else {
      }
      %jit3A_313 = arith.constant 8 : i32
      %eq3A_314 = arith.constant 0 : i32
      %eq3A_315 = arith.cmpi eq, %jit3A_313, %eq3A_314 : i32
      %jit3A_316 = arith.constant 1 : i32
      %select_n3A_317 = arith.select %eq3A_315, %jit3A_316, %jit3A_313 : i32
      %rem3A_318 = arith.remsi %scan3A_170, %select_n3A_317 : i32
      %ne3A_319 = arith.constant 0 : i32
      %ne3A_320 = arith.cmpi ne, %rem3A_318, %ne3A_319 : i32
      %lt3A_321 = arith.constant 0 : i32
      %lt3A_322 = arith.cmpi slt, %rem3A_318, %lt3A_321 : i32
      %lt3A_323 = arith.constant 0 : i32
      %lt3A_324 = arith.cmpi slt, %select_n3A_317, %lt3A_323 : i32
      %ne3A_325 = arith.xori %lt3A_322, %lt3A_324 : i1
      %and3A_326 = arith.andi %ne3A_325, %ne3A_320 : i1
      %add3A_327 = arith.addi %rem3A_318, %select_n3A_317 : i32
      %select_n3A_328 = arith.select %and3A_326, %add3A_327, %rem3A_318 : i32
      %eq3A_329 = arith.constant 7 : i32
      %eq3A_330 = arith.cmpi eq, %select_n3A_328, %eq3A_329 : i32
      %convert_element_type3A_331 = arith.extui %eq3A_330 : i1 to i32
      %cond3A_332 = arith.constant 0 : i32
      %cond3A_333 = arith.cmpi ne, %convert_element_type3A_331, %cond3A_332 : i32
      scf.if %cond3A_333 {
        %dma_wait3A_335 = arith.constant 0 : i32
        %dma_wait3A_336 = arith.constant 0 : i32
        %dma_wait3A_337 = tpu.memref_slice %arg2[%dma_wait3A_335, %dma_wait3A_336] : memref<10000x128xf32, #tpu.memory_space<hbm>> -> memref<10000x128xf32, #tpu.memory_space<hbm>>
        tpu.wait_indirect_dma semaphore(%arg34 : memref<!tpu.dma_semaphore, #tpu.memory_space<semaphore_mem>>) src(%dma_wait3A_337 : memref<10000x128xf32, #tpu.memory_space<hbm>>) dst(%arg30 : memref<80x128xf32, #tpu.memory_space<vmem>>)
        %ge3A = arith.constant 2 : i32
        %ge3A_338 = arith.cmpi sge, %scan3A_170, %ge3A : i32
        %convert_element_type3A_339 = arith.extui %ge3A_338 : i1 to i32
        %cond3A_340 = arith.constant 0 : i32
        %cond3A_341 = arith.cmpi ne, %convert_element_type3A_339, %cond3A_340 : i32
        scf.if %cond3A_341 {
          %dma_wait3A_362 = arith.constant 0 : i32
          %dma_wait3A_363 = arith.constant 0 : i32
          %dma_wait3A_364 = tpu.memref_slice %arg10[%dma_wait3A_362, %dma_wait3A_363] : memref<10000x128xf32, #tpu.memory_space<vmem_shared>> -> memref<10000x128xf32, #tpu.memory_space<vmem_shared>>
          tpu.wait_indirect_dma semaphore(%arg44 : memref<!tpu.dma_semaphore, #tpu.memory_space<semaphore_mem>>) src(%arg28 : memref<80x128xf32, #tpu.memory_space<vmem>>) dst(%dma_wait3A_364 : memref<10000x128xf32, #tpu.memory_space<vmem_shared>>)
          %dma_wait3A_365 = arith.constant 0 : i32
          %dma_wait3A_366 = arith.constant 0 : i32
          %dma_wait3A_367 = tpu.memref_slice %arg47[%dma_wait3A_365, %dma_wait3A_366] : memref<10000x8xf32, #tpu.memory_space<vmem_shared>> -> memref<10000x8xf32, #tpu.memory_space<vmem_shared>>
          tpu.wait_indirect_dma semaphore(%arg51 : memref<!tpu.dma_semaphore, #tpu.memory_space<semaphore_mem>>) src(%arg48 : memref<80x8xf32, #tpu.memory_space<vmem>>) dst(%dma_wait3A_367 : memref<10000x8xf32, #tpu.memory_space<vmem_shared>>)
        } else {
        }
        %add3A_342 = arith.constant 2 : i32
        %add3A_343 = arith.addi %scan3A_170, %add3A_342 : i32
        %lt3A_344 = arith.constant 125 : i32
        %lt3A_345 = arith.cmpi slt, %add3A_343, %lt3A_344 : i32
        %convert_element_type3A_346 = arith.extui %lt3A_345 : i1 to i32
        %cond3A_347 = arith.constant 0 : i32
        %cond3A_348 = arith.cmpi ne, %convert_element_type3A_346, %cond3A_347 : i32
        scf.if %cond3A_348 {
          %add3A_362 = arith.constant 2 : i32
          %add3A_363 = arith.addi %scan3A_170, %add3A_362 : i32
          %mul3A_364 = arith.constant 10000 : i32
          %mul3A_365 = arith.muli %add3A, %mul3A_364 : i32
          %mul3A_366 = arith.constant 80 : i32
          %mul3A_367 = arith.muli %add3A_363, %mul3A_366 : i32
          %add3A_368 = arith.addi %mul3A_365, %mul3A_367 : i32
          %dma_wait3A_369 = arith.constant 0 : i32
          %dma_wait3A_370 = tpu.memref_slice %arg3[%dma_wait3A_369, %add3A_368] : memref<2x320000xi32, #tpu.memory_space<hbm>> -> memref<1x80xi32, #tpu.memory_space<hbm>>
          %dma_wait3A_371 = tpu.memref_squeeze %dma_wait3A_370 : memref<1x80xi32, #tpu.memory_space<hbm>> -> memref<80xi32, #tpu.memory_space<hbm>>
          %dma_wait3A_372 = tpu.memref_slice %arg3[%dma_wait3A_369, %add3A_368] : memref<2x320000xi32, #tpu.memory_space<hbm>> -> memref<1x80xi32, #tpu.memory_space<hbm>>
          %dma_wait3A_373 = tpu.memref_squeeze %dma_wait3A_372 : memref<1x80xi32, #tpu.memory_space<hbm>> -> memref<80xi32, #tpu.memory_space<hbm>>
          tpu.wait_dma2 semaphore(%arg36 : memref<!tpu.dma_semaphore, #tpu.memory_space<semaphore_mem>>) src(%dma_wait3A_373 : memref<80xi32, #tpu.memory_space<hbm>>) dst(%arg12 : memref<80xi32, #tpu.memory_space<vmem>>)
          %dma_wait3A_374 = arith.constant 1 : i32
          %dma_wait3A_375 = tpu.memref_slice %arg3[%dma_wait3A_374, %add3A_368] : memref<2x320000xi32, #tpu.memory_space<hbm>> -> memref<1x80xi32, #tpu.memory_space<hbm>>
          %dma_wait3A_376 = tpu.memref_squeeze %dma_wait3A_375 : memref<1x80xi32, #tpu.memory_space<hbm>> -> memref<80xi32, #tpu.memory_space<hbm>>
          %dma_wait3A_377 = tpu.memref_slice %arg3[%dma_wait3A_374, %add3A_368] : memref<2x320000xi32, #tpu.memory_space<hbm>> -> memref<1x80xi32, #tpu.memory_space<hbm>>
          %dma_wait3A_378 = tpu.memref_squeeze %dma_wait3A_377 : memref<1x80xi32, #tpu.memory_space<hbm>> -> memref<80xi32, #tpu.memory_space<hbm>>
          tpu.wait_dma2 semaphore(%arg36 : memref<!tpu.dma_semaphore, #tpu.memory_space<semaphore_mem>>) src(%dma_wait3A_378 : memref<80xi32, #tpu.memory_space<hbm>>) dst(%arg20 : memref<80xi32, #tpu.memory_space<vmem>>)
          %dma_start3A_379 = arith.constant 0 : i32
          %dma_start3A_380 = arith.constant 0 : i32
          %dma_start3A_381 = tpu.memref_slice %arg2[%dma_start3A_379, %dma_start3A_380] : memref<10000x128xf32, #tpu.memory_space<hbm>> -> memref<10000x128xf32, #tpu.memory_space<hbm>>
          tpu.enqueue_indirect_dma source(%dma_start3A_381 : memref<10000x128xf32, #tpu.memory_space<hbm>>) target(%arg28 : memref<80x128xf32, #tpu.memory_space<vmem>>) offsets(%arg12 : memref<80xi32, #tpu.memory_space<vmem>>) semaphore(%arg32 : memref<!tpu.dma_semaphore, #tpu.memory_space<semaphore_mem>>)
        } else {
        }
        %dma_start3A_349 = arith.constant 0 : i32
        %dma_start3A_350 = arith.constant 0 : i32
        %dma_start3A_351 = tpu.memref_slice %arg10[%dma_start3A_349, %dma_start3A_350] : memref<10000x128xf32, #tpu.memory_space<vmem_shared>> -> memref<10000x128xf32, #tpu.memory_space<vmem_shared>>
        tpu.enqueue_indirect_dma source(%arg30 : memref<80x128xf32, #tpu.memory_space<vmem>>) target(%dma_start3A_351 : memref<10000x128xf32, #tpu.memory_space<vmem_shared>>) offsets(%arg26 : memref<80xi32, #tpu.memory_space<vmem>>) semaphore(%arg46 : memref<!tpu.dma_semaphore, #tpu.memory_space<semaphore_mem>>) {add = true}
        %dma_start3A_352 = arith.constant 0 : i32
        %dma_start3A_353 = arith.constant 0 : i32
        %dma_start3A_354 = tpu.memref_slice %arg47[%dma_start3A_352, %dma_start3A_353] : memref<10000x8xf32, #tpu.memory_space<vmem_shared>> -> memref<10000x8xf32, #tpu.memory_space<vmem_shared>>
        tpu.enqueue_indirect_dma source(%arg48 : memref<80x8xf32, #tpu.memory_space<vmem>>) target(%dma_start3A_354 : memref<10000x8xf32, #tpu.memory_space<vmem_shared>>) offsets(%arg26 : memref<80xi32, #tpu.memory_space<vmem>>) semaphore(%arg53 : memref<!tpu.dma_semaphore, #tpu.memory_space<semaphore_mem>>) {add = true}
        %add3A_355 = arith.constant 6 : i32
        %add3A_356 = arith.addi %scan3A_170, %add3A_355 : i32
        %lt3A_357 = arith.constant 125 : i32
        %lt3A_358 = arith.cmpi slt, %add3A_356, %lt3A_357 : i32
        %convert_element_type3A_359 = arith.extui %lt3A_358 : i1 to i32
        %cond3A_360 = arith.constant 0 : i32
        %cond3A_361 = arith.cmpi ne, %convert_element_type3A_359, %cond3A_360 : i32
        scf.if %cond3A_361 {
          %add3A_362 = arith.constant 6 : i32
          %add3A_363 = arith.addi %scan3A_170, %add3A_362 : i32
          %mul3A_364 = arith.constant 10000 : i32
          %mul3A_365 = arith.muli %add3A, %mul3A_364 : i32
          %mul3A_366 = arith.constant 80 : i32
          %mul3A_367 = arith.muli %add3A_363, %mul3A_366 : i32
          %add3A_368 = arith.addi %mul3A_365, %mul3A_367 : i32
          %dma_start3A_369 = arith.constant 0 : i32
          %dma_start3A_370 = tpu.memref_slice %arg3[%dma_start3A_369, %add3A_368] : memref<2x320000xi32, #tpu.memory_space<hbm>> -> memref<1x80xi32, #tpu.memory_space<hbm>>
          %dma_start3A_371 = tpu.memref_squeeze %dma_start3A_370 : memref<1x80xi32, #tpu.memory_space<hbm>> -> memref<80xi32, #tpu.memory_space<hbm>>
          %dma_start3A_372 = tpu.memref_slice %arg3[%dma_start3A_369, %add3A_368] : memref<2x320000xi32, #tpu.memory_space<hbm>> -> memref<1x80xi32, #tpu.memory_space<hbm>>
          %dma_start3A_373 = tpu.memref_squeeze %dma_start3A_372 : memref<1x80xi32, #tpu.memory_space<hbm>> -> memref<80xi32, #tpu.memory_space<hbm>>
          tpu.enqueue_dma source(%dma_start3A_373 : memref<80xi32, #tpu.memory_space<hbm>>) target(%arg16 : memref<80xi32, #tpu.memory_space<vmem>>) target_semaphore(%arg40 : memref<!tpu.dma_semaphore, #tpu.memory_space<semaphore_mem>>)
          %dma_start3A_374 = arith.constant 1 : i32
          %dma_start3A_375 = tpu.memref_slice %arg3[%dma_start3A_374, %add3A_368] : memref<2x320000xi32, #tpu.memory_space<hbm>> -> memref<1x80xi32, #tpu.memory_space<hbm>>
          %dma_start3A_376 = tpu.memref_squeeze %dma_start3A_375 : memref<1x80xi32, #tpu.memory_space<hbm>> -> memref<80xi32, #tpu.memory_space<hbm>>
          %dma_start3A_377 = tpu.memref_slice %arg3[%dma_start3A_374, %add3A_368] : memref<2x320000xi32, #tpu.memory_space<hbm>> -> memref<1x80xi32, #tpu.memory_space<hbm>>
          %dma_start3A_378 = tpu.memref_squeeze %dma_start3A_377 : memref<1x80xi32, #tpu.memory_space<hbm>> -> memref<80xi32, #tpu.memory_space<hbm>>
          tpu.enqueue_dma source(%dma_start3A_378 : memref<80xi32, #tpu.memory_space<hbm>>) target(%arg24 : memref<80xi32, #tpu.memory_space<vmem>>) target_semaphore(%arg40 : memref<!tpu.dma_semaphore, #tpu.memory_space<semaphore_mem>>)
        } else {
        }
      } else {
      }
      %scan3A_334 = arith.constant 0 : i32
      scf.yield %scan3A_334 : i32
    }
    %scan3A_147 = arith.constant 125 : i32
    %dma_wait3A_148 = arith.constant 0 : i32
    %dma_wait3A_149 = arith.constant 0 : i32
    %dma_wait3A_150 = tpu.memref_slice %arg10[%dma_wait3A_148, %dma_wait3A_149] : memref<10000x128xf32, #tpu.memory_space<vmem_shared>> -> memref<10000x128xf32, #tpu.memory_space<vmem_shared>>
    tpu.wait_indirect_dma semaphore(%arg46 : memref<!tpu.dma_semaphore, #tpu.memory_space<semaphore_mem>>) src(%arg30 : memref<80x128xf32, #tpu.memory_space<vmem>>) dst(%dma_wait3A_150 : memref<10000x128xf32, #tpu.memory_space<vmem_shared>>)
    %dma_wait3A_151 = arith.constant 0 : i32
    %dma_wait3A_152 = arith.constant 0 : i32
    %dma_wait3A_153 = tpu.memref_slice %arg47[%dma_wait3A_151, %dma_wait3A_152] : memref<10000x8xf32, #tpu.memory_space<vmem_shared>> -> memref<10000x8xf32, #tpu.memory_space<vmem_shared>>
    tpu.wait_indirect_dma semaphore(%arg53 : memref<!tpu.dma_semaphore, #tpu.memory_space<semaphore_mem>>) src(%arg48 : memref<80x8xf32, #tpu.memory_space<vmem>>) dst(%dma_wait3A_153 : memref<10000x8xf32, #tpu.memory_space<vmem_shared>>)
    %dma_wait3A_154 = arith.constant 0 : i32
    %dma_wait3A_155 = arith.constant 0 : i32
    %dma_wait3A_156 = tpu.memref_slice %arg10[%dma_wait3A_154, %dma_wait3A_155] : memref<10000x128xf32, #tpu.memory_space<vmem_shared>> -> memref<10000x128xf32, #tpu.memory_space<vmem_shared>>
    tpu.wait_indirect_dma semaphore(%arg43 : memref<!tpu.dma_semaphore, #tpu.memory_space<semaphore_mem>>) src(%arg27 : memref<80x128xf32, #tpu.memory_space<vmem>>) dst(%dma_wait3A_156 : memref<10000x128xf32, #tpu.memory_space<vmem_shared>>)
    %dma_wait3A_157 = arith.constant 0 : i32
    %dma_wait3A_158 = arith.constant 0 : i32
    %dma_wait3A_159 = tpu.memref_slice %arg47[%dma_wait3A_157, %dma_wait3A_158] : memref<10000x8xf32, #tpu.memory_space<vmem_shared>> -> memref<10000x8xf32, #tpu.memory_space<vmem_shared>>
    tpu.wait_indirect_dma semaphore(%arg50 : memref<!tpu.dma_semaphore, #tpu.memory_space<semaphore_mem>>) src(%arg48 : memref<80x8xf32, #tpu.memory_space<vmem>>) dst(%dma_wait3A_159 : memref<10000x8xf32, #tpu.memory_space<vmem_shared>>)
    %barrier3A_160 = arith.constant 0 : index
    tpu.barrier barrier_id(%barrier3A_160)
    %mul3A_161 = arith.constant 625 : i32
    %mul3A_162 = arith.muli %arg1, %mul3A_161 : i32
    %eq3A = arith.constant 0 : i32
    %eq3A_163 = arith.cmpi eq, %arg0, %eq3A : i32
    %convert_element_type3A = arith.extui %eq3A_163 : i1 to i32
    %cond3A = arith.constant 0 : i32
    %cond3A_164 = arith.cmpi ne, %convert_element_type3A, %cond3A : i32
    scf.if %cond3A_164 {
      "tpu.region"() ({
        %run_scoped3A = tpu.sem_alloc : memref<!tpu.dma_semaphore, #tpu.memory_space<semaphore_mem>>
        %dma_start3A_170 = arith.constant 0 : i32
        %dma_start3A_171 = tpu.memref_slice %arg6[%mul3A_162, %dma_start3A_170] : memref<10000x128xf32, #tpu.memory_space<hbm>> -> memref<625x128xf32, #tpu.memory_space<hbm>>
        %dma_start3A_172 = arith.constant 0 : i32
        %dma_start3A_173 = tpu.memref_slice %arg10[%mul3A_162, %dma_start3A_172] : memref<10000x128xf32, #tpu.memory_space<vmem_shared>> -> memref<625x128xf32, #tpu.memory_space<vmem_shared>>
        tpu.enqueue_dma source(%dma_start3A_173 : memref<625x128xf32, #tpu.memory_space<vmem_shared>>) target(%dma_start3A_171 : memref<625x128xf32, #tpu.memory_space<hbm>>) target_semaphore(%run_scoped3A : memref<!tpu.dma_semaphore, #tpu.memory_space<semaphore_mem>>)
        %dma_wait3A_174 = arith.constant 0 : i32
        %dma_wait3A_175 = tpu.memref_slice %arg6[%mul3A_162, %dma_wait3A_174] : memref<10000x128xf32, #tpu.memory_space<hbm>> -> memref<625x128xf32, #tpu.memory_space<hbm>>
        %dma_wait3A_176 = arith.constant 0 : i32
        %dma_wait3A_177 = tpu.memref_slice %arg10[%mul3A_162, %dma_wait3A_176] : memref<10000x128xf32, #tpu.memory_space<vmem_shared>> -> memref<625x128xf32, #tpu.memory_space<vmem_shared>>
        tpu.wait_dma2 semaphore(%run_scoped3A : memref<!tpu.dma_semaphore, #tpu.memory_space<semaphore_mem>>) src(%dma_wait3A_177 : memref<625x128xf32, #tpu.memory_space<vmem_shared>>) dst(%dma_wait3A_175 : memref<625x128xf32, #tpu.memory_space<hbm>>)
        tpu.yield
      }) : () -> ()
      "tpu.region"() ({
        %run_scoped3A = tpu.sem_alloc : memref<!tpu.dma_semaphore, #tpu.memory_space<semaphore_mem>>
        %dma_start3A_170 = arith.constant 0 : i32
        %dma_start3A_171 = tpu.memref_slice %arg8[%mul3A_162, %dma_start3A_170] : memref<10000x8xf32, #tpu.memory_space<hbm>> -> memref<625x8xf32, #tpu.memory_space<hbm>>
        %dma_start3A_172 = arith.constant 0 : i32
        %dma_start3A_173 = tpu.memref_slice %arg47[%mul3A_162, %dma_start3A_172] : memref<10000x8xf32, #tpu.memory_space<vmem_shared>> -> memref<625x8xf32, #tpu.memory_space<vmem_shared>>
        tpu.enqueue_dma source(%dma_start3A_173 : memref<625x8xf32, #tpu.memory_space<vmem_shared>>) target(%dma_start3A_171 : memref<625x8xf32, #tpu.memory_space<hbm>>) target_semaphore(%run_scoped3A : memref<!tpu.dma_semaphore, #tpu.memory_space<semaphore_mem>>)
        %dma_wait3A_174 = arith.constant 0 : i32
        %dma_wait3A_175 = tpu.memref_slice %arg8[%mul3A_162, %dma_wait3A_174] : memref<10000x8xf32, #tpu.memory_space<hbm>> -> memref<625x8xf32, #tpu.memory_space<hbm>>
        %dma_wait3A_176 = arith.constant 0 : i32
        %dma_wait3A_177 = tpu.memref_slice %arg47[%mul3A_162, %dma_wait3A_176] : memref<10000x8xf32, #tpu.memory_space<vmem_shared>> -> memref<625x8xf32, #tpu.memory_space<vmem_shared>>
        tpu.wait_dma2 semaphore(%run_scoped3A : memref<!tpu.dma_semaphore, #tpu.memory_space<semaphore_mem>>) src(%dma_wait3A_177 : memref<625x8xf32, #tpu.memory_space<vmem_shared>>) dst(%dma_wait3A_175 : memref<625x8xf32, #tpu.memory_space<hbm>>)
        tpu.yield
      }) : () -> ()
    } else {
    }
    %eq3A_165 = arith.constant 1 : i32
    %eq3A_166 = arith.cmpi eq, %arg0, %eq3A_165 : i32
    %convert_element_type3A_167 = arith.extui %eq3A_166 : i1 to i32
    %cond3A_168 = arith.constant 0 : i32
    %cond3A_169 = arith.cmpi ne, %convert_element_type3A_167, %cond3A_168 : i32
    scf.if %cond3A_169 {
      "tpu.region"() ({
        %run_scoped3A = tpu.sem_alloc : memref<!tpu.dma_semaphore, #tpu.memory_space<semaphore_mem>>
        %dma_start3A_170 = arith.constant 0 : i32
        %dma_start3A_171 = tpu.memref_slice %arg7[%mul3A_162, %dma_start3A_170] : memref<10000x128xf32, #tpu.memory_space<hbm>> -> memref<625x128xf32, #tpu.memory_space<hbm>>
        %dma_start3A_172 = arith.constant 0 : i32
        %dma_start3A_173 = tpu.memref_slice %arg10[%mul3A_162, %dma_start3A_172] : memref<10000x128xf32, #tpu.memory_space<vmem_shared>> -> memref<625x128xf32, #tpu.memory_space<vmem_shared>>
        tpu.enqueue_dma source(%dma_start3A_173 : memref<625x128xf32, #tpu.memory_space<vmem_shared>>) target(%dma_start3A_171 : memref<625x128xf32, #tpu.memory_space<hbm>>) target_semaphore(%run_scoped3A : memref<!tpu.dma_semaphore, #tpu.memory_space<semaphore_mem>>)
        %dma_wait3A_174 = arith.constant 0 : i32
        %dma_wait3A_175 = tpu.memref_slice %arg7[%mul3A_162, %dma_wait3A_174] : memref<10000x128xf32, #tpu.memory_space<hbm>> -> memref<625x128xf32, #tpu.memory_space<hbm>>
        %dma_wait3A_176 = arith.constant 0 : i32
        %dma_wait3A_177 = tpu.memref_slice %arg10[%mul3A_162, %dma_wait3A_176] : memref<10000x128xf32, #tpu.memory_space<vmem_shared>> -> memref<625x128xf32, #tpu.memory_space<vmem_shared>>
        tpu.wait_dma2 semaphore(%run_scoped3A : memref<!tpu.dma_semaphore, #tpu.memory_space<semaphore_mem>>) src(%dma_wait3A_177 : memref<625x128xf32, #tpu.memory_space<vmem_shared>>) dst(%dma_wait3A_175 : memref<625x128xf32, #tpu.memory_space<hbm>>)
        tpu.yield
      }) : () -> ()
      "tpu.region"() ({
        %run_scoped3A = tpu.sem_alloc : memref<!tpu.dma_semaphore, #tpu.memory_space<semaphore_mem>>
        %dma_start3A_170 = arith.constant 0 : i32
        %dma_start3A_171 = tpu.memref_slice %arg9[%mul3A_162, %dma_start3A_170] : memref<10000x8xf32, #tpu.memory_space<hbm>> -> memref<625x8xf32, #tpu.memory_space<hbm>>
        %dma_start3A_172 = arith.constant 0 : i32
        %dma_start3A_173 = tpu.memref_slice %arg47[%mul3A_162, %dma_start3A_172] : memref<10000x8xf32, #tpu.memory_space<vmem_shared>> -> memref<625x8xf32, #tpu.memory_space<vmem_shared>>
        tpu.enqueue_dma source(%dma_start3A_173 : memref<625x8xf32, #tpu.memory_space<vmem_shared>>) target(%dma_start3A_171 : memref<625x8xf32, #tpu.memory_space<hbm>>) target_semaphore(%run_scoped3A : memref<!tpu.dma_semaphore, #tpu.memory_space<semaphore_mem>>)
        %dma_wait3A_174 = arith.constant 0 : i32
        %dma_wait3A_175 = tpu.memref_slice %arg9[%mul3A_162, %dma_wait3A_174] : memref<10000x8xf32, #tpu.memory_space<hbm>> -> memref<625x8xf32, #tpu.memory_space<hbm>>
        %dma_wait3A_176 = arith.constant 0 : i32
        %dma_wait3A_177 = tpu.memref_slice %arg47[%mul3A_162, %dma_wait3A_176] : memref<10000x8xf32, #tpu.memory_space<vmem_shared>> -> memref<625x8xf32, #tpu.memory_space<vmem_shared>>
        tpu.wait_dma2 semaphore(%run_scoped3A : memref<!tpu.dma_semaphore, #tpu.memory_space<semaphore_mem>>) src(%dma_wait3A_177 : memref<625x8xf32, #tpu.memory_space<vmem_shared>>) dst(%dma_wait3A_175 : memref<625x8xf32, #tpu.memory_space<hbm>>)
        tpu.yield
      }) : () -> ()
    } else {
    }
    return
  }
}

module attributes {stable_mosaic.version = 14 : i64} {
  func.func @_tcr_body(%arg0: i32, %arg1: memref<1000x128xf32, #tpu.memory_space<vmem>>, %arg2: memref<128x128xf32, #tpu.memory_space<vmem>>, %arg3: memref<1x128xf32, #tpu.memory_space<vmem>>, %arg4: memref<1000x128xf32, #tpu.memory_space<vmem>>) attributes {dimension_semantics = [#tpu.dimension_semantics<arbitrary>], iteration_bounds = array<i64: 10>, scalar_prefetch = 0 : i64, scratch_operands = 0 : i64, tpu.core_type = #tpu.core_type<tc>, window_params = [{transform_indices = @transform_0, window_bounds = array<i64: 1000, 128>}, {pipeline_mode = #tpu.pipeline_mode<synchronous>, transform_indices = @transform_1, window_bounds = array<i64: 128, 128>}, {pipeline_mode = #tpu.pipeline_mode<synchronous>, transform_indices = @transform_2, window_bounds = array<i64: 1, 128>}, {transform_indices = @transform_3, window_bounds = array<i64: 1000, 128>}]} {
    %get3A = arith.constant 0 : index
    %get3A_0 = arith.constant 0 : index
    %get3A_1 = vector.load %arg1[%get3A, %get3A_0] : memref<1000x128xf32, #tpu.memory_space<vmem>>, vector<1000x128xf32>
    %get3A_2 = arith.constant 0 : index
    %get3A_3 = arith.constant 0 : index
    %get3A_4 = vector.load %arg2[%get3A_2, %get3A_3] : memref<128x128xf32, #tpu.memory_space<vmem>>, vector<128x128xf32>
    %dot_general3A = arith.constant dense<0.000000e+00> : vector<1000x128xf32>
    %dot_general3A_5 = tpu.matmul %get3A_1, %get3A_4, %dot_general3A {dimension_numbers = #tpu.dot_dimension_numbers<[1], [1], [0], [0], [0, 0, 1, 0], [], []>, precision = #tpu.contract_precision<fp32>, transpose_lhs_hint = false} : vector<1000x128xf32>, vector<128x128xf32>, vector<1000x128xf32> -> vector<1000x128xf32>
    %get3A_6 = arith.constant 0 : index
    %get3A_7 = arith.constant 0 : index
    %get3A_8 = vector.load %arg3[%get3A_6, %get3A_7] : memref<1x128xf32, #tpu.memory_space<vmem>>, vector<1x128xf32>
    %add3A = vector.broadcast %get3A_8 : vector<1x128xf32> to vector<1000x128xf32>
    %add3A_9 = arith.addf %dot_general3A_5, %add3A : vector<1000x128xf32>
    %swap3A = arith.constant 0 : index
    %swap3A_10 = arith.constant 0 : index
    %swap3A_11 = vector.load %arg4[%swap3A, %swap3A_10] : memref<1000x128xf32, #tpu.memory_space<vmem>>, vector<1000x128xf32>
    tpu.vector_store %arg4[%swap3A, %swap3A_10], %add3A_9 {strides = array<i32>} : memref<1000x128xf32, #tpu.memory_space<vmem>>, vector<1000x128xf32>,
    return
  }
  func.func @transform_0(%arg0: i32) -> (i32, i32) {
    %c0_i32 = arith.constant 0 : i32
    %c0_i32_0 = arith.constant 0 : i32
    return %arg0, %c0_i32 : i32, i32
  }
  func.func @transform_1(%arg0: i32) -> (i32, i32) {
    %c0_i32 = arith.constant 0 : i32
    %c0_i32_0 = arith.constant 0 : i32
    %c0_i32_1 = arith.constant 0 : i32
    return %c0_i32, %c0_i32_0 : i32, i32
  }
  func.func @transform_2(%arg0: i32) -> (i32, i32) {
    %c0_i32 = arith.constant 0 : i32
    %c0_i32_0 = arith.constant 0 : i32
    %c0_i32_1 = arith.constant 0 : i32
    return %c0_i32, %c0_i32_0 : i32, i32
  }
  func.func @transform_3(%arg0: i32) -> (i32, i32) {
    %c0_i32 = arith.constant 0 : i32
    %c0_i32_0 = arith.constant 0 : i32
    return %arg0, %c0_i32 : i32, i32
  }
}

module attributes {stable_mosaic.version = 14 : i64} {
  func.func @_tc1_body(%arg0: i32, %arg1: memref<1000x128xf32, #tpu.memory_space<vmem>>, %arg2: memref<1000x128xf32, #tpu.memory_space<vmem>>, %arg3: memref<1000x8xf32, #tpu.memory_space<vmem>>, %arg4: memref<1000x8xf32, #tpu.memory_space<vmem>>, %arg5: memref<1000x128xf32, #tpu.memory_space<vmem>>, %arg6: memref<128x128xf32, #tpu.memory_space<vmem>>, %arg7: memref<1000x128xf32, #tpu.memory_space<vmem>>, %arg8: memref<1000x1xf32, #tpu.memory_space<vmem>>, %arg9: memref<8x128xf32, #tpu.memory_space<vmem>>) attributes {dimension_semantics = [#tpu.dimension_semantics<arbitrary>], iteration_bounds = array<i64: 10>, scalar_prefetch = 0 : i64, scratch_operands = 0 : i64, tpu.core_type = #tpu.core_type<tc>, window_params = [{transform_indices = @transform_0, window_bounds = array<i64: 1000, 128>}, {transform_indices = @transform_1, window_bounds = array<i64: 1000, 128>}, {transform_indices = @transform_2, window_bounds = array<i64: 1000, 8>}, {transform_indices = @transform_3, window_bounds = array<i64: 1000, 8>}, {transform_indices = @transform_4, window_bounds = array<i64: 1000, 128>}, {pipeline_mode = #tpu.pipeline_mode<synchronous>, transform_indices = @transform_5, window_bounds = array<i64: 128, 128>}, {transform_indices = @transform_6, window_bounds = array<i64: 1000, 128>}, {transform_indices = @transform_7, window_bounds = array<i64: 1000, 1>}, {pipeline_mode = #tpu.pipeline_mode<synchronous>, transform_indices = @transform_8, window_bounds = array<i64: 8, 128>}]} {
    %get3A = arith.constant 0 : index
    %get3A_0 = arith.constant 0 : index
    %get3A_1 = vector.load %arg3[%get3A, %get3A_0] : memref<1000x8xf32, #tpu.memory_space<vmem>>, vector<1000x1xf32>
    %get3A_2 = arith.constant 0 : index
    %get3A_3 = arith.constant 0 : index
    %get3A_4 = vector.load %arg4[%get3A_2, %get3A_3] : memref<1000x8xf32, #tpu.memory_space<vmem>>, vector<1000x1xf32>
    %add3A = arith.addf %get3A_1, %get3A_4 : vector<1000x1xf32>
    %max3A = arith.constant 1.000000e+00 : f32
    %max3A_5 = vector.broadcast %max3A : f32 to vector<1000x1xf32>
    %max3A_6 = arith.maximumf %add3A, %max3A_5 : vector<1000x1xf32>
    %get3A_7 = arith.constant 0 : index
    %get3A_8 = arith.constant 0 : index
    %get3A_9 = vector.load %arg1[%get3A_7, %get3A_8] : memref<1000x128xf32, #tpu.memory_space<vmem>>, vector<1000x128xf32>
    %get3A_10 = arith.constant 0 : index
    %get3A_11 = arith.constant 0 : index
    %get3A_12 = vector.load %arg2[%get3A_10, %get3A_11] : memref<1000x128xf32, #tpu.memory_space<vmem>>, vector<1000x128xf32>
    %add3A_13 = arith.addf %get3A_9, %get3A_12 : vector<1000x128xf32>
    %div3A = vector.broadcast %max3A_6 : vector<1000x1xf32> to vector<1000x128xf32>
    %div3A_14 = arith.divf %add3A_13, %div3A : vector<1000x128xf32>
    %get3A_15 = arith.constant 0 : index
    %get3A_16 = arith.constant 0 : index
    %get3A_17 = vector.load %arg6[%get3A_15, %get3A_16] : memref<128x128xf32, #tpu.memory_space<vmem>>, vector<128x128xf32>
    %dot_general3A = arith.constant dense<0.000000e+00> : vector<1000x128xf32>
    %dot_general3A_18 = tpu.matmul %div3A_14, %get3A_17, %dot_general3A {dimension_numbers = #tpu.dot_dimension_numbers<[1], [1], [0], [0], [0, 0, 1, 0], [], []>, precision = #tpu.contract_precision<fp32>, transpose_lhs_hint = false} : vector<1000x128xf32>, vector<128x128xf32>, vector<1000x128xf32> -> vector<1000x128xf32>
    %get3A_19 = arith.constant 0 : index
    %get3A_20 = arith.constant 0 : index
    %get3A_21 = vector.load %arg5[%get3A_19, %get3A_20] : memref<1000x128xf32, #tpu.memory_space<vmem>>, vector<1000x128xf32>
    %add3A_22 = arith.addf %dot_general3A_18, %get3A_21 : vector<1000x128xf32>
    %swap3A = arith.constant 0 : index
    %swap3A_23 = arith.constant 0 : index
    %swap3A_24 = vector.load %arg7[%swap3A, %swap3A_23] : memref<1000x128xf32, #tpu.memory_space<vmem>>, vector<1000x128xf32>
    tpu.vector_store %arg7[%swap3A, %swap3A_23], %add3A_22 {strides = array<i32>} : memref<1000x128xf32, #tpu.memory_space<vmem>>, vector<1000x128xf32>,
    %swap3A_25 = arith.constant 0 : index
    %swap3A_26 = arith.constant 0 : index
    %swap3A_27 = vector.load %arg8[%swap3A_25, %swap3A_26] : memref<1000x1xf32, #tpu.memory_space<vmem>>, vector<1000x1xf32>
    tpu.vector_store %arg8[%swap3A_25, %swap3A_26], %max3A_6 {strides = array<i32>} : memref<1000x1xf32, #tpu.memory_space<vmem>>, vector<1000x1xf32>,
    %eq3A = arith.constant 0 : i32
    %eq3A_28 = arith.cmpi eq, %arg0, %eq3A : i32
    %convert_element_type3A = arith.extui %eq3A_28 : i1 to i32
    %cond3A = arith.constant 0 : i32
    %cond3A_29 = arith.cmpi ne, %convert_element_type3A, %cond3A : i32
    scf.if %cond3A_29 {
      %broadcast_in_dim3A_43 = arith.constant 0.000000e+00 : f32
      %broadcast_in_dim3A_44 = vector.broadcast %broadcast_in_dim3A_43 : f32 to vector<8x128xf32>
      %swap3A_45 = arith.constant 0 : index
      %swap3A_46 = arith.constant 0 : index
      %swap3A_47 = vector.load %arg9[%swap3A_45, %swap3A_46] : memref<8x128xf32, #tpu.memory_space<vmem>>, vector<8x128xf32>
      tpu.vector_store %arg9[%swap3A_45, %swap3A_46], %broadcast_in_dim3A_44 {strides = array<i32>} : memref<8x128xf32, #tpu.memory_space<vmem>>, vector<8x128xf32>,
    } else {
    }
    %reduce_sum3A = arith.constant dense<0.000000e+00> : vector<128xf32>
    %reduce_sum3A_30 = vector.multi_reduction <add>, %add3A_22, %reduce_sum3A [0] : vector<1000x128xf32> to vector<128xf32>
    %broadcast_in_dim3A = vector.shape_cast %reduce_sum3A_30 : vector<128xf32> to vector<1x128xf32>
    %mul3A = arith.mulf %add3A_22, %add3A_22 : vector<1000x128xf32>
    %reduce_sum3A_31 = arith.constant dense<0.000000e+00> : vector<128xf32>
    %reduce_sum3A_32 = vector.multi_reduction <add>, %mul3A, %reduce_sum3A_31 [0] : vector<1000x128xf32> to vector<128xf32>
    %broadcast_in_dim3A_33 = vector.shape_cast %reduce_sum3A_32 : vector<128xf32> to vector<1x128xf32>
    %get3A_34 = arith.constant 0 : index
    %get3A_35 = arith.constant 0 : index
    %get3A_36 = vector.load %arg9[%get3A_34, %get3A_35] : memref<8x128xf32, #tpu.memory_space<vmem>>, vector<8x128xf32>
    %broadcast_in_dim3A_37 = arith.constant 0.000000e+00 : f32
    %broadcast_in_dim3A_38 = vector.broadcast %broadcast_in_dim3A_37 : f32 to vector<6x128xf32>
    %concatenate3A = tpu.concatenate %broadcast_in_dim3A, %broadcast_in_dim3A_33, %broadcast_in_dim3A_38 in 0 : vector<1x128xf32>, vector<1x128xf32>, vector<6x128xf32> -> vector<8x128xf32>
    %add3A_39 = arith.addf %get3A_36, %concatenate3A : vector<8x128xf32>
    %swap3A_40 = arith.constant 0 : index
    %swap3A_41 = arith.constant 0 : index
    %swap3A_42 = vector.load %arg9[%swap3A_40, %swap3A_41] : memref<8x128xf32, #tpu.memory_space<vmem>>, vector<8x128xf32>
    tpu.vector_store %arg9[%swap3A_40, %swap3A_41], %add3A_39 {strides = array<i32>} : memref<8x128xf32, #tpu.memory_space<vmem>>, vector<8x128xf32>,
    return
  }
  func.func @transform_0(%arg0: i32) -> (i32, i32) {
    %c0_i32 = arith.constant 0 : i32
    %c0_i32_0 = arith.constant 0 : i32
    return %arg0, %c0_i32 : i32, i32
  }
  func.func @transform_1(%arg0: i32) -> (i32, i32) {
    %c0_i32 = arith.constant 0 : i32
    %c0_i32_0 = arith.constant 0 : i32
    return %arg0, %c0_i32 : i32, i32
  }
  func.func @transform_2(%arg0: i32) -> (i32, i32) {
    %c0_i32 = arith.constant 0 : i32
    %c0_i32_0 = arith.constant 0 : i32
    return %arg0, %c0_i32 : i32, i32
  }
  func.func @transform_3(%arg0: i32) -> (i32, i32) {
    %c0_i32 = arith.constant 0 : i32
    %c0_i32_0 = arith.constant 0 : i32
    return %arg0, %c0_i32 : i32, i32
  }
  func.func @transform_4(%arg0: i32) -> (i32, i32) {
    %c0_i32 = arith.constant 0 : i32
    %c0_i32_0 = arith.constant 0 : i32
    return %arg0, %c0_i32 : i32, i32
  }
  func.func @transform_5(%arg0: i32) -> (i32, i32) {
    %c0_i32 = arith.constant 0 : i32
    %c0_i32_0 = arith.constant 0 : i32
    %c0_i32_1 = arith.constant 0 : i32
    return %c0_i32, %c0_i32_0 : i32, i32
  }
  func.func @transform_6(%arg0: i32) -> (i32, i32) {
    %c0_i32 = arith.constant 0 : i32
    %c0_i32_0 = arith.constant 0 : i32
    return %arg0, %c0_i32 : i32, i32
  }
  func.func @transform_7(%arg0: i32) -> (i32, i32) {
    %c0_i32 = arith.constant 0 : i32
    %c0_i32_0 = arith.constant 0 : i32
    return %arg0, %c0_i32 : i32, i32
  }
  func.func @transform_8(%arg0: i32) -> (i32, i32) {
    %c0_i32 = arith.constant 0 : i32
    %c0_i32_0 = arith.constant 0 : i32
    %c0_i32_1 = arith.constant 0 : i32
    return %c0_i32, %c0_i32_0 : i32, i32
  }
}

module attributes {stable_mosaic.version = 14 : i64} {
  func.func @_tc_norm_body(%arg0: i32, %arg1: memref<1000x128xf32, #tpu.memory_space<vmem>>, %arg2: memref<8x128xf32, #tpu.memory_space<vmem>>, %arg3: memref<1x128xf32, #tpu.memory_space<vmem>>, %arg4: memref<1x128xf32, #tpu.memory_space<vmem>>, %arg5: memref<1000x128xf32, #tpu.memory_space<vmem>>) attributes {dimension_semantics = [#tpu.dimension_semantics<arbitrary>], iteration_bounds = array<i64: 10>, scalar_prefetch = 0 : i64, scratch_operands = 0 : i64, tpu.core_type = #tpu.core_type<tc>, window_params = [{transform_indices = @transform_0, window_bounds = array<i64: 1000, 128>}, {pipeline_mode = #tpu.pipeline_mode<synchronous>, transform_indices = @transform_1, window_bounds = array<i64: 8, 128>}, {pipeline_mode = #tpu.pipeline_mode<synchronous>, transform_indices = @transform_2, window_bounds = array<i64: 1, 128>}, {pipeline_mode = #tpu.pipeline_mode<synchronous>, transform_indices = @transform_3, window_bounds = array<i64: 1, 128>}, {transform_indices = @transform_4, window_bounds = array<i64: 1000, 128>}]} {
    %get3A = arith.constant 0 : index
    %get3A_0 = arith.constant 0 : index
    %get3A_1 = vector.load %arg2[%get3A, %get3A_0] : memref<8x128xf32, #tpu.memory_space<vmem>>, vector<8x128xf32>
    %slice3A = vector.extract_strided_slice %get3A_1 {offsets = [0, 0], sizes = [1, 128], strides = [1, 1]} : vector<8x128xf32> to vector<1x128xf32>
    %div3A = arith.constant 1.000000e+04 : f32
    %div3A_2 = vector.broadcast %div3A : f32 to vector<1x128xf32>
    %div3A_3 = arith.divf %slice3A, %div3A_2 : vector<1x128xf32>
    %slice3A_4 = vector.extract_strided_slice %get3A_1 {offsets = [1, 0], sizes = [1, 128], strides = [1, 1]} : vector<8x128xf32> to vector<1x128xf32>
    %div3A_5 = arith.constant 1.000000e+04 : f32
    %div3A_6 = vector.broadcast %div3A_5 : f32 to vector<1x128xf32>
    %div3A_7 = arith.divf %slice3A_4, %div3A_6 : vector<1x128xf32>
    %mul3A = arith.mulf %div3A_3, %div3A_3 : vector<1x128xf32>
    %sub3A = arith.subf %div3A_7, %mul3A : vector<1x128xf32>
    %add3A = arith.constant 9.99999974E-6 : f32
    %add3A_8 = vector.broadcast %add3A : f32 to vector<1x128xf32>
    %add3A_9 = arith.addf %sub3A, %add3A_8 : vector<1x128xf32>
    %rsqrt3A = math.rsqrt %add3A_9 : vector<1x128xf32>
    %get3A_10 = arith.constant 0 : index
    %get3A_11 = arith.constant 0 : index
    %get3A_12 = vector.load %arg1[%get3A_10, %get3A_11] : memref<1000x128xf32, #tpu.memory_space<vmem>>, vector<1000x128xf32>
    %sub3A_13 = vector.broadcast %div3A_3 : vector<1x128xf32> to vector<1000x128xf32>
    %sub3A_14 = arith.subf %get3A_12, %sub3A_13 : vector<1000x128xf32>
    %mul3A_15 = vector.broadcast %rsqrt3A : vector<1x128xf32> to vector<1000x128xf32>
    %mul3A_16 = arith.mulf %sub3A_14, %mul3A_15 : vector<1000x128xf32>
    %get3A_17 = arith.constant 0 : index
    %get3A_18 = arith.constant 0 : index
    %get3A_19 = vector.load %arg3[%get3A_17, %get3A_18] : memref<1x128xf32, #tpu.memory_space<vmem>>, vector<1x128xf32>
    %mul3A_20 = vector.broadcast %get3A_19 : vector<1x128xf32> to vector<1000x128xf32>
    %mul3A_21 = arith.mulf %mul3A_16, %mul3A_20 : vector<1000x128xf32>
    %get3A_22 = arith.constant 0 : index
    %get3A_23 = arith.constant 0 : index
    %get3A_24 = vector.load %arg4[%get3A_22, %get3A_23] : memref<1x128xf32, #tpu.memory_space<vmem>>, vector<1x128xf32>
    %add3A_25 = vector.broadcast %get3A_24 : vector<1x128xf32> to vector<1000x128xf32>
    %add3A_26 = arith.addf %mul3A_21, %add3A_25 : vector<1000x128xf32>
    %max3A = arith.constant 0.000000e+00 : f32
    %max3A_27 = vector.broadcast %max3A : f32 to vector<1000x128xf32>
    %max3A_28 = arith.maximumf %add3A_26, %max3A_27 : vector<1000x128xf32>
    %swap3A = arith.constant 0 : index
    %swap3A_29 = arith.constant 0 : index
    %swap3A_30 = vector.load %arg5[%swap3A, %swap3A_29] : memref<1000x128xf32, #tpu.memory_space<vmem>>, vector<1000x128xf32>
    tpu.vector_store %arg5[%swap3A, %swap3A_29], %max3A_28 {strides = array<i32>} : memref<1000x128xf32, #tpu.memory_space<vmem>>, vector<1000x128xf32>,
    return
  }
  func.func @transform_0(%arg0: i32) -> (i32, i32) {
    %c0_i32 = arith.constant 0 : i32
    %c0_i32_0 = arith.constant 0 : i32
    return %arg0, %c0_i32 : i32, i32
  }
  func.func @transform_1(%arg0: i32) -> (i32, i32) {
    %c0_i32 = arith.constant 0 : i32
    %c0_i32_0 = arith.constant 0 : i32
    %c0_i32_1 = arith.constant 0 : i32
    return %c0_i32, %c0_i32_0 : i32, i32
  }
  func.func @transform_2(%arg0: i32) -> (i32, i32) {
    %c0_i32 = arith.constant 0 : i32
    %c0_i32_0 = arith.constant 0 : i32
    %c0_i32_1 = arith.constant 0 : i32
    return %c0_i32, %c0_i32_0 : i32, i32
  }
  func.func @transform_3(%arg0: i32) -> (i32, i32) {
    %c0_i32 = arith.constant 0 : i32
    %c0_i32_0 = arith.constant 0 : i32
    %c0_i32_1 = arith.constant 0 : i32
    return %c0_i32, %c0_i32_0 : i32, i32
  }
  func.func @transform_4(%arg0: i32) -> (i32, i32) {
    %c0_i32 = arith.constant 0 : i32
    %c0_i32_0 = arith.constant 0 : i32
    return %arg0, %c0_i32 : i32, i32
  }
}

module attributes {stable_mosaic.version = 14 : i64} {
  func.func @_tc2_body(%arg0: i32, %arg1: memref<1000x128xf32, #tpu.memory_space<vmem>>, %arg2: memref<1000x128xf32, #tpu.memory_space<vmem>>, %arg3: memref<1000x1xf32, #tpu.memory_space<vmem>>, %arg4: memref<1000x128xf32, #tpu.memory_space<vmem>>, %arg5: memref<128x128xf32, #tpu.memory_space<vmem>>, %arg6: memref<1000x128xf32, #tpu.memory_space<vmem>>) attributes {dimension_semantics = [#tpu.dimension_semantics<arbitrary>], iteration_bounds = array<i64: 10>, scalar_prefetch = 0 : i64, scratch_operands = 0 : i64, tpu.core_type = #tpu.core_type<tc>, window_params = [{transform_indices = @transform_0, window_bounds = array<i64: 1000, 128>}, {transform_indices = @transform_1, window_bounds = array<i64: 1000, 128>}, {transform_indices = @transform_2, window_bounds = array<i64: 1000, 1>}, {transform_indices = @transform_3, window_bounds = array<i64: 1000, 128>}, {pipeline_mode = #tpu.pipeline_mode<synchronous>, transform_indices = @transform_4, window_bounds = array<i64: 128, 128>}, {transform_indices = @transform_5, window_bounds = array<i64: 1000, 128>}]} {
    %get3A = arith.constant 0 : index
    %get3A_0 = arith.constant 0 : index
    %get3A_1 = vector.load %arg1[%get3A, %get3A_0] : memref<1000x128xf32, #tpu.memory_space<vmem>>, vector<1000x128xf32>
    %get3A_2 = arith.constant 0 : index
    %get3A_3 = arith.constant 0 : index
    %get3A_4 = vector.load %arg2[%get3A_2, %get3A_3] : memref<1000x128xf32, #tpu.memory_space<vmem>>, vector<1000x128xf32>
    %add3A = arith.addf %get3A_1, %get3A_4 : vector<1000x128xf32>
    %get3A_5 = arith.constant 0 : index
    %get3A_6 = arith.constant 0 : index
    %get3A_7 = vector.load %arg3[%get3A_5, %get3A_6] : memref<1000x1xf32, #tpu.memory_space<vmem>>, vector<1000x1xf32>
    %div3A = vector.broadcast %get3A_7 : vector<1000x1xf32> to vector<1000x128xf32>
    %div3A_8 = arith.divf %add3A, %div3A : vector<1000x128xf32>
    %get3A_9 = arith.constant 0 : index
    %get3A_10 = arith.constant 0 : index
    %get3A_11 = vector.load %arg5[%get3A_9, %get3A_10] : memref<128x128xf32, #tpu.memory_space<vmem>>, vector<128x128xf32>
    %dot_general3A = arith.constant dense<0.000000e+00> : vector<1000x128xf32>
    %dot_general3A_12 = tpu.matmul %div3A_8, %get3A_11, %dot_general3A {dimension_numbers = #tpu.dot_dimension_numbers<[1], [1], [0], [0], [0, 0, 1, 0], [], []>, precision = #tpu.contract_precision<fp32>, transpose_lhs_hint = false} : vector<1000x128xf32>, vector<128x128xf32>, vector<1000x128xf32> -> vector<1000x128xf32>
    %get3A_13 = arith.constant 0 : index
    %get3A_14 = arith.constant 0 : index
    %get3A_15 = vector.load %arg4[%get3A_13, %get3A_14] : memref<1000x128xf32, #tpu.memory_space<vmem>>, vector<1000x128xf32>
    %add3A_16 = arith.addf %dot_general3A_12, %get3A_15 : vector<1000x128xf32>
    %swap3A = arith.constant 0 : index
    %swap3A_17 = arith.constant 0 : index
    %swap3A_18 = vector.load %arg6[%swap3A, %swap3A_17] : memref<1000x128xf32, #tpu.memory_space<vmem>>, vector<1000x128xf32>
    tpu.vector_store %arg6[%swap3A, %swap3A_17], %add3A_16 {strides = array<i32>} : memref<1000x128xf32, #tpu.memory_space<vmem>>, vector<1000x128xf32>,
    return
  }
  func.func @transform_0(%arg0: i32) -> (i32, i32) {
    %c0_i32 = arith.constant 0 : i32
    %c0_i32_0 = arith.constant 0 : i32
    return %arg0, %c0_i32 : i32, i32
  }
  func.func @transform_1(%arg0: i32) -> (i32, i32) {
    %c0_i32 = arith.constant 0 : i32
    %c0_i32_0 = arith.constant 0 : i32
    return %arg0, %c0_i32 : i32, i32
  }
  func.func @transform_2(%arg0: i32) -> (i32, i32) {
    %c0_i32 = arith.constant 0 : i32
    %c0_i32_0 = arith.constant 0 : i32
    return %arg0, %c0_i32 : i32, i32
  }
  func.func @transform_3(%arg0: i32) -> (i32, i32) {
    %c0_i32 = arith.constant 0 : i32
    %c0_i32_0 = arith.constant 0 : i32
    return %arg0, %c0_i32 : i32, i32
  }
  func.func @transform_4(%arg0: i32) -> (i32, i32) {
    %c0_i32 = arith.constant 0 : i32
    %c0_i32_0 = arith.constant 0 : i32
    %c0_i32_1 = arith.constant 0 : i32
    return %c0_i32, %c0_i32_0 : i32, i32
  }
  func.func @transform_5(%arg0: i32) -> (i32, i32) {
    %c0_i32 = arith.constant 0 : i32
    %c0_i32_0 = arith.constant 0 : i32
    return %arg0, %c0_i32 : i32, i32
  }
}

</mosaic_0001>

<sc_bundles>
// kernel: kernel.12.cloned.1.call-start
scs
__scs_entry_jumppad:
0x0: {  	(pc) =	sbr.rel $0x88, $3  }
0x1: {  	(tag) =	ssettag $0x0;
	lr =	simm.s32 $0x1  }
0x2: {  	[smem:$0x3F97] =	sst lr;
	_ =	strace $0xD0000000  }
0x3: {  	_ = 	snop  }
0x4: {  	_ = 	snop  }
0x5: {  	_ = 	snop  }
0x6: {  	_ = 	snop  }
0x7: {  	_ = 	snop  }
__scs_overlays_trampoline_lowered:
0x8: {  	[smem:$0x3FA6] =	sst s0  }
0x9: {  	[smem:$0x3FA7] =	sst s1  }
0xa: {  	[smem:$0x3FA8] =	sst s2  }
0xb: {  	[smem:$0x3FA9] =	sst s3  }
0xc: {  	[smem:$0x3FAA] =	sst s4  }
0xd: {  	[smem:$0x3FAB] =	sst s5  }
0xe: {  	[smem:$0x3FAC] =	sst s6  }
0xf: {  	[smem:$0x3FAD] =	sst s7  }
0x10: {  	[smem:$0x3FAE] =	sst s8  }
0x11: {  	[smem:$0x3FAF] =	sst s9;
	s0 =	simm.s32 @!p0 $0x0  }
0x12: {  	s1 =	sld [smem:$0x3F95];
	s0 =	simm.s32 @p0 $0x1  }
0x13: {  	[smem:$0x3FB0] =	sst s0;
	s0 =	simm.s32 @!p1 $0x0  }
0x14: {  	s2 =	sld [smem:$0x3F94];
	s0 =	simm.s32 @p1 $0x1  }
0x15: {  	[smem:$0x3FB1] =	sst s0;
	s0 =	simm.s32 @!p2 $0x0  }
0x16: {  	s3 =	sld [smem:$0x3FDB];
	s0 =	simm.s32 @p2 $0x1  }
0x17: {  	s4 =	simm.s32 $0x1BF5;
	[smem:$0x3FB3] =	sst s0  }
0x18: {  	s0 =	sld [smem:$0x3F96];
	_ =	swait.ge [sflag:s4], $0x0  }
0x19: {  	s7 =	sld [smem:$0x3F97]  }
0x1a: {  	s8 =	sadd.s32 $0xFFFFE003, lr  }
0x1b: {  	s9 =	sadd.s32 $0xFFFFFEF7, lr;
	s5 =	simm.s32 $0xFFFFFFFF;
	p2 =	slt.u32 s8, $0xFFFFF086  }
0x1c: {  	p1 =	slt.u32 s9, $0xF7A;
	s5 =	simm.s32 @!p2 $0x0  }
0x1d: {  	s5 =	simm.s32 @p1 $0x1;
	p0 =	seq.s32 s7, s2  }
0x1e: {  	s7 =	smul.u32 @!p0 $0xF7A, s2;
	p2 =	seq.s32 @!p0 s5, $0x0  }
0x1f: {  	s9 =	smul.u32 $0xF7A, s1;
	s8 =	simm.s32 @!p0 $0x1BF5;
	p2 =	por !p2, p0  }
0x20: {  	[sflag:s8] =	ssyncset.s32 @!p0 $0xFFFFF086;
	s6 =	sadd.s32 @!p0 s3, s7;
	s7 =	simm.s32 @!p0 $0x108  }
0x21: {  	s3 =	sadd.s32 s3, s9;
	s6 =	sadd.s32 @!p0 $0x88, s6;
	s7 =	simm.s32 @p2 $0x1082  }
0x22: {  	[simem:s7], [sflag:s8] =	dma.local @!p0 [hbm:s6], $0xF7A  }
0x23: {  	s9 =	sor.u32 $0xD0000000, s2;
	s6 =	simm.s32 $0x108;
	_ =	swait.ge @!p0 [sflag:s8], $0x0  }
0x24: {  	s3 =	sadd.s32 $0x88, s3;
	s6 =	simm.s32 @!p1 $0x1082;
	[sflag:s4] =	ssyncset.s32 $0xFFFFF086  }
0x25: {  	[simem:s6], [sflag:s4] =	dma.local [hbm:s3], $0xF7A  }
0x26: {  	[smem:$0x3F97] =	sst s1;
	(tag) =	ssettag s2;
	_ =	strace s9  }
0x27: {  	s1 =	sld [smem:$0x3FA7]  }
0x28: {  	s2 =	sld [smem:$0x3FA8]  }
0x29: {  	s4 =	sld [smem:$0x3FAA]  }
0x2a: {  	p0 =	seq.s32 s5, $0x0;
	s5 =	sld [smem:$0x3FAB]  }
0x2b: {  	s6 =	sld [smem:$0x3FAC]  }
0x2c: {  	s7 =	sld [smem:$0x3FAD]  }
0x2d: {  	s3 =	simm.s32 $0x108;
	s8 =	sld [smem:$0x3FAE]  }
0x2e: {  	s3 =	simm.s32 @!p0 $0x1082;
	s9 =	sld [smem:$0x3FAF]  }
0x2f: {  	lr =	sadd.s32 s0, s3;
	s0 =	sld [smem:$0x3FA6]  }
0x30: {  	s3 =	sld [smem:$0x3FA9]  }
0x31: {  	[smem:$0x3FB2] =	sst s10  }
0x32: {  	s10 =	sld [smem:$0x3FB0];
	_ =	sdelay $0x3  }
0x33: {  	p0 =	seq.s32 s10, $0x1;
	s10 =	sld [smem:$0x3FB2];
	_ =	sdelay $0x3  }
0x34: {  	[smem:$0x3FB2] =	sst s10  }
0x35: {  	s10 =	sld [smem:$0x3FB1];
	_ =	sdelay $0x3  }
0x36: {  	p1 =	seq.s32 s10, $0x1;
	s10 =	sld [smem:$0x3FB2];
	_ =	sdelay $0x3  }
0x37: {  	[smem:$0x3FB2] =	sst s10  }
0x38: {  	s10 =	sld [smem:$0x3FB3]  }
0x39: {  	_ = 	snop;
	(pc) =	sbr.ind lr, $3  }
0x3a: {  	_ = 	snop  }
0x3b: {  	_ = 	snop  }
0x3c: {  	p2 =	seq.s32 s10, $0x1;
	s10 =	sld [smem:$0x3FB2]  }
0x3d: {  	_ =	shalt  }
0x3e: {  	_ =	shalt  }
0x3f: {  	_ =	shalt  }
0x40: {  	_ =	shalt  }
0x41: {  	_ =	shalt  }
0x42: {  	_ =	shalt  }
0x43: {  	_ =	shalt  }
0x44: {  	_ =	shalt  }
0x45: {  	_ =	shalt  }
0x46: {  	_ =	shalt  }
0x47: {  	_ =	shalt  }
0x48: {  	_ =	shalt  }
0x49: {  	_ =	shalt  }
0x4a: {  	_ =	shalt  }
0x4b: {  	_ =	shalt  }
0x4c: {  	_ =	shalt  }
0x4d: {  	_ =	shalt  }
0x4e: {  	_ =	shalt  }
0x4f: {  	_ =	shalt  }
0x50: {  	_ =	shalt  }
0x51: {  	_ =	shalt  }
0x52: {  	_ =	shalt  }
0x53: {  	_ =	shalt  }
0x54: {  	_ =	shalt  }
0x55: {  	_ =	shalt  }
0x56: {  	_ =	shalt  }
0x57: {  	_ =	shalt  }
0x58: {  	_ =	shalt  }
0x59: {  	_ =	shalt  }
0x5a: {  	_ =	shalt  }
0x5b: {  	_ =	shalt  }
0x5c: {  	_ =	shalt  }
0x5d: {  	_ =	shalt  }
0x5e: {  	_ =	shalt  }
0x5f: {  	_ =	shalt  }
0x60: {  	_ =	shalt  }
0x61: {  	_ =	shalt  }
0x62: {  	_ =	shalt  }
0x63: {  	_ =	shalt  }
0x64: {  	_ =	shalt  }
0x65: {  	_ =	shalt  }
0x66: {  	_ =	shalt  }
0x67: {  	_ =	shalt  }
0x68: {  	_ =	shalt  }
0x69: {  	_ =	shalt  }
0x6a: {  	_ =	shalt  }
0x6b: {  	_ =	shalt  }
0x6c: {  	_ =	shalt  }
0x6d: {  	_ =	shalt  }
0x6e: {  	_ =	shalt  }
0x6f: {  	_ =	shalt  }
0x70: {  	_ =	shalt  }
0x71: {  	_ =	shalt  }
0x72: {  	_ =	shalt  }
0x73: {  	_ =	shalt  }
0x74: {  	_ =	shalt  }
0x75: {  	_ =	shalt  }
0x76: {  	_ =	shalt  }
0x77: {  	_ =	shalt  }
0x78: {  	_ =	shalt  }
0x79: {  	_ =	shalt  }
0x7a: {  	_ =	shalt  }
0x7b: {  	_ =	shalt  }
0x7c: {  	_ =	shalt  }
0x7d: {  	_ =	shalt  }
0x7e: {  	_ =	shalt  }
0x7f: {  	_ =	shalt  }
0x80: {  	_ =	shalt  }
0x81: {  	_ =	shalt  }
0x82: {  	_ =	shalt  }
0x83: {  	_ =	shalt  }
0x84: {  	_ =	shalt  }
0x85: {  	_ =	shalt  }
0x86: {  	_ =	shalt  }
0x87: {  	_ =	shalt  }
.Lfunc_end0:
.L_simem_size_0:
called_computation.1_lowered:
.L_overlay_start_0:
0x88: {  	s2 =	sld [smem:$0x3FD9]  }
0x89: {  	s3 =	sld [smem:$0x3FFE];
	_ =	sdelay $0x1  }
0x8a: {  	s1 =	srdreg.scid  }
0x8b: {  	s0 =	sand.u32 $0x1, s1  }
0x8c: {  	s17 =	sshll.u32 s0, $0xA;
	s2 =	sadd.s32 s3, s2  }
0x8d: {  	s2 =	sadd.s32 s2, s17  }
0x8e: {  	[smem:$0x3FBE] =	sst s2  }
0x8f: {  	_ = 	snop  }
0x90: {  	s2 =	sld [smem:$0x3FD0];
	(tm) =	ssettm $0x1  }
0x91: {  	s18 =	sld [smem:$0x3FFB];
	_ =	sdelay $0x3  }
0x92: {  	_ =	strace s18  }
0x93: {  	s3 =	sld [smem:$0x3FFC];
	_ =	sdelay $0x3  }
0x94: {  	_ =	strace s3  }
0x95: {  	s3 =	sld [smem:$0x3FFD];
	_ =	sdelay $0x3  }
0x96: {  	_ =	strace s3  }
0x97: {  	_ =	strace $0x8FFFFFFF  }
0x98: {  	s19 =	sld [smem:$0x3FDB];
	_ =	sdelay $0x1  }
0x99: {  	s4 =	simm.s32 $_scs_section_size  }
0x9a: {  	s5 =	simm.s32 $_size__tile_overlayer_lowered;
	s6 =	simm.s32 $_tile_overlayer_lowered  }
0x9b: {  	s22 =	simm.s32 $0x1BFF;
	s21 =	sshll.u32 s6, $0x1;
	s3 =	sadd.s32 s4, s19  }
0x9c: {  	s7 =	simm.s32 $0x0;
	s20 =	sshll.u32 s5, $0x1;
	s5 =	sadd.s32 s21, s3  }
0x9d: {  	[timem:s7], [sflag:s22] =	dma.local [hbm:s5], s20  }
0x9e: {  	_ =	swait.ge [sflag:s22], s20  }
0x9f: {  	s4 =	ssub.s32 $0x0, s20;
	[sflag:s22] =	ssyncset.done $0x0  }
0xa0: {  	[sflag:s22] =	ssyncadd.s32 s4;
	_ =	sdelay $0x1  }
0xa1: {  	s23 =	simm.s32 $0x1B8B  }
0xa2: {  	_ =	swait.ge [sflag:s23], $0x1  }
0xa3: {  	[sflag:s23] =	ssyncset.done $0x0  }
0xa4: {  	s25 =	simm.s32 $0x1B8E;
	s24 =	sld [smem:$0x3FFE];
	[sflag:s23] =	ssyncadd.s32 $0xFFFFFFFF  }
0xa5: {  	s26 =	simm.s32 $execute0_lowered;
	[smem:$0x3FD2] =	sst s25  }
0xa6: {  	s5 =	sshll.u32 s26, $0x1;
	_ =	strace $0x80000049;
	[dreg:$0x1] =	wrdreg $0xFFFFFFFF  }
0xa7: {  	s28 =	simm.s32 $_size_execute0_lowered;
	s3 =	sadd.s32 s3, s5;
	[dreg:$0x0] =	wrdreg $0x0  }
0xa8: {  	s5 =	sshll.u32 s28, $0x1;
	[dreg:$0x2] =	wrdreg s3  }
0xa9: {  	[dreg:$0x3] =	wrdreg s5  }
0xaa: {  	[dreg:$0x4] =	wrdreg $0xC0  }
0xab: {  	_ =	task [dreg:s7], $0x5FFFF  }
0xac: {  	[dreg:$0x1] =	wrdreg $0xFFFFFFFF  }
0xad: {  	[dreg:$0x0] =	wrdreg $0x60  }
0xae: {  	[dreg:$0x2] =	wrdreg s2  }
0xaf: {  	[dreg:$0x3] =	wrdreg s24  }
0xb0: {  	[dreg:$0x4] =	wrdreg $0x0  }
0xb1: {  	[dreg:$0x5] =	wrdreg $0x9  }
0xb2: {  	_ =	task.clear_ibuf [dreg:s7], $0x6FFFF;
	_ =	strace $0x90000049  }
0xb3: {  	s29 =	simm.s32 $0x9;
	_ =	strace $0x8000004B  }
0xb4: {  	_ =	swait.ge [sflag:s29], $0x1  }
0xb5: {  	[sflag:s29] =	ssyncadd.s32 $0xFFFFFFFF  }
0xb6: {  	_ =	strace $0x9000004B  }
0xb7: {  	_ =	sfence  }
0xb8: {  	s30 =	sld [smem:$0x0];
	_ =	sdelay $0x2  }
0xb9: {  	s31 =	sshll.u32 s1, $0xD;
	s1 =	sshrl.u32 s1, $0x2  }
0xba: {  	s3 =	sand.u32 $0x4000, s31;
	s1 =	sadd.s32 s1, s30  }
0xbb: {  	s0 =	sor.u32 s3, s0;
	s1 =	sshll.u32 s1, $0x11  }
0xbc: {  	s0 =	sor.u32 s1, s0  }
0xbd: {  	s0 =	sadd.s32 $0x8F2B, s0  }
0xbe: {  	[sflag:s0] =	ssyncadd.remote.s32 $0x1  }
0xbf: {  	_ =	sfence.sel $0xFFFF  }
0xc0: {  	[dreg:$0x0] =	wrdreg $0xFFFFFFFF;
	(pc) =	sbr.abs _section_cstart, $3  }
0xc1: {  	[dreg:$0x1] =	wrdreg $0xFFFFFFFF  }
0xc2: {  	_ =	task.clear_ibuf [dreg:s7], $0x2FFFF;
	_ =	strace $0x9FFFFFFF  }
0xc3: {  	(tm) =	ssettm $0x7FFFFFFF  }
tec
execute0_lowered:
.L_overlay_start_1:
0x0: {  	(tag) =	ssettag $0x1  }
0x1: {  	s1 =	rddreg [dreg:$0x0]  }
0x2: {  	s0 =	srdreg.scid;
	s2 =	rddreg [dreg:$0x1]  }
0x3: {  	s10 =	stileid.u32;
	s3 =	rddreg [dreg:$0x2]  }
0x4: {  	s28 =	simm.s32 $0x2;
	s29 =	simm.s32 $0x3;
	s12 =	smul.u32 $0x4E200, s10  }
0x5: {  	s0 =	sand.u32 $0x1, s0;
	s4 =	sshll.u32 s10, $0x1;
	s17 =	smul.u32 $0x13880, s10  }
0x6: {  	s30 =	simm.s32 $0x9;
	s10 =	smul.u32 $0x4E20, s10;
	s5 =	sor.u32 s0, s4  }
0x7: {  	s31 =	simm.s32 $0x0;
	s6 =	sadd.s32 $0x3A00, s2;
	s5 =	smul.u32 $0x2710, s5  }
0x8: {  	s4 =	simm.s32 $0x0;
	s7 =	ssub.s32 $0x2, s0;
	p0 =	seq.s32 s0, $0x1  }
0x9: {  	s0 =	smul.u32 $0x2710, s0;
	s8 =	sshrl.u32 s7, $0x1;
	s5 =	sshrl.u32 s5, $0x3  }
0xa: {  	[smem:$0x7FF] =	sst s4;
	s21 =	ssub.s32 s7, s8;
	s9 =	sadd.s32 s6, s5  }
0xb: {  	_ =	strace $0x8000004A;
	s5 =	smax.u32 s21, $0x1;
	[dreg:$0x4] =	wrdreg s9  }
0xc: {  	s18 =	sshrl.u32 s17, $0x3;
	s22 =	sadd.s32 $0x9C40, s9;
	[dreg:$0x12] =	wrdreg s5  }
0xd: {  	s7 =	sshrl.u32 s12, $0x2;
	s23 =	sadd.s32 $0xA, s9;
	[dreg:$0x5] =	wrdreg s22  }
0xe: {  	s0 =	sadd.s32 s0, s10;
	s24 =	sadd.s32 $0x9C4A, s9;
	[dreg:$0x6] =	wrdreg s23  }
0xf: {  	s10 =	simm.s32 $0x13BF0;
	s25 =	sadd.s32 $0x14, s9;
	[dreg:$0x7] =	wrdreg s24  }
0x10: {  	s12 =	simm.s32 $0x13C40;
	s26 =	sadd.s32 $0x9C54, s9;
	[dreg:$0x8] =	wrdreg s25  }
0x11: {  	s19 =	sadd.s32 $0x1E0, s0;
	s8 =	sadd.s32 $0x1E, s9;
	[dreg:$0x9] =	wrdreg s26  }
0x12: {  	s0 =	sadd.s32 $0x4E3E0, s0;
	s11 =	sadd.s32 $0x9C5E, s9;
	[dreg:$0xa] =	wrdreg s8  }
0x13: {  	s0 =	sshrl.u32 s0, $0x3;
	s13 =	sadd.s32 $0x28, s9;
	[dreg:$0xb] =	wrdreg s11  }
0x14: {  	s14 =	sadd.s32 $0x9C68, s9;
	s15 =	sadd.s32 $0x32, s9;
	[dreg:$0xc] =	wrdreg s13  }
0x15: {  	s16 =	sadd.s32 $0x9C72, s9;
	s9 =	simm.s32 $0x3E600;
	[dreg:$0xd] =	wrdreg s14  }
0x16: {  	s0 =	sadd.s32 s0, s6;
	s5 =	simm.s32 $0xA;
	[dreg:$0xe] =	wrdreg s15  }
0x17: {  	[dreg:$0xf] =	wrdreg s16;
	s11 =	sadd.s32 s7, s3;
	s9 =	simm.s32 @!p0 $0x17400  }
0x18: {  	s8 =	sadd.s32 s17, s3;
	[dreg:$0x16] =	wrdreg s0;
	s14 =	simm.s32 $0x13C90  }
0x19: {  	s15 =	simm.s32 $0x5;
	s7 =	sadd.s32 $0x11800, s11;
	[dreg:$0x10] =	wrdreg s11  }
0x1a: {  	s16 =	simm.s32 $0x50;
	s20 =	sadd.s32 $0x2800, s11;
	[dreg:$0x11] =	wrdreg s7  }
0x1b: {  	s17 =	simm.s32 $0x4;
	s21 =	sadd.s32 $0x5000, s11;
	[dreg:$0x14] =	wrdreg s20  }
0x1c: {  	s13 =	simm.s32 $0xC;
	s22 =	sshrl.u32 s8, $0x3;
	[dreg:$0x17] =	wrdreg s21  }
0x1d: {  	s2 =	sadd.s32 s9, s2;
	s23 =	sadd.s32 $0x7800, s11;
	[dreg:$0x18] =	wrdreg s22  }
0x1e: {  	s24 =	sadd.s32 $0xA000, s11;
	s25 =	sadd.s32 $0xC800, s11;
	[dreg:$0x19] =	wrdreg s23  }
0x1f: {  	s26 =	sadd.s32 $0xF000, s11;
	s8 =	simm.s32 $0x13BA0;
	[dreg:$0x1a] =	wrdreg s24  }
0x20: {  	s11 =	simm.s32 $0xB;
	s2 =	sadd.s32 s2, s18;
	[dreg:$0x1b] =	wrdreg s25  }
.Ltmp0:
0x21: {  	[dreg:$0x1c] =	wrdreg s26;
	s18 =	simm.s32 $0x13D80;
	(pc) =	sbr.rel .LBB2_1-.Ltmp0, $4  }
0x22: {  	s20 =	simm.s32 $0x16580;
	s21 =	simm.s32 $0x1B580;
	s24 =	simm.s32 $0x11  }
0x23: {  	s25 =	simm.s32 $0x1;
	[dreg:$0x13] =	wrdreg s2;
	s2 =	sshrl.u32 s19, $0x3  }
0x24: {  	s26 =	simm.s32 $0x7;
	s22 =	simm.s32 $0x18D80;
	s2 =	sadd.s32 s2, s6  }
0x25: {  	v0 =	vimm.f32 $0.0e+00;
	s23 =	simm.s32 $0x8;
	s19 =	simm.s32 $0x6;
	[dreg:$0x15] =	wrdreg s2  }
.LBB2_36:
0x26: {  	s0 =	simm.s32 $0x10  }
0x27: {  	_ =	swait.ge [sflag:s0], $0x2800  }
0x28: {  	[sflag:s0] =	ssyncset.done $0x0  }
0x29: {  	s6 =	simm.s32 $0xD;
	[sflag:s0] =	ssyncadd.s32 $0xFFFFD800  }
0x2a: {  	_ =	swait.ge [sflag:s6], $0x2800  }
0x2b: {  	[sflag:s6] =	ssyncset.done $0x0  }
0x2c: {  	[sflag:s6] =	ssyncadd.s32 $0xFFFFD800  }
0x2d: {  	s7 =	stileid.u32;
	[bflag:$0x0] =	sbarrier.arrive $0xFFFF  }
0x2e: {  	s0 =	sshll.u32 s7, $0x6;
	s2 =	rddreg [dreg:$0x13]  }
0x2f: {  	s0 =	sor.u32 $0x1C11, s0;
	s6 =	rddreg [dreg:$0x18]  }
0x30: {  	[hbm:s2], [sflag:s0] =	dma.local [spmem:s6], $0x2710  }
0x31: {  	_ =	swait.ge [sflag:s24], $0x2710  }
0x32: {  	s31 =	sadd.s32 $0x1, s31;
	s9 =	rddreg [dreg:$0x12]  }
0x33: {  	p0 =	sne.s32 s31, s9  }
.Ltmp1:
0x34: {  	_ = 	snop;
	(pc) =	sbr.rel @!p0 .LBB2_37-.Ltmp1, $3  }
0x35: {  	_ =	sdelay $0x1  }
0x36: {  	[sflag:s24] =	ssyncset.done $0x0  }
0x37: {  	[sflag:s24] =	ssyncadd.s32 $0xFFFFD8F0  }
.LBB2_1:
0x38: {  	s0 =	rddreg [dreg:$0x4];
	s2 =	simm.s32 $0x13880  }
0x39: {  	[tilespmem:s2], [sflag:$0x5] =	stream.linear.gather [hbm4b:s0+s4], $0x50, $0x38;
	[tilespmem:$0x1DD80] =	vst v63  }
0x3a: {  	s9 =	rddreg [dreg:$0x5];
	s6 =	simm.s32 $0x13B00  }
0x3b: {  	[tilespmem:s6], [sflag:$0x5] =	stream.linear.gather [hbm4b:s9+s4], $0x50, $0x38;
	[tilespmem:$0x1DD80] =	vst v63  }
0x3c: {  	s7 =	rddreg [dreg:$0x6];
	s6 =	simm.s32 $0x138D0  }
0x3d: {  	[tilespmem:s6], [sflag:$0x6] =	stream.linear.gather [hbm4b:s7+s4], $0x50, $0x38;
	[tilespmem:$0x1DD80] =	vst v63  }
0x3e: {  	s9 =	rddreg [dreg:$0x7];
	s7 =	simm.s32 $0x13B50  }
0x3f: {  	[tilespmem:s7], [sflag:$0x6] =	stream.linear.gather [hbm4b:s9+s4], $0x50, $0x38;
	[tilespmem:$0x1DD80] =	vst v63  }
0x40: {  	s7 =	rddreg [dreg:$0x8];
	s9 =	simm.s32 $0x13920  }
0x41: {  	[tilespmem:s9], [sflag:$0x7] =	stream.linear.gather [hbm4b:s7+s4], $0x50, $0x38;
	[tilespmem:$0x1DD80] =	vst v63  }
0x42: {  	s9 =	rddreg [dreg:$0x9]  }
0x43: {  	[tilespmem:s8], [sflag:$0x7] =	stream.linear.gather [hbm4b:s9+s4], $0x50, $0x38;
	[tilespmem:$0x1DD80] =	vst v63  }
0x44: {  	s7 =	rddreg [dreg:$0xa];
	s9 =	simm.s32 $0x13970  }
0x45: {  	[tilespmem:s9], [sflag:$0x8] =	stream.linear.gather [hbm4b:s7+s4], $0x50, $0x38;
	[tilespmem:$0x1DD80] =	vst v63  }
0x46: {  	s9 =	rddreg [dreg:$0xb]  }
0x47: {  	[tilespmem:s10], [sflag:$0x8] =	stream.linear.gather [hbm4b:s9+s4], $0x50, $0x38;
	[tilespmem:$0x1DD80] =	vst v63  }
0x48: {  	s7 =	rddreg [dreg:$0xc];
	s9 =	simm.s32 $0x139C0  }
0x49: {  	[tilespmem:s9], [sflag:$0x9] =	stream.linear.gather [hbm4b:s7+s4], $0x50, $0x38;
	[tilespmem:$0x1DD80] =	vst v63  }
0x4a: {  	s9 =	rddreg [dreg:$0xd]  }
0x4b: {  	[tilespmem:s12], [sflag:$0x9] =	stream.linear.gather [hbm4b:s9+s4], $0x50, $0x38;
	[tilespmem:$0x1DD80] =	vst v63  }
0x4c: {  	s7 =	rddreg [dreg:$0xe];
	s9 =	simm.s32 $0x13A10  }
0x4d: {  	[tilespmem:s9], [sflag:$0xA] =	stream.linear.gather [hbm4b:s7+s4], $0x50, $0x38;
	[tilespmem:$0x1DD80] =	vst v63  }
0x4e: {  	s9 =	rddreg [dreg:$0xf]  }
0x4f: {  	[tilespmem:s14], [sflag:$0xA] =	stream.linear.gather [hbm4b:s9+s4], $0x50, $0x38;
	[tilespmem:$0x1DD80] =	vst v63  }
0x50: {  	_ =	swait.ge [sflag:s15], $0x50  }
0x51: {  	[sflag:s15] =	ssyncset.done $0x0  }
0x52: {  	[sflag:s15] =	ssyncadd.s32 $0xFFFFFFB0  }
0x53: {  	_ =	swait.ge [sflag:s15], $0x50  }
0x54: {  	[sflag:s15] =	ssyncset.done $0x0  }
0x55: {  	[sflag:s15] =	ssyncadd.s32 $0xFFFFFFB0  }
0x56: {  	[tilespmem:s18], [sflag:$0x1] =	stream.indirect.gather [hbm4b:s1+s16], $0x80, s2, s16, $0xb8;
	[tilespmem:$0x1DD80] =	vst v63  }
0x57: {  	_ =	swait.ge [sflag:s19], $0x50  }
0x58: {  	[sflag:s19] =	ssyncset.done $0x0  }
0x59: {  	[sflag:s19] =	ssyncadd.s32 $0xFFFFFFB0  }
0x5a: {  	_ =	swait.ge [sflag:s19], $0x50  }
0x5b: {  	[sflag:s19] =	ssyncset.done $0x0  }
0x5c: {  	[sflag:s19] =	ssyncadd.s32 $0xFFFFFFB0  }
0x5d: {  	[tilespmem:s20], [sflag:$0x2] =	stream.indirect.gather [hbm4b:s1+s16], $0x80, s6, s16, $0xb8;
	[tilespmem:$0x1DD80] =	vst v63  }
0x5e: {  	s6 =	sand.u32 $0xFE00, s4  }
0x5f: {  	s7 =	sand.u32 $0x70, s4;
	s9 =	sshrl.u32 s6, $0x2  }
0x60: {  	s0 =	simm.s32 $0x40;
	s2 =	sor.u32 s7, s9;
	s7 =	simm.s32 $0x0  }
.LBB2_2:
0x61: {  	p0 =	seq.s32 s0, $0x9FC0  }
0x62: {  	[tilespmem:s2+$0x1B580] =	vst v0;
	s7 =	sadd.s32 $0x10, s7;
	s2 =	smov.u32 s0;
	s0 =	sadd.s32 $0x40, s0  }
.Ltmp2:
0x63: {  	(pc) =	sbr.rel @!p0 .LBB2_2-.Ltmp2, $4  }
0x64: {  	_ = 	snop  }
0x65: {  	s2 =	sand.u32 $0xFE00, s2  }
0x66: {  	s9 =	sand.u32 $0x70, s7;
	s2 =	sshrl.u32 s2, $0x2  }
0x67: {  	s2 =	sor.u32 s9, s2  }
0x68: {  	[tilespmem:s2+$0x1B580] =	vst v0;
	s0 =	rddreg [dreg:$0x10]  }
0x69: {  	[spmem:s0] =	stream.linear.scatter [tilespmem:s21], [sflag:$0x11], $0x2800, $0x38;
	[tilespmem:$0x1DD80] =	vst v63  }
0x6a: {  	_ =	swait.ge [sflag:s24], $0x2800  }
0x6b: {  	[sflag:s24] =	ssyncset.done $0x0  }
0x6c: {  	s6 =	rddreg [dreg:$0x14];
	[sflag:s24] =	ssyncadd.s32 $0xFFFFD800  }
0x6d: {  	[spmem:s6] =	stream.linear.scatter [tilespmem:s21], [sflag:$0x11], $0x2800, $0x38;
	[tilespmem:$0x1DD80] =	vst v63  }
0x6e: {  	_ =	swait.ge [sflag:s24], $0x2800  }
0x6f: {  	[sflag:s24] =	ssyncset.done $0x0  }
0x70: {  	s7 =	rddreg [dreg:$0x17];
	[sflag:s24] =	ssyncadd.s32 $0xFFFFD800  }
0x71: {  	[spmem:s7] =	stream.linear.scatter [tilespmem:s21], [sflag:$0x11], $0x2800, $0x38;
	[tilespmem:$0x1DD80] =	vst v63  }
0x72: {  	_ =	swait.ge [sflag:s24], $0x2800  }
0x73: {  	[sflag:s24] =	ssyncset.done $0x0  }
0x74: {  	s9 =	rddreg [dreg:$0x19];
	[sflag:s24] =	ssyncadd.s32 $0xFFFFD800  }
0x75: {  	[spmem:s9] =	stream.linear.scatter [tilespmem:s21], [sflag:$0x11], $0x2800, $0x38;
	[tilespmem:$0x1DD80] =	vst v63  }
0x76: {  	_ =	swait.ge [sflag:s24], $0x2800  }
0x77: {  	[sflag:s24] =	ssyncset.done $0x0  }
0x78: {  	s2 =	rddreg [dreg:$0x1a];
	[sflag:s24] =	ssyncadd.s32 $0xFFFFD800  }
0x79: {  	[spmem:s2] =	stream.linear.scatter [tilespmem:s21], [sflag:$0x11], $0x2800, $0x38;
	[tilespmem:$0x1DD80] =	vst v63  }
0x7a: {  	_ =	swait.ge [sflag:s24], $0x2800  }
0x7b: {  	[sflag:s24] =	ssyncset.done $0x0  }
0x7c: {  	s6 =	rddreg [dreg:$0x1b];
	[sflag:s24] =	ssyncadd.s32 $0xFFFFD800  }
0x7d: {  	[spmem:s6] =	stream.linear.scatter [tilespmem:s21], [sflag:$0x11], $0x2800, $0x38;
	[tilespmem:$0x1DD80] =	vst v63  }
0x7e: {  	_ =	swait.ge [sflag:s24], $0x2800  }
0x7f: {  	[sflag:s24] =	ssyncset.done $0x0  }
0x80: {  	s7 =	rddreg [dreg:$0x1c];
	[sflag:s24] =	ssyncadd.s32 $0xFFFFD800  }
0x81: {  	[spmem:s7] =	stream.linear.scatter [tilespmem:s21], [sflag:$0x11], $0x2800, $0x38;
	[tilespmem:$0x1DD80] =	vst v63  }
0x82: {  	_ =	swait.ge [sflag:s24], $0x2800  }
0x83: {  	[sflag:s24] =	ssyncset.done $0x0  }
0x84: {  	s9 =	rddreg [dreg:$0x11];
	[sflag:s24] =	ssyncadd.s32 $0xFFFFD800  }
0x85: {  	[spmem:s9] =	stream.linear.scatter [tilespmem:s21], [sflag:$0x11], $0x2080, $0x38;
	[tilespmem:$0x1DD80] =	vst v63  }
0x86: {  	_ =	swait.ge [sflag:s24], $0x2080  }
.Ltmp3:
0x87: {  	[sflag:s24] =	ssyncset.done $0x0;
	(pc) =	sbr.rel .LBB2_4-.Ltmp3, $4  }
0x88: {  	[sflag:s24] =	ssyncadd.s32 $0xFFFFDF80  }
0x89: {  	[bflag:$0x0] =	sbarrier.arrive $0xFFFF  }
0x8a: {  	s7 =	rddreg [dreg:$0x16]  }
0x8b: {  	s0 =	simm.s32 $0x0;
	s9 =	rddreg [dreg:$0x15]  }
.LBB2_34:
0x8c: {  	_ =	swait.ge [sflag:s19], $0x50  }
0x8d: {  	[sflag:s19] =	ssyncset.done $0x0  }
0x8e: {  	[sflag:s19] =	ssyncadd.s32 $0xFFFFFFB0  }
0x8f: {  	_ =	swait.ge [sflag:s19], $0x50  }
0x90: {  	[sflag:s19] =	ssyncset.done $0x0  }
0x91: {  	s2 =	simm.s32 $0x138D0;
	[sflag:s19] =	ssyncadd.s32 $0xFFFFFFB0  }
0x92: {  	[tilespmem:s20], [sflag:$0x2] =	stream.indirect.gather [hbm4b:s1+s16], $0x80, s2, s16, $0xb8;
	[tilespmem:$0x1DD80] =	vst v63  }
0x93: {  	s6 =	simm.s32 $0x13D30;
	p0 =	sgt.u32 s0, $0x76  }
0x94: {  	[spmem:s3] =	stream.indirect.scatter.add.f32 [tilespmem:s21], [sflag:$0x10], $0x80, s6, s16, $0xb8;
	[tilespmem:$0x1DD80] =	vst v63  }
0x95: {  	s2 =	simm.s32 @!p0 $0x0;
	s6 =	simm.s32 @!p0 $0x13A10  }
0x96: {  	[tilespmem:s6], [sflag:$0xA] =	stream.linear.gather @!p0 [hbm4b:s9+s2], $0x50, $0x38;
	[tilespmem:$0x1DD80] =	vst v63  }
0x97: {  	s6 =	simm.s32 @!p0 $0x13C90  }
0x98: {  	[tilespmem:s6], [sflag:$0xA] =	stream.linear.gather @!p0 [hbm4b:s7+s2], $0x50, $0x38;
	[tilespmem:$0x1DD80] =	vst v63  }
.LBB2_35:
0x99: {  	s0 =	sadd.s32 $0x1, s0  }
0x9a: {  	p0 =	sne.s32 s0, $0x7D  }
.Ltmp4:
0x9b: {  	_ = 	snop;
	(pc) =	sbr.rel @!p0 .LBB2_36-.Ltmp4, $2  }
0x9c: {  	_ =	sdelay $0x2  }
0x9d: {  	s9 =	sadd.s32 $0xA, s9;
	s7 =	sadd.s32 $0xA, s7  }
.LBB2_4:
0x9e: {  	s2 =	sand.u32 $0x7, s0  }
0x9f: {  	p0 =	sgt.s32 s2, $0x3  }
.Ltmp5:
0xa0: {  	_ = 	snop;
	(pc) =	sbr.rel @p0 .LBB2_9-.Ltmp5, $1  }
0xa1: {  	_ =	sdelay $0x3  }
0xa2: {  	p0 =	sgt.s32 s2, $0x1  }
.Ltmp6:
0xa3: {  	_ = 	snop;
	(pc) =	sbr.rel @p0 .LBB2_20-.Ltmp6, $1  }
0xa4: {  	_ =	sdelay $0x3  }
0xa5: {  	p0 =	seq.s32 s2, $0x0  }
.Ltmp7:
0xa6: {  	_ = 	snop;
	(pc) =	sbr.rel @!p0 .LBB2_14-.Ltmp7, $1  }
0xa7: {  	_ =	sdelay $0x3  }
0xa8: {  	p0 =	slt.u32 s0, $0x2  }
0xa9: {  	p1 =	slt.u32 @!p0 s0, $0x7B  }
0xaa: {  	_ =	swait.ge [sflag:s25], $0x2800;
	p1 =	por p0, p1  }
.Ltmp8:
0xab: {  	[sflag:s25] =	ssyncset.done $0x0;
	(pc) =	sbr.rel @!p1 .LBB2_8-.Ltmp8, $4  }
0xac: {  	s2 =	simm.s32 @!p0 $0xF;
	[sflag:s25] =	ssyncadd.s32 $0xFFFFD800  }
0xad: {  	_ =	swait.ge @!p0 [sflag:s2], $0x2800  }
0xae: {  	[sflag:s2] =	ssyncset.done @!p0 $0x0  }
0xaf: {  	[sflag:s2] =	ssyncadd.s32 @!p0 $0xFFFFD800  }
0xb0: {  	_ =	swait.ge [sflag:s26], $0x50  }
0xb1: {  	[sflag:s26] =	ssyncset.done $0x0  }
0xb2: {  	[sflag:s26] =	ssyncadd.s32 $0xFFFFFFB0  }
0xb3: {  	_ =	swait.ge [sflag:s26], $0x50  }
0xb4: {  	[sflag:s26] =	ssyncset.done $0x0  }
0xb5: {  	s2 =	simm.s32 $0x13920;
	[sflag:s26] =	ssyncadd.s32 $0xFFFFFFB0  }
0xb6: {  	[tilespmem:s22], [sflag:$0x3] =	stream.indirect.gather [hbm4b:s1+s16], $0x80, s2, s16, $0xb8;
	[tilespmem:$0x1DD80] =	vst v63  }
0xb7: {  	s6 =	simm.s32 $0x13B00  }
0xb8: {  	[spmem:s3] =	stream.indirect.scatter.add.f32 [tilespmem:s18], [sflag:$0xD], $0x80, s6, s16, $0xb8;
	[tilespmem:$0x1DD80] =	vst v63  }
.Ltmp9:
0xb9: {  	p0 =	sgt.u32 s0, $0x76;
	(pc) =	sbr.rel .LBB2_35-.Ltmp9, $4  }
0xba: {  	s2 =	simm.s32 @!p0 $0x0;
	s6 =	simm.s32 @!p0 $0x13A60  }
0xbb: {  	[tilespmem:s6], [sflag:$0xB] =	stream.linear.gather @!p0 [hbm4b:s9+s2], $0x50, $0x38;
	[tilespmem:$0x1DD80] =	vst v63  }
0xbc: {  	s6 =	simm.s32 @!p0 $0x13CE0  }
0xbd: {  	[tilespmem:s6], [sflag:$0xB] =	stream.linear.gather @!p0 [hbm4b:s7+s2], $0x50, $0x38;
	[tilespmem:$0x1DD80] =	vst v63  }
.LBB2_9:
0xbe: {  	p0 =	sgt.s32 s2, $0x5  }
.Ltmp10:
0xbf: {  	_ = 	snop;
	(pc) =	sbr.rel @p0 .LBB2_31-.Ltmp10, $1  }
0xc0: {  	_ =	sdelay $0x3  }
0xc1: {  	p0 =	seq.s32 s2, $0x4  }
.Ltmp11:
0xc2: {  	_ = 	snop;
	(pc) =	sbr.rel @!p0 .LBB2_25-.Ltmp11, $1  }
0xc3: {  	_ =	sdelay $0x3  }
0xc4: {  	p0 =	slt.u32 s0, $0x2  }
0xc5: {  	p1 =	slt.u32 @!p0 s0, $0x7B  }
0xc6: {  	_ =	swait.ge [sflag:s25], $0x2800;
	p1 =	por p0, p1  }
.Ltmp12:
0xc7: {  	[sflag:s25] =	ssyncset.done $0x0;
	(pc) =	sbr.rel @!p1 .LBB2_12-.Ltmp12, $4  }
0xc8: {  	s2 =	simm.s32 @!p0 $0xF;
	[sflag:s25] =	ssyncadd.s32 $0xFFFFD800  }
0xc9: {  	_ =	swait.ge @!p0 [sflag:s2], $0x2800  }
0xca: {  	[sflag:s2] =	ssyncset.done @!p0 $0x0  }
0xcb: {  	[sflag:s2] =	ssyncadd.s32 @!p0 $0xFFFFD800  }
0xcc: {  	_ =	swait.ge [sflag:s11], $0x50  }
0xcd: {  	[sflag:s11] =	ssyncset.done $0x0  }
0xce: {  	[sflag:s11] =	ssyncadd.s32 $0xFFFFFFB0  }
0xcf: {  	_ =	swait.ge [sflag:s11], $0x50  }
0xd0: {  	[sflag:s11] =	ssyncset.done $0x0  }
0xd1: {  	s2 =	simm.s32 $0x13A60;
	[sflag:s11] =	ssyncadd.s32 $0xFFFFFFB0  }
0xd2: {  	[tilespmem:s22], [sflag:$0x3] =	stream.indirect.gather [hbm4b:s1+s16], $0x80, s2, s16, $0xb8;
	[tilespmem:$0x1DD80] =	vst v63  }
0xd3: {  	_ = 	snop  }
0xd4: {  	[spmem:s3] =	stream.indirect.scatter.add.f32 [tilespmem:s18], [sflag:$0xD], $0x80, s12, s16, $0xb8;
	[tilespmem:$0x1DD80] =	vst v63  }
.Ltmp13:
0xd5: {  	p0 =	sgt.u32 s0, $0x76;
	(pc) =	sbr.rel .LBB2_35-.Ltmp13, $4  }
0xd6: {  	s6 =	simm.s32 @!p0 $0x13920;
	s2 =	simm.s32 @!p0 $0x0  }
0xd7: {  	[tilespmem:s6], [sflag:$0x7] =	stream.linear.gather @!p0 [hbm4b:s9+s2], $0x50, $0x38;
	[tilespmem:$0x1DD80] =	vst v63  }
0xd8: {  	s6 =	simm.s32 @!p0 $0x13BA0  }
0xd9: {  	[tilespmem:s6], [sflag:$0x7] =	stream.linear.gather @!p0 [hbm4b:s7+s2], $0x50, $0x38;
	[tilespmem:$0x1DD80] =	vst v63  }
.LBB2_20:
0xda: {  	p0 =	seq.s32 s2, $0x2  }
.Ltmp14:
0xdb: {  	_ = 	snop;
	(pc) =	sbr.rel @!p0 .LBB2_21-.Ltmp14, $1  }
0xdc: {  	_ =	sdelay $0x3  }
0xdd: {  	p0 =	slt.u32 s0, $0x2  }
0xde: {  	p1 =	slt.u32 @!p0 s0, $0x7B  }
0xdf: {  	_ =	swait.ge [sflag:s29], $0x2800;
	p1 =	por p0, p1  }
.Ltmp15:
0xe0: {  	[sflag:s29] =	ssyncset.done $0x0;
	(pc) =	sbr.rel @!p1 .LBB2_18-.Ltmp15, $4  }
0xe1: {  	s2 =	simm.s32 @!p0 $0xD;
	[sflag:s29] =	ssyncadd.s32 $0xFFFFD800  }
0xe2: {  	_ =	swait.ge @!p0 [sflag:s2], $0x2800  }
0xe3: {  	[sflag:s2] =	ssyncset.done @!p0 $0x0  }
0xe4: {  	[sflag:s2] =	ssyncadd.s32 @!p0 $0xFFFFD800  }
0xe5: {  	_ =	swait.ge [sflag:s30], $0x50  }
0xe6: {  	[sflag:s30] =	ssyncset.done $0x0  }
0xe7: {  	[sflag:s30] =	ssyncadd.s32 $0xFFFFFFB0  }
0xe8: {  	_ =	swait.ge [sflag:s30], $0x50  }
0xe9: {  	[sflag:s30] =	ssyncset.done $0x0  }
0xea: {  	s2 =	simm.s32 $0x139C0;
	[sflag:s30] =	ssyncadd.s32 $0xFFFFFFB0  }
0xeb: {  	[tilespmem:s18], [sflag:$0x1] =	stream.indirect.gather [hbm4b:s1+s16], $0x80, s2, s16, $0xb8;
	[tilespmem:$0x1DD80] =	vst v63  }
0xec: {  	_ = 	snop  }
0xed: {  	[spmem:s3] =	stream.indirect.scatter.add.f32 [tilespmem:s22], [sflag:$0xF], $0x80, s8, s16, $0xb8;
	[tilespmem:$0x1DD80] =	vst v63  }
.Ltmp16:
0xee: {  	p0 =	sgt.u32 s0, $0x76;
	(pc) =	sbr.rel .LBB2_35-.Ltmp16, $4  }
0xef: {  	s6 =	simm.s32 @!p0 $0x13880;
	s2 =	simm.s32 @!p0 $0x0  }
0xf0: {  	[tilespmem:s6], [sflag:$0x5] =	stream.linear.gather @!p0 [hbm4b:s9+s2], $0x50, $0x38;
	[tilespmem:$0x1DD80] =	vst v63  }
0xf1: {  	s6 =	simm.s32 @!p0 $0x13B00  }
0xf2: {  	[tilespmem:s6], [sflag:$0x5] =	stream.linear.gather @!p0 [hbm4b:s7+s2], $0x50, $0x38;
	[tilespmem:$0x1DD80] =	vst v63  }
.LBB2_31:
0xf3: {  	p2 =	seq.s32 s2, $0x6  }
.Ltmp17:
0xf4: {  	_ = 	snop;
	(pc) =	sbr.rel @!p2 .LBB2_32-.Ltmp17, $3  }
0xf5: {  	_ =	sdelay $0x1  }
0xf6: {  	p0 =	slt.u32 s0, $0x2  }
0xf7: {  	p1 =	slt.u32 @!p0 s0, $0x7B  }
0xf8: {  	_ =	swait.ge [sflag:s29], $0x2800;
	p1 =	por p0, p1  }
.Ltmp18:
0xf9: {  	[sflag:s29] =	ssyncset.done $0x0;
	(pc) =	sbr.rel @!p1 .LBB2_29-.Ltmp18, $4  }
0xfa: {  	s2 =	simm.s32 @!p0 $0xD;
	[sflag:s29] =	ssyncadd.s32 $0xFFFFD800  }
0xfb: {  	_ =	swait.ge @!p0 [sflag:s2], $0x2800  }
0xfc: {  	[sflag:s2] =	ssyncset.done @!p0 $0x0  }
0xfd: {  	[sflag:s2] =	ssyncadd.s32 @!p0 $0xFFFFD800  }
0xfe: {  	_ =	swait.ge [sflag:s15], $0x50  }
0xff: {  	[sflag:s15] =	ssyncset.done $0x0  }
0x100: {  	[sflag:s15] =	ssyncadd.s32 $0xFFFFFFB0  }
0x101: {  	_ =	swait.ge [sflag:s15], $0x50  }
0x102: {  	[sflag:s15] =	ssyncset.done $0x0  }
0x103: {  	s2 =	simm.s32 $0x13880;
	[sflag:s15] =	ssyncadd.s32 $0xFFFFFFB0  }
0x104: {  	[tilespmem:s18], [sflag:$0x1] =	stream.indirect.gather [hbm4b:s1+s16], $0x80, s2, s16, $0xb8;
	[tilespmem:$0x1DD80] =	vst v63  }
0x105: {  	s6 =	simm.s32 $0x13CE0  }
0x106: {  	[spmem:s3] =	stream.indirect.scatter.add.f32 [tilespmem:s22], [sflag:$0xF], $0x80, s6, s16, $0xb8;
	[tilespmem:$0x1DD80] =	vst v63  }
.Ltmp19:
0x107: {  	p0 =	sgt.u32 s0, $0x76;
	(pc) =	sbr.rel .LBB2_35-.Ltmp19, $4  }
0x108: {  	s2 =	simm.s32 @!p0 $0x0;
	s6 =	simm.s32 @!p0 $0x139C0  }
0x109: {  	[tilespmem:s6], [sflag:$0x9] =	stream.linear.gather @!p0 [hbm4b:s9+s2], $0x50, $0x38;
	[tilespmem:$0x1DD80] =	vst v63  }
0x10a: {  	s6 =	simm.s32 @!p0 $0x13C40  }
0x10b: {  	[tilespmem:s6], [sflag:$0x9] =	stream.linear.gather @!p0 [hbm4b:s7+s2], $0x50, $0x38;
	[tilespmem:$0x1DD80] =	vst v63  }
.LBB2_14:
0x10c: {  	p0 =	slt.u32 s0, $0x2  }
0x10d: {  	p1 =	slt.u32 @!p0 s0, $0x7B  }
0x10e: {  	_ =	swait.ge [sflag:s28], $0x2800;
	p1 =	por p0, p1  }
.Ltmp20:
0x10f: {  	[sflag:s28] =	ssyncset.done $0x0;
	(pc) =	sbr.rel @!p1 .LBB2_15-.Ltmp20, $4  }
0x110: {  	s2 =	simm.s32 @!p0 $0x10;
	[sflag:s28] =	ssyncadd.s32 $0xFFFFD800  }
0x111: {  	_ =	swait.ge @!p0 [sflag:s2], $0x2800  }
0x112: {  	[sflag:s2] =	ssyncset.done @!p0 $0x0  }
0x113: {  	[sflag:s2] =	ssyncadd.s32 @!p0 $0xFFFFD800  }
0x114: {  	_ =	swait.ge [sflag:s23], $0x50  }
0x115: {  	[sflag:s23] =	ssyncset.done $0x0  }
0x116: {  	[sflag:s23] =	ssyncadd.s32 $0xFFFFFFB0  }
0x117: {  	_ =	swait.ge [sflag:s23], $0x50  }
0x118: {  	[sflag:s23] =	ssyncset.done $0x0  }
0x119: {  	s2 =	simm.s32 $0x13970;
	[sflag:s23] =	ssyncadd.s32 $0xFFFFFFB0  }
0x11a: {  	[tilespmem:s21], [sflag:$0x4] =	stream.indirect.gather [hbm4b:s1+s16], $0x80, s2, s16, $0xb8;
	[tilespmem:$0x1DD80] =	vst v63  }
0x11b: {  	s6 =	simm.s32 $0x13B50  }
0x11c: {  	[spmem:s3] =	stream.indirect.scatter.add.f32 [tilespmem:s20], [sflag:$0xE], $0x80, s6, s16, $0xb8;
	[tilespmem:$0x1DD80] =	vst v63  }
.Ltmp21:
0x11d: {  	p0 =	sgt.u32 s0, $0x76;
	(pc) =	sbr.rel .LBB2_35-.Ltmp21, $4  }
0x11e: {  	s2 =	simm.s32 @!p0 $0x0;
	s6 =	simm.s32 @!p0 $0x13AB0  }
0x11f: {  	[tilespmem:s6], [sflag:$0xC] =	stream.linear.gather @!p0 [hbm4b:s9+s2], $0x50, $0x38;
	[tilespmem:$0x1DD80] =	vst v63  }
0x120: {  	s6 =	simm.s32 @!p0 $0x13D30  }
0x121: {  	[tilespmem:s6], [sflag:$0xC] =	stream.linear.gather @!p0 [hbm4b:s7+s2], $0x50, $0x38;
	[tilespmem:$0x1DD80] =	vst v63  }
.LBB2_25:
0x122: {  	p0 =	slt.u32 s0, $0x2  }
0x123: {  	p1 =	slt.u32 @!p0 s0, $0x7B  }
0x124: {  	_ =	swait.ge [sflag:s28], $0x2800;
	p1 =	por p0, p1  }
.Ltmp22:
0x125: {  	[sflag:s28] =	ssyncset.done $0x0;
	(pc) =	sbr.rel @!p1 .LBB2_26-.Ltmp22, $4  }
0x126: {  	s2 =	simm.s32 @!p0 $0x10;
	[sflag:s28] =	ssyncadd.s32 $0xFFFFD800  }
0x127: {  	_ =	swait.ge @!p0 [sflag:s2], $0x2800  }
0x128: {  	[sflag:s2] =	ssyncset.done @!p0 $0x0  }
0x129: {  	[sflag:s2] =	ssyncadd.s32 @!p0 $0xFFFFD800  }
0x12a: {  	_ =	swait.ge [sflag:s13], $0x50  }
0x12b: {  	[sflag:s13] =	ssyncset.done $0x0  }
0x12c: {  	[sflag:s13] =	ssyncadd.s32 $0xFFFFFFB0  }
0x12d: {  	_ =	swait.ge [sflag:s13], $0x50  }
0x12e: {  	[sflag:s13] =	ssyncset.done $0x0  }
0x12f: {  	s2 =	simm.s32 $0x13AB0;
	[sflag:s13] =	ssyncadd.s32 $0xFFFFFFB0  }
0x130: {  	[tilespmem:s21], [sflag:$0x4] =	stream.indirect.gather [hbm4b:s1+s16], $0x80, s2, s16, $0xb8;
	[tilespmem:$0x1DD80] =	vst v63  }
0x131: {  	_ = 	snop  }
0x132: {  	[spmem:s3] =	stream.indirect.scatter.add.f32 [tilespmem:s20], [sflag:$0xE], $0x80, s14, s16, $0xb8;
	[tilespmem:$0x1DD80] =	vst v63  }
.Ltmp23:
0x133: {  	p0 =	sgt.u32 s0, $0x76;
	(pc) =	sbr.rel .LBB2_35-.Ltmp23, $4  }
0x134: {  	s6 =	simm.s32 @!p0 $0x13970;
	s2 =	simm.s32 @!p0 $0x0  }
0x135: {  	[tilespmem:s6], [sflag:$0x8] =	stream.linear.gather @!p0 [hbm4b:s9+s2], $0x50, $0x38;
	[tilespmem:$0x1DD80] =	vst v63  }
0x136: {  	s6 =	simm.s32 @!p0 $0x13BF0  }
0x137: {  	[tilespmem:s6], [sflag:$0x8] =	stream.linear.gather @!p0 [hbm4b:s7+s2], $0x50, $0x38;
	[tilespmem:$0x1DD80] =	vst v63  }
.LBB2_21:
0x138: {  	p0 =	slt.u32 s0, $0x2  }
0x139: {  	p1 =	slt.u32 @!p0 s0, $0x7B  }
0x13a: {  	_ =	swait.ge [sflag:s17], $0x2800;
	p1 =	por p0, p1  }
.Ltmp24:
0x13b: {  	[sflag:s17] =	ssyncset.done $0x0;
	(pc) =	sbr.rel @!p1 .LBB2_22-.Ltmp24, $4  }
0x13c: {  	s2 =	simm.s32 @!p0 $0xE;
	[sflag:s17] =	ssyncadd.s32 $0xFFFFD800  }
0x13d: {  	_ =	swait.ge @!p0 [sflag:s2], $0x2800  }
0x13e: {  	[sflag:s2] =	ssyncset.done @!p0 $0x0  }
0x13f: {  	[sflag:s2] =	ssyncadd.s32 @!p0 $0xFFFFD800  }
0x140: {  	_ =	swait.ge [sflag:s5], $0x50  }
0x141: {  	[sflag:s5] =	ssyncset.done $0x0  }
0x142: {  	[sflag:s5] =	ssyncadd.s32 $0xFFFFFFB0  }
0x143: {  	_ =	swait.ge [sflag:s5], $0x50  }
0x144: {  	[sflag:s5] =	ssyncset.done $0x0  }
0x145: {  	s2 =	simm.s32 $0x13A10;
	[sflag:s5] =	ssyncadd.s32 $0xFFFFFFB0  }
0x146: {  	[tilespmem:s20], [sflag:$0x2] =	stream.indirect.gather [hbm4b:s1+s16], $0x80, s2, s16, $0xb8;
	[tilespmem:$0x1DD80] =	vst v63  }
0x147: {  	_ = 	snop  }
0x148: {  	[spmem:s3] =	stream.indirect.scatter.add.f32 [tilespmem:s21], [sflag:$0x10], $0x80, s10, s16, $0xb8;
	[tilespmem:$0x1DD80] =	vst v63  }
.Ltmp25:
0x149: {  	p0 =	sgt.u32 s0, $0x76;
	(pc) =	sbr.rel .LBB2_35-.Ltmp25, $4  }
0x14a: {  	s6 =	simm.s32 @!p0 $0x138D0;
	s2 =	simm.s32 @!p0 $0x0  }
0x14b: {  	[tilespmem:s6], [sflag:$0x6] =	stream.linear.gather @!p0 [hbm4b:s9+s2], $0x50, $0x38;
	[tilespmem:$0x1DD80] =	vst v63  }
0x14c: {  	s6 =	simm.s32 @!p0 $0x13B50  }
0x14d: {  	[tilespmem:s6], [sflag:$0x6] =	stream.linear.gather @!p0 [hbm4b:s7+s2], $0x50, $0x38;
	[tilespmem:$0x1DD80] =	vst v63  }
.LBB2_32:
0x14e: {  	_ =	swait.ge [sflag:s17], $0x2800;
	p1 =	por p0, p1  }
.Ltmp26:
0x14f: {  	[sflag:s17] =	ssyncset.done $0x0;
	(pc) =	sbr.rel @p1 .LBB2_34-.Ltmp26, $4  }
0x150: {  	s2 =	simm.s32 @!p0 $0xE;
	[sflag:s17] =	ssyncadd.s32 $0xFFFFD800  }
0x151: {  	_ =	swait.ge @!p0 [sflag:s2], $0x2800  }
0x152: {  	[sflag:s2] =	ssyncset.done @!p0 $0x0  }
0x153: {  	[sflag:s2] =	ssyncadd.s32 @!p0 $0xFFFFD800  }
.Ltmp27:
0x154: {  	(pc) =	sbr.rel .LBB2_35-.Ltmp27, $3  }
0x155: {  	_ =	sdelay $0x1  }
0x156: {  	s2 =	simm.s32 $0x13D30  }
0x157: {  	[spmem:s3] =	stream.indirect.scatter.add.f32 [tilespmem:s21], [sflag:$0x10], $0x80, s2, s16, $0xb8;
	[tilespmem:$0x1DD80] =	vst v63  }
.LBB2_8:
.Ltmp28:
0x158: {  	(pc) =	sbr.rel .LBB2_35-.Ltmp28, $3  }
0x159: {  	_ =	sdelay $0x1  }
0x15a: {  	s2 =	simm.s32 $0x13B00  }
0x15b: {  	[spmem:s3] =	stream.indirect.scatter.add.f32 [tilespmem:s18], [sflag:$0xD], $0x80, s2, s16, $0xb8;
	[tilespmem:$0x1DD80] =	vst v63  }
.LBB2_12:
.Ltmp29:
0x15c: {  	(pc) =	sbr.rel .LBB2_35-.Ltmp29, $2  }
0x15d: {  	_ =	sdelay $0x2  }
0x15e: {  	[spmem:s3] =	stream.indirect.scatter.add.f32 [tilespmem:s18], [sflag:$0xD], $0x80, s12, s16, $0xb8;
	[tilespmem:$0x1DD80] =	vst v63  }
.LBB2_18:
.Ltmp30:
0x15f: {  	(pc) =	sbr.rel .LBB2_35-.Ltmp30, $2  }
0x160: {  	_ =	sdelay $0x2  }
0x161: {  	[spmem:s3] =	stream.indirect.scatter.add.f32 [tilespmem:s22], [sflag:$0xF], $0x80, s8, s16, $0xb8;
	[tilespmem:$0x1DD80] =	vst v63  }
.LBB2_29:
.Ltmp31:
0x162: {  	(pc) =	sbr.rel .LBB2_35-.Ltmp31, $3  }
0x163: {  	_ =	sdelay $0x1  }
0x164: {  	s2 =	simm.s32 $0x13CE0  }
0x165: {  	[spmem:s3] =	stream.indirect.scatter.add.f32 [tilespmem:s22], [sflag:$0xF], $0x80, s2, s16, $0xb8;
	[tilespmem:$0x1DD80] =	vst v63  }
.LBB2_15:
.Ltmp32:
0x166: {  	(pc) =	sbr.rel .LBB2_35-.Ltmp32, $3  }
0x167: {  	_ =	sdelay $0x1  }
0x168: {  	s2 =	simm.s32 $0x13B50  }
0x169: {  	[spmem:s3] =	stream.indirect.scatter.add.f32 [tilespmem:s20], [sflag:$0xE], $0x80, s2, s16, $0xb8;
	[tilespmem:$0x1DD80] =	vst v63  }
.LBB2_26:
.Ltmp33:
0x16a: {  	(pc) =	sbr.rel .LBB2_35-.Ltmp33, $2  }
0x16b: {  	_ =	sdelay $0x2  }
0x16c: {  	[spmem:s3] =	stream.indirect.scatter.add.f32 [tilespmem:s20], [sflag:$0xE], $0x80, s14, s16, $0xb8;
	[tilespmem:$0x1DD80] =	vst v63  }
.LBB2_22:
.Ltmp34:
0x16d: {  	(pc) =	sbr.rel .LBB2_35-.Ltmp34, $2  }
0x16e: {  	_ =	sdelay $0x2  }
0x16f: {  	[spmem:s3] =	stream.indirect.scatter.add.f32 [tilespmem:s21], [sflag:$0x10], $0x80, s10, s16, $0xb8;
	[tilespmem:$0x1DD80] =	vst v63  }
.LBB2_37:
0x170: {  	_ =	sfence.sel $0x180000  }
0x171: {  	[bflag:$0x0] =	sbarrier.arrive $0xFFFF  }
0x172: {  	_ =	strace $0x9000004A  }
0x173: {  	s0 =	stileid.u32;
	[bflag:$0x2] =	sbarrier.arrive $0xFFFF  }
0x174: {  	p0 =	sne.s32 s0, $0x0;
	s0 =	rddreg [dreg:$0x3]  }
0x175: {  	s0 =	sadd.s32 @!p0 $0x100000, s0  }
0x176: {  	[sflag:s0] =	ssyncadd.tile.s32 @!p0 $0x1;
	_ =	shalt  }
.Lfunc_end2:
_tile_overlayer_lowered:
.L_overlay_start_2:
0x177: {  	(tag) =	ssettag $0x2  }
0x178: {  	s0 =	rddreg [dreg:$0x0];
	s2 =	stileid.u32  }
0x179: {  	s1 =	rddreg [dreg:$0x1];
	p0 =	sne.s32 s2, $0x0  }
0x17a: {  	s3 =	rddreg [dreg:$0x2];
	[bflag:$0x3] =	sbarrier.arrive $0xFFFF;
	s2 =	simm.s32 @!p0 $0x1C11  }
0x17b: {  	[timem:s3], [sflag:s2] =	dma.local @!p0 [hbm:s0], s1  }
0x17c: {  	s0 =	simm.s32 @!p0 $0x11  }
0x17d: {  	_ =	swait.ge @!p0 [sflag:s0], s1  }
0x17e: {  	s1 =	ssub.s32 @!p0 $0x0, s1;
	[sflag:s0] =	ssyncset.done @!p0 $0x0  }
0x17f: {  	[sflag:s0] =	ssyncadd.s32 @!p0 s1  }
0x180: {  	[bflag:$0x3] =	sbarrier.arrive $0xFFFF  }
0x181: {  	_ =	shalt  }

// kernel: kernel.9.cloned.1.call-start
scs
__scs_entry_jumppad:
0x0: {  	(pc) =	sbr.rel $0x88, $3  }
0x1: {  	(tag) =	ssettag $0x0;
	lr =	simm.s32 $0x1  }
0x2: {  	[smem:$0x3F97] =	sst lr;
	_ =	strace $0xD0000000  }
0x3: {  	_ = 	snop  }
0x4: {  	_ = 	snop  }
0x5: {  	_ = 	snop  }
0x6: {  	_ = 	snop  }
0x7: {  	_ = 	snop  }
__scs_overlays_trampoline_lowered:
0x8: {  	[smem:$0x3FA6] =	sst s0  }
0x9: {  	[smem:$0x3FA7] =	sst s1  }
0xa: {  	[smem:$0x3FA8] =	sst s2  }
0xb: {  	[smem:$0x3FA9] =	sst s3  }
0xc: {  	[smem:$0x3FAA] =	sst s4  }
0xd: {  	[smem:$0x3FAB] =	sst s5  }
0xe: {  	[smem:$0x3FAC] =	sst s6  }
0xf: {  	[smem:$0x3FAD] =	sst s7  }
0x10: {  	[smem:$0x3FAE] =	sst s8  }
0x11: {  	[smem:$0x3FAF] =	sst s9;
	s0 =	simm.s32 @!p0 $0x0  }
0x12: {  	s1 =	sld [smem:$0x3F95];
	s0 =	simm.s32 @p0 $0x1  }
0x13: {  	[smem:$0x3FB0] =	sst s0;
	s0 =	simm.s32 @!p1 $0x0  }
0x14: {  	s2 =	sld [smem:$0x3F94];
	s0 =	simm.s32 @p1 $0x1  }
0x15: {  	[smem:$0x3FB1] =	sst s0;
	s0 =	simm.s32 @!p2 $0x0  }
0x16: {  	s3 =	sld [smem:$0x3FDB];
	s0 =	simm.s32 @p2 $0x1  }
0x17: {  	s4 =	simm.s32 $0x1BF5;
	[smem:$0x3FB3] =	sst s0  }
0x18: {  	s0 =	sld [smem:$0x3F96];
	_ =	swait.ge [sflag:s4], $0x0  }
0x19: {  	s7 =	sld [smem:$0x3F97]  }
0x1a: {  	s8 =	sadd.s32 $0xFFFFE003, lr  }
0x1b: {  	s9 =	sadd.s32 $0xFFFFFEF7, lr;
	s5 =	simm.s32 $0xFFFFFFFF;
	p2 =	slt.u32 s8, $0xFFFFF086  }
0x1c: {  	p1 =	slt.u32 s9, $0xF7A;
	s5 =	simm.s32 @!p2 $0x0  }
0x1d: {  	s5 =	simm.s32 @p1 $0x1;
	p0 =	seq.s32 s7, s2  }
0x1e: {  	s7 =	smul.u32 @!p0 $0xF7A, s2;
	p2 =	seq.s32 @!p0 s5, $0x0  }
0x1f: {  	s9 =	smul.u32 $0xF7A, s1;
	s8 =	simm.s32 @!p0 $0x1BF5;
	p2 =	por !p2, p0  }
0x20: {  	[sflag:s8] =	ssyncset.s32 @!p0 $0xFFFFF086;
	s6 =	sadd.s32 @!p0 s3, s7;
	s7 =	simm.s32 @!p0 $0x108  }
0x21: {  	s3 =	sadd.s32 s3, s9;
	s6 =	sadd.s32 @!p0 $0x88, s6;
	s7 =	simm.s32 @p2 $0x1082  }
0x22: {  	[simem:s7], [sflag:s8] =	dma.local @!p0 [hbm:s6], $0xF7A  }
0x23: {  	s9 =	sor.u32 $0xD0000000, s2;
	s6 =	simm.s32 $0x108;
	_ =	swait.ge @!p0 [sflag:s8], $0x0  }
0x24: {  	s3 =	sadd.s32 $0x88, s3;
	s6 =	simm.s32 @!p1 $0x1082;
	[sflag:s4] =	ssyncset.s32 $0xFFFFF086  }
0x25: {  	[simem:s6], [sflag:s4] =	dma.local [hbm:s3], $0xF7A  }
0x26: {  	[smem:$0x3F97] =	sst s1;
	(tag) =	ssettag s2;
	_ =	strace s9  }
0x27: {  	s1 =	sld [smem:$0x3FA7]  }
0x28: {  	s2 =	sld [smem:$0x3FA8]  }
0x29: {  	s4 =	sld [smem:$0x3FAA]  }
0x2a: {  	p0 =	seq.s32 s5, $0x0;
	s5 =	sld [smem:$0x3FAB]  }
0x2b: {  	s6 =	sld [smem:$0x3FAC]  }
0x2c: {  	s7 =	sld [smem:$0x3FAD]  }
0x2d: {  	s3 =	simm.s32 $0x108;
	s8 =	sld [smem:$0x3FAE]  }
0x2e: {  	s3 =	simm.s32 @!p0 $0x1082;
	s9 =	sld [smem:$0x3FAF]  }
0x2f: {  	lr =	sadd.s32 s0, s3;
	s0 =	sld [smem:$0x3FA6]  }
0x30: {  	s3 =	sld [smem:$0x3FA9]  }
0x31: {  	[smem:$0x3FB2] =	sst s10  }
0x32: {  	s10 =	sld [smem:$0x3FB0];
	_ =	sdelay $0x3  }
0x33: {  	p0 =	seq.s32 s10, $0x1;
	s10 =	sld [smem:$0x3FB2];
	_ =	sdelay $0x3  }
0x34: {  	[smem:$0x3FB2] =	sst s10  }
0x35: {  	s10 =	sld [smem:$0x3FB1];
	_ =	sdelay $0x3  }
0x36: {  	p1 =	seq.s32 s10, $0x1;
	s10 =	sld [smem:$0x3FB2];
	_ =	sdelay $0x3  }
0x37: {  	[smem:$0x3FB2] =	sst s10  }
0x38: {  	s10 =	sld [smem:$0x3FB3]  }
0x39: {  	_ = 	snop;
	(pc) =	sbr.ind lr, $3  }
0x3a: {  	_ = 	snop  }
0x3b: {  	_ = 	snop  }
0x3c: {  	p2 =	seq.s32 s10, $0x1;
	s10 =	sld [smem:$0x3FB2]  }
0x3d: {  	_ =	shalt  }
0x3e: {  	_ =	shalt  }
0x3f: {  	_ =	shalt  }
0x40: {  	_ =	shalt  }
0x41: {  	_ =	shalt  }
0x42: {  	_ =	shalt  }
0x43: {  	_ =	shalt  }
0x44: {  	_ =	shalt  }
0x45: {  	_ =	shalt  }
0x46: {  	_ =	shalt  }
0x47: {  	_ =	shalt  }
0x48: {  	_ =	shalt  }
0x49: {  	_ =	shalt  }
0x4a: {  	_ =	shalt  }
0x4b: {  	_ =	shalt  }
0x4c: {  	_ =	shalt  }
0x4d: {  	_ =	shalt  }
0x4e: {  	_ =	shalt  }
0x4f: {  	_ =	shalt  }
0x50: {  	_ =	shalt  }
0x51: {  	_ =	shalt  }
0x52: {  	_ =	shalt  }
0x53: {  	_ =	shalt  }
0x54: {  	_ =	shalt  }
0x55: {  	_ =	shalt  }
0x56: {  	_ =	shalt  }
0x57: {  	_ =	shalt  }
0x58: {  	_ =	shalt  }
0x59: {  	_ =	shalt  }
0x5a: {  	_ =	shalt  }
0x5b: {  	_ =	shalt  }
0x5c: {  	_ =	shalt  }
0x5d: {  	_ =	shalt  }
0x5e: {  	_ =	shalt  }
0x5f: {  	_ =	shalt  }
0x60: {  	_ =	shalt  }
0x61: {  	_ =	shalt  }
0x62: {  	_ =	shalt  }
0x63: {  	_ =	shalt  }
0x64: {  	_ =	shalt  }
0x65: {  	_ =	shalt  }
0x66: {  	_ =	shalt  }
0x67: {  	_ =	shalt  }
0x68: {  	_ =	shalt  }
0x69: {  	_ =	shalt  }
0x6a: {  	_ =	shalt  }
0x6b: {  	_ =	shalt  }
0x6c: {  	_ =	shalt  }
0x6d: {  	_ =	shalt  }
0x6e: {  	_ =	shalt  }
0x6f: {  	_ =	shalt  }
0x70: {  	_ =	shalt  }
0x71: {  	_ =	shalt  }
0x72: {  	_ =	shalt  }
0x73: {  	_ =	shalt  }
0x74: {  	_ =	shalt  }
0x75: {  	_ =	shalt  }
0x76: {  	_ =	shalt  }
0x77: {  	_ =	shalt  }
0x78: {  	_ =	shalt  }
0x79: {  	_ =	shalt  }
0x7a: {  	_ =	shalt  }
0x7b: {  	_ =	shalt  }
0x7c: {  	_ =	shalt  }
0x7d: {  	_ =	shalt  }
0x7e: {  	_ =	shalt  }
0x7f: {  	_ =	shalt  }
0x80: {  	_ =	shalt  }
0x81: {  	_ =	shalt  }
0x82: {  	_ =	shalt  }
0x83: {  	_ =	shalt  }
0x84: {  	_ =	shalt  }
0x85: {  	_ =	shalt  }
0x86: {  	_ =	shalt  }
0x87: {  	_ =	shalt  }
.Lfunc_end0:
.L_simem_size_0:
called_computation_lowered:
.L_overlay_start_0:
0x88: {  	s2 =	sld [smem:$0x3FD9]  }
0x89: {  	s3 =	sld [smem:$0x3FFE];
	_ =	sdelay $0x1  }
0x8a: {  	s1 =	srdreg.scid  }
0x8b: {  	s0 =	sand.u32 $0x1, s1  }
0x8c: {  	s17 =	sshll.u32 s0, $0xA;
	s2 =	sadd.s32 s3, s2  }
0x8d: {  	s2 =	sadd.s32 s2, s17  }
0x8e: {  	[smem:$0x3FBE] =	sst s2  }
0x8f: {  	_ = 	snop  }
0x90: {  	s2 =	sld [smem:$0x3FC9]  }
0x91: {  	s18 =	sld [smem:$0x3FD0];
	(tm) =	ssettm $0x1  }
0x92: {  	s4 =	sld [smem:$0x3FFB];
	_ =	sdelay $0x3  }
0x93: {  	_ =	strace s4  }
0x94: {  	s4 =	sld [smem:$0x3FFC];
	_ =	sdelay $0x3  }
0x95: {  	_ =	strace s4  }
0x96: {  	s4 =	sld [smem:$0x3FFD];
	_ =	sdelay $0x3  }
0x97: {  	_ =	strace s4  }
0x98: {  	_ =	strace $0x8FFFFFFF  }
0x99: {  	s19 =	sld [smem:$0x3FDB];
	_ =	sdelay $0x1  }
0x9a: {  	s5 =	simm.s32 $_scs_section_size  }
0x9b: {  	s6 =	simm.s32 $_size__tile_overlayer_lowered;
	s7 =	simm.s32 $_tile_overlayer_lowered  }
0x9c: {  	s22 =	simm.s32 $0x1BFF;
	s21 =	sshll.u32 s7, $0x1;
	s4 =	sadd.s32 s5, s19  }
0x9d: {  	s8 =	simm.s32 $0x0;
	s20 =	sshll.u32 s6, $0x1;
	s6 =	sadd.s32 s21, s4  }
0x9e: {  	[timem:s8], [sflag:s22] =	dma.local [hbm:s6], s20  }
0x9f: {  	_ =	swait.ge [sflag:s22], s20  }
0xa0: {  	s5 =	ssub.s32 $0x0, s20;
	[sflag:s22] =	ssyncset.done $0x0  }
0xa1: {  	[sflag:s22] =	ssyncadd.s32 s5;
	_ =	sdelay $0x1  }
0xa2: {  	s23 =	simm.s32 $0x1B8B  }
0xa3: {  	_ =	swait.ge [sflag:s23], $0x1  }
0xa4: {  	[sflag:s23] =	ssyncset.done $0x0  }
0xa5: {  	s25 =	simm.s32 $0x1B8E;
	s24 =	sld [smem:$0x3FFE];
	[sflag:s23] =	ssyncadd.s32 $0xFFFFFFFF  }
0xa6: {  	s26 =	simm.s32 $execute0_lowered;
	[smem:$0x3FD2] =	sst s25  }
0xa7: {  	s6 =	sshll.u32 s26, $0x1;
	_ =	strace $0x80000046;
	[dreg:$0x1] =	wrdreg $0xFFFFFFFF  }
0xa8: {  	s28 =	simm.s32 $_size_execute0_lowered;
	s4 =	sadd.s32 s4, s6;
	[dreg:$0x0] =	wrdreg $0x0  }
0xa9: {  	s6 =	sshll.u32 s28, $0x1;
	[dreg:$0x2] =	wrdreg s4  }
0xaa: {  	[dreg:$0x3] =	wrdreg s6  }
0xab: {  	[dreg:$0x4] =	wrdreg $0xC0  }
0xac: {  	_ =	task [dreg:s8], $0x5FFFF  }
0xad: {  	[dreg:$0x1] =	wrdreg $0xFFFFFFFF  }
0xae: {  	[dreg:$0x0] =	wrdreg $0x60  }
0xaf: {  	[dreg:$0x2] =	wrdreg s2  }
0xb0: {  	[dreg:$0x3] =	wrdreg s24  }
0xb1: {  	[dreg:$0x4] =	wrdreg s18  }
0xb2: {  	[dreg:$0x5] =	wrdreg $0x0  }
0xb3: {  	[dreg:$0x6] =	wrdreg $0x1DD800  }
0xb4: {  	[dreg:$0x7] =	wrdreg $0x9  }
0xb5: {  	_ =	task.clear_ibuf [dreg:s8], $0x8FFFF;
	_ =	strace $0x90000046  }
0xb6: {  	s29 =	simm.s32 $0x9;
	_ =	strace $0x80000048  }
0xb7: {  	_ =	swait.ge [sflag:s29], $0x1  }
0xb8: {  	[sflag:s29] =	ssyncadd.s32 $0xFFFFFFFF  }
0xb9: {  	_ =	strace $0x90000048  }
0xba: {  	_ =	sfence  }
0xbb: {  	s30 =	sld [smem:$0x0];
	_ =	sdelay $0x2  }
0xbc: {  	s31 =	sshll.u32 s1, $0xD;
	s1 =	sshrl.u32 s1, $0x2  }
0xbd: {  	s3 =	sand.u32 $0x4000, s31;
	s1 =	sadd.s32 s1, s30  }
0xbe: {  	s0 =	sor.u32 s3, s0;
	s1 =	sshll.u32 s1, $0x11  }
0xbf: {  	s0 =	sor.u32 s1, s0  }
0xc0: {  	s0 =	sadd.s32 $0x8F2B, s0  }
0xc1: {  	[sflag:s0] =	ssyncadd.remote.s32 $0x1  }
0xc2: {  	_ =	sfence.sel $0xFFFF  }
0xc3: {  	[dreg:$0x0] =	wrdreg $0xFFFFFFFF;
	(pc) =	sbr.abs _section_cstart, $3  }
0xc4: {  	[dreg:$0x1] =	wrdreg $0xFFFFFFFF  }
0xc5: {  	_ =	task.clear_ibuf [dreg:s8], $0x2FFFF;
	_ =	strace $0x9FFFFFFF  }
0xc6: {  	(tm) =	ssettm $0x7FFFFFFF  }
0xc7: {  	_ =	shalt  }
tec
execute0_lowered:
.L_overlay_start_1:
0x0: {  	(tag) =	ssettag $0x1  }
0x1: {  	s1 =	rddreg [dreg:$0x0]  }
0x2: {  	s0 =	rddreg [dreg:$0x1]  }
0x3: {  	s4 =	rddreg [dreg:$0x3]  }
0x4: {  	s5 =	rddreg [dreg:$0x4]  }
0x5: {  	s2 =	srdreg.scid;
	s15 =	stileid.u32;
	s6 =	simm.s32 $0x0  }
0x6: {  	s28 =	simm.s32 $0x13C90;
	s29 =	simm.s32 $0x5;
	s30 =	simm.s32 $0x50  }
0x7: {  	s31 =	simm.s32 $0x13D80;
	s2 =	sand.u32 $0x1, s2;
	s3 =	sshll.u32 s15, $0x1  }
0x8: {  	[smem:$0x7FF] =	sst s6;
	s7 =	sadd.s32 $0x3A00, s0;
	s17 =	smul.u32 $0x4E20, s15  }
0x9: {  	s8 =	sadd.s32 $0x17400, s0;
	s19 =	smul.u32 $0x4E200, s15;
	s3 =	sor.u32 s2, s3  }
0xa: {  	s9 =	sadd.s32 $0x43800, s0;
	s11 =	sadd.s32 $0x17600, s0;
	s3 =	smul.u32 $0x2710, s3  }
0xb: {  	_ =	strace $0x80000047;
	[dreg:$0x6] =	wrdreg s8;
	s8 =	sadd.s32 $0x1C600, s0  }
0xc: {  	s10 =	ssub.s32 $0x2, s2;
	s0 =	sadd.s32 $0x19E00, s0;
	s3 =	sshrl.u32 s3, $0x3  }
0xd: {  	p0 =	seq.s32 s2, $0x1;
	s2 =	smul.u32 $0x2710, s2;
	s16 =	sadd.s32 s7, s3  }
0xe: {  	s12 =	sshrl.u32 s10, $0x1;
	s25 =	sadd.s32 $0x9C40, s16;
	[dreg:$0x7] =	wrdreg s16  }
0xf: {  	s11 =	smov.u32 @p0 s0;
	s26 =	sadd.s32 $0xA, s16;
	[dreg:$0x8] =	wrdreg s25  }
0x10: {  	s3 =	ssub.s32 s10, s12;
	s12 =	sadd.s32 $0x9C4A, s16;
	[dreg:$0x9] =	wrdreg s26  }
0x11: {  	s2 =	sadd.s32 s2, s17;
	s13 =	sadd.s32 $0x14, s16;
	[dreg:$0xa] =	wrdreg s12  }
0x12: {  	s21 =	sadd.s32 $0x1E0, s2;
	s14 =	sadd.s32 $0x9C54, s16;
	[dreg:$0xb] =	wrdreg s13  }
0x13: {  	s0 =	sshrl.u32 s21, $0x3;
	s22 =	sadd.s32 $0x9C5E, s16;
	[dreg:$0xc] =	wrdreg s14  }
0x14: {  	s8 =	smov.u32 @p0 s9;
	s0 =	sadd.s32 s0, s7;
	[dreg:$0x10] =	wrdreg s22  }
0x15: {  	s2 =	sadd.s32 $0x4E3E0, s2;
	s24 =	sadd.s32 $0x28, s16;
	[dreg:$0x11] =	wrdreg s0  }
0x16: {  	s10 =	smul.u32 $0x13880, s15;
	s3 =	smax.u32 s3, $0x1;
	[dreg:$0x13] =	wrdreg s24  }
0x17: {  	s23 =	sshrl.u32 s2, $0x3;
	s13 =	sadd.s32 $0x1E, s16;
	[dreg:$0x15] =	wrdreg s3  }
0x18: {  	s18 =	sshrl.u32 s10, $0x3;
	s0 =	sadd.s32 s23, s7;
	[dreg:$0xd] =	wrdreg s13  }
0x19: {  	s14 =	smul.u32 $0x1388, s15;
	s15 =	sadd.s32 $0x9C72, s16;
	[dreg:$0x12] =	wrdreg s0  }
0x1a: {  	s9 =	sadd.s32 s10, s4;
	s8 =	sadd.s32 s8, s18;
	[dreg:$0x1b] =	wrdreg s15  }
0x1b: {  	s25 =	sshrl.u32 s19, $0x2;
	s0 =	sshrl.u32 s9, $0x3;
	[dreg:$0xe] =	wrdreg s8  }
0x1c: {  	s10 =	sshrl.u32 s17, $0x2;
	s13 =	sadd.s32 $0x9C68, s16;
	[dreg:$0x17] =	wrdreg s0  }
0x1d: {  	s3 =	simm.s32 $0x1B580;
	s26 =	sadd.s32 s25, s4;
	[dreg:$0x19] =	wrdreg s13  }
0x1e: {  	s7 =	simm.s32 $0x15;
	s2 =	sadd.s32 s10, s5;
	[dreg:$0x14] =	wrdreg s26  }
0x1f: {  	s9 =	simm.s32 $0x1F108;
	s17 =	sadd.s32 $0x2800, s26;
	[dreg:$0x16] =	wrdreg s2  }
0x20: {  	s20 =	sshrl.u32 s14, $0x3;
	s18 =	sadd.s32 $0x5000, s26;
	[dreg:$0x1d] =	wrdreg s17  }
0x21: {  	s19 =	sadd.s32 $0x7800, s26;
	s21 =	sadd.s32 $0xC800, s26;
	[dreg:$0x1e] =	wrdreg s18  }
0x22: {  	s22 =	sadd.s32 $0xF000, s26;
	s23 =	sadd.s32 $0x3E8, s2;
	[dreg:$0x1f] =	wrdreg s19  }
0x23: {  	s24 =	sadd.s32 $0x7D0, s2;
	s25 =	sadd.s32 $0xBB8, s2;
	[smem:$0x7F8] =	sst s21  }
0x24: {  	s0 =	simm.s32 $0x6;
	s13 =	simm.s32 $0x18D80;
	[smem:$0x7F9] =	sst s22  }
0x25: {  	s8 =	sadd.s32 s11, s20;
	s11 =	sadd.s32 s14, s5;
	[smem:$0x7FA] =	sst s23  }
0x26: {  	s14 =	sadd.s32 $0x32, s16;
	s16 =	sadd.s32 $0x11800, s26;
	[smem:$0x7FB] =	sst s24  }
0x27: {  	s20 =	sadd.s32 $0xA000, s26;
	[smem:$0x7FC] =	sst s25;
	s26 =	sadd.s32 $0xFA0, s2  }
0x28: {  	s25 =	simm.s32 $0x13C40;
	s2 =	simm.s32 $0x16580;
	[dreg:$0xf] =	wrdreg s8  }
0x29: {  	s23 =	simm.s32 $0x2;
	s21 =	simm.s32 $0x8;
	[dreg:$0x1a] =	wrdreg s14  }
.Ltmp0:
0x2a: {  	s19 =	simm.s32 $0x4;
	[dreg:$0x1c] =	wrdreg s16;
	(pc) =	sbr.rel .LBB2_1-.Ltmp0, $4  }
0x2b: {  	s24 =	simm.s32 $0xA;
	s12 =	sshrl.u32 s11, $0x3;
	[smem:$0x7F7] =	sst s20  }
0x2c: {  	[smem:$0x7FD] =	sst s26;
	s11 =	simm.s32 $0x1;
	s8 =	simm.s32 $0x3  }
0x2d: {  	s20 =	simm.s32 $0x9;
	s26 =	simm.s32 $0xB;
	s14 =	simm.s32 $0xC  }
0x2e: {  	v0 =	vimm.f32 $0.0e+00;
	s16 =	simm.s32 $0x0;
	[dreg:$0x18] =	wrdreg s12;
	s12 =	simm.s32 $0x7  }
.LBB2_36:
0x2f: {  	s10 =	simm.s32 $0x10  }
0x30: {  	_ =	swait.ge [sflag:s10], $0x2800  }
0x31: {  	[sflag:s10] =	ssyncset.done $0x0  }
0x32: {  	s17 =	simm.s32 $0x14;
	[sflag:s10] =	ssyncadd.s32 $0xFFFFD800  }
0x33: {  	_ =	swait.ge [sflag:s17], $0x280  }
0x34: {  	[sflag:s17] =	ssyncset.done $0x0  }
0x35: {  	s18 =	simm.s32 $0xD;
	[sflag:s17] =	ssyncadd.s32 $0xFFFFFD80  }
0x36: {  	_ =	swait.ge [sflag:s18], $0x2800  }
0x37: {  	[sflag:s18] =	ssyncset.done $0x0  }
0x38: {  	s22 =	simm.s32 $0x11;
	[sflag:s18] =	ssyncadd.s32 $0xFFFFD800  }
0x39: {  	_ =	swait.ge [sflag:s22], $0x280  }
0x3a: {  	[sflag:s22] =	ssyncset.done $0x0  }
0x3b: {  	[sflag:s22] =	ssyncadd.s32 $0xFFFFFD80  }
0x3c: {  	s15 =	stileid.u32;
	[bflag:$0x0] =	sbarrier.arrive $0xFFFF  }
0x3d: {  	s10 =	sshll.u32 s15, $0x6;
	s15 =	rddreg [dreg:$0xe]  }
0x3e: {  	s10 =	sor.u32 $0x1C15, s10;
	s17 =	rddreg [dreg:$0x17]  }
0x3f: {  	[hbm:s15], [sflag:s10] =	dma.local [spmem:s17], $0x2710  }
0x40: {  	_ =	swait.ge [sflag:s7], $0x2710  }
0x41: {  	[sflag:s7] =	ssyncset.done $0x0;
	s17 =	rddreg [dreg:$0xf]  }
0x42: {  	s18 =	rddreg [dreg:$0x18];
	[sflag:s7] =	ssyncadd.s32 $0xFFFFD8F0  }
0x43: {  	[hbm:s17], [sflag:s10] =	dma.local [spmem:s18], $0x271  }
0x44: {  	_ =	swait.ge [sflag:s7], $0x271  }
0x45: {  	s16 =	sadd.s32 $0x1, s16;
	s22 =	rddreg [dreg:$0x15]  }
0x46: {  	p0 =	sne.s32 s16, s22  }
.Ltmp1:
0x47: {  	_ = 	snop;
	(pc) =	sbr.rel @!p0 .LBB2_37-.Ltmp1, $3  }
0x48: {  	_ =	sdelay $0x1  }
0x49: {  	[sflag:s7] =	ssyncset.done $0x0  }
0x4a: {  	[sflag:s7] =	ssyncadd.s32 $0xFFFFFD8F  }
.LBB2_1:
0x4b: {  	s10 =	rddreg [dreg:$0x7];
	s15 =	simm.s32 $0x13880  }
0x4c: {  	[tilespmem:s15], [sflag:$0x5] =	stream.linear.gather [hbm4b:s10+s6], $0x50, $0x38;
	[tilespmem:$0x1F770] =	vst v63  }
0x4d: {  	s22 =	rddreg [dreg:$0x8];
	s17 =	simm.s32 $0x13B00  }
0x4e: {  	[tilespmem:s17], [sflag:$0x5] =	stream.linear.gather [hbm4b:s22+s6], $0x50, $0x38;
	[tilespmem:$0x1F770] =	vst v63  }
0x4f: {  	s18 =	rddreg [dreg:$0x9];
	s17 =	simm.s32 $0x138D0  }
0x50: {  	[tilespmem:s17], [sflag:$0x6] =	stream.linear.gather [hbm4b:s18+s6], $0x50, $0x38;
	[tilespmem:$0x1F770] =	vst v63  }
0x51: {  	s22 =	rddreg [dreg:$0xa];
	s18 =	simm.s32 $0x13B50  }
0x52: {  	[tilespmem:s18], [sflag:$0x6] =	stream.linear.gather [hbm4b:s22+s6], $0x50, $0x38;
	[tilespmem:$0x1F770] =	vst v63  }
0x53: {  	s18 =	rddreg [dreg:$0xb];
	s22 =	simm.s32 $0x13920  }
0x54: {  	[tilespmem:s22], [sflag:$0x7] =	stream.linear.gather [hbm4b:s18+s6], $0x50, $0x38;
	[tilespmem:$0x1F770] =	vst v63  }
0x55: {  	s18 =	rddreg [dreg:$0xc];
	s22 =	simm.s32 $0x13BA0  }
0x56: {  	[tilespmem:s22], [sflag:$0x7] =	stream.linear.gather [hbm4b:s18+s6], $0x50, $0x38;
	[tilespmem:$0x1F770] =	vst v63  }
0x57: {  	s18 =	rddreg [dreg:$0xd];
	s22 =	simm.s32 $0x13970  }
0x58: {  	[tilespmem:s22], [sflag:$0x8] =	stream.linear.gather [hbm4b:s18+s6], $0x50, $0x38;
	[tilespmem:$0x1F770] =	vst v63  }
0x59: {  	s18 =	rddreg [dreg:$0x10];
	s22 =	simm.s32 $0x13BF0  }
0x5a: {  	[tilespmem:s22], [sflag:$0x8] =	stream.linear.gather [hbm4b:s18+s6], $0x50, $0x38;
	[tilespmem:$0x1F770] =	vst v63  }
0x5b: {  	s18 =	rddreg [dreg:$0x13];
	s22 =	simm.s32 $0x139C0  }
0x5c: {  	[tilespmem:s22], [sflag:$0x9] =	stream.linear.gather [hbm4b:s18+s6], $0x50, $0x38;
	[tilespmem:$0x1F770] =	vst v63  }
0x5d: {  	s22 =	rddreg [dreg:$0x19]  }
0x5e: {  	[tilespmem:s25], [sflag:$0x9] =	stream.linear.gather [hbm4b:s22+s6], $0x50, $0x38;
	[tilespmem:$0x1F770] =	vst v63  }
0x5f: {  	s18 =	rddreg [dreg:$0x1a];
	s22 =	simm.s32 $0x13A10  }
0x60: {  	[tilespmem:s22], [sflag:$0xA] =	stream.linear.gather [hbm4b:s18+s6], $0x50, $0x38;
	[tilespmem:$0x1F770] =	vst v63  }
0x61: {  	s22 =	rddreg [dreg:$0x1b]  }
0x62: {  	[tilespmem:s28], [sflag:$0xA] =	stream.linear.gather [hbm4b:s22+s6], $0x50, $0x38;
	[tilespmem:$0x1F770] =	vst v63  }
0x63: {  	_ =	swait.ge [sflag:s29], $0x50  }
0x64: {  	[sflag:s29] =	ssyncset.done $0x0  }
0x65: {  	[sflag:s29] =	ssyncadd.s32 $0xFFFFFFB0  }
0x66: {  	_ =	swait.ge [sflag:s29], $0x50  }
0x67: {  	[sflag:s29] =	ssyncset.done $0x0  }
0x68: {  	[sflag:s29] =	ssyncadd.s32 $0xFFFFFFB0  }
0x69: {  	[tilespmem:s31], [sflag:$0x1] =	stream.indirect.gather [hbm4b:s1+s30], $0x80, s15, s30, $0xb8;
	[tilespmem:$0x1F770] =	vst v63  }
0x6a: {  	_ =	swait.ge [sflag:s0], $0x50  }
0x6b: {  	[sflag:s0] =	ssyncset.done $0x0  }
0x6c: {  	[sflag:s0] =	ssyncadd.s32 $0xFFFFFFB0  }
0x6d: {  	_ =	swait.ge [sflag:s0], $0x50  }
0x6e: {  	[sflag:s0] =	ssyncset.done $0x0  }
0x6f: {  	[sflag:s0] =	ssyncadd.s32 $0xFFFFFFB0  }
0x70: {  	[tilespmem:s2], [sflag:$0x2] =	stream.indirect.gather [hbm4b:s1+s30], $0x80, s17, s30, $0xb8;
	[tilespmem:$0x1F770] =	vst v63  }
0x71: {  	s17 =	sand.u32 $0xFE00, s6  }
0x72: {  	s18 =	sand.u32 $0x70, s6;
	s22 =	sshrl.u32 s17, $0x2  }
0x73: {  	s10 =	simm.s32 $0x40;
	s15 =	simm.s32 $0x0;
	s17 =	sor.u32 s18, s22  }
.LBB2_2:
0x74: {  	p0 =	seq.s32 s10, $0x9FC0  }
0x75: {  	[tilespmem:s17+$0x1B580] =	vst v0;
	s15 =	sadd.s32 $0x10, s15;
	s17 =	smov.u32 s10;
	s10 =	sadd.s32 $0x40, s10  }
.Ltmp2:
0x76: {  	(pc) =	sbr.rel @!p0 .LBB2_2-.Ltmp2, $4  }
0x77: {  	_ = 	snop  }
0x78: {  	s17 =	sand.u32 $0xFE00, s17  }
0x79: {  	s18 =	sand.u32 $0x70, s15;
	s17 =	sshrl.u32 s17, $0x2  }
0x7a: {  	s17 =	sor.u32 s18, s17  }
0x7b: {  	[tilespmem:s17+$0x1B580] =	vst v0;
	s10 =	rddreg [dreg:$0x14]  }
0x7c: {  	[spmem:s10] =	stream.linear.scatter [tilespmem:s3], [sflag:$0x15], $0x2800, $0x38;
	[tilespmem:$0x1F770] =	vst v63  }
0x7d: {  	_ =	swait.ge [sflag:s7], $0x2800  }
0x7e: {  	[sflag:s7] =	ssyncset.done $0x0  }
0x7f: {  	s22 =	rddreg [dreg:$0x1d];
	[sflag:s7] =	ssyncadd.s32 $0xFFFFD800  }
0x80: {  	[spmem:s22] =	stream.linear.scatter [tilespmem:s3], [sflag:$0x15], $0x2800, $0x38;
	[tilespmem:$0x1F770] =	vst v63  }
0x81: {  	_ =	swait.ge [sflag:s7], $0x2800  }
0x82: {  	[sflag:s7] =	ssyncset.done $0x0  }
0x83: {  	s15 =	rddreg [dreg:$0x1e];
	[sflag:s7] =	ssyncadd.s32 $0xFFFFD800  }
0x84: {  	[spmem:s15] =	stream.linear.scatter [tilespmem:s3], [sflag:$0x15], $0x2800, $0x38;
	[tilespmem:$0x1F770] =	vst v63  }
0x85: {  	_ =	swait.ge [sflag:s7], $0x2800  }
0x86: {  	[sflag:s7] =	ssyncset.done $0x0  }
0x87: {  	s17 =	rddreg [dreg:$0x1f];
	[sflag:s7] =	ssyncadd.s32 $0xFFFFD800  }
0x88: {  	[spmem:s17] =	stream.linear.scatter [tilespmem:s3], [sflag:$0x15], $0x2800, $0x38;
	[tilespmem:$0x1F770] =	vst v63  }
0x89: {  	_ =	swait.ge [sflag:s7], $0x2800  }
0x8a: {  	s18 =	sld [smem:$0x7F7]  }
0x8b: {  	[sflag:s7] =	ssyncset.done $0x0  }
0x8c: {  	[sflag:s7] =	ssyncadd.s32 $0xFFFFD800  }
0x8d: {  	[spmem:s18] =	stream.linear.scatter [tilespmem:s3], [sflag:$0x15], $0x2800, $0x38;
	[tilespmem:$0x1F770] =	vst v63  }
0x8e: {  	_ =	swait.ge [sflag:s7], $0x2800  }
0x8f: {  	s22 =	sld [smem:$0x7F8]  }
0x90: {  	[sflag:s7] =	ssyncset.done $0x0  }
0x91: {  	[sflag:s7] =	ssyncadd.s32 $0xFFFFD800  }
0x92: {  	[spmem:s22] =	stream.linear.scatter [tilespmem:s3], [sflag:$0x15], $0x2800, $0x38;
	[tilespmem:$0x1F770] =	vst v63  }
0x93: {  	_ =	swait.ge [sflag:s7], $0x2800  }
0x94: {  	s15 =	sld [smem:$0x7F9]  }
0x95: {  	[sflag:s7] =	ssyncset.done $0x0  }
0x96: {  	[sflag:s7] =	ssyncadd.s32 $0xFFFFD800  }
0x97: {  	[spmem:s15] =	stream.linear.scatter [tilespmem:s3], [sflag:$0x15], $0x2800, $0x38;
	[tilespmem:$0x1F770] =	vst v63  }
0x98: {  	_ =	swait.ge [sflag:s7], $0x2800  }
0x99: {  	[sflag:s7] =	ssyncset.done $0x0  }
0x9a: {  	s17 =	rddreg [dreg:$0x1c];
	[sflag:s7] =	ssyncadd.s32 $0xFFFFD800  }
0x9b: {  	[spmem:s17] =	stream.linear.scatter [tilespmem:s3], [sflag:$0x15], $0x2080, $0x38;
	[tilespmem:$0x1F770] =	vst v63  }
0x9c: {  	_ =	swait.ge [sflag:s7], $0x2080  }
0x9d: {  	[sflag:s7] =	ssyncset.done $0x0  }
0x9e: {  	[sflag:s7] =	ssyncadd.s32 $0xFFFFDF80  }
0x9f: {  	s10 =	simm.s32 $0x0;
	s15 =	rddreg [dreg:$0x2]  }
0xa0: {  	[tilespmem:s9], [sflag:$0x15] =	stream.linear.gather [hbm4b:s15+s10], $0x280, $0x38;
	[tilespmem:$0x1F770] =	vst v63  }
0xa1: {  	_ =	swait.ge [sflag:s7], $0x280  }
0xa2: {  	[sflag:s7] =	ssyncset.done $0x0  }
0xa3: {  	s17 =	simm.s32 $0x1F388;
	s18 =	rddreg [dreg:$0x6];
	[sflag:s7] =	ssyncadd.s32 $0xFFFFFD80  }
0xa4: {  	[tilespmem:s17], [sflag:$0x15] =	stream.linear.gather [hbm4b:s18+s10], $0x3E8, $0x38;
	[tilespmem:$0x1F770] =	vst v63  }
0xa5: {  	_ =	swait.ge [sflag:s7], $0x3E8  }
0xa6: {  	[sflag:s7] =	ssyncset.done $0x0  }
0xa7: {  	s22 =	rddreg [dreg:$0x16];
	[sflag:s7] =	ssyncadd.s32 $0xFFFFFC18  }
0xa8: {  	[spmem:s22] =	stream.linear.scatter [tilespmem:s17], [sflag:$0x15], $0x3E8, $0x38;
	[tilespmem:$0x1F770] =	vst v63  }
0xa9: {  	_ =	swait.ge [sflag:s7], $0x3E8  }
0xaa: {  	s18 =	sld [smem:$0x7FA]  }
0xab: {  	[sflag:s7] =	ssyncset.done $0x0  }
0xac: {  	[sflag:s7] =	ssyncadd.s32 $0xFFFFFC18  }
0xad: {  	[spmem:s18] =	stream.linear.scatter [tilespmem:s17], [sflag:$0x15], $0x3E8, $0x38;
	[tilespmem:$0x1F770] =	vst v63  }
0xae: {  	_ =	swait.ge [sflag:s7], $0x3E8  }
0xaf: {  	s22 =	sld [smem:$0x7FB]  }
0xb0: {  	[sflag:s7] =	ssyncset.done $0x0  }
0xb1: {  	[sflag:s7] =	ssyncadd.s32 $0xFFFFFC18  }
0xb2: {  	[spmem:s22] =	stream.linear.scatter [tilespmem:s17], [sflag:$0x15], $0x3E8, $0x38;
	[tilespmem:$0x1F770] =	vst v63  }
0xb3: {  	_ =	swait.ge [sflag:s7], $0x3E8  }
0xb4: {  	s18 =	sld [smem:$0x7FC]  }
0xb5: {  	[sflag:s7] =	ssyncset.done $0x0  }
0xb6: {  	[sflag:s7] =	ssyncadd.s32 $0xFFFFFC18  }
0xb7: {  	[spmem:s18] =	stream.linear.scatter [tilespmem:s17], [sflag:$0x15], $0x3E8, $0x38;
	[tilespmem:$0x1F770] =	vst v63  }
0xb8: {  	_ =	swait.ge [sflag:s7], $0x3E8  }
0xb9: {  	s22 =	sld [smem:$0x7FD]  }
0xba: {  	[sflag:s7] =	ssyncset.done $0x0  }
0xbb: {  	[sflag:s7] =	ssyncadd.s32 $0xFFFFFC18  }
0xbc: {  	[spmem:s22] =	stream.linear.scatter [tilespmem:s17], [sflag:$0x15], $0x3E8, $0x38;
	[tilespmem:$0x1F770] =	vst v63  }
0xbd: {  	_ =	swait.ge [sflag:s7], $0x3E8  }
.Ltmp3:
0xbe: {  	[sflag:s7] =	ssyncset.done $0x0;
	(pc) =	sbr.rel .LBB2_4-.Ltmp3, $4  }
0xbf: {  	[sflag:s7] =	ssyncadd.s32 $0xFFFFFC18  }
0xc0: {  	[bflag:$0x0] =	sbarrier.arrive $0xFFFF  }
0xc1: {  	s15 =	rddreg [dreg:$0x12]  }
0xc2: {  	s17 =	rddreg [dreg:$0x11]  }
.LBB2_34:
0xc3: {  	_ =	swait.ge [sflag:s0], $0x50  }
0xc4: {  	[sflag:s0] =	ssyncset.done $0x0  }
0xc5: {  	[sflag:s0] =	ssyncadd.s32 $0xFFFFFFB0  }
0xc6: {  	_ =	swait.ge [sflag:s0], $0x50  }
0xc7: {  	[sflag:s0] =	ssyncset.done $0x0  }
0xc8: {  	s18 =	simm.s32 $0x138D0;
	[sflag:s0] =	ssyncadd.s32 $0xFFFFFFB0  }
0xc9: {  	[tilespmem:s2], [sflag:$0x2] =	stream.indirect.gather [hbm4b:s1+s30], $0x80, s18, s30, $0xb8;
	[tilespmem:$0x1F770] =	vst v63  }
0xca: {  	s22 =	simm.s32 $0x13D30  }
0xcb: {  	[spmem:s4] =	stream.indirect.scatter.add.f32 [tilespmem:s3], [sflag:$0x10], $0x80, s22, s30, $0xb8;
	[tilespmem:$0x1F770] =	vst v63  }
0xcc: {  	p0 =	sgt.u32 s10, $0x76  }
0xcd: {  	[spmem:s5] =	stream.indirect.scatter.add.f32 [tilespmem:s9], [sflag:$0x14], $0x8, s22, s30, $0xb8;
	[tilespmem:$0x1F770] =	vst v63  }
0xce: {  	s18 =	simm.s32 @!p0 $0x0;
	s22 =	simm.s32 @!p0 $0x13A10  }
0xcf: {  	[tilespmem:s22], [sflag:$0xA] =	stream.linear.gather @!p0 [hbm4b:s17+s18], $0x50, $0x38;
	[tilespmem:$0x1F770] =	vst v63  }
0xd0: {  	s22 =	simm.s32 @!p0 $0x13C90  }
0xd1: {  	[tilespmem:s22], [sflag:$0xA] =	stream.linear.gather @!p0 [hbm4b:s15+s18], $0x50, $0x38;
	[tilespmem:$0x1F770] =	vst v63  }
.LBB2_35:
0xd2: {  	s10 =	sadd.s32 $0x1, s10  }
0xd3: {  	p0 =	sne.s32 s10, $0x7D  }
.Ltmp4:
0xd4: {  	_ = 	snop;
	(pc) =	sbr.rel @!p0 .LBB2_36-.Ltmp4, $2  }
0xd5: {  	_ =	sdelay $0x2  }
0xd6: {  	s17 =	sadd.s32 $0xA, s17;
	s15 =	sadd.s32 $0xA, s15  }
.LBB2_4:
0xd7: {  	s18 =	sand.u32 $0x7, s10  }
0xd8: {  	p0 =	sgt.s32 s18, $0x3  }
.Ltmp5:
0xd9: {  	_ = 	snop;
	(pc) =	sbr.rel @p0 .LBB2_9-.Ltmp5, $1  }
0xda: {  	_ =	sdelay $0x3  }
0xdb: {  	p0 =	sgt.s32 s18, $0x1  }
.Ltmp6:
0xdc: {  	_ = 	snop;
	(pc) =	sbr.rel @p0 .LBB2_20-.Ltmp6, $1  }
0xdd: {  	_ =	sdelay $0x3  }
0xde: {  	p0 =	seq.s32 s18, $0x0  }
.Ltmp7:
0xdf: {  	_ = 	snop;
	(pc) =	sbr.rel @!p0 .LBB2_14-.Ltmp7, $1  }
0xe0: {  	_ =	sdelay $0x3  }
0xe1: {  	_ =	swait.ge [sflag:s11], $0x2800  }
0xe2: {  	p0 =	slt.u32 s10, $0x2;
	[sflag:s11] =	ssyncset.done $0x0  }
0xe3: {  	s18 =	simm.s32 @!p0 $0xF;
	p1 =	slt.u32 @!p0 s10, $0x7B;
	[sflag:s11] =	ssyncadd.s32 $0xFFFFD800  }
0xe4: {  	p1 =	por p0, p1;
	_ =	swait.ge @!p0 [sflag:s18], $0x2800  }
.Ltmp8:
0xe5: {  	[sflag:s18] =	ssyncset.done @!p0 $0x0;
	(pc) =	sbr.rel @!p1 .LBB2_8-.Ltmp8, $4  }
0xe6: {  	[sflag:s18] =	ssyncadd.s32 @!p0 $0xFFFFD800;
	s18 =	simm.s32 @!p0 $0x13  }
0xe7: {  	_ =	swait.ge @!p0 [sflag:s18], $0x280  }
0xe8: {  	[sflag:s18] =	ssyncset.done @!p0 $0x0  }
0xe9: {  	[sflag:s18] =	ssyncadd.s32 @!p0 $0xFFFFFD80  }
0xea: {  	_ =	swait.ge [sflag:s12], $0x50  }
0xeb: {  	[sflag:s12] =	ssyncset.done $0x0  }
0xec: {  	[sflag:s12] =	ssyncadd.s32 $0xFFFFFFB0  }
0xed: {  	_ =	swait.ge [sflag:s12], $0x50  }
0xee: {  	[sflag:s12] =	ssyncset.done $0x0  }
0xef: {  	s18 =	simm.s32 $0x13920;
	[sflag:s12] =	ssyncadd.s32 $0xFFFFFFB0  }
0xf0: {  	[tilespmem:s13], [sflag:$0x3] =	stream.indirect.gather [hbm4b:s1+s30], $0x80, s18, s30, $0xb8;
	[tilespmem:$0x1F770] =	vst v63  }
0xf1: {  	s22 =	simm.s32 $0x13B00  }
0xf2: {  	[spmem:s4] =	stream.indirect.scatter.add.f32 [tilespmem:s31], [sflag:$0xD], $0x80, s22, s30, $0xb8;
	[tilespmem:$0x1F770] =	vst v63  }
0xf3: {  	_ = 	snop  }
0xf4: {  	[spmem:s5] =	stream.indirect.scatter.add.f32 [tilespmem:s9], [sflag:$0x11], $0x8, s22, s30, $0xb8;
	[tilespmem:$0x1F770] =	vst v63  }
.Ltmp9:
0xf5: {  	p0 =	sgt.u32 s10, $0x76;
	(pc) =	sbr.rel .LBB2_35-.Ltmp9, $4  }
0xf6: {  	s18 =	simm.s32 @!p0 $0x0;
	s22 =	simm.s32 @!p0 $0x13A60  }
0xf7: {  	[tilespmem:s22], [sflag:$0xB] =	stream.linear.gather @!p0 [hbm4b:s17+s18], $0x50, $0x38;
	[tilespmem:$0x1F770] =	vst v63  }
0xf8: {  	s22 =	simm.s32 @!p0 $0x13CE0  }
0xf9: {  	[tilespmem:s22], [sflag:$0xB] =	stream.linear.gather @!p0 [hbm4b:s15+s18], $0x50, $0x38;
	[tilespmem:$0x1F770] =	vst v63  }
.LBB2_9:
0xfa: {  	p0 =	sgt.s32 s18, $0x5  }
.Ltmp10:
0xfb: {  	_ = 	snop;
	(pc) =	sbr.rel @p0 .LBB2_31-.Ltmp10, $1  }
0xfc: {  	_ =	sdelay $0x3  }
0xfd: {  	p0 =	seq.s32 s18, $0x4  }
.Ltmp11:
0xfe: {  	_ = 	snop;
	(pc) =	sbr.rel @!p0 .LBB2_25-.Ltmp11, $1  }
0xff: {  	_ =	sdelay $0x3  }
0x100: {  	_ =	swait.ge [sflag:s11], $0x2800  }
0x101: {  	p0 =	slt.u32 s10, $0x2;
	[sflag:s11] =	ssyncset.done $0x0  }
0x102: {  	s18 =	simm.s32 @!p0 $0xF;
	p1 =	slt.u32 @!p0 s10, $0x7B;
	[sflag:s11] =	ssyncadd.s32 $0xFFFFD800  }
0x103: {  	p1 =	por p0, p1;
	_ =	swait.ge @!p0 [sflag:s18], $0x2800  }
.Ltmp12:
0x104: {  	[sflag:s18] =	ssyncset.done @!p0 $0x0;
	(pc) =	sbr.rel @!p1 .LBB2_12-.Ltmp12, $4  }
0x105: {  	[sflag:s18] =	ssyncadd.s32 @!p0 $0xFFFFD800;
	s18 =	simm.s32 @!p0 $0x13  }
0x106: {  	_ =	swait.ge @!p0 [sflag:s18], $0x280  }
0x107: {  	[sflag:s18] =	ssyncset.done @!p0 $0x0  }
0x108: {  	[sflag:s18] =	ssyncadd.s32 @!p0 $0xFFFFFD80  }
0x109: {  	_ =	swait.ge [sflag:s26], $0x50  }
0x10a: {  	[sflag:s26] =	ssyncset.done $0x0  }
0x10b: {  	[sflag:s26] =	ssyncadd.s32 $0xFFFFFFB0  }
0x10c: {  	_ =	swait.ge [sflag:s26], $0x50  }
0x10d: {  	[sflag:s26] =	ssyncset.done $0x0  }
0x10e: {  	s18 =	simm.s32 $0x13A60;
	[sflag:s26] =	ssyncadd.s32 $0xFFFFFFB0  }
0x10f: {  	[tilespmem:s13], [sflag:$0x3] =	stream.indirect.gather [hbm4b:s1+s30], $0x80, s18, s30, $0xb8;
	[tilespmem:$0x1F770] =	vst v63  }
0x110: {  	s22 =	simm.s32 $0x13C40  }
0x111: {  	[spmem:s4] =	stream.indirect.scatter.add.f32 [tilespmem:s31], [sflag:$0xD], $0x80, s22, s30, $0xb8;
	[tilespmem:$0x1F770] =	vst v63  }
0x112: {  	_ = 	snop  }
0x113: {  	[spmem:s5] =	stream.indirect.scatter.add.f32 [tilespmem:s9], [sflag:$0x11], $0x8, s22, s30, $0xb8;
	[tilespmem:$0x1F770] =	vst v63  }
.Ltmp13:
0x114: {  	p0 =	sgt.u32 s10, $0x76;
	(pc) =	sbr.rel .LBB2_35-.Ltmp13, $4  }
0x115: {  	s18 =	simm.s32 @!p0 $0x0;
	s22 =	simm.s32 @!p0 $0x13920  }
0x116: {  	[tilespmem:s22], [sflag:$0x7] =	stream.linear.gather @!p0 [hbm4b:s17+s18], $0x50, $0x38;
	[tilespmem:$0x1F770] =	vst v63  }
0x117: {  	s25 =	simm.s32 $0x13C40;
	s22 =	simm.s32 @!p0 $0x13BA0  }
0x118: {  	[tilespmem:s22], [sflag:$0x7] =	stream.linear.gather @!p0 [hbm4b:s15+s18], $0x50, $0x38;
	[tilespmem:$0x1F770] =	vst v63  }
.LBB2_20:
0x119: {  	p0 =	seq.s32 s18, $0x2  }
.Ltmp14:
0x11a: {  	_ = 	snop;
	(pc) =	sbr.rel @!p0 .LBB2_21-.Ltmp14, $1  }
0x11b: {  	_ =	sdelay $0x3  }
0x11c: {  	_ =	swait.ge [sflag:s8], $0x2800  }
0x11d: {  	p0 =	slt.u32 s10, $0x2;
	[sflag:s8] =	ssyncset.done $0x0  }
0x11e: {  	s18 =	simm.s32 @!p0 $0xD;
	p1 =	slt.u32 @!p0 s10, $0x7B;
	[sflag:s8] =	ssyncadd.s32 $0xFFFFD800  }
0x11f: {  	p1 =	por p0, p1;
	_ =	swait.ge @!p0 [sflag:s18], $0x2800  }
.Ltmp15:
0x120: {  	[sflag:s18] =	ssyncset.done @!p0 $0x0;
	(pc) =	sbr.rel @!p1 .LBB2_18-.Ltmp15, $4  }
0x121: {  	[sflag:s18] =	ssyncadd.s32 @!p0 $0xFFFFD800;
	s18 =	simm.s32 @!p0 $0x11  }
0x122: {  	_ =	swait.ge @!p0 [sflag:s18], $0x280  }
0x123: {  	[sflag:s18] =	ssyncset.done @!p0 $0x0  }
0x124: {  	[sflag:s18] =	ssyncadd.s32 @!p0 $0xFFFFFD80  }
0x125: {  	_ =	swait.ge [sflag:s20], $0x50  }
0x126: {  	[sflag:s20] =	ssyncset.done $0x0  }
0x127: {  	[sflag:s20] =	ssyncadd.s32 $0xFFFFFFB0  }
0x128: {  	_ =	swait.ge [sflag:s20], $0x50  }
0x129: {  	[sflag:s20] =	ssyncset.done $0x0  }
0x12a: {  	s18 =	simm.s32 $0x139C0;
	[sflag:s20] =	ssyncadd.s32 $0xFFFFFFB0  }
0x12b: {  	[tilespmem:s31], [sflag:$0x1] =	stream.indirect.gather [hbm4b:s1+s30], $0x80, s18, s30, $0xb8;
	[tilespmem:$0x1F770] =	vst v63  }
0x12c: {  	s22 =	simm.s32 $0x13BA0  }
0x12d: {  	[spmem:s4] =	stream.indirect.scatter.add.f32 [tilespmem:s13], [sflag:$0xF], $0x80, s22, s30, $0xb8;
	[tilespmem:$0x1F770] =	vst v63  }
0x12e: {  	_ = 	snop  }
0x12f: {  	[spmem:s5] =	stream.indirect.scatter.add.f32 [tilespmem:s9], [sflag:$0x13], $0x8, s22, s30, $0xb8;
	[tilespmem:$0x1F770] =	vst v63  }
.Ltmp16:
0x130: {  	p0 =	sgt.u32 s10, $0x76;
	(pc) =	sbr.rel .LBB2_35-.Ltmp16, $4  }
0x131: {  	s18 =	simm.s32 @!p0 $0x0;
	s22 =	simm.s32 @!p0 $0x13880  }
0x132: {  	[tilespmem:s22], [sflag:$0x5] =	stream.linear.gather @!p0 [hbm4b:s17+s18], $0x50, $0x38;
	[tilespmem:$0x1F770] =	vst v63  }
0x133: {  	s22 =	simm.s32 @!p0 $0x13B00  }
0x134: {  	[tilespmem:s22], [sflag:$0x5] =	stream.linear.gather @!p0 [hbm4b:s15+s18], $0x50, $0x38;
	[tilespmem:$0x1F770] =	vst v63  }
.LBB2_31:
0x135: {  	p2 =	seq.s32 s18, $0x6  }
.Ltmp17:
0x136: {  	_ = 	snop;
	(pc) =	sbr.rel @!p2 .LBB2_32-.Ltmp17, $3  }
0x137: {  	_ =	sdelay $0x1  }
0x138: {  	p0 =	slt.u32 s10, $0x2  }
0x139: {  	p1 =	slt.u32 @!p0 s10, $0x7B  }
0x13a: {  	_ =	swait.ge [sflag:s8], $0x2800  }
0x13b: {  	[sflag:s8] =	ssyncset.done $0x0  }
0x13c: {  	s18 =	simm.s32 @!p0 $0xD;
	[sflag:s8] =	ssyncadd.s32 $0xFFFFD800  }
0x13d: {  	p1 =	por p0, p1;
	_ =	swait.ge @!p0 [sflag:s18], $0x2800  }
.Ltmp18:
0x13e: {  	[sflag:s18] =	ssyncset.done @!p0 $0x0;
	(pc) =	sbr.rel @!p1 .LBB2_29-.Ltmp18, $4  }
0x13f: {  	[sflag:s18] =	ssyncadd.s32 @!p0 $0xFFFFD800;
	s18 =	simm.s32 @!p0 $0x11  }
0x140: {  	_ =	swait.ge @!p0 [sflag:s18], $0x280  }
0x141: {  	[sflag:s18] =	ssyncset.done @!p0 $0x0  }
0x142: {  	[sflag:s18] =	ssyncadd.s32 @!p0 $0xFFFFFD80  }
0x143: {  	_ =	swait.ge [sflag:s29], $0x50  }
0x144: {  	[sflag:s29] =	ssyncset.done $0x0  }
0x145: {  	[sflag:s29] =	ssyncadd.s32 $0xFFFFFFB0  }
0x146: {  	_ =	swait.ge [sflag:s29], $0x50  }
0x147: {  	[sflag:s29] =	ssyncset.done $0x0  }
0x148: {  	s18 =	simm.s32 $0x13880;
	[sflag:s29] =	ssyncadd.s32 $0xFFFFFFB0  }
0x149: {  	[tilespmem:s31], [sflag:$0x1] =	stream.indirect.gather [hbm4b:s1+s30], $0x80, s18, s30, $0xb8;
	[tilespmem:$0x1F770] =	vst v63  }
0x14a: {  	s22 =	simm.s32 $0x13CE0  }
0x14b: {  	[spmem:s4] =	stream.indirect.scatter.add.f32 [tilespmem:s13], [sflag:$0xF], $0x80, s22, s30, $0xb8;
	[tilespmem:$0x1F770] =	vst v63  }
0x14c: {  	_ = 	snop  }
0x14d: {  	[spmem:s5] =	stream.indirect.scatter.add.f32 [tilespmem:s9], [sflag:$0x13], $0x8, s22, s30, $0xb8;
	[tilespmem:$0x1F770] =	vst v63  }
.Ltmp19:
0x14e: {  	p0 =	sgt.u32 s10, $0x76;
	(pc) =	sbr.rel .LBB2_35-.Ltmp19, $4  }
0x14f: {  	s18 =	simm.s32 @!p0 $0x0;
	s22 =	simm.s32 @!p0 $0x139C0  }
0x150: {  	[tilespmem:s22], [sflag:$0x9] =	stream.linear.gather @!p0 [hbm4b:s17+s18], $0x50, $0x38;
	[tilespmem:$0x1F770] =	vst v63  }
0x151: {  	s22 =	simm.s32 @!p0 $0x13C40  }
0x152: {  	[tilespmem:s22], [sflag:$0x9] =	stream.linear.gather @!p0 [hbm4b:s15+s18], $0x50, $0x38;
	[tilespmem:$0x1F770] =	vst v63  }
.LBB2_14:
0x153: {  	_ =	swait.ge [sflag:s23], $0x2800  }
0x154: {  	p0 =	slt.u32 s10, $0x2;
	[sflag:s23] =	ssyncset.done $0x0  }
0x155: {  	s18 =	simm.s32 @!p0 $0x10;
	p1 =	slt.u32 @!p0 s10, $0x7B;
	[sflag:s23] =	ssyncadd.s32 $0xFFFFD800  }
0x156: {  	p1 =	por p0, p1;
	_ =	swait.ge @!p0 [sflag:s18], $0x2800  }
.Ltmp20:
0x157: {  	[sflag:s18] =	ssyncset.done @!p0 $0x0;
	(pc) =	sbr.rel @!p1 .LBB2_15-.Ltmp20, $4  }
0x158: {  	[sflag:s18] =	ssyncadd.s32 @!p0 $0xFFFFD800;
	s18 =	simm.s32 @!p0 $0x14  }
0x159: {  	_ =	swait.ge @!p0 [sflag:s18], $0x280  }
0x15a: {  	[sflag:s18] =	ssyncset.done @!p0 $0x0  }
0x15b: {  	[sflag:s18] =	ssyncadd.s32 @!p0 $0xFFFFFD80  }
0x15c: {  	_ =	swait.ge [sflag:s21], $0x50  }
0x15d: {  	[sflag:s21] =	ssyncset.done $0x0  }
0x15e: {  	[sflag:s21] =	ssyncadd.s32 $0xFFFFFFB0  }
0x15f: {  	_ =	swait.ge [sflag:s21], $0x50  }
0x160: {  	[sflag:s21] =	ssyncset.done $0x0  }
0x161: {  	s18 =	simm.s32 $0x13970;
	[sflag:s21] =	ssyncadd.s32 $0xFFFFFFB0  }
0x162: {  	[tilespmem:s3], [sflag:$0x4] =	stream.indirect.gather [hbm4b:s1+s30], $0x80, s18, s30, $0xb8;
	[tilespmem:$0x1F770] =	vst v63  }
0x163: {  	s22 =	simm.s32 $0x13B50  }
0x164: {  	[spmem:s4] =	stream.indirect.scatter.add.f32 [tilespmem:s2], [sflag:$0xE], $0x80, s22, s30, $0xb8;
	[tilespmem:$0x1F770] =	vst v63  }
0x165: {  	_ = 	snop  }
0x166: {  	[spmem:s5] =	stream.indirect.scatter.add.f32 [tilespmem:s9], [sflag:$0x12], $0x8, s22, s30, $0xb8;
	[tilespmem:$0x1F770] =	vst v63  }
.Ltmp21:
0x167: {  	p0 =	sgt.u32 s10, $0x76;
	(pc) =	sbr.rel .LBB2_35-.Ltmp21, $4  }
0x168: {  	s18 =	simm.s32 @!p0 $0x0;
	s22 =	simm.s32 @!p0 $0x13AB0  }
0x169: {  	[tilespmem:s22], [sflag:$0xC] =	stream.linear.gather @!p0 [hbm4b:s17+s18], $0x50, $0x38;
	[tilespmem:$0x1F770] =	vst v63  }
0x16a: {  	s22 =	simm.s32 @!p0 $0x13D30  }
0x16b: {  	[tilespmem:s22], [sflag:$0xC] =	stream.linear.gather @!p0 [hbm4b:s15+s18], $0x50, $0x38;
	[tilespmem:$0x1F770] =	vst v63  }
.LBB2_25:
0x16c: {  	_ =	swait.ge [sflag:s23], $0x2800  }
0x16d: {  	p0 =	slt.u32 s10, $0x2;
	[sflag:s23] =	ssyncset.done $0x0  }
0x16e: {  	s18 =	simm.s32 @!p0 $0x10;
	p1 =	slt.u32 @!p0 s10, $0x7B;
	[sflag:s23] =	ssyncadd.s32 $0xFFFFD800  }
0x16f: {  	p1 =	por p0, p1;
	_ =	swait.ge @!p0 [sflag:s18], $0x2800  }
.Ltmp22:
0x170: {  	[sflag:s18] =	ssyncset.done @!p0 $0x0;
	(pc) =	sbr.rel @!p1 .LBB2_26-.Ltmp22, $4  }
0x171: {  	[sflag:s18] =	ssyncadd.s32 @!p0 $0xFFFFD800;
	s18 =	simm.s32 @!p0 $0x14  }
0x172: {  	_ =	swait.ge @!p0 [sflag:s18], $0x280  }
0x173: {  	[sflag:s18] =	ssyncset.done @!p0 $0x0  }
0x174: {  	[sflag:s18] =	ssyncadd.s32 @!p0 $0xFFFFFD80  }
0x175: {  	_ =	swait.ge [sflag:s14], $0x50  }
0x176: {  	[sflag:s14] =	ssyncset.done $0x0  }
0x177: {  	[sflag:s14] =	ssyncadd.s32 $0xFFFFFFB0  }
0x178: {  	_ =	swait.ge [sflag:s14], $0x50  }
0x179: {  	[sflag:s14] =	ssyncset.done $0x0  }
0x17a: {  	s18 =	simm.s32 $0x13AB0;
	[sflag:s14] =	ssyncadd.s32 $0xFFFFFFB0  }
0x17b: {  	[tilespmem:s3], [sflag:$0x4] =	stream.indirect.gather [hbm4b:s1+s30], $0x80, s18, s30, $0xb8;
	[tilespmem:$0x1F770] =	vst v63  }
0x17c: {  	s22 =	simm.s32 $0x13C90  }
0x17d: {  	[spmem:s4] =	stream.indirect.scatter.add.f32 [tilespmem:s2], [sflag:$0xE], $0x80, s22, s30, $0xb8;
	[tilespmem:$0x1F770] =	vst v63  }
0x17e: {  	_ = 	snop  }
0x17f: {  	[spmem:s5] =	stream.indirect.scatter.add.f32 [tilespmem:s9], [sflag:$0x12], $0x8, s22, s30, $0xb8;
	[tilespmem:$0x1F770] =	vst v63  }
.Ltmp23:
0x180: {  	p0 =	sgt.u32 s10, $0x76;
	(pc) =	sbr.rel .LBB2_35-.Ltmp23, $4  }
0x181: {  	s18 =	simm.s32 @!p0 $0x0;
	s22 =	simm.s32 @!p0 $0x13970  }
0x182: {  	[tilespmem:s22], [sflag:$0x8] =	stream.linear.gather @!p0 [hbm4b:s17+s18], $0x50, $0x38;
	[tilespmem:$0x1F770] =	vst v63  }
0x183: {  	s28 =	simm.s32 $0x13C90;
	s22 =	simm.s32 @!p0 $0x13BF0  }
0x184: {  	[tilespmem:s22], [sflag:$0x8] =	stream.linear.gather @!p0 [hbm4b:s15+s18], $0x50, $0x38;
	[tilespmem:$0x1F770] =	vst v63  }
.LBB2_21:
0x185: {  	_ =	swait.ge [sflag:s19], $0x2800  }
0x186: {  	p0 =	slt.u32 s10, $0x2;
	[sflag:s19] =	ssyncset.done $0x0  }
0x187: {  	s18 =	simm.s32 @!p0 $0xE;
	p1 =	slt.u32 @!p0 s10, $0x7B;
	[sflag:s19] =	ssyncadd.s32 $0xFFFFD800  }
0x188: {  	p1 =	por p0, p1;
	_ =	swait.ge @!p0 [sflag:s18], $0x2800  }
.Ltmp24:
0x189: {  	[sflag:s18] =	ssyncset.done @!p0 $0x0;
	(pc) =	sbr.rel @!p1 .LBB2_22-.Ltmp24, $4  }
0x18a: {  	[sflag:s18] =	ssyncadd.s32 @!p0 $0xFFFFD800;
	s18 =	simm.s32 @!p0 $0x12  }
0x18b: {  	_ =	swait.ge @!p0 [sflag:s18], $0x280  }
0x18c: {  	[sflag:s18] =	ssyncset.done @!p0 $0x0  }
0x18d: {  	[sflag:s18] =	ssyncadd.s32 @!p0 $0xFFFFFD80  }
0x18e: {  	_ =	swait.ge [sflag:s24], $0x50  }
0x18f: {  	[sflag:s24] =	ssyncset.done $0x0  }
0x190: {  	[sflag:s24] =	ssyncadd.s32 $0xFFFFFFB0  }
0x191: {  	_ =	swait.ge [sflag:s24], $0x50  }
0x192: {  	[sflag:s24] =	ssyncset.done $0x0  }
0x193: {  	s18 =	simm.s32 $0x13A10;
	[sflag:s24] =	ssyncadd.s32 $0xFFFFFFB0  }
0x194: {  	[tilespmem:s2], [sflag:$0x2] =	stream.indirect.gather [hbm4b:s1+s30], $0x80, s18, s30, $0xb8;
	[tilespmem:$0x1F770] =	vst v63  }
0x195: {  	s22 =	simm.s32 $0x13BF0  }
0x196: {  	[spmem:s4] =	stream.indirect.scatter.add.f32 [tilespmem:s3], [sflag:$0x10], $0x80, s22, s30, $0xb8;
	[tilespmem:$0x1F770] =	vst v63  }
0x197: {  	_ = 	snop  }
0x198: {  	[spmem:s5] =	stream.indirect.scatter.add.f32 [tilespmem:s9], [sflag:$0x14], $0x8, s22, s30, $0xb8;
	[tilespmem:$0x1F770] =	vst v63  }
.Ltmp25:
0x199: {  	p0 =	sgt.u32 s10, $0x76;
	(pc) =	sbr.rel .LBB2_35-.Ltmp25, $4  }
0x19a: {  	s18 =	simm.s32 @!p0 $0x0;
	s22 =	simm.s32 @!p0 $0x138D0  }
0x19b: {  	[tilespmem:s22], [sflag:$0x6] =	stream.linear.gather @!p0 [hbm4b:s17+s18], $0x50, $0x38;
	[tilespmem:$0x1F770] =	vst v63  }
0x19c: {  	s22 =	simm.s32 @!p0 $0x13B50  }
0x19d: {  	[tilespmem:s22], [sflag:$0x6] =	stream.linear.gather @!p0 [hbm4b:s15+s18], $0x50, $0x38;
	[tilespmem:$0x1F770] =	vst v63  }
.LBB2_32:
0x19e: {  	_ =	swait.ge [sflag:s19], $0x2800  }
0x19f: {  	[sflag:s19] =	ssyncset.done $0x0  }
0x1a0: {  	s18 =	simm.s32 @!p0 $0xE;
	[sflag:s19] =	ssyncadd.s32 $0xFFFFD800  }
0x1a1: {  	p1 =	por p0, p1;
	_ =	swait.ge @!p0 [sflag:s18], $0x2800  }
.Ltmp26:
0x1a2: {  	[sflag:s18] =	ssyncset.done @!p0 $0x0;
	(pc) =	sbr.rel @p1 .LBB2_34-.Ltmp26, $4  }
0x1a3: {  	[sflag:s18] =	ssyncadd.s32 @!p0 $0xFFFFD800;
	s18 =	simm.s32 @!p0 $0x12  }
0x1a4: {  	_ =	swait.ge @!p0 [sflag:s18], $0x280  }
0x1a5: {  	[sflag:s18] =	ssyncset.done @!p0 $0x0  }
0x1a6: {  	[sflag:s18] =	ssyncadd.s32 @!p0 $0xFFFFFD80  }
.Ltmp27:
0x1a7: {  	(pc) =	sbr.rel .LBB2_35-.Ltmp27, $4  }
0x1a8: {  	s18 =	simm.s32 $0x13D30  }
0x1a9: {  	[spmem:s4] =	stream.indirect.scatter.add.f32 [tilespmem:s3], [sflag:$0x10], $0x80, s18, s30, $0xb8;
	[tilespmem:$0x1F770] =	vst v63  }
0x1aa: {  	_ = 	snop  }
0x1ab: {  	[spmem:s5] =	stream.indirect.scatter.add.f32 [tilespmem:s9], [sflag:$0x14], $0x8, s18, s30, $0xb8;
	[tilespmem:$0x1F770] =	vst v63  }
.LBB2_8:
.Ltmp28:
0x1ac: {  	(pc) =	sbr.rel .LBB2_35-.Ltmp28, $4  }
0x1ad: {  	s18 =	simm.s32 $0x13B00  }
0x1ae: {  	[spmem:s4] =	stream.indirect.scatter.add.f32 [tilespmem:s31], [sflag:$0xD], $0x80, s18, s30, $0xb8;
	[tilespmem:$0x1F770] =	vst v63  }
0x1af: {  	_ = 	snop  }
0x1b0: {  	[spmem:s5] =	stream.indirect.scatter.add.f32 [tilespmem:s9], [sflag:$0x11], $0x8, s18, s30, $0xb8;
	[tilespmem:$0x1F770] =	vst v63  }
.LBB2_12:
.Ltmp29:
0x1b1: {  	(pc) =	sbr.rel .LBB2_35-.Ltmp29, $4  }
0x1b2: {  	s18 =	simm.s32 $0x13C40  }
0x1b3: {  	[spmem:s4] =	stream.indirect.scatter.add.f32 [tilespmem:s31], [sflag:$0xD], $0x80, s18, s30, $0xb8;
	[tilespmem:$0x1F770] =	vst v63  }
0x1b4: {  	s25 =	simm.s32 $0x13C40  }
0x1b5: {  	[spmem:s5] =	stream.indirect.scatter.add.f32 [tilespmem:s9], [sflag:$0x11], $0x8, s18, s30, $0xb8;
	[tilespmem:$0x1F770] =	vst v63  }
.LBB2_18:
.Ltmp30:
0x1b6: {  	(pc) =	sbr.rel .LBB2_35-.Ltmp30, $4  }
0x1b7: {  	s18 =	simm.s32 $0x13BA0  }
0x1b8: {  	[spmem:s4] =	stream.indirect.scatter.add.f32 [tilespmem:s13], [sflag:$0xF], $0x80, s18, s30, $0xb8;
	[tilespmem:$0x1F770] =	vst v63  }
0x1b9: {  	_ = 	snop  }
0x1ba: {  	[spmem:s5] =	stream.indirect.scatter.add.f32 [tilespmem:s9], [sflag:$0x13], $0x8, s18, s30, $0xb8;
	[tilespmem:$0x1F770] =	vst v63  }
.LBB2_29:
.Ltmp31:
0x1bb: {  	(pc) =	sbr.rel .LBB2_35-.Ltmp31, $4  }
0x1bc: {  	s18 =	simm.s32 $0x13CE0  }
0x1bd: {  	[spmem:s4] =	stream.indirect.scatter.add.f32 [tilespmem:s13], [sflag:$0xF], $0x80, s18, s30, $0xb8;
	[tilespmem:$0x1F770] =	vst v63  }
0x1be: {  	_ = 	snop  }
0x1bf: {  	[spmem:s5] =	stream.indirect.scatter.add.f32 [tilespmem:s9], [sflag:$0x13], $0x8, s18, s30, $0xb8;
	[tilespmem:$0x1F770] =	vst v63  }
.LBB2_15:
.Ltmp32:
0x1c0: {  	(pc) =	sbr.rel .LBB2_35-.Ltmp32, $4  }
0x1c1: {  	s18 =	simm.s32 $0x13B50  }
0x1c2: {  	[spmem:s4] =	stream.indirect.scatter.add.f32 [tilespmem:s2], [sflag:$0xE], $0x80, s18, s30, $0xb8;
	[tilespmem:$0x1F770] =	vst v63  }
0x1c3: {  	_ = 	snop  }
0x1c4: {  	[spmem:s5] =	stream.indirect.scatter.add.f32 [tilespmem:s9], [sflag:$0x12], $0x8, s18, s30, $0xb8;
	[tilespmem:$0x1F770] =	vst v63  }
.LBB2_26:
.Ltmp33:
0x1c5: {  	(pc) =	sbr.rel .LBB2_35-.Ltmp33, $4  }
0x1c6: {  	s18 =	simm.s32 $0x13C90  }
0x1c7: {  	[spmem:s4] =	stream.indirect.scatter.add.f32 [tilespmem:s2], [sflag:$0xE], $0x80, s18, s30, $0xb8;
	[tilespmem:$0x1F770] =	vst v63  }
0x1c8: {  	s28 =	simm.s32 $0x13C90  }
0x1c9: {  	[spmem:s5] =	stream.indirect.scatter.add.f32 [tilespmem:s9], [sflag:$0x12], $0x8, s18, s30, $0xb8;
	[tilespmem:$0x1F770] =	vst v63  }
.LBB2_22:
.Ltmp34:
0x1ca: {  	(pc) =	sbr.rel .LBB2_35-.Ltmp34, $4  }
0x1cb: {  	s18 =	simm.s32 $0x13BF0  }
0x1cc: {  	[spmem:s4] =	stream.indirect.scatter.add.f32 [tilespmem:s3], [sflag:$0x10], $0x80, s18, s30, $0xb8;
	[tilespmem:$0x1F770] =	vst v63  }
0x1cd: {  	_ = 	snop  }
0x1ce: {  	[spmem:s5] =	stream.indirect.scatter.add.f32 [tilespmem:s9], [sflag:$0x14], $0x8, s18, s30, $0xb8;
	[tilespmem:$0x1F770] =	vst v63  }
.LBB2_37:
0x1cf: {  	_ =	sfence.sel $0x180000  }
0x1d0: {  	[bflag:$0x0] =	sbarrier.arrive $0xFFFF  }
0x1d1: {  	_ =	strace $0x90000047  }
0x1d2: {  	s0 =	stileid.u32;
	[bflag:$0x2] =	sbarrier.arrive $0xFFFF  }
0x1d3: {  	p0 =	sne.s32 s0, $0x0;
	s0 =	rddreg [dreg:$0x5]  }
0x1d4: {  	s0 =	sadd.s32 @!p0 $0x100000, s0  }
0x1d5: {  	[sflag:s0] =	ssyncadd.tile.s32 @!p0 $0x1;
	_ =	shalt  }
.Lfunc_end2:
_tile_overlayer_lowered:
.L_overlay_start_2:
0x1d6: {  	(tag) =	ssettag $0x2  }
0x1d7: {  	s0 =	rddreg [dreg:$0x0];
	s2 =	stileid.u32  }
0x1d8: {  	s1 =	rddreg [dreg:$0x1];
	p0 =	sne.s32 s2, $0x0  }
0x1d9: {  	s3 =	rddreg [dreg:$0x2];
	[bflag:$0x3] =	sbarrier.arrive $0xFFFF;
	s2 =	simm.s32 @!p0 $0x1C15  }
0x1da: {  	[timem:s3], [sflag:s2] =	dma.local @!p0 [hbm:s0], s1  }
0x1db: {  	s0 =	simm.s32 @!p0 $0x15  }
0x1dc: {  	_ =	swait.ge @!p0 [sflag:s0], s1  }
0x1dd: {  	s1 =	ssub.s32 @!p0 $0x0, s1;
	[sflag:s0] =	ssyncset.done @!p0 $0x0  }
0x1de: {  	[sflag:s0] =	ssyncadd.s32 @!p0 s1  }
0x1df: {  	[bflag:$0x3] =	sbarrier.arrive $0xFFFF  }
0x1e0: {  	_ =	shalt  }

</sc_bundles>
